<compile_context>
chip_gen: v7x
topology: tpu7x:2x2x1
jax: 0.10.2.dev20260603
libtpu: 0.0.44.dev20260713+nightly
codegen_flags: <defaults>
</compile_context>

<pallas_src>
import functools

import jax
import jax.numpy as jnp
from jax import lax
from jax.experimental import pallas as pl
from jax.experimental.pallas import tpu as pltpu
from jax.experimental.pallas import tpu_sc as plsc


def _build_repack(V, D):
  LB = 4096
  H = LB // 2
  NBLK = pl.cdiv(V, LB)
  V2P = NBLK * H

  def body(tin, tout):
    x = tin[...]
    lane = jax.lax.broadcasted_iota(jnp.int32, (D, D), 1)
    sub = jax.lax.broadcasted_iota(jnp.int32, (D, D), 0)
    eye = jnp.where(lane == sub, 1.0, 0.0).astype(jnp.float32)
    y = jax.lax.dot_general(
        x, eye, (((0,), (0,)), ((), ())),
        preferred_element_type=jnp.float32)
    tout[...] = jnp.concatenate([y[:H], y[H:]], axis=1)

  return pl.pallas_call(
      body,
      grid=(NBLK,),
      in_specs=[pl.BlockSpec((D, LB), lambda i: (0, i))],
      out_specs=pl.BlockSpec((H, 2 * D), lambda i: (i, 0)),
      out_shape=jax.ShapeDtypeStruct((V2P, 2 * D), jnp.float32),
  ), LB, V2P


def _permute_idx(ids, LB):
  H = LB // 2
  p = ids & (LB - 1)
  return (ids - p) + (p << 1) - jnp.where(p >= H, LB - 1, 0)


def _build_gather(D, N, S, NC, NS):
  NW = NC * NS
  NR = N // NW
  CH = 2 * S
  NCH = NR // CH
  NBUF = 4
  K = 80
  NG = CH // K
  REP = CH // S
  NL = 16
  DP = 2 * D
  HW = NW // 2
  assert N % NW == 0 and NR % CH == 0 and NCH % NBUF == 0 and CH % K == 0
  assert K % 8 == 0 and D % NL == 0

  mesh = plsc.VectorSubcoreMesh(core_axis_name="c", subcore_axis_name="s")

  scratch = (
      [pltpu.VMEM((CH, D), jnp.float32) for _ in range(NBUF)]
      + [pltpu.VMEM((CH,), jnp.int32) for _ in range(NBUF)]
      + [pltpu.VMEM((S, D), jnp.float32)]
      + [pltpu.SemaphoreType.DMA for _ in range(2 * NBUF)]
  )

  @functools.partial(
      pl.kernel,
      mesh=mesh,
      out_type=jax.ShapeDtypeStruct((N // 2, DP), jnp.float32),
      scratch_types=scratch,
      compiler_params=pltpu.CompilerParams(use_tc_tiling_on_sc=False),
  )
  def gather(table, idx_hbm, pos_hbm, out_hbm, *scr):
    rows = scr[0:NBUF]
    idxb = scr[NBUF:2 * NBUF]
    pos_v = scr[2 * NBUF]
    gsem = scr[2 * NBUF + 1: 3 * NBUF + 1]
    osem = scr[3 * NBUF + 1: 4 * NBUF + 1]

    wid = lax.axis_index("s") * NC + lax.axis_index("c")
    base = wid * NR
    high = wid >= HW
    obase = base - jnp.where(high, N // 2, 0)
    ocol = jnp.where(high, D, 0)

    pltpu.sync_copy(pos_hbm, pos_v)

    def fire_gathers(g, b):
      r0 = base + g * CH
      pltpu.sync_copy(idx_hbm.at[pl.ds(r0, CH)], idxb[b])
      for kk in range(NG):
        pltpu.async_copy(
            table.at[idxb[b].at[pl.ds(kk * K, K)]],
            rows[b].at[pl.ds(kk * K, K)],
            gsem[b],
        )

    def wait_gathers(b):
      for kk in range(NG):
        pltpu.make_async_copy(
            table.at[idxb[b].at[pl.ds(kk * K, K)]],
            rows[b].at[pl.ds(kk * K, K)],
            gsem[b],
        ).wait()

    def out_slice(g):
      return out_hbm.at[pl.ds(obase + g * CH, CH), pl.ds(ocol, D)]

    def wait_outwrite(g, b):
      pltpu.make_async_copy(rows[b], out_slice(g), osem[b]).wait()

    for b in range(NBUF - 1):
      fire_gathers(jnp.int32(b), b)

    def outer(i, carry):
      for b in range(NBUF):
        g = i * NBUF + b
        wait_gathers(b)

        def add_pos(j, c2, _rows=rows[b]):
          for c in range(D // NL):
            pv = pos_v[j, pl.ds(c * NL, NL)]
            for rep in range(REP):
              r = rep * S + j
              _rows[r, pl.ds(c * NL, NL)] = _rows[r, pl.ds(c * NL, NL)] + pv
          return c2
        lax.fori_loop(0, S, add_pos, 0)

        pltpu.async_copy(rows[b], out_slice(g), osem[b])

        gp = g + (NBUF - 1)
        bp = (b + NBUF - 1) % NBUF

        @pl.when(jnp.logical_and(gp < NCH, g >= 1))
        def _():
          wait_outwrite(g - 1, bp)

        @pl.when(gp < NCH)
        def _():
          fire_gathers(gp, bp)
      return carry

    lax.fori_loop(0, NCH // NBUF, outer, 0)

    for b in range(NBUF):
      wait_outwrite(NCH - NBUF + b, b)

  return gather


def _build_finish(B, S, D, DP, q, chain):
  BB = 512
  SB = 8
  GBQ = (B // 4) // BB
  assert B % (4 * BB) == 0 and S % SB == 0

  def body(*refs):
    tin, tout = refs[0], refs[-1]
    x = tin[...]
    bid = pl.program_id(0)
    lane = jax.lax.broadcasted_iota(jnp.int32, (D, DP), 1)
    sub = jax.lax.broadcasted_iota(jnp.int32, (D, DP), 0)
    sel = jnp.where(bid < GBQ, sub, sub + D)
    j2 = jnp.where(lane == sel, 1.0, 0.0).astype(jnp.float32)
    for s in range(SB):
      tout[s] = jax.lax.dot_general(
          j2, x[:, s, :], (((1,), (1,)), ((), ())),
          preferred_element_type=jnp.float32)

  in_specs = [pl.BlockSpec(
      (BB, SB, DP),
      lambda b, s: (jnp.where(b < GBQ, b, b - GBQ), s, 0))]
  if chain:
    in_specs.append(pl.BlockSpec(memory_space=pl.ANY))

  return pl.pallas_call(
      body,
      grid=(2 * GBQ, S // SB),
      in_specs=in_specs,
      out_specs=pl.BlockSpec(
          (SB, D, BB),
          lambda b, s: (s, 0, GBQ * q + b + jnp.where(b < GBQ, 0, GBQ))),
      out_shape=jax.ShapeDtypeStruct((S, D, B), jnp.float32),
      input_output_aliases={1: 0} if chain else {},
  )


def kernel(input_ids, token_table, position_table):
  B, S = input_ids.shape
  V, D = token_table.shape
  N = B * S
  info = plsc.get_sparse_core_info()
  repack, LB, V2P = _build_repack(V, D)
  gather = _build_gather(D, N // 2, S, info.num_cores, info.num_subcores)
  fin = [_build_finish(B, S, D, 2 * D, q, chain=(q == 1)) for q in (0, 1)]

  idx = _permute_idx(jnp.reshape(input_ids, (N,)).astype(jnp.int32), LB)
  table_lin = repack(token_table.T).reshape(2 * V2P, D)
  Q = N // 4
  out = None
  for q in (0, 1):
    idx_q = jnp.concatenate(
        [idx[q * Q:(q + 1) * Q], idx[N // 2 + q * Q:N // 2 + (q + 1) * Q]])
    staged = gather(table_lin, idx_q, position_table)
    staged = staged.reshape(B // 4, S, 2 * D)
    out = fin[q](staged) if q == 0 else fin[q](staged, out)
  return jnp.transpose(out, (2, 0, 1))

# --- scband reference (transcript-rebuilt; emitter-appended) ---
"""Pipeline reference for scband-basic-embedding-88261577932868 (READ-ONLY COPY).

The authoritative reference and input builder live on the scoring server;
editing this copy changes nothing except your own understanding.
"""

import jax, jax.numpy as jnp
import numpy as np

VOCAB_SIZE = 1000000
EMBED_DIM = 64
SEQ_LEN = 200
BATCH = 4096


def setup_inputs(seed: int = 0) -> dict:
    key = jax.random.key(seed)
    k1, k2, k3 = jax.random.split(key, 3)
    input_ids = jax.random.randint(k1, (BATCH, SEQ_LEN), 0, VOCAB_SIZE, dtype=jnp.int64 if jax.config.jax_enable_x64 else jnp.int32)
    token_table = jax.random.normal(k2, (VOCAB_SIZE, EMBED_DIM), dtype=jnp.float32) * 0.02
    position_table = jax.random.normal(k3, (SEQ_LEN, EMBED_DIM), dtype=jnp.float32) * 0.02
    return {"input_ids": input_ids, "token_table": token_table, "position_table": position_table}


def reference(input_ids, token_table, position_table):
    # token embedding lookup: gather rows from the table
    token_embeddings = jnp.take(token_table, input_ids, axis=0)  # [B, S, D]
    batch_size, seq_len = input_ids.shape
    position_ids = jnp.arange(seq_len)  # [S]
    position_ids = jnp.broadcast_to(position_ids[None, :], (batch_size, seq_len))  # [B, S]
    position_embeddings = jnp.take(position_table, position_ids, axis=0)  # [B, S, D]
    return token_embeddings + position_embeddings

if __name__ == "__main__":
    import jax
    _d = setup_inputs()
    print(jax.jit(kernel)(*tuple(_d.values())))

</pallas_src>

<mosaic_0001>
#map = affine_map<(d0, d1) -> (0, 0)>
#map1 = affine_map<(d0, d1) -> (0)>
module attributes {stable_mosaic.version = 14 : i64} {
  func.func @gather(%arg0: i32, %arg1: i32, %arg2: memref<1003520x64xf32, #tpu.memory_space<hbm>>, %arg3: memref<409600xi32, #tpu.memory_space<hbm>>, %arg4: memref<200x64xf32, #tpu.memory_space<hbm>>, %arg5: memref<204800x128xf32, #tpu.memory_space<hbm>>, %arg6: memref<400x64xf32, #tpu.memory_space<vmem>>, %arg7: memref<400x64xf32, #tpu.memory_space<vmem>>, %arg8: memref<400x64xf32, #tpu.memory_space<vmem>>, %arg9: memref<400x64xf32, #tpu.memory_space<vmem>>, %arg10: memref<400xi32, #tpu.memory_space<vmem>>, %arg11: memref<400xi32, #tpu.memory_space<vmem>>, %arg12: memref<400xi32, #tpu.memory_space<vmem>>, %arg13: memref<400xi32, #tpu.memory_space<vmem>>, %arg14: memref<200x64xf32, #tpu.memory_space<vmem>>, %arg15: memref<!tpu.dma_semaphore, #tpu.memory_space<semaphore_mem>>, %arg16: memref<!tpu.dma_semaphore, #tpu.memory_space<semaphore_mem>>, %arg17: memref<!tpu.dma_semaphore, #tpu.memory_space<semaphore_mem>>, %arg18: memref<!tpu.dma_semaphore, #tpu.memory_space<semaphore_mem>>, %arg19: memref<!tpu.dma_semaphore, #tpu.memory_space<semaphore_mem>>, %arg20: memref<!tpu.dma_semaphore, #tpu.memory_space<semaphore_mem>>, %arg21: memref<!tpu.dma_semaphore, #tpu.memory_space<semaphore_mem>>, %arg22: memref<!tpu.dma_semaphore, #tpu.memory_space<semaphore_mem>>) attributes {dimension_semantics = [#tpu.dimension_semantics<core_parallel>, #tpu.dimension_semantics<subcore_parallel>], iteration_bounds = array<i64: 2, 16>, scalar_prefetch = 0 : i64, scratch_operands = 17 : i64, tpu.core_type = #tpu.core_type<sc_vector_subcore>, window_params = [{transform_indices = #map}, {transform_indices = #map1}, {transform_indices = #map}, {transform_indices = #map}]} {
    %mul3A = arith.constant 2 : i32
    %mul3A_0 = arith.muli %arg1, %mul3A : i32
    %add3A = arith.addi %mul3A_0, %arg0 : i32
    %mul3A_1 = arith.constant 12800 : i32
    %mul3A_2 = arith.muli %add3A, %mul3A_1 : i32
    %ge3A = arith.constant 16 : i32
    %ge3A_3 = arith.cmpi sge, %add3A, %ge3A : i32
    %jit3A = arith.constant 204800 : i32
    %jit3A_4 = arith.constant 0 : i32
    %select_n3A = arith.select %ge3A_3, %jit3A, %jit3A_4 : i32
    %sub3A = arith.subi %mul3A_2, %select_n3A : i32
    %jit3A_5 = arith.constant 64 : i32
    %jit3A_6 = arith.constant 0 : i32
    %select_n3A_7 = arith.select %ge3A_3, %jit3A_5, %jit3A_6 : i32
    "tpu.region"() ({
      %run_scoped3A = tpu.sem_alloc : memref<!tpu.dma_semaphore, #tpu.memory_space<semaphore_mem>>
      tpu.enqueue_dma source(%arg4 : memref<200x64xf32, #tpu.memory_space<hbm>>) target(%arg14 : memref<200x64xf32, #tpu.memory_space<vmem>>) target_semaphore(%run_scoped3A : memref<!tpu.dma_semaphore, #tpu.memory_space<semaphore_mem>>)
      tpu.wait_dma2 semaphore(%run_scoped3A : memref<!tpu.dma_semaphore, #tpu.memory_space<semaphore_mem>>) src(%arg4 : memref<200x64xf32, #tpu.memory_space<hbm>>) dst(%arg14 : memref<200x64xf32, #tpu.memory_space<vmem>>)
      tpu.yield
    }) : () -> ()
    %mul3A_8 = arith.constant 0 : i32
    %mul3A_9 = arith.constant 400 : i32
    %mul3A_10 = arith.muli %mul3A_8, %mul3A_9 : i32
    %add3A_11 = arith.addi %mul3A_2, %mul3A_10 : i32
    "tpu.region"() ({
      %run_scoped3A = tpu.sem_alloc : memref<!tpu.dma_semaphore, #tpu.memory_space<semaphore_mem>>
      %dma_start3A_159 = tpu.memref_slice %arg3[%add3A_11] : memref<409600xi32, #tpu.memory_space<hbm>> -> memref<400xi32, #tpu.memory_space<hbm>>
      %dma_start3A_160 = tpu.memref_slice %arg3[%add3A_11] : memref<409600xi32, #tpu.memory_space<hbm>> -> memref<400xi32, #tpu.memory_space<hbm>>
      tpu.enqueue_dma source(%dma_start3A_160 : memref<400xi32, #tpu.memory_space<hbm>>) target(%arg10 : memref<400xi32, #tpu.memory_space<vmem>>) target_semaphore(%run_scoped3A : memref<!tpu.dma_semaphore, #tpu.memory_space<semaphore_mem>>)
      %dma_wait3A_161 = tpu.memref_slice %arg3[%add3A_11] : memref<409600xi32, #tpu.memory_space<hbm>> -> memref<400xi32, #tpu.memory_space<hbm>>
      %dma_wait3A_162 = tpu.memref_slice %arg3[%add3A_11] : memref<409600xi32, #tpu.memory_space<hbm>> -> memref<400xi32, #tpu.memory_space<hbm>>
      tpu.wait_dma2 semaphore(%run_scoped3A : memref<!tpu.dma_semaphore, #tpu.memory_space<semaphore_mem>>) src(%dma_wait3A_162 : memref<400xi32, #tpu.memory_space<hbm>>) dst(%arg10 : memref<400xi32, #tpu.memory_space<vmem>>)
      tpu.yield
    }) : () -> ()
    %dma_start3A = arith.constant 0 : i32
    %dma_start3A_12 = arith.constant 0 : i32
    %dma_start3A_13 = tpu.memref_slice %arg6[%dma_start3A, %dma_start3A_12] : memref<400x64xf32, #tpu.memory_space<vmem>> -> memref<80x64xf32, #tpu.memory_space<vmem>>
    %dma_start3A_14 = arith.constant 0 : i32
    %dma_start3A_15 = tpu.memref_slice %arg10[%dma_start3A_14] : memref<400xi32, #tpu.memory_space<vmem>> -> memref<80xi32, #tpu.memory_space<vmem>>
    %dma_start3A_16 = arith.constant 0 : i32
    %dma_start3A_17 = arith.constant 0 : i32
    %dma_start3A_18 = tpu.memref_slice %arg2[%dma_start3A_16, %dma_start3A_17] : memref<1003520x64xf32, #tpu.memory_space<hbm>> -> memref<1003520x64xf32, #tpu.memory_space<hbm>>
    tpu.enqueue_indirect_dma source(%dma_start3A_18 : memref<1003520x64xf32, #tpu.memory_space<hbm>>) target(%dma_start3A_13 : memref<80x64xf32, #tpu.memory_space<vmem>>) offsets(%dma_start3A_15 : memref<80xi32, #tpu.memory_space<vmem>>) semaphore(%arg15 : memref<!tpu.dma_semaphore, #tpu.memory_space<semaphore_mem>>)
    %dma_start3A_19 = arith.constant 80 : i32
    %dma_start3A_20 = arith.constant 0 : i32
    %dma_start3A_21 = tpu.memref_slice %arg6[%dma_start3A_19, %dma_start3A_20] : memref<400x64xf32, #tpu.memory_space<vmem>> -> memref<80x64xf32, #tpu.memory_space<vmem>>
    %dma_start3A_22 = arith.constant 80 : i32
    %dma_start3A_23 = tpu.memref_slice %arg10[%dma_start3A_22] : memref<400xi32, #tpu.memory_space<vmem>> -> memref<80xi32, #tpu.memory_space<vmem>>
    %dma_start3A_24 = arith.constant 0 : i32
    %dma_start3A_25 = arith.constant 0 : i32
    %dma_start3A_26 = tpu.memref_slice %arg2[%dma_start3A_24, %dma_start3A_25] : memref<1003520x64xf32, #tpu.memory_space<hbm>> -> memref<1003520x64xf32, #tpu.memory_space<hbm>>
    tpu.enqueue_indirect_dma source(%dma_start3A_26 : memref<1003520x64xf32, #tpu.memory_space<hbm>>) target(%dma_start3A_21 : memref<80x64xf32, #tpu.memory_space<vmem>>) offsets(%dma_start3A_23 : memref<80xi32, #tpu.memory_space<vmem>>) semaphore(%arg15 : memref<!tpu.dma_semaphore, #tpu.memory_space<semaphore_mem>>)
    %dma_start3A_27 = arith.constant 160 : i32
    %dma_start3A_28 = arith.constant 0 : i32
    %dma_start3A_29 = tpu.memref_slice %arg6[%dma_start3A_27, %dma_start3A_28] : memref<400x64xf32, #tpu.memory_space<vmem>> -> memref<80x64xf32, #tpu.memory_space<vmem>>
    %dma_start3A_30 = arith.constant 160 : i32
    %dma_start3A_31 = tpu.memref_slice %arg10[%dma_start3A_30] : memref<400xi32, #tpu.memory_space<vmem>> -> memref<80xi32, #tpu.memory_space<vmem>>
    %dma_start3A_32 = arith.constant 0 : i32
    %dma_start3A_33 = arith.constant 0 : i32
    %dma_start3A_34 = tpu.memref_slice %arg2[%dma_start3A_32, %dma_start3A_33] : memref<1003520x64xf32, #tpu.memory_space<hbm>> -> memref<1003520x64xf32, #tpu.memory_space<hbm>>
    tpu.enqueue_indirect_dma source(%dma_start3A_34 : memref<1003520x64xf32, #tpu.memory_space<hbm>>) target(%dma_start3A_29 : memref<80x64xf32, #tpu.memory_space<vmem>>) offsets(%dma_start3A_31 : memref<80xi32, #tpu.memory_space<vmem>>) semaphore(%arg15 : memref<!tpu.dma_semaphore, #tpu.memory_space<semaphore_mem>>)
    %dma_start3A_35 = arith.constant 240 : i32
    %dma_start3A_36 = arith.constant 0 : i32
    %dma_start3A_37 = tpu.memref_slice %arg6[%dma_start3A_35, %dma_start3A_36] : memref<400x64xf32, #tpu.memory_space<vmem>> -> memref<80x64xf32, #tpu.memory_space<vmem>>
    %dma_start3A_38 = arith.constant 240 : i32
    %dma_start3A_39 = tpu.memref_slice %arg10[%dma_start3A_38] : memref<400xi32, #tpu.memory_space<vmem>> -> memref<80xi32, #tpu.memory_space<vmem>>
    %dma_start3A_40 = arith.constant 0 : i32
    %dma_start3A_41 = arith.constant 0 : i32
    %dma_start3A_42 = tpu.memref_slice %arg2[%dma_start3A_40, %dma_start3A_41] : memref<1003520x64xf32, #tpu.memory_space<hbm>> -> memref<1003520x64xf32, #tpu.memory_space<hbm>>
    tpu.enqueue_indirect_dma source(%dma_start3A_42 : memref<1003520x64xf32, #tpu.memory_space<hbm>>) target(%dma_start3A_37 : memref<80x64xf32, #tpu.memory_space<vmem>>) offsets(%dma_start3A_39 : memref<80xi32, #tpu.memory_space<vmem>>) semaphore(%arg15 : memref<!tpu.dma_semaphore, #tpu.memory_space<semaphore_mem>>)
    %dma_start3A_43 = arith.constant 320 : i32
    %dma_start3A_44 = arith.constant 0 : i32
    %dma_start3A_45 = tpu.memref_slice %arg6[%dma_start3A_43, %dma_start3A_44] : memref<400x64xf32, #tpu.memory_space<vmem>> -> memref<80x64xf32, #tpu.memory_space<vmem>>
    %dma_start3A_46 = arith.constant 320 : i32
    %dma_start3A_47 = tpu.memref_slice %arg10[%dma_start3A_46] : memref<400xi32, #tpu.memory_space<vmem>> -> memref<80xi32, #tpu.memory_space<vmem>>
    %dma_start3A_48 = arith.constant 0 : i32
    %dma_start3A_49 = arith.constant 0 : i32
    %dma_start3A_50 = tpu.memref_slice %arg2[%dma_start3A_48, %dma_start3A_49] : memref<1003520x64xf32, #tpu.memory_space<hbm>> -> memref<1003520x64xf32, #tpu.memory_space<hbm>>
    tpu.enqueue_indirect_dma source(%dma_start3A_50 : memref<1003520x64xf32, #tpu.memory_space<hbm>>) target(%dma_start3A_45 : memref<80x64xf32, #tpu.memory_space<vmem>>) offsets(%dma_start3A_47 : memref<80xi32, #tpu.memory_space<vmem>>) semaphore(%arg15 : memref<!tpu.dma_semaphore, #tpu.memory_space<semaphore_mem>>)
    %mul3A_51 = arith.constant 1 : i32
    %mul3A_52 = arith.constant 400 : i32
    %mul3A_53 = arith.muli %mul3A_51, %mul3A_52 : i32
    %add3A_54 = arith.addi %mul3A_2, %mul3A_53 : i32
    "tpu.region"() ({
      %run_scoped3A = tpu.sem_alloc : memref<!tpu.dma_semaphore, #tpu.memory_space<semaphore_mem>>
      %dma_start3A_159 = tpu.memref_slice %arg3[%add3A_54] : memref<409600xi32, #tpu.memory_space<hbm>> -> memref<400xi32, #tpu.memory_space<hbm>>
      %dma_start3A_160 = tpu.memref_slice %arg3[%add3A_54] : memref<409600xi32, #tpu.memory_space<hbm>> -> memref<400xi32, #tpu.memory_space<hbm>>
      tpu.enqueue_dma source(%dma_start3A_160 : memref<400xi32, #tpu.memory_space<hbm>>) target(%arg11 : memref<400xi32, #tpu.memory_space<vmem>>) target_semaphore(%run_scoped3A : memref<!tpu.dma_semaphore, #tpu.memory_space<semaphore_mem>>)
      %dma_wait3A_161 = tpu.memref_slice %arg3[%add3A_54] : memref<409600xi32, #tpu.memory_space<hbm>> -> memref<400xi32, #tpu.memory_space<hbm>>
      %dma_wait3A_162 = tpu.memref_slice %arg3[%add3A_54] : memref<409600xi32, #tpu.memory_space<hbm>> -> memref<400xi32, #tpu.memory_space<hbm>>
      tpu.wait_dma2 semaphore(%run_scoped3A : memref<!tpu.dma_semaphore, #tpu.memory_space<semaphore_mem>>) src(%dma_wait3A_162 : memref<400xi32, #tpu.memory_space<hbm>>) dst(%arg11 : memref<400xi32, #tpu.memory_space<vmem>>)
      tpu.yield
    }) : () -> ()
    %dma_start3A_55 = arith.constant 0 : i32
    %dma_start3A_56 = arith.constant 0 : i32
    %dma_start3A_57 = tpu.memref_slice %arg7[%dma_start3A_55, %dma_start3A_56] : memref<400x64xf32, #tpu.memory_space<vmem>> -> memref<80x64xf32, #tpu.memory_space<vmem>>
    %dma_start3A_58 = arith.constant 0 : i32
    %dma_start3A_59 = tpu.memref_slice %arg11[%dma_start3A_58] : memref<400xi32, #tpu.memory_space<vmem>> -> memref<80xi32, #tpu.memory_space<vmem>>
    %dma_start3A_60 = arith.constant 0 : i32
    %dma_start3A_61 = arith.constant 0 : i32
    %dma_start3A_62 = tpu.memref_slice %arg2[%dma_start3A_60, %dma_start3A_61] : memref<1003520x64xf32, #tpu.memory_space<hbm>> -> memref<1003520x64xf32, #tpu.memory_space<hbm>>
    tpu.enqueue_indirect_dma source(%dma_start3A_62 : memref<1003520x64xf32, #tpu.memory_space<hbm>>) target(%dma_start3A_57 : memref<80x64xf32, #tpu.memory_space<vmem>>) offsets(%dma_start3A_59 : memref<80xi32, #tpu.memory_space<vmem>>) semaphore(%arg16 : memref<!tpu.dma_semaphore, #tpu.memory_space<semaphore_mem>>)
    %dma_start3A_63 = arith.constant 80 : i32
    %dma_start3A_64 = arith.constant 0 : i32
    %dma_start3A_65 = tpu.memref_slice %arg7[%dma_start3A_63, %dma_start3A_64] : memref<400x64xf32, #tpu.memory_space<vmem>> -> memref<80x64xf32, #tpu.memory_space<vmem>>
    %dma_start3A_66 = arith.constant 80 : i32
    %dma_start3A_67 = tpu.memref_slice %arg11[%dma_start3A_66] : memref<400xi32, #tpu.memory_space<vmem>> -> memref<80xi32, #tpu.memory_space<vmem>>
    %dma_start3A_68 = arith.constant 0 : i32
    %dma_start3A_69 = arith.constant 0 : i32
    %dma_start3A_70 = tpu.memref_slice %arg2[%dma_start3A_68, %dma_start3A_69] : memref<1003520x64xf32, #tpu.memory_space<hbm>> -> memref<1003520x64xf32, #tpu.memory_space<hbm>>
    tpu.enqueue_indirect_dma source(%dma_start3A_70 : memref<1003520x64xf32, #tpu.memory_space<hbm>>) target(%dma_start3A_65 : memref<80x64xf32, #tpu.memory_space<vmem>>) offsets(%dma_start3A_67 : memref<80xi32, #tpu.memory_space<vmem>>) semaphore(%arg16 : memref<!tpu.dma_semaphore, #tpu.memory_space<semaphore_mem>>)
    %dma_start3A_71 = arith.constant 160 : i32
    %dma_start3A_72 = arith.constant 0 : i32
    %dma_start3A_73 = tpu.memref_slice %arg7[%dma_start3A_71, %dma_start3A_72] : memref<400x64xf32, #tpu.memory_space<vmem>> -> memref<80x64xf32, #tpu.memory_space<vmem>>
    %dma_start3A_74 = arith.constant 160 : i32
    %dma_start3A_75 = tpu.memref_slice %arg11[%dma_start3A_74] : memref<400xi32, #tpu.memory_space<vmem>> -> memref<80xi32, #tpu.memory_space<vmem>>
    %dma_start3A_76 = arith.constant 0 : i32
    %dma_start3A_77 = arith.constant 0 : i32
    %dma_start3A_78 = tpu.memref_slice %arg2[%dma_start3A_76, %dma_start3A_77] : memref<1003520x64xf32, #tpu.memory_space<hbm>> -> memref<1003520x64xf32, #tpu.memory_space<hbm>>
    tpu.enqueue_indirect_dma source(%dma_start3A_78 : memref<1003520x64xf32, #tpu.memory_space<hbm>>) target(%dma_start3A_73 : memref<80x64xf32, #tpu.memory_space<vmem>>) offsets(%dma_start3A_75 : memref<80xi32, #tpu.memory_space<vmem>>) semaphore(%arg16 : memref<!tpu.dma_semaphore, #tpu.memory_space<semaphore_mem>>)
    %dma_start3A_79 = arith.constant 240 : i32
    %dma_start3A_80 = arith.constant 0 : i32
    %dma_start3A_81 = tpu.memref_slice %arg7[%dma_start3A_79, %dma_start3A_80] : memref<400x64xf32, #tpu.memory_space<vmem>> -> memref<80x64xf32, #tpu.memory_space<vmem>>
    %dma_start3A_82 = arith.constant 240 : i32
    %dma_start3A_83 = tpu.memref_slice %arg11[%dma_start3A_82] : memref<400xi32, #tpu.memory_space<vmem>> -> memref<80xi32, #tpu.memory_space<vmem>>
    %dma_start3A_84 = arith.constant 0 : i32
    %dma_start3A_85 = arith.constant 0 : i32
    %dma_start3A_86 = tpu.memref_slice %arg2[%dma_start3A_84, %dma_start3A_85] : memref<1003520x64xf32, #tpu.memory_space<hbm>> -> memref<1003520x64xf32, #tpu.memory_space<hbm>>
    tpu.enqueue_indirect_dma source(%dma_start3A_86 : memref<1003520x64xf32, #tpu.memory_space<hbm>>) target(%dma_start3A_81 : memref<80x64xf32, #tpu.memory_space<vmem>>) offsets(%dma_start3A_83 : memref<80xi32, #tpu.memory_space<vmem>>) semaphore(%arg16 : memref<!tpu.dma_semaphore, #tpu.memory_space<semaphore_mem>>)
    %dma_start3A_87 = arith.constant 320 : i32
    %dma_start3A_88 = arith.constant 0 : i32
    %dma_start3A_89 = tpu.memref_slice %arg7[%dma_start3A_87, %dma_start3A_88] : memref<400x64xf32, #tpu.memory_space<vmem>> -> memref<80x64xf32, #tpu.memory_space<vmem>>
    %dma_start3A_90 = arith.constant 320 : i32
    %dma_start3A_91 = tpu.memref_slice %arg11[%dma_start3A_90] : memref<400xi32, #tpu.memory_space<vmem>> -> memref<80xi32, #tpu.memory_space<vmem>>
    %dma_start3A_92 = arith.constant 0 : i32
    %dma_start3A_93 = arith.constant 0 : i32
    %dma_start3A_94 = tpu.memref_slice %arg2[%dma_start3A_92, %dma_start3A_93] : memref<1003520x64xf32, #tpu.memory_space<hbm>> -> memref<1003520x64xf32, #tpu.memory_space<hbm>>
    tpu.enqueue_indirect_dma source(%dma_start3A_94 : memref<1003520x64xf32, #tpu.memory_space<hbm>>) target(%dma_start3A_89 : memref<80x64xf32, #tpu.memory_space<vmem>>) offsets(%dma_start3A_91 : memref<80xi32, #tpu.memory_space<vmem>>) semaphore(%arg16 : memref<!tpu.dma_semaphore, #tpu.memory_space<semaphore_mem>>)
    %mul3A_95 = arith.constant 2 : i32
    %mul3A_96 = arith.constant 400 : i32
    %mul3A_97 = arith.muli %mul3A_95, %mul3A_96 : i32
    %add3A_98 = arith.addi %mul3A_2, %mul3A_97 : i32
    "tpu.region"() ({
      %run_scoped3A = tpu.sem_alloc : memref<!tpu.dma_semaphore, #tpu.memory_space<semaphore_mem>>
      %dma_start3A_159 = tpu.memref_slice %arg3[%add3A_98] : memref<409600xi32, #tpu.memory_space<hbm>> -> memref<400xi32, #tpu.memory_space<hbm>>
      %dma_start3A_160 = tpu.memref_slice %arg3[%add3A_98] : memref<409600xi32, #tpu.memory_space<hbm>> -> memref<400xi32, #tpu.memory_space<hbm>>
      tpu.enqueue_dma source(%dma_start3A_160 : memref<400xi32, #tpu.memory_space<hbm>>) target(%arg12 : memref<400xi32, #tpu.memory_space<vmem>>) target_semaphore(%run_scoped3A : memref<!tpu.dma_semaphore, #tpu.memory_space<semaphore_mem>>)
      %dma_wait3A_161 = tpu.memref_slice %arg3[%add3A_98] : memref<409600xi32, #tpu.memory_space<hbm>> -> memref<400xi32, #tpu.memory_space<hbm>>
      %dma_wait3A_162 = tpu.memref_slice %arg3[%add3A_98] : memref<409600xi32, #tpu.memory_space<hbm>> -> memref<400xi32, #tpu.memory_space<hbm>>
      tpu.wait_dma2 semaphore(%run_scoped3A : memref<!tpu.dma_semaphore, #tpu.memory_space<semaphore_mem>>) src(%dma_wait3A_162 : memref<400xi32, #tpu.memory_space<hbm>>) dst(%arg12 : memref<400xi32, #tpu.memory_space<vmem>>)
      tpu.yield
    }) : () -> ()
    %dma_start3A_99 = arith.constant 0 : i32
    %dma_start3A_100 = arith.constant 0 : i32
    %dma_start3A_101 = tpu.memref_slice %arg8[%dma_start3A_99, %dma_start3A_100] : memref<400x64xf32, #tpu.memory_space<vmem>> -> memref<80x64xf32, #tpu.memory_space<vmem>>
    %dma_start3A_102 = arith.constant 0 : i32
    %dma_start3A_103 = tpu.memref_slice %arg12[%dma_start3A_102] : memref<400xi32, #tpu.memory_space<vmem>> -> memref<80xi32, #tpu.memory_space<vmem>>
    %dma_start3A_104 = arith.constant 0 : i32
    %dma_start3A_105 = arith.constant 0 : i32
    %dma_start3A_106 = tpu.memref_slice %arg2[%dma_start3A_104, %dma_start3A_105] : memref<1003520x64xf32, #tpu.memory_space<hbm>> -> memref<1003520x64xf32, #tpu.memory_space<hbm>>
    tpu.enqueue_indirect_dma source(%dma_start3A_106 : memref<1003520x64xf32, #tpu.memory_space<hbm>>) target(%dma_start3A_101 : memref<80x64xf32, #tpu.memory_space<vmem>>) offsets(%dma_start3A_103 : memref<80xi32, #tpu.memory_space<vmem>>) semaphore(%arg17 : memref<!tpu.dma_semaphore, #tpu.memory_space<semaphore_mem>>)
    %dma_start3A_107 = arith.constant 80 : i32
    %dma_start3A_108 = arith.constant 0 : i32
    %dma_start3A_109 = tpu.memref_slice %arg8[%dma_start3A_107, %dma_start3A_108] : memref<400x64xf32, #tpu.memory_space<vmem>> -> memref<80x64xf32, #tpu.memory_space<vmem>>
    %dma_start3A_110 = arith.constant 80 : i32
    %dma_start3A_111 = tpu.memref_slice %arg12[%dma_start3A_110] : memref<400xi32, #tpu.memory_space<vmem>> -> memref<80xi32, #tpu.memory_space<vmem>>
    %dma_start3A_112 = arith.constant 0 : i32
    %dma_start3A_113 = arith.constant 0 : i32
    %dma_start3A_114 = tpu.memref_slice %arg2[%dma_start3A_112, %dma_start3A_113] : memref<1003520x64xf32, #tpu.memory_space<hbm>> -> memref<1003520x64xf32, #tpu.memory_space<hbm>>
    tpu.enqueue_indirect_dma source(%dma_start3A_114 : memref<1003520x64xf32, #tpu.memory_space<hbm>>) target(%dma_start3A_109 : memref<80x64xf32, #tpu.memory_space<vmem>>) offsets(%dma_start3A_111 : memref<80xi32, #tpu.memory_space<vmem>>) semaphore(%arg17 : memref<!tpu.dma_semaphore, #tpu.memory_space<semaphore_mem>>)
    %dma_start3A_115 = arith.constant 160 : i32
    %dma_start3A_116 = arith.constant 0 : i32
    %dma_start3A_117 = tpu.memref_slice %arg8[%dma_start3A_115, %dma_start3A_116] : memref<400x64xf32, #tpu.memory_space<vmem>> -> memref<80x64xf32, #tpu.memory_space<vmem>>
    %dma_start3A_118 = arith.constant 160 : i32
    %dma_start3A_119 = tpu.memref_slice %arg12[%dma_start3A_118] : memref<400xi32, #tpu.memory_space<vmem>> -> memref<80xi32, #tpu.memory_space<vmem>>
    %dma_start3A_120 = arith.constant 0 : i32
    %dma_start3A_121 = arith.constant 0 : i32
    %dma_start3A_122 = tpu.memref_slice %arg2[%dma_start3A_120, %dma_start3A_121] : memref<1003520x64xf32, #tpu.memory_space<hbm>> -> memref<1003520x64xf32, #tpu.memory_space<hbm>>
    tpu.enqueue_indirect_dma source(%dma_start3A_122 : memref<1003520x64xf32, #tpu.memory_space<hbm>>) target(%dma_start3A_117 : memref<80x64xf32, #tpu.memory_space<vmem>>) offsets(%dma_start3A_119 : memref<80xi32, #tpu.memory_space<vmem>>) semaphore(%arg17 : memref<!tpu.dma_semaphore, #tpu.memory_space<semaphore_mem>>)
    %dma_start3A_123 = arith.constant 240 : i32
    %dma_start3A_124 = arith.constant 0 : i32
    %dma_start3A_125 = tpu.memref_slice %arg8[%dma_start3A_123, %dma_start3A_124] : memref<400x64xf32, #tpu.memory_space<vmem>> -> memref<80x64xf32, #tpu.memory_space<vmem>>
    %dma_start3A_126 = arith.constant 240 : i32
    %dma_start3A_127 = tpu.memref_slice %arg12[%dma_start3A_126] : memref<400xi32, #tpu.memory_space<vmem>> -> memref<80xi32, #tpu.memory_space<vmem>>
    %dma_start3A_128 = arith.constant 0 : i32
    %dma_start3A_129 = arith.constant 0 : i32
    %dma_start3A_130 = tpu.memref_slice %arg2[%dma_start3A_128, %dma_start3A_129] : memref<1003520x64xf32, #tpu.memory_space<hbm>> -> memref<1003520x64xf32, #tpu.memory_space<hbm>>
    tpu.enqueue_indirect_dma source(%dma_start3A_130 : memref<1003520x64xf32, #tpu.memory_space<hbm>>) target(%dma_start3A_125 : memref<80x64xf32, #tpu.memory_space<vmem>>) offsets(%dma_start3A_127 : memref<80xi32, #tpu.memory_space<vmem>>) semaphore(%arg17 : memref<!tpu.dma_semaphore, #tpu.memory_space<semaphore_mem>>)
    %dma_start3A_131 = arith.constant 320 : i32
    %dma_start3A_132 = arith.constant 0 : i32
    %dma_start3A_133 = tpu.memref_slice %arg8[%dma_start3A_131, %dma_start3A_132] : memref<400x64xf32, #tpu.memory_space<vmem>> -> memref<80x64xf32, #tpu.memory_space<vmem>>
    %dma_start3A_134 = arith.constant 320 : i32
    %dma_start3A_135 = tpu.memref_slice %arg12[%dma_start3A_134] : memref<400xi32, #tpu.memory_space<vmem>> -> memref<80xi32, #tpu.memory_space<vmem>>
    %dma_start3A_136 = arith.constant 0 : i32
    %dma_start3A_137 = arith.constant 0 : i32
    %dma_start3A_138 = tpu.memref_slice %arg2[%dma_start3A_136, %dma_start3A_137] : memref<1003520x64xf32, #tpu.memory_space<hbm>> -> memref<1003520x64xf32, #tpu.memory_space<hbm>>
    tpu.enqueue_indirect_dma source(%dma_start3A_138 : memref<1003520x64xf32, #tpu.memory_space<hbm>>) target(%dma_start3A_133 : memref<80x64xf32, #tpu.memory_space<vmem>>) offsets(%dma_start3A_135 : memref<80xi32, #tpu.memory_space<vmem>>) semaphore(%arg17 : memref<!tpu.dma_semaphore, #tpu.memory_space<semaphore_mem>>)
    %scan3A = arith.constant 0 : i32
    %scan3A_139 = arith.constant 0 : i32
    %scan3A_140 = arith.constant 8 : i32
    %scan3A_141 = arith.addi %scan3A_139, %scan3A_140 : i32
    %scan3A_142 = arith.constant 1 : i32
    scf.for %scan3A_159 = %scan3A_139 to %scan3A_141 step %scan3A_142  : i32 {
      %mul3A_160 = arith.constant 4 : i32
      %mul3A_161 = arith.muli %scan3A_159, %mul3A_160 : i32
      %add3A_162 = arith.constant 0 : i32
      %add3A_163 = arith.addi %mul3A_161, %add3A_162 : i32
      %dma_wait3A_164 = arith.constant 0 : i32
      %dma_wait3A_165 = arith.constant 0 : i32
      %dma_wait3A_166 = tpu.memref_slice %arg6[%dma_wait3A_164, %dma_wait3A_165] : memref<400x64xf32, #tpu.memory_space<vmem>> -> memref<80x64xf32, #tpu.memory_space<vmem>>
      %dma_wait3A_167 = arith.constant 0 : i32
      %dma_wait3A_168 = tpu.memref_slice %arg10[%dma_wait3A_167] : memref<400xi32, #tpu.memory_space<vmem>> -> memref<80xi32, #tpu.memory_space<vmem>>
      %dma_wait3A_169 = arith.constant 0 : i32
      %dma_wait3A_170 = arith.constant 0 : i32
      %dma_wait3A_171 = tpu.memref_slice %arg2[%dma_wait3A_169, %dma_wait3A_170] : memref<1003520x64xf32, #tpu.memory_space<hbm>> -> memref<1003520x64xf32, #tpu.memory_space<hbm>>
      tpu.wait_indirect_dma semaphore(%arg15 : memref<!tpu.dma_semaphore, #tpu.memory_space<semaphore_mem>>) src(%dma_wait3A_171 : memref<1003520x64xf32, #tpu.memory_space<hbm>>) dst(%dma_wait3A_166 : memref<80x64xf32, #tpu.memory_space<vmem>>)
      %dma_wait3A_172 = arith.constant 80 : i32
      %dma_wait3A_173 = arith.constant 0 : i32
      %dma_wait3A_174 = tpu.memref_slice %arg6[%dma_wait3A_172, %dma_wait3A_173] : memref<400x64xf32, #tpu.memory_space<vmem>> -> memref<80x64xf32, #tpu.memory_space<vmem>>
      %dma_wait3A_175 = arith.constant 80 : i32
      %dma_wait3A_176 = tpu.memref_slice %arg10[%dma_wait3A_175] : memref<400xi32, #tpu.memory_space<vmem>> -> memref<80xi32, #tpu.memory_space<vmem>>
      %dma_wait3A_177 = arith.constant 0 : i32
      %dma_wait3A_178 = arith.constant 0 : i32
      %dma_wait3A_179 = tpu.memref_slice %arg2[%dma_wait3A_177, %dma_wait3A_178] : memref<1003520x64xf32, #tpu.memory_space<hbm>> -> memref<1003520x64xf32, #tpu.memory_space<hbm>>
      tpu.wait_indirect_dma semaphore(%arg15 : memref<!tpu.dma_semaphore, #tpu.memory_space<semaphore_mem>>) src(%dma_wait3A_179 : memref<1003520x64xf32, #tpu.memory_space<hbm>>) dst(%dma_wait3A_174 : memref<80x64xf32, #tpu.memory_space<vmem>>)
      %dma_wait3A_180 = arith.constant 160 : i32
      %dma_wait3A_181 = arith.constant 0 : i32
      %dma_wait3A_182 = tpu.memref_slice %arg6[%dma_wait3A_180, %dma_wait3A_181] : memref<400x64xf32, #tpu.memory_space<vmem>> -> memref<80x64xf32, #tpu.memory_space<vmem>>
      %dma_wait3A_183 = arith.constant 160 : i32
      %dma_wait3A_184 = tpu.memref_slice %arg10[%dma_wait3A_183] : memref<400xi32, #tpu.memory_space<vmem>> -> memref<80xi32, #tpu.memory_space<vmem>>
      %dma_wait3A_185 = arith.constant 0 : i32
      %dma_wait3A_186 = arith.constant 0 : i32
      %dma_wait3A_187 = tpu.memref_slice %arg2[%dma_wait3A_185, %dma_wait3A_186] : memref<1003520x64xf32, #tpu.memory_space<hbm>> -> memref<1003520x64xf32, #tpu.memory_space<hbm>>
      tpu.wait_indirect_dma semaphore(%arg15 : memref<!tpu.dma_semaphore, #tpu.memory_space<semaphore_mem>>) src(%dma_wait3A_187 : memref<1003520x64xf32, #tpu.memory_space<hbm>>) dst(%dma_wait3A_182 : memref<80x64xf32, #tpu.memory_space<vmem>>)
      %dma_wait3A_188 = arith.constant 240 : i32
      %dma_wait3A_189 = arith.constant 0 : i32
      %dma_wait3A_190 = tpu.memref_slice %arg6[%dma_wait3A_188, %dma_wait3A_189] : memref<400x64xf32, #tpu.memory_space<vmem>> -> memref<80x64xf32, #tpu.memory_space<vmem>>
      %dma_wait3A_191 = arith.constant 240 : i32
      %dma_wait3A_192 = tpu.memref_slice %arg10[%dma_wait3A_191] : memref<400xi32, #tpu.memory_space<vmem>> -> memref<80xi32, #tpu.memory_space<vmem>>
      %dma_wait3A_193 = arith.constant 0 : i32
      %dma_wait3A_194 = arith.constant 0 : i32
      %dma_wait3A_195 = tpu.memref_slice %arg2[%dma_wait3A_193, %dma_wait3A_194] : memref<1003520x64xf32, #tpu.memory_space<hbm>> -> memref<1003520x64xf32, #tpu.memory_space<hbm>>
      tpu.wait_indirect_dma semaphore(%arg15 : memref<!tpu.dma_semaphore, #tpu.memory_space<semaphore_mem>>) src(%dma_wait3A_195 : memref<1003520x64xf32, #tpu.memory_space<hbm>>) dst(%dma_wait3A_190 : memref<80x64xf32, #tpu.memory_space<vmem>>)
      %dma_wait3A_196 = arith.constant 320 : i32
      %dma_wait3A_197 = arith.constant 0 : i32
      %dma_wait3A_198 = tpu.memref_slice %arg6[%dma_wait3A_196, %dma_wait3A_197] : memref<400x64xf32, #tpu.memory_space<vmem>> -> memref<80x64xf32, #tpu.memory_space<vmem>>
      %dma_wait3A_199 = arith.constant 320 : i32
      %dma_wait3A_200 = tpu.memref_slice %arg10[%dma_wait3A_199] : memref<400xi32, #tpu.memory_space<vmem>> -> memref<80xi32, #tpu.memory_space<vmem>>
      %dma_wait3A_201 = arith.constant 0 : i32
      %dma_wait3A_202 = arith.constant 0 : i32
      %dma_wait3A_203 = tpu.memref_slice %arg2[%dma_wait3A_201, %dma_wait3A_202] : memref<1003520x64xf32, #tpu.memory_space<hbm>> -> memref<1003520x64xf32, #tpu.memory_space<hbm>>
      tpu.wait_indirect_dma semaphore(%arg15 : memref<!tpu.dma_semaphore, #tpu.memory_space<semaphore_mem>>) src(%dma_wait3A_203 : memref<1003520x64xf32, #tpu.memory_space<hbm>>) dst(%dma_wait3A_198 : memref<80x64xf32, #tpu.memory_space<vmem>>)
      %scan3A_204 = arith.constant 0 : i32
      %scan3A_205 = arith.constant 0 : i32
      %scan3A_206 = arith.constant 200 : i32
      %scan3A_207 = arith.addi %scan3A_205, %scan3A_206 : i32
      %scan3A_208 = arith.constant 1 : i32
      scf.for %scan3A_436 = %scan3A_205 to %scan3A_207 step %scan3A_208  : i32 {
        %get3A = arith.index_cast %scan3A_436 : i32 to index
        %get3A_437 = arith.constant 0 : index
        %get3A_438 = tpu.vector_load %arg14[%get3A, %get3A_437] {strides = array<i32>} : memref<200x64xf32, #tpu.memory_space<vmem>>, vector<1x16xf32>,
        %get3A_439 = vector.shape_cast %get3A_438 : vector<1x16xf32> to vector<16xf32>
        %add3A_440 = arith.constant 0 : i32
        %add3A_441 = arith.addi %add3A_440, %scan3A_436 : i32
        %get3A_442 = arith.index_cast %add3A_441 : i32 to index
        %get3A_443 = arith.constant 0 : index
        %get3A_444 = tpu.vector_load %arg6[%get3A_442, %get3A_443] {strides = array<i32>} : memref<400x64xf32, #tpu.memory_space<vmem>>, vector<1x16xf32>,
        %get3A_445 = vector.shape_cast %get3A_444 : vector<1x16xf32> to vector<16xf32>
        %add3A_446 = arith.addf %get3A_445, %get3A_439 : vector<16xf32>
        %swap3A = arith.index_cast %add3A_441 : i32 to index
        %swap3A_447 = arith.constant 0 : index
        %swap3A_448 = tpu.vector_load %arg6[%swap3A, %swap3A_447] {strides = array<i32>} : memref<400x64xf32, #tpu.memory_space<vmem>>, vector<1x16xf32>,
        %swap3A_449 = vector.shape_cast %swap3A_448 : vector<1x16xf32> to vector<16xf32>
        %swap3A_450 = vector.shape_cast %add3A_446 : vector<16xf32> to vector<1x16xf32>
        tpu.vector_store %arg6[%swap3A, %swap3A_447], %swap3A_450 {strides = array<i32>} : memref<400x64xf32, #tpu.memory_space<vmem>>, vector<1x16xf32>,
        %add3A_451 = arith.constant 200 : i32
        %add3A_452 = arith.addi %add3A_451, %scan3A_436 : i32
        %get3A_453 = arith.index_cast %add3A_452 : i32 to index
        %get3A_454 = arith.constant 0 : index
        %get3A_455 = tpu.vector_load %arg6[%get3A_453, %get3A_454] {strides = array<i32>} : memref<400x64xf32, #tpu.memory_space<vmem>>, vector<1x16xf32>,
        %get3A_456 = vector.shape_cast %get3A_455 : vector<1x16xf32> to vector<16xf32>
        %add3A_457 = arith.addf %get3A_456, %get3A_439 : vector<16xf32>
        %swap3A_458 = arith.index_cast %add3A_452 : i32 to index
        %swap3A_459 = arith.constant 0 : index
        %swap3A_460 = tpu.vector_load %arg6[%swap3A_458, %swap3A_459] {strides = array<i32>} : memref<400x64xf32, #tpu.memory_space<vmem>>, vector<1x16xf32>,
        %swap3A_461 = vector.shape_cast %swap3A_460 : vector<1x16xf32> to vector<16xf32>
        %swap3A_462 = vector.shape_cast %add3A_457 : vector<16xf32> to vector<1x16xf32>
        tpu.vector_store %arg6[%swap3A_458, %swap3A_459], %swap3A_462 {strides = array<i32>} : memref<400x64xf32, #tpu.memory_space<vmem>>, vector<1x16xf32>,
        %get3A_463 = arith.index_cast %scan3A_436 : i32 to index
        %get3A_464 = arith.constant 16 : index
        %get3A_465 = tpu.vector_load %arg14[%get3A_463, %get3A_464] {strides = array<i32>} : memref<200x64xf32, #tpu.memory_space<vmem>>, vector<1x16xf32>,
        %get3A_466 = vector.shape_cast %get3A_465 : vector<1x16xf32> to vector<16xf32>
        %add3A_467 = arith.constant 0 : i32
        %add3A_468 = arith.addi %add3A_467, %scan3A_436 : i32
        %get3A_469 = arith.index_cast %add3A_468 : i32 to index
        %get3A_470 = arith.constant 16 : index
        %get3A_471 = tpu.vector_load %arg6[%get3A_469, %get3A_470] {strides = array<i32>} : memref<400x64xf32, #tpu.memory_space<vmem>>, vector<1x16xf32>,
        %get3A_472 = vector.shape_cast %get3A_471 : vector<1x16xf32> to vector<16xf32>
        %add3A_473 = arith.addf %get3A_472, %get3A_466 : vector<16xf32>
        %swap3A_474 = arith.index_cast %add3A_468 : i32 to index
        %swap3A_475 = arith.constant 16 : index
        %swap3A_476 = tpu.vector_load %arg6[%swap3A_474, %swap3A_475] {strides = array<i32>} : memref<400x64xf32, #tpu.memory_space<vmem>>, vector<1x16xf32>,
        %swap3A_477 = vector.shape_cast %swap3A_476 : vector<1x16xf32> to vector<16xf32>
        %swap3A_478 = vector.shape_cast %add3A_473 : vector<16xf32> to vector<1x16xf32>
        tpu.vector_store %arg6[%swap3A_474, %swap3A_475], %swap3A_478 {strides = array<i32>} : memref<400x64xf32, #tpu.memory_space<vmem>>, vector<1x16xf32>,
        %add3A_479 = arith.constant 200 : i32
        %add3A_480 = arith.addi %add3A_479, %scan3A_436 : i32
        %get3A_481 = arith.index_cast %add3A_480 : i32 to index
        %get3A_482 = arith.constant 16 : index
        %get3A_483 = tpu.vector_load %arg6[%get3A_481, %get3A_482] {strides = array<i32>} : memref<400x64xf32, #tpu.memory_space<vmem>>, vector<1x16xf32>,
        %get3A_484 = vector.shape_cast %get3A_483 : vector<1x16xf32> to vector<16xf32>
        %add3A_485 = arith.addf %get3A_484, %get3A_466 : vector<16xf32>
        %swap3A_486 = arith.index_cast %add3A_480 : i32 to index
        %swap3A_487 = arith.constant 16 : index
        %swap3A_488 = tpu.vector_load %arg6[%swap3A_486, %swap3A_487] {strides = array<i32>} : memref<400x64xf32, #tpu.memory_space<vmem>>, vector<1x16xf32>,
        %swap3A_489 = vector.shape_cast %swap3A_488 : vector<1x16xf32> to vector<16xf32>
        %swap3A_490 = vector.shape_cast %add3A_485 : vector<16xf32> to vector<1x16xf32>
        tpu.vector_store %arg6[%swap3A_486, %swap3A_487], %swap3A_490 {strides = array<i32>} : memref<400x64xf32, #tpu.memory_space<vmem>>, vector<1x16xf32>,
        %get3A_491 = arith.index_cast %scan3A_436 : i32 to index
        %get3A_492 = arith.constant 32 : index
        %get3A_493 = tpu.vector_load %arg14[%get3A_491, %get3A_492] {strides = array<i32>} : memref<200x64xf32, #tpu.memory_space<vmem>>, vector<1x16xf32>,
        %get3A_494 = vector.shape_cast %get3A_493 : vector<1x16xf32> to vector<16xf32>
        %add3A_495 = arith.constant 0 : i32
        %add3A_496 = arith.addi %add3A_495, %scan3A_436 : i32
        %get3A_497 = arith.index_cast %add3A_496 : i32 to index
        %get3A_498 = arith.constant 32 : index
        %get3A_499 = tpu.vector_load %arg6[%get3A_497, %get3A_498] {strides = array<i32>} : memref<400x64xf32, #tpu.memory_space<vmem>>, vector<1x16xf32>,
        %get3A_500 = vector.shape_cast %get3A_499 : vector<1x16xf32> to vector<16xf32>
        %add3A_501 = arith.addf %get3A_500, %get3A_494 : vector<16xf32>
        %swap3A_502 = arith.index_cast %add3A_496 : i32 to index
        %swap3A_503 = arith.constant 32 : index
        %swap3A_504 = tpu.vector_load %arg6[%swap3A_502, %swap3A_503] {strides = array<i32>} : memref<400x64xf32, #tpu.memory_space<vmem>>, vector<1x16xf32>,
        %swap3A_505 = vector.shape_cast %swap3A_504 : vector<1x16xf32> to vector<16xf32>
        %swap3A_506 = vector.shape_cast %add3A_501 : vector<16xf32> to vector<1x16xf32>
        tpu.vector_store %arg6[%swap3A_502, %swap3A_503], %swap3A_506 {strides = array<i32>} : memref<400x64xf32, #tpu.memory_space<vmem>>, vector<1x16xf32>,
        %add3A_507 = arith.constant 200 : i32
        %add3A_508 = arith.addi %add3A_507, %scan3A_436 : i32
        %get3A_509 = arith.index_cast %add3A_508 : i32 to index
        %get3A_510 = arith.constant 32 : index
        %get3A_511 = tpu.vector_load %arg6[%get3A_509, %get3A_510] {strides = array<i32>} : memref<400x64xf32, #tpu.memory_space<vmem>>, vector<1x16xf32>,
        %get3A_512 = vector.shape_cast %get3A_511 : vector<1x16xf32> to vector<16xf32>
        %add3A_513 = arith.addf %get3A_512, %get3A_494 : vector<16xf32>
        %swap3A_514 = arith.index_cast %add3A_508 : i32 to index
        %swap3A_515 = arith.constant 32 : index
        %swap3A_516 = tpu.vector_load %arg6[%swap3A_514, %swap3A_515] {strides = array<i32>} : memref<400x64xf32, #tpu.memory_space<vmem>>, vector<1x16xf32>,
        %swap3A_517 = vector.shape_cast %swap3A_516 : vector<1x16xf32> to vector<16xf32>
        %swap3A_518 = vector.shape_cast %add3A_513 : vector<16xf32> to vector<1x16xf32>
        tpu.vector_store %arg6[%swap3A_514, %swap3A_515], %swap3A_518 {strides = array<i32>} : memref<400x64xf32, #tpu.memory_space<vmem>>, vector<1x16xf32>,
        %get3A_519 = arith.index_cast %scan3A_436 : i32 to index
        %get3A_520 = arith.constant 48 : index
        %get3A_521 = tpu.vector_load %arg14[%get3A_519, %get3A_520] {strides = array<i32>} : memref<200x64xf32, #tpu.memory_space<vmem>>, vector<1x16xf32>,
        %get3A_522 = vector.shape_cast %get3A_521 : vector<1x16xf32> to vector<16xf32>
        %add3A_523 = arith.constant 0 : i32
        %add3A_524 = arith.addi %add3A_523, %scan3A_436 : i32
        %get3A_525 = arith.index_cast %add3A_524 : i32 to index
        %get3A_526 = arith.constant 48 : index
        %get3A_527 = tpu.vector_load %arg6[%get3A_525, %get3A_526] {strides = array<i32>} : memref<400x64xf32, #tpu.memory_space<vmem>>, vector<1x16xf32>,
        %get3A_528 = vector.shape_cast %get3A_527 : vector<1x16xf32> to vector<16xf32>
        %add3A_529 = arith.addf %get3A_528, %get3A_522 : vector<16xf32>
        %swap3A_530 = arith.index_cast %add3A_524 : i32 to index
        %swap3A_531 = arith.constant 48 : index
        %swap3A_532 = tpu.vector_load %arg6[%swap3A_530, %swap3A_531] {strides = array<i32>} : memref<400x64xf32, #tpu.memory_space<vmem>>, vector<1x16xf32>,
        %swap3A_533 = vector.shape_cast %swap3A_532 : vector<1x16xf32> to vector<16xf32>
        %swap3A_534 = vector.shape_cast %add3A_529 : vector<16xf32> to vector<1x16xf32>
        tpu.vector_store %arg6[%swap3A_530, %swap3A_531], %swap3A_534 {strides = array<i32>} : memref<400x64xf32, #tpu.memory_space<vmem>>, vector<1x16xf32>,
        %add3A_535 = arith.constant 200 : i32
        %add3A_536 = arith.addi %add3A_535, %scan3A_436 : i32
        %get3A_537 = arith.index_cast %add3A_536 : i32 to index
        %get3A_538 = arith.constant 48 : index
        %get3A_539 = tpu.vector_load %arg6[%get3A_537, %get3A_538] {strides = array<i32>} : memref<400x64xf32, #tpu.memory_space<vmem>>, vector<1x16xf32>,
        %get3A_540 = vector.shape_cast %get3A_539 : vector<1x16xf32> to vector<16xf32>
        %add3A_541 = arith.addf %get3A_540, %get3A_522 : vector<16xf32>
        %swap3A_542 = arith.index_cast %add3A_536 : i32 to index
        %swap3A_543 = arith.constant 48 : index
        %swap3A_544 = tpu.vector_load %arg6[%swap3A_542, %swap3A_543] {strides = array<i32>} : memref<400x64xf32, #tpu.memory_space<vmem>>, vector<1x16xf32>,
        %swap3A_545 = vector.shape_cast %swap3A_544 : vector<1x16xf32> to vector<16xf32>
        %swap3A_546 = vector.shape_cast %add3A_541 : vector<16xf32> to vector<1x16xf32>
        tpu.vector_store %arg6[%swap3A_542, %swap3A_543], %swap3A_546 {strides = array<i32>} : memref<400x64xf32, #tpu.memory_space<vmem>>, vector<1x16xf32>,
      }
      %scan3A_209 = arith.constant 200 : i32
      %mul3A_210 = arith.constant 400 : i32
      %mul3A_211 = arith.muli %add3A_163, %mul3A_210 : i32
      %add3A_212 = arith.addi %sub3A, %mul3A_211 : i32
      %dma_start3A_213 = tpu.memref_slice %arg5[%add3A_212, %select_n3A_7] : memref<204800x128xf32, #tpu.memory_space<hbm>> -> memref<400x64xf32, #tpu.memory_space<hbm>>
      %dma_start3A_214 = tpu.memref_slice %arg5[%add3A_212, %select_n3A_7] : memref<204800x128xf32, #tpu.memory_space<hbm>> -> memref<400x64xf32, #tpu.memory_space<hbm>>
      tpu.enqueue_dma source(%arg6 : memref<400x64xf32, #tpu.memory_space<vmem>>) target(%dma_start3A_214 : memref<400x64xf32, #tpu.memory_space<hbm>>) target_semaphore(%arg19 : memref<!tpu.dma_semaphore, #tpu.memory_space<semaphore_mem>>)
      %add3A_215 = arith.constant 3 : i32
      %add3A_216 = arith.addi %add3A_163, %add3A_215 : i32
      %lt3A = arith.constant 32 : i32
      %lt3A_217 = arith.cmpi slt, %add3A_216, %lt3A : i32
      %ge3A_218 = arith.constant 1 : i32
      %ge3A_219 = arith.cmpi sge, %add3A_163, %ge3A_218 : i32
      %and3A = arith.andi %lt3A_217, %ge3A_219 : i1
      %convert_element_type3A = arith.extui %and3A : i1 to i32
      %cond3A = arith.constant 0 : i32
      %cond3A_220 = arith.cmpi ne, %convert_element_type3A, %cond3A : i32
      scf.if %cond3A_220 {
        %sub3A_436 = arith.constant 1 : i32
        %sub3A_437 = arith.subi %add3A_163, %sub3A_436 : i32
        %mul3A_438 = arith.constant 400 : i32
        %mul3A_439 = arith.muli %sub3A_437, %mul3A_438 : i32
        %add3A_440 = arith.addi %sub3A, %mul3A_439 : i32
        %dma_wait3A_441 = tpu.memref_slice %arg5[%add3A_440, %select_n3A_7] : memref<204800x128xf32, #tpu.memory_space<hbm>> -> memref<400x64xf32, #tpu.memory_space<hbm>>
        %dma_wait3A_442 = tpu.memref_slice %arg5[%add3A_440, %select_n3A_7] : memref<204800x128xf32, #tpu.memory_space<hbm>> -> memref<400x64xf32, #tpu.memory_space<hbm>>
        tpu.wait_dma2 semaphore(%arg22 : memref<!tpu.dma_semaphore, #tpu.memory_space<semaphore_mem>>) src(%arg9 : memref<400x64xf32, #tpu.memory_space<vmem>>) dst(%dma_wait3A_442 : memref<400x64xf32, #tpu.memory_space<hbm>>)
      } else {
      }
      %lt3A_221 = arith.constant 32 : i32
      %lt3A_222 = arith.cmpi slt, %add3A_216, %lt3A_221 : i32
      %convert_element_type3A_223 = arith.extui %lt3A_222 : i1 to i32
      %cond3A_224 = arith.constant 0 : i32
      %cond3A_225 = arith.cmpi ne, %convert_element_type3A_223, %cond3A_224 : i32
      scf.if %cond3A_225 {
        %mul3A_436 = arith.constant 400 : i32
        %mul3A_437 = arith.muli %add3A_216, %mul3A_436 : i32
        %add3A_438 = arith.addi %mul3A_2, %mul3A_437 : i32
        "tpu.region"() ({
          %run_scoped3A = tpu.sem_alloc : memref<!tpu.dma_semaphore, #tpu.memory_space<semaphore_mem>>
          %dma_start3A_479 = tpu.memref_slice %arg3[%add3A_438] : memref<409600xi32, #tpu.memory_space<hbm>> -> memref<400xi32, #tpu.memory_space<hbm>>
          %dma_start3A_480 = tpu.memref_slice %arg3[%add3A_438] : memref<409600xi32, #tpu.memory_space<hbm>> -> memref<400xi32, #tpu.memory_space<hbm>>
          tpu.enqueue_dma source(%dma_start3A_480 : memref<400xi32, #tpu.memory_space<hbm>>) target(%arg13 : memref<400xi32, #tpu.memory_space<vmem>>) target_semaphore(%run_scoped3A : memref<!tpu.dma_semaphore, #tpu.memory_space<semaphore_mem>>)
          %dma_wait3A_481 = tpu.memref_slice %arg3[%add3A_438] : memref<409600xi32, #tpu.memory_space<hbm>> -> memref<400xi32, #tpu.memory_space<hbm>>
          %dma_wait3A_482 = tpu.memref_slice %arg3[%add3A_438] : memref<409600xi32, #tpu.memory_space<hbm>> -> memref<400xi32, #tpu.memory_space<hbm>>
          tpu.wait_dma2 semaphore(%run_scoped3A : memref<!tpu.dma_semaphore, #tpu.memory_space<semaphore_mem>>) src(%dma_wait3A_482 : memref<400xi32, #tpu.memory_space<hbm>>) dst(%arg13 : memref<400xi32, #tpu.memory_space<vmem>>)
          tpu.yield
        }) : () -> ()
        %dma_start3A_439 = arith.constant 0 : i32
        %dma_start3A_440 = arith.constant 0 : i32
        %dma_start3A_441 = tpu.memref_slice %arg9[%dma_start3A_439, %dma_start3A_440] : memref<400x64xf32, #tpu.memory_space<vmem>> -> memref<80x64xf32, #tpu.memory_space<vmem>>
        %dma_start3A_442 = arith.constant 0 : i32
        %dma_start3A_443 = tpu.memref_slice %arg13[%dma_start3A_442] : memref<400xi32, #tpu.memory_space<vmem>> -> memref<80xi32, #tpu.memory_space<vmem>>
        %dma_start3A_444 = arith.constant 0 : i32
        %dma_start3A_445 = arith.constant 0 : i32
        %dma_start3A_446 = tpu.memref_slice %arg2[%dma_start3A_444, %dma_start3A_445] : memref<1003520x64xf32, #tpu.memory_space<hbm>> -> memref<1003520x64xf32, #tpu.memory_space<hbm>>
        tpu.enqueue_indirect_dma source(%dma_start3A_446 : memref<1003520x64xf32, #tpu.memory_space<hbm>>) target(%dma_start3A_441 : memref<80x64xf32, #tpu.memory_space<vmem>>) offsets(%dma_start3A_443 : memref<80xi32, #tpu.memory_space<vmem>>) semaphore(%arg18 : memref<!tpu.dma_semaphore, #tpu.memory_space<semaphore_mem>>)
        %dma_start3A_447 = arith.constant 80 : i32
        %dma_start3A_448 = arith.constant 0 : i32
        %dma_start3A_449 = tpu.memref_slice %arg9[%dma_start3A_447, %dma_start3A_448] : memref<400x64xf32, #tpu.memory_space<vmem>> -> memref<80x64xf32, #tpu.memory_space<vmem>>
        %dma_start3A_450 = arith.constant 80 : i32
        %dma_start3A_451 = tpu.memref_slice %arg13[%dma_start3A_450] : memref<400xi32, #tpu.memory_space<vmem>> -> memref<80xi32, #tpu.memory_space<vmem>>
        %dma_start3A_452 = arith.constant 0 : i32
        %dma_start3A_453 = arith.constant 0 : i32
        %dma_start3A_454 = tpu.memref_slice %arg2[%dma_start3A_452, %dma_start3A_453] : memref<1003520x64xf32, #tpu.memory_space<hbm>> -> memref<1003520x64xf32, #tpu.memory_space<hbm>>
        tpu.enqueue_indirect_dma source(%dma_start3A_454 : memref<1003520x64xf32, #tpu.memory_space<hbm>>) target(%dma_start3A_449 : memref<80x64xf32, #tpu.memory_space<vmem>>) offsets(%dma_start3A_451 : memref<80xi32, #tpu.memory_space<vmem>>) semaphore(%arg18 : memref<!tpu.dma_semaphore, #tpu.memory_space<semaphore_mem>>)
        %dma_start3A_455 = arith.constant 160 : i32
        %dma_start3A_456 = arith.constant 0 : i32
        %dma_start3A_457 = tpu.memref_slice %arg9[%dma_start3A_455, %dma_start3A_456] : memref<400x64xf32, #tpu.memory_space<vmem>> -> memref<80x64xf32, #tpu.memory_space<vmem>>
        %dma_start3A_458 = arith.constant 160 : i32
        %dma_start3A_459 = tpu.memref_slice %arg13[%dma_start3A_458] : memref<400xi32, #tpu.memory_space<vmem>> -> memref<80xi32, #tpu.memory_space<vmem>>
        %dma_start3A_460 = arith.constant 0 : i32
        %dma_start3A_461 = arith.constant 0 : i32
        %dma_start3A_462 = tpu.memref_slice %arg2[%dma_start3A_460, %dma_start3A_461] : memref<1003520x64xf32, #tpu.memory_space<hbm>> -> memref<1003520x64xf32, #tpu.memory_space<hbm>>
        tpu.enqueue_indirect_dma source(%dma_start3A_462 : memref<1003520x64xf32, #tpu.memory_space<hbm>>) target(%dma_start3A_457 : memref<80x64xf32, #tpu.memory_space<vmem>>) offsets(%dma_start3A_459 : memref<80xi32, #tpu.memory_space<vmem>>) semaphore(%arg18 : memref<!tpu.dma_semaphore, #tpu.memory_space<semaphore_mem>>)
        %dma_start3A_463 = arith.constant 240 : i32
        %dma_start3A_464 = arith.constant 0 : i32
        %dma_start3A_465 = tpu.memref_slice %arg9[%dma_start3A_463, %dma_start3A_464] : memref<400x64xf32, #tpu.memory_space<vmem>> -> memref<80x64xf32, #tpu.memory_space<vmem>>
        %dma_start3A_466 = arith.constant 240 : i32
        %dma_start3A_467 = tpu.memref_slice %arg13[%dma_start3A_466] : memref<400xi32, #tpu.memory_space<vmem>> -> memref<80xi32, #tpu.memory_space<vmem>>
        %dma_start3A_468 = arith.constant 0 : i32
        %dma_start3A_469 = arith.constant 0 : i32
        %dma_start3A_470 = tpu.memref_slice %arg2[%dma_start3A_468, %dma_start3A_469] : memref<1003520x64xf32, #tpu.memory_space<hbm>> -> memref<1003520x64xf32, #tpu.memory_space<hbm>>
        tpu.enqueue_indirect_dma source(%dma_start3A_470 : memref<1003520x64xf32, #tpu.memory_space<hbm>>) target(%dma_start3A_465 : memref<80x64xf32, #tpu.memory_space<vmem>>) offsets(%dma_start3A_467 : memref<80xi32, #tpu.memory_space<vmem>>) semaphore(%arg18 : memref<!tpu.dma_semaphore, #tpu.memory_space<semaphore_mem>>)
        %dma_start3A_471 = arith.constant 320 : i32
        %dma_start3A_472 = arith.constant 0 : i32
        %dma_start3A_473 = tpu.memref_slice %arg9[%dma_start3A_471, %dma_start3A_472] : memref<400x64xf32, #tpu.memory_space<vmem>> -> memref<80x64xf32, #tpu.memory_space<vmem>>
        %dma_start3A_474 = arith.constant 320 : i32
        %dma_start3A_475 = tpu.memref_slice %arg13[%dma_start3A_474] : memref<400xi32, #tpu.memory_space<vmem>> -> memref<80xi32, #tpu.memory_space<vmem>>
        %dma_start3A_476 = arith.constant 0 : i32
        %dma_start3A_477 = arith.constant 0 : i32
        %dma_start3A_478 = tpu.memref_slice %arg2[%dma_start3A_476, %dma_start3A_477] : memref<1003520x64xf32, #tpu.memory_space<hbm>> -> memref<1003520x64xf32, #tpu.memory_space<hbm>>
        tpu.enqueue_indirect_dma source(%dma_start3A_478 : memref<1003520x64xf32, #tpu.memory_space<hbm>>) target(%dma_start3A_473 : memref<80x64xf32, #tpu.memory_space<vmem>>) offsets(%dma_start3A_475 : memref<80xi32, #tpu.memory_space<vmem>>) semaphore(%arg18 : memref<!tpu.dma_semaphore, #tpu.memory_space<semaphore_mem>>)
      } else {
      }
      %mul3A_226 = arith.constant 4 : i32
      %mul3A_227 = arith.muli %scan3A_159, %mul3A_226 : i32
      %add3A_228 = arith.constant 1 : i32
      %add3A_229 = arith.addi %mul3A_227, %add3A_228 : i32
      %dma_wait3A_230 = arith.constant 0 : i32
      %dma_wait3A_231 = arith.constant 0 : i32
      %dma_wait3A_232 = tpu.memref_slice %arg7[%dma_wait3A_230, %dma_wait3A_231] : memref<400x64xf32, #tpu.memory_space<vmem>> -> memref<80x64xf32, #tpu.memory_space<vmem>>
      %dma_wait3A_233 = arith.constant 0 : i32
      %dma_wait3A_234 = tpu.memref_slice %arg11[%dma_wait3A_233] : memref<400xi32, #tpu.memory_space<vmem>> -> memref<80xi32, #tpu.memory_space<vmem>>
      %dma_wait3A_235 = arith.constant 0 : i32
      %dma_wait3A_236 = arith.constant 0 : i32
      %dma_wait3A_237 = tpu.memref_slice %arg2[%dma_wait3A_235, %dma_wait3A_236] : memref<1003520x64xf32, #tpu.memory_space<hbm>> -> memref<1003520x64xf32, #tpu.memory_space<hbm>>
      tpu.wait_indirect_dma semaphore(%arg16 : memref<!tpu.dma_semaphore, #tpu.memory_space<semaphore_mem>>) src(%dma_wait3A_237 : memref<1003520x64xf32, #tpu.memory_space<hbm>>) dst(%dma_wait3A_232 : memref<80x64xf32, #tpu.memory_space<vmem>>)
      %dma_wait3A_238 = arith.constant 80 : i32
      %dma_wait3A_239 = arith.constant 0 : i32
      %dma_wait3A_240 = tpu.memref_slice %arg7[%dma_wait3A_238, %dma_wait3A_239] : memref<400x64xf32, #tpu.memory_space<vmem>> -> memref<80x64xf32, #tpu.memory_space<vmem>>
      %dma_wait3A_241 = arith.constant 80 : i32
      %dma_wait3A_242 = tpu.memref_slice %arg11[%dma_wait3A_241] : memref<400xi32, #tpu.memory_space<vmem>> -> memref<80xi32, #tpu.memory_space<vmem>>
      %dma_wait3A_243 = arith.constant 0 : i32
      %dma_wait3A_244 = arith.constant 0 : i32
      %dma_wait3A_245 = tpu.memref_slice %arg2[%dma_wait3A_243, %dma_wait3A_244] : memref<1003520x64xf32, #tpu.memory_space<hbm>> -> memref<1003520x64xf32, #tpu.memory_space<hbm>>
      tpu.wait_indirect_dma semaphore(%arg16 : memref<!tpu.dma_semaphore, #tpu.memory_space<semaphore_mem>>) src(%dma_wait3A_245 : memref<1003520x64xf32, #tpu.memory_space<hbm>>) dst(%dma_wait3A_240 : memref<80x64xf32, #tpu.memory_space<vmem>>)
      %dma_wait3A_246 = arith.constant 160 : i32
      %dma_wait3A_247 = arith.constant 0 : i32
      %dma_wait3A_248 = tpu.memref_slice %arg7[%dma_wait3A_246, %dma_wait3A_247] : memref<400x64xf32, #tpu.memory_space<vmem>> -> memref<80x64xf32, #tpu.memory_space<vmem>>
      %dma_wait3A_249 = arith.constant 160 : i32
      %dma_wait3A_250 = tpu.memref_slice %arg11[%dma_wait3A_249] : memref<400xi32, #tpu.memory_space<vmem>> -> memref<80xi32, #tpu.memory_space<vmem>>
      %dma_wait3A_251 = arith.constant 0 : i32
      %dma_wait3A_252 = arith.constant 0 : i32
      %dma_wait3A_253 = tpu.memref_slice %arg2[%dma_wait3A_251, %dma_wait3A_252] : memref<1003520x64xf32, #tpu.memory_space<hbm>> -> memref<1003520x64xf32, #tpu.memory_space<hbm>>
      tpu.wait_indirect_dma semaphore(%arg16 : memref<!tpu.dma_semaphore, #tpu.memory_space<semaphore_mem>>) src(%dma_wait3A_253 : memref<1003520x64xf32, #tpu.memory_space<hbm>>) dst(%dma_wait3A_248 : memref<80x64xf32, #tpu.memory_space<vmem>>)
      %dma_wait3A_254 = arith.constant 240 : i32
      %dma_wait3A_255 = arith.constant 0 : i32
      %dma_wait3A_256 = tpu.memref_slice %arg7[%dma_wait3A_254, %dma_wait3A_255] : memref<400x64xf32, #tpu.memory_space<vmem>> -> memref<80x64xf32, #tpu.memory_space<vmem>>
      %dma_wait3A_257 = arith.constant 240 : i32
      %dma_wait3A_258 = tpu.memref_slice %arg11[%dma_wait3A_257] : memref<400xi32, #tpu.memory_space<vmem>> -> memref<80xi32, #tpu.memory_space<vmem>>
      %dma_wait3A_259 = arith.constant 0 : i32
      %dma_wait3A_260 = arith.constant 0 : i32
      %dma_wait3A_261 = tpu.memref_slice %arg2[%dma_wait3A_259, %dma_wait3A_260] : memref<1003520x64xf32, #tpu.memory_space<hbm>> -> memref<1003520x64xf32, #tpu.memory_space<hbm>>
      tpu.wait_indirect_dma semaphore(%arg16 : memref<!tpu.dma_semaphore, #tpu.memory_space<semaphore_mem>>) src(%dma_wait3A_261 : memref<1003520x64xf32, #tpu.memory_space<hbm>>) dst(%dma_wait3A_256 : memref<80x64xf32, #tpu.memory_space<vmem>>)
      %dma_wait3A_262 = arith.constant 320 : i32
      %dma_wait3A_263 = arith.constant 0 : i32
      %dma_wait3A_264 = tpu.memref_slice %arg7[%dma_wait3A_262, %dma_wait3A_263] : memref<400x64xf32, #tpu.memory_space<vmem>> -> memref<80x64xf32, #tpu.memory_space<vmem>>
      %dma_wait3A_265 = arith.constant 320 : i32
      %dma_wait3A_266 = tpu.memref_slice %arg11[%dma_wait3A_265] : memref<400xi32, #tpu.memory_space<vmem>> -> memref<80xi32, #tpu.memory_space<vmem>>
      %dma_wait3A_267 = arith.constant 0 : i32
      %dma_wait3A_268 = arith.constant 0 : i32
      %dma_wait3A_269 = tpu.memref_slice %arg2[%dma_wait3A_267, %dma_wait3A_268] : memref<1003520x64xf32, #tpu.memory_space<hbm>> -> memref<1003520x64xf32, #tpu.memory_space<hbm>>
      tpu.wait_indirect_dma semaphore(%arg16 : memref<!tpu.dma_semaphore, #tpu.memory_space<semaphore_mem>>) src(%dma_wait3A_269 : memref<1003520x64xf32, #tpu.memory_space<hbm>>) dst(%dma_wait3A_264 : memref<80x64xf32, #tpu.memory_space<vmem>>)
      %scan3A_270 = arith.constant 0 : i32
      %scan3A_271 = arith.constant 0 : i32
      %scan3A_272 = arith.constant 200 : i32
      %scan3A_273 = arith.addi %scan3A_271, %scan3A_272 : i32
      %scan3A_274 = arith.constant 1 : i32
      scf.for %scan3A_436 = %scan3A_271 to %scan3A_273 step %scan3A_274  : i32 {
        %get3A = arith.index_cast %scan3A_436 : i32 to index
        %get3A_437 = arith.constant 0 : index
        %get3A_438 = tpu.vector_load %arg14[%get3A, %get3A_437] {strides = array<i32>} : memref<200x64xf32, #tpu.memory_space<vmem>>, vector<1x16xf32>,
        %get3A_439 = vector.shape_cast %get3A_438 : vector<1x16xf32> to vector<16xf32>
        %add3A_440 = arith.constant 0 : i32
        %add3A_441 = arith.addi %add3A_440, %scan3A_436 : i32
        %get3A_442 = arith.index_cast %add3A_441 : i32 to index
        %get3A_443 = arith.constant 0 : index
        %get3A_444 = tpu.vector_load %arg7[%get3A_442, %get3A_443] {strides = array<i32>} : memref<400x64xf32, #tpu.memory_space<vmem>>, vector<1x16xf32>,
        %get3A_445 = vector.shape_cast %get3A_444 : vector<1x16xf32> to vector<16xf32>
        %add3A_446 = arith.addf %get3A_445, %get3A_439 : vector<16xf32>
        %swap3A = arith.index_cast %add3A_441 : i32 to index
        %swap3A_447 = arith.constant 0 : index
        %swap3A_448 = tpu.vector_load %arg7[%swap3A, %swap3A_447] {strides = array<i32>} : memref<400x64xf32, #tpu.memory_space<vmem>>, vector<1x16xf32>,
        %swap3A_449 = vector.shape_cast %swap3A_448 : vector<1x16xf32> to vector<16xf32>
        %swap3A_450 = vector.shape_cast %add3A_446 : vector<16xf32> to vector<1x16xf32>
        tpu.vector_store %arg7[%swap3A, %swap3A_447], %swap3A_450 {strides = array<i32>} : memref<400x64xf32, #tpu.memory_space<vmem>>, vector<1x16xf32>,
        %add3A_451 = arith.constant 200 : i32
        %add3A_452 = arith.addi %add3A_451, %scan3A_436 : i32
        %get3A_453 = arith.index_cast %add3A_452 : i32 to index
        %get3A_454 = arith.constant 0 : index
        %get3A_455 = tpu.vector_load %arg7[%get3A_453, %get3A_454] {strides = array<i32>} : memref<400x64xf32, #tpu.memory_space<vmem>>, vector<1x16xf32>,
        %get3A_456 = vector.shape_cast %get3A_455 : vector<1x16xf32> to vector<16xf32>
        %add3A_457 = arith.addf %get3A_456, %get3A_439 : vector<16xf32>
        %swap3A_458 = arith.index_cast %add3A_452 : i32 to index
        %swap3A_459 = arith.constant 0 : index
        %swap3A_460 = tpu.vector_load %arg7[%swap3A_458, %swap3A_459] {strides = array<i32>} : memref<400x64xf32, #tpu.memory_space<vmem>>, vector<1x16xf32>,
        %swap3A_461 = vector.shape_cast %swap3A_460 : vector<1x16xf32> to vector<16xf32>
        %swap3A_462 = vector.shape_cast %add3A_457 : vector<16xf32> to vector<1x16xf32>
        tpu.vector_store %arg7[%swap3A_458, %swap3A_459], %swap3A_462 {strides = array<i32>} : memref<400x64xf32, #tpu.memory_space<vmem>>, vector<1x16xf32>,
        %get3A_463 = arith.index_cast %scan3A_436 : i32 to index
        %get3A_464 = arith.constant 16 : index
        %get3A_465 = tpu.vector_load %arg14[%get3A_463, %get3A_464] {strides = array<i32>} : memref<200x64xf32, #tpu.memory_space<vmem>>, vector<1x16xf32>,
        %get3A_466 = vector.shape_cast %get3A_465 : vector<1x16xf32> to vector<16xf32>
        %add3A_467 = arith.constant 0 : i32
        %add3A_468 = arith.addi %add3A_467, %scan3A_436 : i32
        %get3A_469 = arith.index_cast %add3A_468 : i32 to index
        %get3A_470 = arith.constant 16 : index
        %get3A_471 = tpu.vector_load %arg7[%get3A_469, %get3A_470] {strides = array<i32>} : memref<400x64xf32, #tpu.memory_space<vmem>>, vector<1x16xf32>,
        %get3A_472 = vector.shape_cast %get3A_471 : vector<1x16xf32> to vector<16xf32>
        %add3A_473 = arith.addf %get3A_472, %get3A_466 : vector<16xf32>
        %swap3A_474 = arith.index_cast %add3A_468 : i32 to index
        %swap3A_475 = arith.constant 16 : index
        %swap3A_476 = tpu.vector_load %arg7[%swap3A_474, %swap3A_475] {strides = array<i32>} : memref<400x64xf32, #tpu.memory_space<vmem>>, vector<1x16xf32>,
        %swap3A_477 = vector.shape_cast %swap3A_476 : vector<1x16xf32> to vector<16xf32>
        %swap3A_478 = vector.shape_cast %add3A_473 : vector<16xf32> to vector<1x16xf32>
        tpu.vector_store %arg7[%swap3A_474, %swap3A_475], %swap3A_478 {strides = array<i32>} : memref<400x64xf32, #tpu.memory_space<vmem>>, vector<1x16xf32>,
        %add3A_479 = arith.constant 200 : i32
        %add3A_480 = arith.addi %add3A_479, %scan3A_436 : i32
        %get3A_481 = arith.index_cast %add3A_480 : i32 to index
        %get3A_482 = arith.constant 16 : index
        %get3A_483 = tpu.vector_load %arg7[%get3A_481, %get3A_482] {strides = array<i32>} : memref<400x64xf32, #tpu.memory_space<vmem>>, vector<1x16xf32>,
        %get3A_484 = vector.shape_cast %get3A_483 : vector<1x16xf32> to vector<16xf32>
        %add3A_485 = arith.addf %get3A_484, %get3A_466 : vector<16xf32>
        %swap3A_486 = arith.index_cast %add3A_480 : i32 to index
        %swap3A_487 = arith.constant 16 : index
        %swap3A_488 = tpu.vector_load %arg7[%swap3A_486, %swap3A_487] {strides = array<i32>} : memref<400x64xf32, #tpu.memory_space<vmem>>, vector<1x16xf32>,
        %swap3A_489 = vector.shape_cast %swap3A_488 : vector<1x16xf32> to vector<16xf32>
        %swap3A_490 = vector.shape_cast %add3A_485 : vector<16xf32> to vector<1x16xf32>
        tpu.vector_store %arg7[%swap3A_486, %swap3A_487], %swap3A_490 {strides = array<i32>} : memref<400x64xf32, #tpu.memory_space<vmem>>, vector<1x16xf32>,
        %get3A_491 = arith.index_cast %scan3A_436 : i32 to index
        %get3A_492 = arith.constant 32 : index
        %get3A_493 = tpu.vector_load %arg14[%get3A_491, %get3A_492] {strides = array<i32>} : memref<200x64xf32, #tpu.memory_space<vmem>>, vector<1x16xf32>,
        %get3A_494 = vector.shape_cast %get3A_493 : vector<1x16xf32> to vector<16xf32>
        %add3A_495 = arith.constant 0 : i32
        %add3A_496 = arith.addi %add3A_495, %scan3A_436 : i32
        %get3A_497 = arith.index_cast %add3A_496 : i32 to index
        %get3A_498 = arith.constant 32 : index
        %get3A_499 = tpu.vector_load %arg7[%get3A_497, %get3A_498] {strides = array<i32>} : memref<400x64xf32, #tpu.memory_space<vmem>>, vector<1x16xf32>,
        %get3A_500 = vector.shape_cast %get3A_499 : vector<1x16xf32> to vector<16xf32>
        %add3A_501 = arith.addf %get3A_500, %get3A_494 : vector<16xf32>
        %swap3A_502 = arith.index_cast %add3A_496 : i32 to index
        %swap3A_503 = arith.constant 32 : index
        %swap3A_504 = tpu.vector_load %arg7[%swap3A_502, %swap3A_503] {strides = array<i32>} : memref<400x64xf32, #tpu.memory_space<vmem>>, vector<1x16xf32>,
        %swap3A_505 = vector.shape_cast %swap3A_504 : vector<1x16xf32> to vector<16xf32>
        %swap3A_506 = vector.shape_cast %add3A_501 : vector<16xf32> to vector<1x16xf32>
        tpu.vector_store %arg7[%swap3A_502, %swap3A_503], %swap3A_506 {strides = array<i32>} : memref<400x64xf32, #tpu.memory_space<vmem>>, vector<1x16xf32>,
        %add3A_507 = arith.constant 200 : i32
        %add3A_508 = arith.addi %add3A_507, %scan3A_436 : i32
        %get3A_509 = arith.index_cast %add3A_508 : i32 to index
        %get3A_510 = arith.constant 32 : index
        %get3A_511 = tpu.vector_load %arg7[%get3A_509, %get3A_510] {strides = array<i32>} : memref<400x64xf32, #tpu.memory_space<vmem>>, vector<1x16xf32>,
        %get3A_512 = vector.shape_cast %get3A_511 : vector<1x16xf32> to vector<16xf32>
        %add3A_513 = arith.addf %get3A_512, %get3A_494 : vector<16xf32>
        %swap3A_514 = arith.index_cast %add3A_508 : i32 to index
        %swap3A_515 = arith.constant 32 : index
        %swap3A_516 = tpu.vector_load %arg7[%swap3A_514, %swap3A_515] {strides = array<i32>} : memref<400x64xf32, #tpu.memory_space<vmem>>, vector<1x16xf32>,
        %swap3A_517 = vector.shape_cast %swap3A_516 : vector<1x16xf32> to vector<16xf32>
        %swap3A_518 = vector.shape_cast %add3A_513 : vector<16xf32> to vector<1x16xf32>
        tpu.vector_store %arg7[%swap3A_514, %swap3A_515], %swap3A_518 {strides = array<i32>} : memref<400x64xf32, #tpu.memory_space<vmem>>, vector<1x16xf32>,
        %get3A_519 = arith.index_cast %scan3A_436 : i32 to index
        %get3A_520 = arith.constant 48 : index
        %get3A_521 = tpu.vector_load %arg14[%get3A_519, %get3A_520] {strides = array<i32>} : memref<200x64xf32, #tpu.memory_space<vmem>>, vector<1x16xf32>,
        %get3A_522 = vector.shape_cast %get3A_521 : vector<1x16xf32> to vector<16xf32>
        %add3A_523 = arith.constant 0 : i32
        %add3A_524 = arith.addi %add3A_523, %scan3A_436 : i32
        %get3A_525 = arith.index_cast %add3A_524 : i32 to index
        %get3A_526 = arith.constant 48 : index
        %get3A_527 = tpu.vector_load %arg7[%get3A_525, %get3A_526] {strides = array<i32>} : memref<400x64xf32, #tpu.memory_space<vmem>>, vector<1x16xf32>,
        %get3A_528 = vector.shape_cast %get3A_527 : vector<1x16xf32> to vector<16xf32>
        %add3A_529 = arith.addf %get3A_528, %get3A_522 : vector<16xf32>
        %swap3A_530 = arith.index_cast %add3A_524 : i32 to index
        %swap3A_531 = arith.constant 48 : index
        %swap3A_532 = tpu.vector_load %arg7[%swap3A_530, %swap3A_531] {strides = array<i32>} : memref<400x64xf32, #tpu.memory_space<vmem>>, vector<1x16xf32>,
        %swap3A_533 = vector.shape_cast %swap3A_532 : vector<1x16xf32> to vector<16xf32>
        %swap3A_534 = vector.shape_cast %add3A_529 : vector<16xf32> to vector<1x16xf32>
        tpu.vector_store %arg7[%swap3A_530, %swap3A_531], %swap3A_534 {strides = array<i32>} : memref<400x64xf32, #tpu.memory_space<vmem>>, vector<1x16xf32>,
        %add3A_535 = arith.constant 200 : i32
        %add3A_536 = arith.addi %add3A_535, %scan3A_436 : i32
        %get3A_537 = arith.index_cast %add3A_536 : i32 to index
        %get3A_538 = arith.constant 48 : index
        %get3A_539 = tpu.vector_load %arg7[%get3A_537, %get3A_538] {strides = array<i32>} : memref<400x64xf32, #tpu.memory_space<vmem>>, vector<1x16xf32>,
        %get3A_540 = vector.shape_cast %get3A_539 : vector<1x16xf32> to vector<16xf32>
        %add3A_541 = arith.addf %get3A_540, %get3A_522 : vector<16xf32>
        %swap3A_542 = arith.index_cast %add3A_536 : i32 to index
        %swap3A_543 = arith.constant 48 : index
        %swap3A_544 = tpu.vector_load %arg7[%swap3A_542, %swap3A_543] {strides = array<i32>} : memref<400x64xf32, #tpu.memory_space<vmem>>, vector<1x16xf32>,
        %swap3A_545 = vector.shape_cast %swap3A_544 : vector<1x16xf32> to vector<16xf32>
        %swap3A_546 = vector.shape_cast %add3A_541 : vector<16xf32> to vector<1x16xf32>
        tpu.vector_store %arg7[%swap3A_542, %swap3A_543], %swap3A_546 {strides = array<i32>} : memref<400x64xf32, #tpu.memory_space<vmem>>, vector<1x16xf32>,
      }
      %scan3A_275 = arith.constant 200 : i32
      %mul3A_276 = arith.constant 400 : i32
      %mul3A_277 = arith.muli %add3A_229, %mul3A_276 : i32
      %add3A_278 = arith.addi %sub3A, %mul3A_277 : i32
      %dma_start3A_279 = tpu.memref_slice %arg5[%add3A_278, %select_n3A_7] : memref<204800x128xf32, #tpu.memory_space<hbm>> -> memref<400x64xf32, #tpu.memory_space<hbm>>
      %dma_start3A_280 = tpu.memref_slice %arg5[%add3A_278, %select_n3A_7] : memref<204800x128xf32, #tpu.memory_space<hbm>> -> memref<400x64xf32, #tpu.memory_space<hbm>>
      tpu.enqueue_dma source(%arg7 : memref<400x64xf32, #tpu.memory_space<vmem>>) target(%dma_start3A_280 : memref<400x64xf32, #tpu.memory_space<hbm>>) target_semaphore(%arg20 : memref<!tpu.dma_semaphore, #tpu.memory_space<semaphore_mem>>)
      %add3A_281 = arith.constant 3 : i32
      %add3A_282 = arith.addi %add3A_229, %add3A_281 : i32
      %lt3A_283 = arith.constant 32 : i32
      %lt3A_284 = arith.cmpi slt, %add3A_282, %lt3A_283 : i32
      %ge3A_285 = arith.constant 1 : i32
      %ge3A_286 = arith.cmpi sge, %add3A_229, %ge3A_285 : i32
      %and3A_287 = arith.andi %lt3A_284, %ge3A_286 : i1
      %convert_element_type3A_288 = arith.extui %and3A_287 : i1 to i32
      %cond3A_289 = arith.constant 0 : i32
      %cond3A_290 = arith.cmpi ne, %convert_element_type3A_288, %cond3A_289 : i32
      scf.if %cond3A_290 {
        %sub3A_436 = arith.constant 1 : i32
        %sub3A_437 = arith.subi %add3A_229, %sub3A_436 : i32
        %mul3A_438 = arith.constant 400 : i32
        %mul3A_439 = arith.muli %sub3A_437, %mul3A_438 : i32
        %add3A_440 = arith.addi %sub3A, %mul3A_439 : i32
        %dma_wait3A_441 = tpu.memref_slice %arg5[%add3A_440, %select_n3A_7] : memref<204800x128xf32, #tpu.memory_space<hbm>> -> memref<400x64xf32, #tpu.memory_space<hbm>>
        %dma_wait3A_442 = tpu.memref_slice %arg5[%add3A_440, %select_n3A_7] : memref<204800x128xf32, #tpu.memory_space<hbm>> -> memref<400x64xf32, #tpu.memory_space<hbm>>
        tpu.wait_dma2 semaphore(%arg19 : memref<!tpu.dma_semaphore, #tpu.memory_space<semaphore_mem>>) src(%arg6 : memref<400x64xf32, #tpu.memory_space<vmem>>) dst(%dma_wait3A_442 : memref<400x64xf32, #tpu.memory_space<hbm>>)
      } else {
      }
      %lt3A_291 = arith.constant 32 : i32
      %lt3A_292 = arith.cmpi slt, %add3A_282, %lt3A_291 : i32
      %convert_element_type3A_293 = arith.extui %lt3A_292 : i1 to i32
      %cond3A_294 = arith.constant 0 : i32
      %cond3A_295 = arith.cmpi ne, %convert_element_type3A_293, %cond3A_294 : i32
      scf.if %cond3A_295 {
        %mul3A_436 = arith.constant 400 : i32
        %mul3A_437 = arith.muli %add3A_282, %mul3A_436 : i32
        %add3A_438 = arith.addi %mul3A_2, %mul3A_437 : i32
        "tpu.region"() ({
          %run_scoped3A = tpu.sem_alloc : memref<!tpu.dma_semaphore, #tpu.memory_space<semaphore_mem>>
          %dma_start3A_479 = tpu.memref_slice %arg3[%add3A_438] : memref<409600xi32, #tpu.memory_space<hbm>> -> memref<400xi32, #tpu.memory_space<hbm>>
          %dma_start3A_480 = tpu.memref_slice %arg3[%add3A_438] : memref<409600xi32, #tpu.memory_space<hbm>> -> memref<400xi32, #tpu.memory_space<hbm>>
          tpu.enqueue_dma source(%dma_start3A_480 : memref<400xi32, #tpu.memory_space<hbm>>) target(%arg10 : memref<400xi32, #tpu.memory_space<vmem>>) target_semaphore(%run_scoped3A : memref<!tpu.dma_semaphore, #tpu.memory_space<semaphore_mem>>)
          %dma_wait3A_481 = tpu.memref_slice %arg3[%add3A_438] : memref<409600xi32, #tpu.memory_space<hbm>> -> memref<400xi32, #tpu.memory_space<hbm>>
          %dma_wait3A_482 = tpu.memref_slice %arg3[%add3A_438] : memref<409600xi32, #tpu.memory_space<hbm>> -> memref<400xi32, #tpu.memory_space<hbm>>
          tpu.wait_dma2 semaphore(%run_scoped3A : memref<!tpu.dma_semaphore, #tpu.memory_space<semaphore_mem>>) src(%dma_wait3A_482 : memref<400xi32, #tpu.memory_space<hbm>>) dst(%arg10 : memref<400xi32, #tpu.memory_space<vmem>>)
          tpu.yield
        }) : () -> ()
        %dma_start3A_439 = arith.constant 0 : i32
        %dma_start3A_440 = arith.constant 0 : i32
        %dma_start3A_441 = tpu.memref_slice %arg6[%dma_start3A_439, %dma_start3A_440] : memref<400x64xf32, #tpu.memory_space<vmem>> -> memref<80x64xf32, #tpu.memory_space<vmem>>
        %dma_start3A_442 = arith.constant 0 : i32
        %dma_start3A_443 = tpu.memref_slice %arg10[%dma_start3A_442] : memref<400xi32, #tpu.memory_space<vmem>> -> memref<80xi32, #tpu.memory_space<vmem>>
        %dma_start3A_444 = arith.constant 0 : i32
        %dma_start3A_445 = arith.constant 0 : i32
        %dma_start3A_446 = tpu.memref_slice %arg2[%dma_start3A_444, %dma_start3A_445] : memref<1003520x64xf32, #tpu.memory_space<hbm>> -> memref<1003520x64xf32, #tpu.memory_space<hbm>>
        tpu.enqueue_indirect_dma source(%dma_start3A_446 : memref<1003520x64xf32, #tpu.memory_space<hbm>>) target(%dma_start3A_441 : memref<80x64xf32, #tpu.memory_space<vmem>>) offsets(%dma_start3A_443 : memref<80xi32, #tpu.memory_space<vmem>>) semaphore(%arg15 : memref<!tpu.dma_semaphore, #tpu.memory_space<semaphore_mem>>)
        %dma_start3A_447 = arith.constant 80 : i32
        %dma_start3A_448 = arith.constant 0 : i32
        %dma_start3A_449 = tpu.memref_slice %arg6[%dma_start3A_447, %dma_start3A_448] : memref<400x64xf32, #tpu.memory_space<vmem>> -> memref<80x64xf32, #tpu.memory_space<vmem>>
        %dma_start3A_450 = arith.constant 80 : i32
        %dma_start3A_451 = tpu.memref_slice %arg10[%dma_start3A_450] : memref<400xi32, #tpu.memory_space<vmem>> -> memref<80xi32, #tpu.memory_space<vmem>>
        %dma_start3A_452 = arith.constant 0 : i32
        %dma_start3A_453 = arith.constant 0 : i32
        %dma_start3A_454 = tpu.memref_slice %arg2[%dma_start3A_452, %dma_start3A_453] : memref<1003520x64xf32, #tpu.memory_space<hbm>> -> memref<1003520x64xf32, #tpu.memory_space<hbm>>
        tpu.enqueue_indirect_dma source(%dma_start3A_454 : memref<1003520x64xf32, #tpu.memory_space<hbm>>) target(%dma_start3A_449 : memref<80x64xf32, #tpu.memory_space<vmem>>) offsets(%dma_start3A_451 : memref<80xi32, #tpu.memory_space<vmem>>) semaphore(%arg15 : memref<!tpu.dma_semaphore, #tpu.memory_space<semaphore_mem>>)
        %dma_start3A_455 = arith.constant 160 : i32
        %dma_start3A_456 = arith.constant 0 : i32
        %dma_start3A_457 = tpu.memref_slice %arg6[%dma_start3A_455, %dma_start3A_456] : memref<400x64xf32, #tpu.memory_space<vmem>> -> memref<80x64xf32, #tpu.memory_space<vmem>>
        %dma_start3A_458 = arith.constant 160 : i32
        %dma_start3A_459 = tpu.memref_slice %arg10[%dma_start3A_458] : memref<400xi32, #tpu.memory_space<vmem>> -> memref<80xi32, #tpu.memory_space<vmem>>
        %dma_start3A_460 = arith.constant 0 : i32
        %dma_start3A_461 = arith.constant 0 : i32
        %dma_start3A_462 = tpu.memref_slice %arg2[%dma_start3A_460, %dma_start3A_461] : memref<1003520x64xf32, #tpu.memory_space<hbm>> -> memref<1003520x64xf32, #tpu.memory_space<hbm>>
        tpu.enqueue_indirect_dma source(%dma_start3A_462 : memref<1003520x64xf32, #tpu.memory_space<hbm>>) target(%dma_start3A_457 : memref<80x64xf32, #tpu.memory_space<vmem>>) offsets(%dma_start3A_459 : memref<80xi32, #tpu.memory_space<vmem>>) semaphore(%arg15 : memref<!tpu.dma_semaphore, #tpu.memory_space<semaphore_mem>>)
        %dma_start3A_463 = arith.constant 240 : i32
        %dma_start3A_464 = arith.constant 0 : i32
        %dma_start3A_465 = tpu.memref_slice %arg6[%dma_start3A_463, %dma_start3A_464] : memref<400x64xf32, #tpu.memory_space<vmem>> -> memref<80x64xf32, #tpu.memory_space<vmem>>
        %dma_start3A_466 = arith.constant 240 : i32
        %dma_start3A_467 = tpu.memref_slice %arg10[%dma_start3A_466] : memref<400xi32, #tpu.memory_space<vmem>> -> memref<80xi32, #tpu.memory_space<vmem>>
        %dma_start3A_468 = arith.constant 0 : i32
        %dma_start3A_469 = arith.constant 0 : i32
        %dma_start3A_470 = tpu.memref_slice %arg2[%dma_start3A_468, %dma_start3A_469] : memref<1003520x64xf32, #tpu.memory_space<hbm>> -> memref<1003520x64xf32, #tpu.memory_space<hbm>>
        tpu.enqueue_indirect_dma source(%dma_start3A_470 : memref<1003520x64xf32, #tpu.memory_space<hbm>>) target(%dma_start3A_465 : memref<80x64xf32, #tpu.memory_space<vmem>>) offsets(%dma_start3A_467 : memref<80xi32, #tpu.memory_space<vmem>>) semaphore(%arg15 : memref<!tpu.dma_semaphore, #tpu.memory_space<semaphore_mem>>)
        %dma_start3A_471 = arith.constant 320 : i32
        %dma_start3A_472 = arith.constant 0 : i32
        %dma_start3A_473 = tpu.memref_slice %arg6[%dma_start3A_471, %dma_start3A_472] : memref<400x64xf32, #tpu.memory_space<vmem>> -> memref<80x64xf32, #tpu.memory_space<vmem>>
        %dma_start3A_474 = arith.constant 320 : i32
        %dma_start3A_475 = tpu.memref_slice %arg10[%dma_start3A_474] : memref<400xi32, #tpu.memory_space<vmem>> -> memref<80xi32, #tpu.memory_space<vmem>>
        %dma_start3A_476 = arith.constant 0 : i32
        %dma_start3A_477 = arith.constant 0 : i32
        %dma_start3A_478 = tpu.memref_slice %arg2[%dma_start3A_476, %dma_start3A_477] : memref<1003520x64xf32, #tpu.memory_space<hbm>> -> memref<1003520x64xf32, #tpu.memory_space<hbm>>
        tpu.enqueue_indirect_dma source(%dma_start3A_478 : memref<1003520x64xf32, #tpu.memory_space<hbm>>) target(%dma_start3A_473 : memref<80x64xf32, #tpu.memory_space<vmem>>) offsets(%dma_start3A_475 : memref<80xi32, #tpu.memory_space<vmem>>) semaphore(%arg15 : memref<!tpu.dma_semaphore, #tpu.memory_space<semaphore_mem>>)
      } else {
      }
      %mul3A_296 = arith.constant 4 : i32
      %mul3A_297 = arith.muli %scan3A_159, %mul3A_296 : i32
      %add3A_298 = arith.constant 2 : i32
      %add3A_299 = arith.addi %mul3A_297, %add3A_298 : i32
      %dma_wait3A_300 = arith.constant 0 : i32
      %dma_wait3A_301 = arith.constant 0 : i32
      %dma_wait3A_302 = tpu.memref_slice %arg8[%dma_wait3A_300, %dma_wait3A_301] : memref<400x64xf32, #tpu.memory_space<vmem>> -> memref<80x64xf32, #tpu.memory_space<vmem>>
      %dma_wait3A_303 = arith.constant 0 : i32
      %dma_wait3A_304 = tpu.memref_slice %arg12[%dma_wait3A_303] : memref<400xi32, #tpu.memory_space<vmem>> -> memref<80xi32, #tpu.memory_space<vmem>>
      %dma_wait3A_305 = arith.constant 0 : i32
      %dma_wait3A_306 = arith.constant 0 : i32
      %dma_wait3A_307 = tpu.memref_slice %arg2[%dma_wait3A_305, %dma_wait3A_306] : memref<1003520x64xf32, #tpu.memory_space<hbm>> -> memref<1003520x64xf32, #tpu.memory_space<hbm>>
      tpu.wait_indirect_dma semaphore(%arg17 : memref<!tpu.dma_semaphore, #tpu.memory_space<semaphore_mem>>) src(%dma_wait3A_307 : memref<1003520x64xf32, #tpu.memory_space<hbm>>) dst(%dma_wait3A_302 : memref<80x64xf32, #tpu.memory_space<vmem>>)
      %dma_wait3A_308 = arith.constant 80 : i32
      %dma_wait3A_309 = arith.constant 0 : i32
      %dma_wait3A_310 = tpu.memref_slice %arg8[%dma_wait3A_308, %dma_wait3A_309] : memref<400x64xf32, #tpu.memory_space<vmem>> -> memref<80x64xf32, #tpu.memory_space<vmem>>
      %dma_wait3A_311 = arith.constant 80 : i32
      %dma_wait3A_312 = tpu.memref_slice %arg12[%dma_wait3A_311] : memref<400xi32, #tpu.memory_space<vmem>> -> memref<80xi32, #tpu.memory_space<vmem>>
      %dma_wait3A_313 = arith.constant 0 : i32
      %dma_wait3A_314 = arith.constant 0 : i32
      %dma_wait3A_315 = tpu.memref_slice %arg2[%dma_wait3A_313, %dma_wait3A_314] : memref<1003520x64xf32, #tpu.memory_space<hbm>> -> memref<1003520x64xf32, #tpu.memory_space<hbm>>
      tpu.wait_indirect_dma semaphore(%arg17 : memref<!tpu.dma_semaphore, #tpu.memory_space<semaphore_mem>>) src(%dma_wait3A_315 : memref<1003520x64xf32, #tpu.memory_space<hbm>>) dst(%dma_wait3A_310 : memref<80x64xf32, #tpu.memory_space<vmem>>)
      %dma_wait3A_316 = arith.constant 160 : i32
      %dma_wait3A_317 = arith.constant 0 : i32
      %dma_wait3A_318 = tpu.memref_slice %arg8[%dma_wait3A_316, %dma_wait3A_317] : memref<400x64xf32, #tpu.memory_space<vmem>> -> memref<80x64xf32, #tpu.memory_space<vmem>>
      %dma_wait3A_319 = arith.constant 160 : i32
      %dma_wait3A_320 = tpu.memref_slice %arg12[%dma_wait3A_319] : memref<400xi32, #tpu.memory_space<vmem>> -> memref<80xi32, #tpu.memory_space<vmem>>
      %dma_wait3A_321 = arith.constant 0 : i32
      %dma_wait3A_322 = arith.constant 0 : i32
      %dma_wait3A_323 = tpu.memref_slice %arg2[%dma_wait3A_321, %dma_wait3A_322] : memref<1003520x64xf32, #tpu.memory_space<hbm>> -> memref<1003520x64xf32, #tpu.memory_space<hbm>>
      tpu.wait_indirect_dma semaphore(%arg17 : memref<!tpu.dma_semaphore, #tpu.memory_space<semaphore_mem>>) src(%dma_wait3A_323 : memref<1003520x64xf32, #tpu.memory_space<hbm>>) dst(%dma_wait3A_318 : memref<80x64xf32, #tpu.memory_space<vmem>>)
      %dma_wait3A_324 = arith.constant 240 : i32
      %dma_wait3A_325 = arith.constant 0 : i32
      %dma_wait3A_326 = tpu.memref_slice %arg8[%dma_wait3A_324, %dma_wait3A_325] : memref<400x64xf32, #tpu.memory_space<vmem>> -> memref<80x64xf32, #tpu.memory_space<vmem>>
      %dma_wait3A_327 = arith.constant 240 : i32
      %dma_wait3A_328 = tpu.memref_slice %arg12[%dma_wait3A_327] : memref<400xi32, #tpu.memory_space<vmem>> -> memref<80xi32, #tpu.memory_space<vmem>>
      %dma_wait3A_329 = arith.constant 0 : i32
      %dma_wait3A_330 = arith.constant 0 : i32
      %dma_wait3A_331 = tpu.memref_slice %arg2[%dma_wait3A_329, %dma_wait3A_330] : memref<1003520x64xf32, #tpu.memory_space<hbm>> -> memref<1003520x64xf32, #tpu.memory_space<hbm>>
      tpu.wait_indirect_dma semaphore(%arg17 : memref<!tpu.dma_semaphore, #tpu.memory_space<semaphore_mem>>) src(%dma_wait3A_331 : memref<1003520x64xf32, #tpu.memory_space<hbm>>) dst(%dma_wait3A_326 : memref<80x64xf32, #tpu.memory_space<vmem>>)
      %dma_wait3A_332 = arith.constant 320 : i32
      %dma_wait3A_333 = arith.constant 0 : i32
      %dma_wait3A_334 = tpu.memref_slice %arg8[%dma_wait3A_332, %dma_wait3A_333] : memref<400x64xf32, #tpu.memory_space<vmem>> -> memref<80x64xf32, #tpu.memory_space<vmem>>
      %dma_wait3A_335 = arith.constant 320 : i32
      %dma_wait3A_336 = tpu.memref_slice %arg12[%dma_wait3A_335] : memref<400xi32, #tpu.memory_space<vmem>> -> memref<80xi32, #tpu.memory_space<vmem>>
      %dma_wait3A_337 = arith.constant 0 : i32
      %dma_wait3A_338 = arith.constant 0 : i32
      %dma_wait3A_339 = tpu.memref_slice %arg2[%dma_wait3A_337, %dma_wait3A_338] : memref<1003520x64xf32, #tpu.memory_space<hbm>> -> memref<1003520x64xf32, #tpu.memory_space<hbm>>
      tpu.wait_indirect_dma semaphore(%arg17 : memref<!tpu.dma_semaphore, #tpu.memory_space<semaphore_mem>>) src(%dma_wait3A_339 : memref<1003520x64xf32, #tpu.memory_space<hbm>>) dst(%dma_wait3A_334 : memref<80x64xf32, #tpu.memory_space<vmem>>)
      %scan3A_340 = arith.constant 0 : i32
      %scan3A_341 = arith.constant 0 : i32
      %scan3A_342 = arith.constant 200 : i32
      %scan3A_343 = arith.addi %scan3A_341, %scan3A_342 : i32
      %scan3A_344 = arith.constant 1 : i32
      scf.for %scan3A_436 = %scan3A_341 to %scan3A_343 step %scan3A_344  : i32 {
        %get3A = arith.index_cast %scan3A_436 : i32 to index
        %get3A_437 = arith.constant 0 : index
        %get3A_438 = tpu.vector_load %arg14[%get3A, %get3A_437] {strides = array<i32>} : memref<200x64xf32, #tpu.memory_space<vmem>>, vector<1x16xf32>,
        %get3A_439 = vector.shape_cast %get3A_438 : vector<1x16xf32> to vector<16xf32>
        %add3A_440 = arith.constant 0 : i32
        %add3A_441 = arith.addi %add3A_440, %scan3A_436 : i32
        %get3A_442 = arith.index_cast %add3A_441 : i32 to index
        %get3A_443 = arith.constant 0 : index
        %get3A_444 = tpu.vector_load %arg8[%get3A_442, %get3A_443] {strides = array<i32>} : memref<400x64xf32, #tpu.memory_space<vmem>>, vector<1x16xf32>,
        %get3A_445 = vector.shape_cast %get3A_444 : vector<1x16xf32> to vector<16xf32>
        %add3A_446 = arith.addf %get3A_445, %get3A_439 : vector<16xf32>
        %swap3A = arith.index_cast %add3A_441 : i32 to index
        %swap3A_447 = arith.constant 0 : index
        %swap3A_448 = tpu.vector_load %arg8[%swap3A, %swap3A_447] {strides = array<i32>} : memref<400x64xf32, #tpu.memory_space<vmem>>, vector<1x16xf32>,
        %swap3A_449 = vector.shape_cast %swap3A_448 : vector<1x16xf32> to vector<16xf32>
        %swap3A_450 = vector.shape_cast %add3A_446 : vector<16xf32> to vector<1x16xf32>
        tpu.vector_store %arg8[%swap3A, %swap3A_447], %swap3A_450 {strides = array<i32>} : memref<400x64xf32, #tpu.memory_space<vmem>>, vector<1x16xf32>,
        %add3A_451 = arith.constant 200 : i32
        %add3A_452 = arith.addi %add3A_451, %scan3A_436 : i32
        %get3A_453 = arith.index_cast %add3A_452 : i32 to index
        %get3A_454 = arith.constant 0 : index
        %get3A_455 = tpu.vector_load %arg8[%get3A_453, %get3A_454] {strides = array<i32>} : memref<400x64xf32, #tpu.memory_space<vmem>>, vector<1x16xf32>,
        %get3A_456 = vector.shape_cast %get3A_455 : vector<1x16xf32> to vector<16xf32>
        %add3A_457 = arith.addf %get3A_456, %get3A_439 : vector<16xf32>
        %swap3A_458 = arith.index_cast %add3A_452 : i32 to index
        %swap3A_459 = arith.constant 0 : index
        %swap3A_460 = tpu.vector_load %arg8[%swap3A_458, %swap3A_459] {strides = array<i32>} : memref<400x64xf32, #tpu.memory_space<vmem>>, vector<1x16xf32>,
        %swap3A_461 = vector.shape_cast %swap3A_460 : vector<1x16xf32> to vector<16xf32>
        %swap3A_462 = vector.shape_cast %add3A_457 : vector<16xf32> to vector<1x16xf32>
        tpu.vector_store %arg8[%swap3A_458, %swap3A_459], %swap3A_462 {strides = array<i32>} : memref<400x64xf32, #tpu.memory_space<vmem>>, vector<1x16xf32>,
        %get3A_463 = arith.index_cast %scan3A_436 : i32 to index
        %get3A_464 = arith.constant 16 : index
        %get3A_465 = tpu.vector_load %arg14[%get3A_463, %get3A_464] {strides = array<i32>} : memref<200x64xf32, #tpu.memory_space<vmem>>, vector<1x16xf32>,
        %get3A_466 = vector.shape_cast %get3A_465 : vector<1x16xf32> to vector<16xf32>
        %add3A_467 = arith.constant 0 : i32
        %add3A_468 = arith.addi %add3A_467, %scan3A_436 : i32
        %get3A_469 = arith.index_cast %add3A_468 : i32 to index
        %get3A_470 = arith.constant 16 : index
        %get3A_471 = tpu.vector_load %arg8[%get3A_469, %get3A_470] {strides = array<i32>} : memref<400x64xf32, #tpu.memory_space<vmem>>, vector<1x16xf32>,
        %get3A_472 = vector.shape_cast %get3A_471 : vector<1x16xf32> to vector<16xf32>
        %add3A_473 = arith.addf %get3A_472, %get3A_466 : vector<16xf32>
        %swap3A_474 = arith.index_cast %add3A_468 : i32 to index
        %swap3A_475 = arith.constant 16 : index
        %swap3A_476 = tpu.vector_load %arg8[%swap3A_474, %swap3A_475] {strides = array<i32>} : memref<400x64xf32, #tpu.memory_space<vmem>>, vector<1x16xf32>,
        %swap3A_477 = vector.shape_cast %swap3A_476 : vector<1x16xf32> to vector<16xf32>
        %swap3A_478 = vector.shape_cast %add3A_473 : vector<16xf32> to vector<1x16xf32>
        tpu.vector_store %arg8[%swap3A_474, %swap3A_475], %swap3A_478 {strides = array<i32>} : memref<400x64xf32, #tpu.memory_space<vmem>>, vector<1x16xf32>,
        %add3A_479 = arith.constant 200 : i32
        %add3A_480 = arith.addi %add3A_479, %scan3A_436 : i32
        %get3A_481 = arith.index_cast %add3A_480 : i32 to index
        %get3A_482 = arith.constant 16 : index
        %get3A_483 = tpu.vector_load %arg8[%get3A_481, %get3A_482] {strides = array<i32>} : memref<400x64xf32, #tpu.memory_space<vmem>>, vector<1x16xf32>,
        %get3A_484 = vector.shape_cast %get3A_483 : vector<1x16xf32> to vector<16xf32>
        %add3A_485 = arith.addf %get3A_484, %get3A_466 : vector<16xf32>
        %swap3A_486 = arith.index_cast %add3A_480 : i32 to index
        %swap3A_487 = arith.constant 16 : index
        %swap3A_488 = tpu.vector_load %arg8[%swap3A_486, %swap3A_487] {strides = array<i32>} : memref<400x64xf32, #tpu.memory_space<vmem>>, vector<1x16xf32>,
        %swap3A_489 = vector.shape_cast %swap3A_488 : vector<1x16xf32> to vector<16xf32>
        %swap3A_490 = vector.shape_cast %add3A_485 : vector<16xf32> to vector<1x16xf32>
        tpu.vector_store %arg8[%swap3A_486, %swap3A_487], %swap3A_490 {strides = array<i32>} : memref<400x64xf32, #tpu.memory_space<vmem>>, vector<1x16xf32>,
        %get3A_491 = arith.index_cast %scan3A_436 : i32 to index
        %get3A_492 = arith.constant 32 : index
        %get3A_493 = tpu.vector_load %arg14[%get3A_491, %get3A_492] {strides = array<i32>} : memref<200x64xf32, #tpu.memory_space<vmem>>, vector<1x16xf32>,
        %get3A_494 = vector.shape_cast %get3A_493 : vector<1x16xf32> to vector<16xf32>
        %add3A_495 = arith.constant 0 : i32
        %add3A_496 = arith.addi %add3A_495, %scan3A_436 : i32
        %get3A_497 = arith.index_cast %add3A_496 : i32 to index
        %get3A_498 = arith.constant 32 : index
        %get3A_499 = tpu.vector_load %arg8[%get3A_497, %get3A_498] {strides = array<i32>} : memref<400x64xf32, #tpu.memory_space<vmem>>, vector<1x16xf32>,
        %get3A_500 = vector.shape_cast %get3A_499 : vector<1x16xf32> to vector<16xf32>
        %add3A_501 = arith.addf %get3A_500, %get3A_494 : vector<16xf32>
        %swap3A_502 = arith.index_cast %add3A_496 : i32 to index
        %swap3A_503 = arith.constant 32 : index
        %swap3A_504 = tpu.vector_load %arg8[%swap3A_502, %swap3A_503] {strides = array<i32>} : memref<400x64xf32, #tpu.memory_space<vmem>>, vector<1x16xf32>,
        %swap3A_505 = vector.shape_cast %swap3A_504 : vector<1x16xf32> to vector<16xf32>
        %swap3A_506 = vector.shape_cast %add3A_501 : vector<16xf32> to vector<1x16xf32>
        tpu.vector_store %arg8[%swap3A_502, %swap3A_503], %swap3A_506 {strides = array<i32>} : memref<400x64xf32, #tpu.memory_space<vmem>>, vector<1x16xf32>,
        %add3A_507 = arith.constant 200 : i32
        %add3A_508 = arith.addi %add3A_507, %scan3A_436 : i32
        %get3A_509 = arith.index_cast %add3A_508 : i32 to index
        %get3A_510 = arith.constant 32 : index
        %get3A_511 = tpu.vector_load %arg8[%get3A_509, %get3A_510] {strides = array<i32>} : memref<400x64xf32, #tpu.memory_space<vmem>>, vector<1x16xf32>,
        %get3A_512 = vector.shape_cast %get3A_511 : vector<1x16xf32> to vector<16xf32>
        %add3A_513 = arith.addf %get3A_512, %get3A_494 : vector<16xf32>
        %swap3A_514 = arith.index_cast %add3A_508 : i32 to index
        %swap3A_515 = arith.constant 32 : index
        %swap3A_516 = tpu.vector_load %arg8[%swap3A_514, %swap3A_515] {strides = array<i32>} : memref<400x64xf32, #tpu.memory_space<vmem>>, vector<1x16xf32>,
        %swap3A_517 = vector.shape_cast %swap3A_516 : vector<1x16xf32> to vector<16xf32>
        %swap3A_518 = vector.shape_cast %add3A_513 : vector<16xf32> to vector<1x16xf32>
        tpu.vector_store %arg8[%swap3A_514, %swap3A_515], %swap3A_518 {strides = array<i32>} : memref<400x64xf32, #tpu.memory_space<vmem>>, vector<1x16xf32>,
        %get3A_519 = arith.index_cast %scan3A_436 : i32 to index
        %get3A_520 = arith.constant 48 : index
        %get3A_521 = tpu.vector_load %arg14[%get3A_519, %get3A_520] {strides = array<i32>} : memref<200x64xf32, #tpu.memory_space<vmem>>, vector<1x16xf32>,
        %get3A_522 = vector.shape_cast %get3A_521 : vector<1x16xf32> to vector<16xf32>
        %add3A_523 = arith.constant 0 : i32
        %add3A_524 = arith.addi %add3A_523, %scan3A_436 : i32
        %get3A_525 = arith.index_cast %add3A_524 : i32 to index
        %get3A_526 = arith.constant 48 : index
        %get3A_527 = tpu.vector_load %arg8[%get3A_525, %get3A_526] {strides = array<i32>} : memref<400x64xf32, #tpu.memory_space<vmem>>, vector<1x16xf32>,
        %get3A_528 = vector.shape_cast %get3A_527 : vector<1x16xf32> to vector<16xf32>
        %add3A_529 = arith.addf %get3A_528, %get3A_522 : vector<16xf32>
        %swap3A_530 = arith.index_cast %add3A_524 : i32 to index
        %swap3A_531 = arith.constant 48 : index
        %swap3A_532 = tpu.vector_load %arg8[%swap3A_530, %swap3A_531] {strides = array<i32>} : memref<400x64xf32, #tpu.memory_space<vmem>>, vector<1x16xf32>,
        %swap3A_533 = vector.shape_cast %swap3A_532 : vector<1x16xf32> to vector<16xf32>
        %swap3A_534 = vector.shape_cast %add3A_529 : vector<16xf32> to vector<1x16xf32>
        tpu.vector_store %arg8[%swap3A_530, %swap3A_531], %swap3A_534 {strides = array<i32>} : memref<400x64xf32, #tpu.memory_space<vmem>>, vector<1x16xf32>,
        %add3A_535 = arith.constant 200 : i32
        %add3A_536 = arith.addi %add3A_535, %scan3A_436 : i32
        %get3A_537 = arith.index_cast %add3A_536 : i32 to index
        %get3A_538 = arith.constant 48 : index
        %get3A_539 = tpu.vector_load %arg8[%get3A_537, %get3A_538] {strides = array<i32>} : memref<400x64xf32, #tpu.memory_space<vmem>>, vector<1x16xf32>,
        %get3A_540 = vector.shape_cast %get3A_539 : vector<1x16xf32> to vector<16xf32>
        %add3A_541 = arith.addf %get3A_540, %get3A_522 : vector<16xf32>
        %swap3A_542 = arith.index_cast %add3A_536 : i32 to index
        %swap3A_543 = arith.constant 48 : index
        %swap3A_544 = tpu.vector_load %arg8[%swap3A_542, %swap3A_543] {strides = array<i32>} : memref<400x64xf32, #tpu.memory_space<vmem>>, vector<1x16xf32>,
        %swap3A_545 = vector.shape_cast %swap3A_544 : vector<1x16xf32> to vector<16xf32>
        %swap3A_546 = vector.shape_cast %add3A_541 : vector<16xf32> to vector<1x16xf32>
        tpu.vector_store %arg8[%swap3A_542, %swap3A_543], %swap3A_546 {strides = array<i32>} : memref<400x64xf32, #tpu.memory_space<vmem>>, vector<1x16xf32>,
      }
      %scan3A_345 = arith.constant 200 : i32
      %mul3A_346 = arith.constant 400 : i32
      %mul3A_347 = arith.muli %add3A_299, %mul3A_346 : i32
      %add3A_348 = arith.addi %sub3A, %mul3A_347 : i32
      %dma_start3A_349 = tpu.memref_slice %arg5[%add3A_348, %select_n3A_7] : memref<204800x128xf32, #tpu.memory_space<hbm>> -> memref<400x64xf32, #tpu.memory_space<hbm>>
      %dma_start3A_350 = tpu.memref_slice %arg5[%add3A_348, %select_n3A_7] : memref<204800x128xf32, #tpu.memory_space<hbm>> -> memref<400x64xf32, #tpu.memory_space<hbm>>
      tpu.enqueue_dma source(%arg8 : memref<400x64xf32, #tpu.memory_space<vmem>>) target(%dma_start3A_350 : memref<400x64xf32, #tpu.memory_space<hbm>>) target_semaphore(%arg21 : memref<!tpu.dma_semaphore, #tpu.memory_space<semaphore_mem>>)
      %add3A_351 = arith.constant 3 : i32
      %add3A_352 = arith.addi %add3A_299, %add3A_351 : i32
      %lt3A_353 = arith.constant 32 : i32
      %lt3A_354 = arith.cmpi slt, %add3A_352, %lt3A_353 : i32
      %ge3A_355 = arith.constant 1 : i32
      %ge3A_356 = arith.cmpi sge, %add3A_299, %ge3A_355 : i32
      %and3A_357 = arith.andi %lt3A_354, %ge3A_356 : i1
      %convert_element_type3A_358 = arith.extui %and3A_357 : i1 to i32
      %cond3A_359 = arith.constant 0 : i32
      %cond3A_360 = arith.cmpi ne, %convert_element_type3A_358, %cond3A_359 : i32
      scf.if %cond3A_360 {
        %sub3A_436 = arith.constant 1 : i32
        %sub3A_437 = arith.subi %add3A_299, %sub3A_436 : i32
        %mul3A_438 = arith.constant 400 : i32
        %mul3A_439 = arith.muli %sub3A_437, %mul3A_438 : i32
        %add3A_440 = arith.addi %sub3A, %mul3A_439 : i32
        %dma_wait3A_441 = tpu.memref_slice %arg5[%add3A_440, %select_n3A_7] : memref<204800x128xf32, #tpu.memory_space<hbm>> -> memref<400x64xf32, #tpu.memory_space<hbm>>
        %dma_wait3A_442 = tpu.memref_slice %arg5[%add3A_440, %select_n3A_7] : memref<204800x128xf32, #tpu.memory_space<hbm>> -> memref<400x64xf32, #tpu.memory_space<hbm>>
        tpu.wait_dma2 semaphore(%arg20 : memref<!tpu.dma_semaphore, #tpu.memory_space<semaphore_mem>>) src(%arg7 : memref<400x64xf32, #tpu.memory_space<vmem>>) dst(%dma_wait3A_442 : memref<400x64xf32, #tpu.memory_space<hbm>>)
      } else {
      }
      %lt3A_361 = arith.constant 32 : i32
      %lt3A_362 = arith.cmpi slt, %add3A_352, %lt3A_361 : i32
      %convert_element_type3A_363 = arith.extui %lt3A_362 : i1 to i32
      %cond3A_364 = arith.constant 0 : i32
      %cond3A_365 = arith.cmpi ne, %convert_element_type3A_363, %cond3A_364 : i32
      scf.if %cond3A_365 {
        %mul3A_436 = arith.constant 400 : i32
        %mul3A_437 = arith.muli %add3A_352, %mul3A_436 : i32
        %add3A_438 = arith.addi %mul3A_2, %mul3A_437 : i32
        "tpu.region"() ({
          %run_scoped3A = tpu.sem_alloc : memref<!tpu.dma_semaphore, #tpu.memory_space<semaphore_mem>>
          %dma_start3A_479 = tpu.memref_slice %arg3[%add3A_438] : memref<409600xi32, #tpu.memory_space<hbm>> -> memref<400xi32, #tpu.memory_space<hbm>>
          %dma_start3A_480 = tpu.memref_slice %arg3[%add3A_438] : memref<409600xi32, #tpu.memory_space<hbm>> -> memref<400xi32, #tpu.memory_space<hbm>>
          tpu.enqueue_dma source(%dma_start3A_480 : memref<400xi32, #tpu.memory_space<hbm>>) target(%arg11 : memref<400xi32, #tpu.memory_space<vmem>>) target_semaphore(%run_scoped3A : memref<!tpu.dma_semaphore, #tpu.memory_space<semaphore_mem>>)
          %dma_wait3A_481 = tpu.memref_slice %arg3[%add3A_438] : memref<409600xi32, #tpu.memory_space<hbm>> -> memref<400xi32, #tpu.memory_space<hbm>>
          %dma_wait3A_482 = tpu.memref_slice %arg3[%add3A_438] : memref<409600xi32, #tpu.memory_space<hbm>> -> memref<400xi32, #tpu.memory_space<hbm>>
          tpu.wait_dma2 semaphore(%run_scoped3A : memref<!tpu.dma_semaphore, #tpu.memory_space<semaphore_mem>>) src(%dma_wait3A_482 : memref<400xi32, #tpu.memory_space<hbm>>) dst(%arg11 : memref<400xi32, #tpu.memory_space<vmem>>)
          tpu.yield
        }) : () -> ()
        %dma_start3A_439 = arith.constant 0 : i32
        %dma_start3A_440 = arith.constant 0 : i32
        %dma_start3A_441 = tpu.memref_slice %arg7[%dma_start3A_439, %dma_start3A_440] : memref<400x64xf32, #tpu.memory_space<vmem>> -> memref<80x64xf32, #tpu.memory_space<vmem>>
        %dma_start3A_442 = arith.constant 0 : i32
        %dma_start3A_443 = tpu.memref_slice %arg11[%dma_start3A_442] : memref<400xi32, #tpu.memory_space<vmem>> -> memref<80xi32, #tpu.memory_space<vmem>>
        %dma_start3A_444 = arith.constant 0 : i32
        %dma_start3A_445 = arith.constant 0 : i32
        %dma_start3A_446 = tpu.memref_slice %arg2[%dma_start3A_444, %dma_start3A_445] : memref<1003520x64xf32, #tpu.memory_space<hbm>> -> memref<1003520x64xf32, #tpu.memory_space<hbm>>
        tpu.enqueue_indirect_dma source(%dma_start3A_446 : memref<1003520x64xf32, #tpu.memory_space<hbm>>) target(%dma_start3A_441 : memref<80x64xf32, #tpu.memory_space<vmem>>) offsets(%dma_start3A_443 : memref<80xi32, #tpu.memory_space<vmem>>) semaphore(%arg16 : memref<!tpu.dma_semaphore, #tpu.memory_space<semaphore_mem>>)
        %dma_start3A_447 = arith.constant 80 : i32
        %dma_start3A_448 = arith.constant 0 : i32
        %dma_start3A_449 = tpu.memref_slice %arg7[%dma_start3A_447, %dma_start3A_448] : memref<400x64xf32, #tpu.memory_space<vmem>> -> memref<80x64xf32, #tpu.memory_space<vmem>>
        %dma_start3A_450 = arith.constant 80 : i32
        %dma_start3A_451 = tpu.memref_slice %arg11[%dma_start3A_450] : memref<400xi32, #tpu.memory_space<vmem>> -> memref<80xi32, #tpu.memory_space<vmem>>
        %dma_start3A_452 = arith.constant 0 : i32
        %dma_start3A_453 = arith.constant 0 : i32
        %dma_start3A_454 = tpu.memref_slice %arg2[%dma_start3A_452, %dma_start3A_453] : memref<1003520x64xf32, #tpu.memory_space<hbm>> -> memref<1003520x64xf32, #tpu.memory_space<hbm>>
        tpu.enqueue_indirect_dma source(%dma_start3A_454 : memref<1003520x64xf32, #tpu.memory_space<hbm>>) target(%dma_start3A_449 : memref<80x64xf32, #tpu.memory_space<vmem>>) offsets(%dma_start3A_451 : memref<80xi32, #tpu.memory_space<vmem>>) semaphore(%arg16 : memref<!tpu.dma_semaphore, #tpu.memory_space<semaphore_mem>>)
        %dma_start3A_455 = arith.constant 160 : i32
        %dma_start3A_456 = arith.constant 0 : i32
        %dma_start3A_457 = tpu.memref_slice %arg7[%dma_start3A_455, %dma_start3A_456] : memref<400x64xf32, #tpu.memory_space<vmem>> -> memref<80x64xf32, #tpu.memory_space<vmem>>
        %dma_start3A_458 = arith.constant 160 : i32
        %dma_start3A_459 = tpu.memref_slice %arg11[%dma_start3A_458] : memref<400xi32, #tpu.memory_space<vmem>> -> memref<80xi32, #tpu.memory_space<vmem>>
        %dma_start3A_460 = arith.constant 0 : i32
        %dma_start3A_461 = arith.constant 0 : i32
        %dma_start3A_462 = tpu.memref_slice %arg2[%dma_start3A_460, %dma_start3A_461] : memref<1003520x64xf32, #tpu.memory_space<hbm>> -> memref<1003520x64xf32, #tpu.memory_space<hbm>>
        tpu.enqueue_indirect_dma source(%dma_start3A_462 : memref<1003520x64xf32, #tpu.memory_space<hbm>>) target(%dma_start3A_457 : memref<80x64xf32, #tpu.memory_space<vmem>>) offsets(%dma_start3A_459 : memref<80xi32, #tpu.memory_space<vmem>>) semaphore(%arg16 : memref<!tpu.dma_semaphore, #tpu.memory_space<semaphore_mem>>)
        %dma_start3A_463 = arith.constant 240 : i32
        %dma_start3A_464 = arith.constant 0 : i32
        %dma_start3A_465 = tpu.memref_slice %arg7[%dma_start3A_463, %dma_start3A_464] : memref<400x64xf32, #tpu.memory_space<vmem>> -> memref<80x64xf32, #tpu.memory_space<vmem>>
        %dma_start3A_466 = arith.constant 240 : i32
        %dma_start3A_467 = tpu.memref_slice %arg11[%dma_start3A_466] : memref<400xi32, #tpu.memory_space<vmem>> -> memref<80xi32, #tpu.memory_space<vmem>>
        %dma_start3A_468 = arith.constant 0 : i32
        %dma_start3A_469 = arith.constant 0 : i32
        %dma_start3A_470 = tpu.memref_slice %arg2[%dma_start3A_468, %dma_start3A_469] : memref<1003520x64xf32, #tpu.memory_space<hbm>> -> memref<1003520x64xf32, #tpu.memory_space<hbm>>
        tpu.enqueue_indirect_dma source(%dma_start3A_470 : memref<1003520x64xf32, #tpu.memory_space<hbm>>) target(%dma_start3A_465 : memref<80x64xf32, #tpu.memory_space<vmem>>) offsets(%dma_start3A_467 : memref<80xi32, #tpu.memory_space<vmem>>) semaphore(%arg16 : memref<!tpu.dma_semaphore, #tpu.memory_space<semaphore_mem>>)
        %dma_start3A_471 = arith.constant 320 : i32
        %dma_start3A_472 = arith.constant 0 : i32
        %dma_start3A_473 = tpu.memref_slice %arg7[%dma_start3A_471, %dma_start3A_472] : memref<400x64xf32, #tpu.memory_space<vmem>> -> memref<80x64xf32, #tpu.memory_space<vmem>>
        %dma_start3A_474 = arith.constant 320 : i32
        %dma_start3A_475 = tpu.memref_slice %arg11[%dma_start3A_474] : memref<400xi32, #tpu.memory_space<vmem>> -> memref<80xi32, #tpu.memory_space<vmem>>
        %dma_start3A_476 = arith.constant 0 : i32
        %dma_start3A_477 = arith.constant 0 : i32
        %dma_start3A_478 = tpu.memref_slice %arg2[%dma_start3A_476, %dma_start3A_477] : memref<1003520x64xf32, #tpu.memory_space<hbm>> -> memref<1003520x64xf32, #tpu.memory_space<hbm>>
        tpu.enqueue_indirect_dma source(%dma_start3A_478 : memref<1003520x64xf32, #tpu.memory_space<hbm>>) target(%dma_start3A_473 : memref<80x64xf32, #tpu.memory_space<vmem>>) offsets(%dma_start3A_475 : memref<80xi32, #tpu.memory_space<vmem>>) semaphore(%arg16 : memref<!tpu.dma_semaphore, #tpu.memory_space<semaphore_mem>>)
      } else {
      }
      %mul3A_366 = arith.constant 4 : i32
      %mul3A_367 = arith.muli %scan3A_159, %mul3A_366 : i32
      %add3A_368 = arith.constant 3 : i32
      %add3A_369 = arith.addi %mul3A_367, %add3A_368 : i32
      %dma_wait3A_370 = arith.constant 0 : i32
      %dma_wait3A_371 = arith.constant 0 : i32
      %dma_wait3A_372 = tpu.memref_slice %arg9[%dma_wait3A_370, %dma_wait3A_371] : memref<400x64xf32, #tpu.memory_space<vmem>> -> memref<80x64xf32, #tpu.memory_space<vmem>>
      %dma_wait3A_373 = arith.constant 0 : i32
      %dma_wait3A_374 = tpu.memref_slice %arg13[%dma_wait3A_373] : memref<400xi32, #tpu.memory_space<vmem>> -> memref<80xi32, #tpu.memory_space<vmem>>
      %dma_wait3A_375 = arith.constant 0 : i32
      %dma_wait3A_376 = arith.constant 0 : i32
      %dma_wait3A_377 = tpu.memref_slice %arg2[%dma_wait3A_375, %dma_wait3A_376] : memref<1003520x64xf32, #tpu.memory_space<hbm>> -> memref<1003520x64xf32, #tpu.memory_space<hbm>>
      tpu.wait_indirect_dma semaphore(%arg18 : memref<!tpu.dma_semaphore, #tpu.memory_space<semaphore_mem>>) src(%dma_wait3A_377 : memref<1003520x64xf32, #tpu.memory_space<hbm>>) dst(%dma_wait3A_372 : memref<80x64xf32, #tpu.memory_space<vmem>>)
      %dma_wait3A_378 = arith.constant 80 : i32
      %dma_wait3A_379 = arith.constant 0 : i32
      %dma_wait3A_380 = tpu.memref_slice %arg9[%dma_wait3A_378, %dma_wait3A_379] : memref<400x64xf32, #tpu.memory_space<vmem>> -> memref<80x64xf32, #tpu.memory_space<vmem>>
      %dma_wait3A_381 = arith.constant 80 : i32
      %dma_wait3A_382 = tpu.memref_slice %arg13[%dma_wait3A_381] : memref<400xi32, #tpu.memory_space<vmem>> -> memref<80xi32, #tpu.memory_space<vmem>>
      %dma_wait3A_383 = arith.constant 0 : i32
      %dma_wait3A_384 = arith.constant 0 : i32
      %dma_wait3A_385 = tpu.memref_slice %arg2[%dma_wait3A_383, %dma_wait3A_384] : memref<1003520x64xf32, #tpu.memory_space<hbm>> -> memref<1003520x64xf32, #tpu.memory_space<hbm>>
      tpu.wait_indirect_dma semaphore(%arg18 : memref<!tpu.dma_semaphore, #tpu.memory_space<semaphore_mem>>) src(%dma_wait3A_385 : memref<1003520x64xf32, #tpu.memory_space<hbm>>) dst(%dma_wait3A_380 : memref<80x64xf32, #tpu.memory_space<vmem>>)
      %dma_wait3A_386 = arith.constant 160 : i32
      %dma_wait3A_387 = arith.constant 0 : i32
      %dma_wait3A_388 = tpu.memref_slice %arg9[%dma_wait3A_386, %dma_wait3A_387] : memref<400x64xf32, #tpu.memory_space<vmem>> -> memref<80x64xf32, #tpu.memory_space<vmem>>
      %dma_wait3A_389 = arith.constant 160 : i32
      %dma_wait3A_390 = tpu.memref_slice %arg13[%dma_wait3A_389] : memref<400xi32, #tpu.memory_space<vmem>> -> memref<80xi32, #tpu.memory_space<vmem>>
      %dma_wait3A_391 = arith.constant 0 : i32
      %dma_wait3A_392 = arith.constant 0 : i32
      %dma_wait3A_393 = tpu.memref_slice %arg2[%dma_wait3A_391, %dma_wait3A_392] : memref<1003520x64xf32, #tpu.memory_space<hbm>> -> memref<1003520x64xf32, #tpu.memory_space<hbm>>
      tpu.wait_indirect_dma semaphore(%arg18 : memref<!tpu.dma_semaphore, #tpu.memory_space<semaphore_mem>>) src(%dma_wait3A_393 : memref<1003520x64xf32, #tpu.memory_space<hbm>>) dst(%dma_wait3A_388 : memref<80x64xf32, #tpu.memory_space<vmem>>)
      %dma_wait3A_394 = arith.constant 240 : i32
      %dma_wait3A_395 = arith.constant 0 : i32
      %dma_wait3A_396 = tpu.memref_slice %arg9[%dma_wait3A_394, %dma_wait3A_395] : memref<400x64xf32, #tpu.memory_space<vmem>> -> memref<80x64xf32, #tpu.memory_space<vmem>>
      %dma_wait3A_397 = arith.constant 240 : i32
      %dma_wait3A_398 = tpu.memref_slice %arg13[%dma_wait3A_397] : memref<400xi32, #tpu.memory_space<vmem>> -> memref<80xi32, #tpu.memory_space<vmem>>
      %dma_wait3A_399 = arith.constant 0 : i32
      %dma_wait3A_400 = arith.constant 0 : i32
      %dma_wait3A_401 = tpu.memref_slice %arg2[%dma_wait3A_399, %dma_wait3A_400] : memref<1003520x64xf32, #tpu.memory_space<hbm>> -> memref<1003520x64xf32, #tpu.memory_space<hbm>>
      tpu.wait_indirect_dma semaphore(%arg18 : memref<!tpu.dma_semaphore, #tpu.memory_space<semaphore_mem>>) src(%dma_wait3A_401 : memref<1003520x64xf32, #tpu.memory_space<hbm>>) dst(%dma_wait3A_396 : memref<80x64xf32, #tpu.memory_space<vmem>>)
      %dma_wait3A_402 = arith.constant 320 : i32
      %dma_wait3A_403 = arith.constant 0 : i32
      %dma_wait3A_404 = tpu.memref_slice %arg9[%dma_wait3A_402, %dma_wait3A_403] : memref<400x64xf32, #tpu.memory_space<vmem>> -> memref<80x64xf32, #tpu.memory_space<vmem>>
      %dma_wait3A_405 = arith.constant 320 : i32
      %dma_wait3A_406 = tpu.memref_slice %arg13[%dma_wait3A_405] : memref<400xi32, #tpu.memory_space<vmem>> -> memref<80xi32, #tpu.memory_space<vmem>>
      %dma_wait3A_407 = arith.constant 0 : i32
      %dma_wait3A_408 = arith.constant 0 : i32
      %dma_wait3A_409 = tpu.memref_slice %arg2[%dma_wait3A_407, %dma_wait3A_408] : memref<1003520x64xf32, #tpu.memory_space<hbm>> -> memref<1003520x64xf32, #tpu.memory_space<hbm>>
      tpu.wait_indirect_dma semaphore(%arg18 : memref<!tpu.dma_semaphore, #tpu.memory_space<semaphore_mem>>) src(%dma_wait3A_409 : memref<1003520x64xf32, #tpu.memory_space<hbm>>) dst(%dma_wait3A_404 : memref<80x64xf32, #tpu.memory_space<vmem>>)
      %scan3A_410 = arith.constant 0 : i32
      %scan3A_411 = arith.constant 0 : i32
      %scan3A_412 = arith.constant 200 : i32
      %scan3A_413 = arith.addi %scan3A_411, %scan3A_412 : i32
      %scan3A_414 = arith.constant 1 : i32
      scf.for %scan3A_436 = %scan3A_411 to %scan3A_413 step %scan3A_414  : i32 {
        %get3A = arith.index_cast %scan3A_436 : i32 to index
        %get3A_437 = arith.constant 0 : index
        %get3A_438 = tpu.vector_load %arg14[%get3A, %get3A_437] {strides = array<i32>} : memref<200x64xf32, #tpu.memory_space<vmem>>, vector<1x16xf32>,
        %get3A_439 = vector.shape_cast %get3A_438 : vector<1x16xf32> to vector<16xf32>
        %add3A_440 = arith.constant 0 : i32
        %add3A_441 = arith.addi %add3A_440, %scan3A_436 : i32
        %get3A_442 = arith.index_cast %add3A_441 : i32 to index
        %get3A_443 = arith.constant 0 : index
        %get3A_444 = tpu.vector_load %arg9[%get3A_442, %get3A_443] {strides = array<i32>} : memref<400x64xf32, #tpu.memory_space<vmem>>, vector<1x16xf32>,
        %get3A_445 = vector.shape_cast %get3A_444 : vector<1x16xf32> to vector<16xf32>
        %add3A_446 = arith.addf %get3A_445, %get3A_439 : vector<16xf32>
        %swap3A = arith.index_cast %add3A_441 : i32 to index
        %swap3A_447 = arith.constant 0 : index
        %swap3A_448 = tpu.vector_load %arg9[%swap3A, %swap3A_447] {strides = array<i32>} : memref<400x64xf32, #tpu.memory_space<vmem>>, vector<1x16xf32>,
        %swap3A_449 = vector.shape_cast %swap3A_448 : vector<1x16xf32> to vector<16xf32>
        %swap3A_450 = vector.shape_cast %add3A_446 : vector<16xf32> to vector<1x16xf32>
        tpu.vector_store %arg9[%swap3A, %swap3A_447], %swap3A_450 {strides = array<i32>} : memref<400x64xf32, #tpu.memory_space<vmem>>, vector<1x16xf32>,
        %add3A_451 = arith.constant 200 : i32
        %add3A_452 = arith.addi %add3A_451, %scan3A_436 : i32
        %get3A_453 = arith.index_cast %add3A_452 : i32 to index
        %get3A_454 = arith.constant 0 : index
        %get3A_455 = tpu.vector_load %arg9[%get3A_453, %get3A_454] {strides = array<i32>} : memref<400x64xf32, #tpu.memory_space<vmem>>, vector<1x16xf32>,
        %get3A_456 = vector.shape_cast %get3A_455 : vector<1x16xf32> to vector<16xf32>
        %add3A_457 = arith.addf %get3A_456, %get3A_439 : vector<16xf32>
        %swap3A_458 = arith.index_cast %add3A_452 : i32 to index
        %swap3A_459 = arith.constant 0 : index
        %swap3A_460 = tpu.vector_load %arg9[%swap3A_458, %swap3A_459] {strides = array<i32>} : memref<400x64xf32, #tpu.memory_space<vmem>>, vector<1x16xf32>,
        %swap3A_461 = vector.shape_cast %swap3A_460 : vector<1x16xf32> to vector<16xf32>
        %swap3A_462 = vector.shape_cast %add3A_457 : vector<16xf32> to vector<1x16xf32>
        tpu.vector_store %arg9[%swap3A_458, %swap3A_459], %swap3A_462 {strides = array<i32>} : memref<400x64xf32, #tpu.memory_space<vmem>>, vector<1x16xf32>,
        %get3A_463 = arith.index_cast %scan3A_436 : i32 to index
        %get3A_464 = arith.constant 16 : index
        %get3A_465 = tpu.vector_load %arg14[%get3A_463, %get3A_464] {strides = array<i32>} : memref<200x64xf32, #tpu.memory_space<vmem>>, vector<1x16xf32>,
        %get3A_466 = vector.shape_cast %get3A_465 : vector<1x16xf32> to vector<16xf32>
        %add3A_467 = arith.constant 0 : i32
        %add3A_468 = arith.addi %add3A_467, %scan3A_436 : i32
        %get3A_469 = arith.index_cast %add3A_468 : i32 to index
        %get3A_470 = arith.constant 16 : index
        %get3A_471 = tpu.vector_load %arg9[%get3A_469, %get3A_470] {strides = array<i32>} : memref<400x64xf32, #tpu.memory_space<vmem>>, vector<1x16xf32>,
        %get3A_472 = vector.shape_cast %get3A_471 : vector<1x16xf32> to vector<16xf32>
        %add3A_473 = arith.addf %get3A_472, %get3A_466 : vector<16xf32>
        %swap3A_474 = arith.index_cast %add3A_468 : i32 to index
        %swap3A_475 = arith.constant 16 : index
        %swap3A_476 = tpu.vector_load %arg9[%swap3A_474, %swap3A_475] {strides = array<i32>} : memref<400x64xf32, #tpu.memory_space<vmem>>, vector<1x16xf32>,
        %swap3A_477 = vector.shape_cast %swap3A_476 : vector<1x16xf32> to vector<16xf32>
        %swap3A_478 = vector.shape_cast %add3A_473 : vector<16xf32> to vector<1x16xf32>
        tpu.vector_store %arg9[%swap3A_474, %swap3A_475], %swap3A_478 {strides = array<i32>} : memref<400x64xf32, #tpu.memory_space<vmem>>, vector<1x16xf32>,
        %add3A_479 = arith.constant 200 : i32
        %add3A_480 = arith.addi %add3A_479, %scan3A_436 : i32
        %get3A_481 = arith.index_cast %add3A_480 : i32 to index
        %get3A_482 = arith.constant 16 : index
        %get3A_483 = tpu.vector_load %arg9[%get3A_481, %get3A_482] {strides = array<i32>} : memref<400x64xf32, #tpu.memory_space<vmem>>, vector<1x16xf32>,
        %get3A_484 = vector.shape_cast %get3A_483 : vector<1x16xf32> to vector<16xf32>
        %add3A_485 = arith.addf %get3A_484, %get3A_466 : vector<16xf32>
        %swap3A_486 = arith.index_cast %add3A_480 : i32 to index
        %swap3A_487 = arith.constant 16 : index
        %swap3A_488 = tpu.vector_load %arg9[%swap3A_486, %swap3A_487] {strides = array<i32>} : memref<400x64xf32, #tpu.memory_space<vmem>>, vector<1x16xf32>,
        %swap3A_489 = vector.shape_cast %swap3A_488 : vector<1x16xf32> to vector<16xf32>
        %swap3A_490 = vector.shape_cast %add3A_485 : vector<16xf32> to vector<1x16xf32>
        tpu.vector_store %arg9[%swap3A_486, %swap3A_487], %swap3A_490 {strides = array<i32>} : memref<400x64xf32, #tpu.memory_space<vmem>>, vector<1x16xf32>,
        %get3A_491 = arith.index_cast %scan3A_436 : i32 to index
        %get3A_492 = arith.constant 32 : index
        %get3A_493 = tpu.vector_load %arg14[%get3A_491, %get3A_492] {strides = array<i32>} : memref<200x64xf32, #tpu.memory_space<vmem>>, vector<1x16xf32>,
        %get3A_494 = vector.shape_cast %get3A_493 : vector<1x16xf32> to vector<16xf32>
        %add3A_495 = arith.constant 0 : i32
        %add3A_496 = arith.addi %add3A_495, %scan3A_436 : i32
        %get3A_497 = arith.index_cast %add3A_496 : i32 to index
        %get3A_498 = arith.constant 32 : index
        %get3A_499 = tpu.vector_load %arg9[%get3A_497, %get3A_498] {strides = array<i32>} : memref<400x64xf32, #tpu.memory_space<vmem>>, vector<1x16xf32>,
        %get3A_500 = vector.shape_cast %get3A_499 : vector<1x16xf32> to vector<16xf32>
        %add3A_501 = arith.addf %get3A_500, %get3A_494 : vector<16xf32>
        %swap3A_502 = arith.index_cast %add3A_496 : i32 to index
        %swap3A_503 = arith.constant 32 : index
        %swap3A_504 = tpu.vector_load %arg9[%swap3A_502, %swap3A_503] {strides = array<i32>} : memref<400x64xf32, #tpu.memory_space<vmem>>, vector<1x16xf32>,
        %swap3A_505 = vector.shape_cast %swap3A_504 : vector<1x16xf32> to vector<16xf32>
        %swap3A_506 = vector.shape_cast %add3A_501 : vector<16xf32> to vector<1x16xf32>
        tpu.vector_store %arg9[%swap3A_502, %swap3A_503], %swap3A_506 {strides = array<i32>} : memref<400x64xf32, #tpu.memory_space<vmem>>, vector<1x16xf32>,
        %add3A_507 = arith.constant 200 : i32
        %add3A_508 = arith.addi %add3A_507, %scan3A_436 : i32
        %get3A_509 = arith.index_cast %add3A_508 : i32 to index
        %get3A_510 = arith.constant 32 : index
        %get3A_511 = tpu.vector_load %arg9[%get3A_509, %get3A_510] {strides = array<i32>} : memref<400x64xf32, #tpu.memory_space<vmem>>, vector<1x16xf32>,
        %get3A_512 = vector.shape_cast %get3A_511 : vector<1x16xf32> to vector<16xf32>
        %add3A_513 = arith.addf %get3A_512, %get3A_494 : vector<16xf32>
        %swap3A_514 = arith.index_cast %add3A_508 : i32 to index
        %swap3A_515 = arith.constant 32 : index
        %swap3A_516 = tpu.vector_load %arg9[%swap3A_514, %swap3A_515] {strides = array<i32>} : memref<400x64xf32, #tpu.memory_space<vmem>>, vector<1x16xf32>,
        %swap3A_517 = vector.shape_cast %swap3A_516 : vector<1x16xf32> to vector<16xf32>
        %swap3A_518 = vector.shape_cast %add3A_513 : vector<16xf32> to vector<1x16xf32>
        tpu.vector_store %arg9[%swap3A_514, %swap3A_515], %swap3A_518 {strides = array<i32>} : memref<400x64xf32, #tpu.memory_space<vmem>>, vector<1x16xf32>,
        %get3A_519 = arith.index_cast %scan3A_436 : i32 to index
        %get3A_520 = arith.constant 48 : index
        %get3A_521 = tpu.vector_load %arg14[%get3A_519, %get3A_520] {strides = array<i32>} : memref<200x64xf32, #tpu.memory_space<vmem>>, vector<1x16xf32>,
        %get3A_522 = vector.shape_cast %get3A_521 : vector<1x16xf32> to vector<16xf32>
        %add3A_523 = arith.constant 0 : i32
        %add3A_524 = arith.addi %add3A_523, %scan3A_436 : i32
        %get3A_525 = arith.index_cast %add3A_524 : i32 to index
        %get3A_526 = arith.constant 48 : index
        %get3A_527 = tpu.vector_load %arg9[%get3A_525, %get3A_526] {strides = array<i32>} : memref<400x64xf32, #tpu.memory_space<vmem>>, vector<1x16xf32>,
        %get3A_528 = vector.shape_cast %get3A_527 : vector<1x16xf32> to vector<16xf32>
        %add3A_529 = arith.addf %get3A_528, %get3A_522 : vector<16xf32>
        %swap3A_530 = arith.index_cast %add3A_524 : i32 to index
        %swap3A_531 = arith.constant 48 : index
        %swap3A_532 = tpu.vector_load %arg9[%swap3A_530, %swap3A_531] {strides = array<i32>} : memref<400x64xf32, #tpu.memory_space<vmem>>, vector<1x16xf32>,
        %swap3A_533 = vector.shape_cast %swap3A_532 : vector<1x16xf32> to vector<16xf32>
        %swap3A_534 = vector.shape_cast %add3A_529 : vector<16xf32> to vector<1x16xf32>
        tpu.vector_store %arg9[%swap3A_530, %swap3A_531], %swap3A_534 {strides = array<i32>} : memref<400x64xf32, #tpu.memory_space<vmem>>, vector<1x16xf32>,
        %add3A_535 = arith.constant 200 : i32
        %add3A_536 = arith.addi %add3A_535, %scan3A_436 : i32
        %get3A_537 = arith.index_cast %add3A_536 : i32 to index
        %get3A_538 = arith.constant 48 : index
        %get3A_539 = tpu.vector_load %arg9[%get3A_537, %get3A_538] {strides = array<i32>} : memref<400x64xf32, #tpu.memory_space<vmem>>, vector<1x16xf32>,
        %get3A_540 = vector.shape_cast %get3A_539 : vector<1x16xf32> to vector<16xf32>
        %add3A_541 = arith.addf %get3A_540, %get3A_522 : vector<16xf32>
        %swap3A_542 = arith.index_cast %add3A_536 : i32 to index
        %swap3A_543 = arith.constant 48 : index
        %swap3A_544 = tpu.vector_load %arg9[%swap3A_542, %swap3A_543] {strides = array<i32>} : memref<400x64xf32, #tpu.memory_space<vmem>>, vector<1x16xf32>,
        %swap3A_545 = vector.shape_cast %swap3A_544 : vector<1x16xf32> to vector<16xf32>
        %swap3A_546 = vector.shape_cast %add3A_541 : vector<16xf32> to vector<1x16xf32>
        tpu.vector_store %arg9[%swap3A_542, %swap3A_543], %swap3A_546 {strides = array<i32>} : memref<400x64xf32, #tpu.memory_space<vmem>>, vector<1x16xf32>,
      }
      %scan3A_415 = arith.constant 200 : i32
      %mul3A_416 = arith.constant 400 : i32
      %mul3A_417 = arith.muli %add3A_369, %mul3A_416 : i32
      %add3A_418 = arith.addi %sub3A, %mul3A_417 : i32
      %dma_start3A_419 = tpu.memref_slice %arg5[%add3A_418, %select_n3A_7] : memref<204800x128xf32, #tpu.memory_space<hbm>> -> memref<400x64xf32, #tpu.memory_space<hbm>>
      %dma_start3A_420 = tpu.memref_slice %arg5[%add3A_418, %select_n3A_7] : memref<204800x128xf32, #tpu.memory_space<hbm>> -> memref<400x64xf32, #tpu.memory_space<hbm>>
      tpu.enqueue_dma source(%arg9 : memref<400x64xf32, #tpu.memory_space<vmem>>) target(%dma_start3A_420 : memref<400x64xf32, #tpu.memory_space<hbm>>) target_semaphore(%arg22 : memref<!tpu.dma_semaphore, #tpu.memory_space<semaphore_mem>>)
      %add3A_421 = arith.constant 3 : i32
      %add3A_422 = arith.addi %add3A_369, %add3A_421 : i32
      %lt3A_423 = arith.constant 32 : i32
      %lt3A_424 = arith.cmpi slt, %add3A_422, %lt3A_423 : i32
      %ge3A_425 = arith.constant 1 : i32
      %ge3A_426 = arith.cmpi sge, %add3A_369, %ge3A_425 : i32
      %and3A_427 = arith.andi %lt3A_424, %ge3A_426 : i1
      %convert_element_type3A_428 = arith.extui %and3A_427 : i1 to i32
      %cond3A_429 = arith.constant 0 : i32
      %cond3A_430 = arith.cmpi ne, %convert_element_type3A_428, %cond3A_429 : i32
      scf.if %cond3A_430 {
        %sub3A_436 = arith.constant 1 : i32
        %sub3A_437 = arith.subi %add3A_369, %sub3A_436 : i32
        %mul3A_438 = arith.constant 400 : i32
        %mul3A_439 = arith.muli %sub3A_437, %mul3A_438 : i32
        %add3A_440 = arith.addi %sub3A, %mul3A_439 : i32
        %dma_wait3A_441 = tpu.memref_slice %arg5[%add3A_440, %select_n3A_7] : memref<204800x128xf32, #tpu.memory_space<hbm>> -> memref<400x64xf32, #tpu.memory_space<hbm>>
        %dma_wait3A_442 = tpu.memref_slice %arg5[%add3A_440, %select_n3A_7] : memref<204800x128xf32, #tpu.memory_space<hbm>> -> memref<400x64xf32, #tpu.memory_space<hbm>>
        tpu.wait_dma2 semaphore(%arg21 : memref<!tpu.dma_semaphore, #tpu.memory_space<semaphore_mem>>) src(%arg8 : memref<400x64xf32, #tpu.memory_space<vmem>>) dst(%dma_wait3A_442 : memref<400x64xf32, #tpu.memory_space<hbm>>)
      } else {
      }
      %lt3A_431 = arith.constant 32 : i32
      %lt3A_432 = arith.cmpi slt, %add3A_422, %lt3A_431 : i32
      %convert_element_type3A_433 = arith.extui %lt3A_432 : i1 to i32
      %cond3A_434 = arith.constant 0 : i32
      %cond3A_435 = arith.cmpi ne, %convert_element_type3A_433, %cond3A_434 : i32
      scf.if %cond3A_435 {
        %mul3A_436 = arith.constant 400 : i32
        %mul3A_437 = arith.muli %add3A_422, %mul3A_436 : i32
        %add3A_438 = arith.addi %mul3A_2, %mul3A_437 : i32
        "tpu.region"() ({
          %run_scoped3A = tpu.sem_alloc : memref<!tpu.dma_semaphore, #tpu.memory_space<semaphore_mem>>
          %dma_start3A_479 = tpu.memref_slice %arg3[%add3A_438] : memref<409600xi32, #tpu.memory_space<hbm>> -> memref<400xi32, #tpu.memory_space<hbm>>
          %dma_start3A_480 = tpu.memref_slice %arg3[%add3A_438] : memref<409600xi32, #tpu.memory_space<hbm>> -> memref<400xi32, #tpu.memory_space<hbm>>
          tpu.enqueue_dma source(%dma_start3A_480 : memref<400xi32, #tpu.memory_space<hbm>>) target(%arg12 : memref<400xi32, #tpu.memory_space<vmem>>) target_semaphore(%run_scoped3A : memref<!tpu.dma_semaphore, #tpu.memory_space<semaphore_mem>>)
          %dma_wait3A_481 = tpu.memref_slice %arg3[%add3A_438] : memref<409600xi32, #tpu.memory_space<hbm>> -> memref<400xi32, #tpu.memory_space<hbm>>
          %dma_wait3A_482 = tpu.memref_slice %arg3[%add3A_438] : memref<409600xi32, #tpu.memory_space<hbm>> -> memref<400xi32, #tpu.memory_space<hbm>>
          tpu.wait_dma2 semaphore(%run_scoped3A : memref<!tpu.dma_semaphore, #tpu.memory_space<semaphore_mem>>) src(%dma_wait3A_482 : memref<400xi32, #tpu.memory_space<hbm>>) dst(%arg12 : memref<400xi32, #tpu.memory_space<vmem>>)
          tpu.yield
        }) : () -> ()
        %dma_start3A_439 = arith.constant 0 : i32
        %dma_start3A_440 = arith.constant 0 : i32
        %dma_start3A_441 = tpu.memref_slice %arg8[%dma_start3A_439, %dma_start3A_440] : memref<400x64xf32, #tpu.memory_space<vmem>> -> memref<80x64xf32, #tpu.memory_space<vmem>>
        %dma_start3A_442 = arith.constant 0 : i32
        %dma_start3A_443 = tpu.memref_slice %arg12[%dma_start3A_442] : memref<400xi32, #tpu.memory_space<vmem>> -> memref<80xi32, #tpu.memory_space<vmem>>
        %dma_start3A_444 = arith.constant 0 : i32
        %dma_start3A_445 = arith.constant 0 : i32
        %dma_start3A_446 = tpu.memref_slice %arg2[%dma_start3A_444, %dma_start3A_445] : memref<1003520x64xf32, #tpu.memory_space<hbm>> -> memref<1003520x64xf32, #tpu.memory_space<hbm>>
        tpu.enqueue_indirect_dma source(%dma_start3A_446 : memref<1003520x64xf32, #tpu.memory_space<hbm>>) target(%dma_start3A_441 : memref<80x64xf32, #tpu.memory_space<vmem>>) offsets(%dma_start3A_443 : memref<80xi32, #tpu.memory_space<vmem>>) semaphore(%arg17 : memref<!tpu.dma_semaphore, #tpu.memory_space<semaphore_mem>>)
        %dma_start3A_447 = arith.constant 80 : i32
        %dma_start3A_448 = arith.constant 0 : i32
        %dma_start3A_449 = tpu.memref_slice %arg8[%dma_start3A_447, %dma_start3A_448] : memref<400x64xf32, #tpu.memory_space<vmem>> -> memref<80x64xf32, #tpu.memory_space<vmem>>
        %dma_start3A_450 = arith.constant 80 : i32
        %dma_start3A_451 = tpu.memref_slice %arg12[%dma_start3A_450] : memref<400xi32, #tpu.memory_space<vmem>> -> memref<80xi32, #tpu.memory_space<vmem>>
        %dma_start3A_452 = arith.constant 0 : i32
        %dma_start3A_453 = arith.constant 0 : i32
        %dma_start3A_454 = tpu.memref_slice %arg2[%dma_start3A_452, %dma_start3A_453] : memref<1003520x64xf32, #tpu.memory_space<hbm>> -> memref<1003520x64xf32, #tpu.memory_space<hbm>>
        tpu.enqueue_indirect_dma source(%dma_start3A_454 : memref<1003520x64xf32, #tpu.memory_space<hbm>>) target(%dma_start3A_449 : memref<80x64xf32, #tpu.memory_space<vmem>>) offsets(%dma_start3A_451 : memref<80xi32, #tpu.memory_space<vmem>>) semaphore(%arg17 : memref<!tpu.dma_semaphore, #tpu.memory_space<semaphore_mem>>)
        %dma_start3A_455 = arith.constant 160 : i32
        %dma_start3A_456 = arith.constant 0 : i32
        %dma_start3A_457 = tpu.memref_slice %arg8[%dma_start3A_455, %dma_start3A_456] : memref<400x64xf32, #tpu.memory_space<vmem>> -> memref<80x64xf32, #tpu.memory_space<vmem>>
        %dma_start3A_458 = arith.constant 160 : i32
        %dma_start3A_459 = tpu.memref_slice %arg12[%dma_start3A_458] : memref<400xi32, #tpu.memory_space<vmem>> -> memref<80xi32, #tpu.memory_space<vmem>>
        %dma_start3A_460 = arith.constant 0 : i32
        %dma_start3A_461 = arith.constant 0 : i32
        %dma_start3A_462 = tpu.memref_slice %arg2[%dma_start3A_460, %dma_start3A_461] : memref<1003520x64xf32, #tpu.memory_space<hbm>> -> memref<1003520x64xf32, #tpu.memory_space<hbm>>
        tpu.enqueue_indirect_dma source(%dma_start3A_462 : memref<1003520x64xf32, #tpu.memory_space<hbm>>) target(%dma_start3A_457 : memref<80x64xf32, #tpu.memory_space<vmem>>) offsets(%dma_start3A_459 : memref<80xi32, #tpu.memory_space<vmem>>) semaphore(%arg17 : memref<!tpu.dma_semaphore, #tpu.memory_space<semaphore_mem>>)
        %dma_start3A_463 = arith.constant 240 : i32
        %dma_start3A_464 = arith.constant 0 : i32
        %dma_start3A_465 = tpu.memref_slice %arg8[%dma_start3A_463, %dma_start3A_464] : memref<400x64xf32, #tpu.memory_space<vmem>> -> memref<80x64xf32, #tpu.memory_space<vmem>>
        %dma_start3A_466 = arith.constant 240 : i32
        %dma_start3A_467 = tpu.memref_slice %arg12[%dma_start3A_466] : memref<400xi32, #tpu.memory_space<vmem>> -> memref<80xi32, #tpu.memory_space<vmem>>
        %dma_start3A_468 = arith.constant 0 : i32
        %dma_start3A_469 = arith.constant 0 : i32
        %dma_start3A_470 = tpu.memref_slice %arg2[%dma_start3A_468, %dma_start3A_469] : memref<1003520x64xf32, #tpu.memory_space<hbm>> -> memref<1003520x64xf32, #tpu.memory_space<hbm>>
        tpu.enqueue_indirect_dma source(%dma_start3A_470 : memref<1003520x64xf32, #tpu.memory_space<hbm>>) target(%dma_start3A_465 : memref<80x64xf32, #tpu.memory_space<vmem>>) offsets(%dma_start3A_467 : memref<80xi32, #tpu.memory_space<vmem>>) semaphore(%arg17 : memref<!tpu.dma_semaphore, #tpu.memory_space<semaphore_mem>>)
        %dma_start3A_471 = arith.constant 320 : i32
        %dma_start3A_472 = arith.constant 0 : i32
        %dma_start3A_473 = tpu.memref_slice %arg8[%dma_start3A_471, %dma_start3A_472] : memref<400x64xf32, #tpu.memory_space<vmem>> -> memref<80x64xf32, #tpu.memory_space<vmem>>
        %dma_start3A_474 = arith.constant 320 : i32
        %dma_start3A_475 = tpu.memref_slice %arg12[%dma_start3A_474] : memref<400xi32, #tpu.memory_space<vmem>> -> memref<80xi32, #tpu.memory_space<vmem>>
        %dma_start3A_476 = arith.constant 0 : i32
        %dma_start3A_477 = arith.constant 0 : i32
        %dma_start3A_478 = tpu.memref_slice %arg2[%dma_start3A_476, %dma_start3A_477] : memref<1003520x64xf32, #tpu.memory_space<hbm>> -> memref<1003520x64xf32, #tpu.memory_space<hbm>>
        tpu.enqueue_indirect_dma source(%dma_start3A_478 : memref<1003520x64xf32, #tpu.memory_space<hbm>>) target(%dma_start3A_473 : memref<80x64xf32, #tpu.memory_space<vmem>>) offsets(%dma_start3A_475 : memref<80xi32, #tpu.memory_space<vmem>>) semaphore(%arg17 : memref<!tpu.dma_semaphore, #tpu.memory_space<semaphore_mem>>)
      } else {
      }
    }
    %scan3A_143 = arith.constant 8 : i32
    %add3A_144 = arith.constant 11200 : i32
    %add3A_145 = arith.addi %sub3A, %add3A_144 : i32
    %dma_wait3A = tpu.memref_slice %arg5[%add3A_145, %select_n3A_7] : memref<204800x128xf32, #tpu.memory_space<hbm>> -> memref<400x64xf32, #tpu.memory_space<hbm>>
    %dma_wait3A_146 = tpu.memref_slice %arg5[%add3A_145, %select_n3A_7] : memref<204800x128xf32, #tpu.memory_space<hbm>> -> memref<400x64xf32, #tpu.memory_space<hbm>>
    tpu.wait_dma2 semaphore(%arg19 : memref<!tpu.dma_semaphore, #tpu.memory_space<semaphore_mem>>) src(%arg6 : memref<400x64xf32, #tpu.memory_space<vmem>>) dst(%dma_wait3A_146 : memref<400x64xf32, #tpu.memory_space<hbm>>)
    %add3A_147 = arith.constant 11600 : i32
    %add3A_148 = arith.addi %sub3A, %add3A_147 : i32
    %dma_wait3A_149 = tpu.memref_slice %arg5[%add3A_148, %select_n3A_7] : memref<204800x128xf32, #tpu.memory_space<hbm>> -> memref<400x64xf32, #tpu.memory_space<hbm>>
    %dma_wait3A_150 = tpu.memref_slice %arg5[%add3A_148, %select_n3A_7] : memref<204800x128xf32, #tpu.memory_space<hbm>> -> memref<400x64xf32, #tpu.memory_space<hbm>>
    tpu.wait_dma2 semaphore(%arg20 : memref<!tpu.dma_semaphore, #tpu.memory_space<semaphore_mem>>) src(%arg7 : memref<400x64xf32, #tpu.memory_space<vmem>>) dst(%dma_wait3A_150 : memref<400x64xf32, #tpu.memory_space<hbm>>)
    %add3A_151 = arith.constant 12000 : i32
    %add3A_152 = arith.addi %sub3A, %add3A_151 : i32
    %dma_wait3A_153 = tpu.memref_slice %arg5[%add3A_152, %select_n3A_7] : memref<204800x128xf32, #tpu.memory_space<hbm>> -> memref<400x64xf32, #tpu.memory_space<hbm>>
    %dma_wait3A_154 = tpu.memref_slice %arg5[%add3A_152, %select_n3A_7] : memref<204800x128xf32, #tpu.memory_space<hbm>> -> memref<400x64xf32, #tpu.memory_space<hbm>>
    tpu.wait_dma2 semaphore(%arg21 : memref<!tpu.dma_semaphore, #tpu.memory_space<semaphore_mem>>) src(%arg8 : memref<400x64xf32, #tpu.memory_space<vmem>>) dst(%dma_wait3A_154 : memref<400x64xf32, #tpu.memory_space<hbm>>)
    %add3A_155 = arith.constant 12400 : i32
    %add3A_156 = arith.addi %sub3A, %add3A_155 : i32
    %dma_wait3A_157 = tpu.memref_slice %arg5[%add3A_156, %select_n3A_7] : memref<204800x128xf32, #tpu.memory_space<hbm>> -> memref<400x64xf32, #tpu.memory_space<hbm>>
    %dma_wait3A_158 = tpu.memref_slice %arg5[%add3A_156, %select_n3A_7] : memref<204800x128xf32, #tpu.memory_space<hbm>> -> memref<400x64xf32, #tpu.memory_space<hbm>>
    tpu.wait_dma2 semaphore(%arg22 : memref<!tpu.dma_semaphore, #tpu.memory_space<semaphore_mem>>) src(%arg9 : memref<400x64xf32, #tpu.memory_space<vmem>>) dst(%dma_wait3A_158 : memref<400x64xf32, #tpu.memory_space<hbm>>)
    return
  }
}

#map = affine_map<(d0, d1) -> (0, 0)>
#map1 = affine_map<(d0, d1) -> (0)>
module attributes {stable_mosaic.version = 14 : i64} {
  func.func @gather(%arg0: i32, %arg1: i32, %arg2: memref<1003520x64xf32, #tpu.memory_space<hbm>>, %arg3: memref<409600xi32, #tpu.memory_space<hbm>>, %arg4: memref<200x64xf32, #tpu.memory_space<hbm>>, %arg5: memref<204800x128xf32, #tpu.memory_space<hbm>>, %arg6: memref<400x64xf32, #tpu.memory_space<vmem>>, %arg7: memref<400x64xf32, #tpu.memory_space<vmem>>, %arg8: memref<400x64xf32, #tpu.memory_space<vmem>>, %arg9: memref<400x64xf32, #tpu.memory_space<vmem>>, %arg10: memref<400xi32, #tpu.memory_space<vmem>>, %arg11: memref<400xi32, #tpu.memory_space<vmem>>, %arg12: memref<400xi32, #tpu.memory_space<vmem>>, %arg13: memref<400xi32, #tpu.memory_space<vmem>>, %arg14: memref<200x64xf32, #tpu.memory_space<vmem>>, %arg15: memref<!tpu.dma_semaphore, #tpu.memory_space<semaphore_mem>>, %arg16: memref<!tpu.dma_semaphore, #tpu.memory_space<semaphore_mem>>, %arg17: memref<!tpu.dma_semaphore, #tpu.memory_space<semaphore_mem>>, %arg18: memref<!tpu.dma_semaphore, #tpu.memory_space<semaphore_mem>>, %arg19: memref<!tpu.dma_semaphore, #tpu.memory_space<semaphore_mem>>, %arg20: memref<!tpu.dma_semaphore, #tpu.memory_space<semaphore_mem>>, %arg21: memref<!tpu.dma_semaphore, #tpu.memory_space<semaphore_mem>>, %arg22: memref<!tpu.dma_semaphore, #tpu.memory_space<semaphore_mem>>) attributes {dimension_semantics = [#tpu.dimension_semantics<core_parallel>, #tpu.dimension_semantics<subcore_parallel>], iteration_bounds = array<i64: 2, 16>, scalar_prefetch = 0 : i64, scratch_operands = 17 : i64, tpu.core_type = #tpu.core_type<sc_vector_subcore>, window_params = [{transform_indices = #map}, {transform_indices = #map1}, {transform_indices = #map}, {transform_indices = #map}]} {
    %mul3A = arith.constant 2 : i32
    %mul3A_0 = arith.muli %arg1, %mul3A : i32
    %add3A = arith.addi %mul3A_0, %arg0 : i32
    %mul3A_1 = arith.constant 12800 : i32
    %mul3A_2 = arith.muli %add3A, %mul3A_1 : i32
    %ge3A = arith.constant 16 : i32
    %ge3A_3 = arith.cmpi sge, %add3A, %ge3A : i32
    %jit3A = arith.constant 204800 : i32
    %jit3A_4 = arith.constant 0 : i32
    %select_n3A = arith.select %ge3A_3, %jit3A, %jit3A_4 : i32
    %sub3A = arith.subi %mul3A_2, %select_n3A : i32
    %jit3A_5 = arith.constant 64 : i32
    %jit3A_6 = arith.constant 0 : i32
    %select_n3A_7 = arith.select %ge3A_3, %jit3A_5, %jit3A_6 : i32
    "tpu.region"() ({
      %run_scoped3A = tpu.sem_alloc : memref<!tpu.dma_semaphore, #tpu.memory_space<semaphore_mem>>
      tpu.enqueue_dma source(%arg4 : memref<200x64xf32, #tpu.memory_space<hbm>>) target(%arg14 : memref<200x64xf32, #tpu.memory_space<vmem>>) target_semaphore(%run_scoped3A : memref<!tpu.dma_semaphore, #tpu.memory_space<semaphore_mem>>)
      tpu.wait_dma2 semaphore(%run_scoped3A : memref<!tpu.dma_semaphore, #tpu.memory_space<semaphore_mem>>) src(%arg4 : memref<200x64xf32, #tpu.memory_space<hbm>>) dst(%arg14 : memref<200x64xf32, #tpu.memory_space<vmem>>)
      tpu.yield
    }) : () -> ()
    %mul3A_8 = arith.constant 0 : i32
    %mul3A_9 = arith.constant 400 : i32
    %mul3A_10 = arith.muli %mul3A_8, %mul3A_9 : i32
    %add3A_11 = arith.addi %mul3A_2, %mul3A_10 : i32
    "tpu.region"() ({
      %run_scoped3A = tpu.sem_alloc : memref<!tpu.dma_semaphore, #tpu.memory_space<semaphore_mem>>
      %dma_start3A_159 = tpu.memref_slice %arg3[%add3A_11] : memref<409600xi32, #tpu.memory_space<hbm>> -> memref<400xi32, #tpu.memory_space<hbm>>
      %dma_start3A_160 = tpu.memref_slice %arg3[%add3A_11] : memref<409600xi32, #tpu.memory_space<hbm>> -> memref<400xi32, #tpu.memory_space<hbm>>
      tpu.enqueue_dma source(%dma_start3A_160 : memref<400xi32, #tpu.memory_space<hbm>>) target(%arg10 : memref<400xi32, #tpu.memory_space<vmem>>) target_semaphore(%run_scoped3A : memref<!tpu.dma_semaphore, #tpu.memory_space<semaphore_mem>>)
      %dma_wait3A_161 = tpu.memref_slice %arg3[%add3A_11] : memref<409600xi32, #tpu.memory_space<hbm>> -> memref<400xi32, #tpu.memory_space<hbm>>
      %dma_wait3A_162 = tpu.memref_slice %arg3[%add3A_11] : memref<409600xi32, #tpu.memory_space<hbm>> -> memref<400xi32, #tpu.memory_space<hbm>>
      tpu.wait_dma2 semaphore(%run_scoped3A : memref<!tpu.dma_semaphore, #tpu.memory_space<semaphore_mem>>) src(%dma_wait3A_162 : memref<400xi32, #tpu.memory_space<hbm>>) dst(%arg10 : memref<400xi32, #tpu.memory_space<vmem>>)
      tpu.yield
    }) : () -> ()
    %dma_start3A = arith.constant 0 : i32
    %dma_start3A_12 = arith.constant 0 : i32
    %dma_start3A_13 = tpu.memref_slice %arg6[%dma_start3A, %dma_start3A_12] : memref<400x64xf32, #tpu.memory_space<vmem>> -> memref<80x64xf32, #tpu.memory_space<vmem>>
    %dma_start3A_14 = arith.constant 0 : i32
    %dma_start3A_15 = tpu.memref_slice %arg10[%dma_start3A_14] : memref<400xi32, #tpu.memory_space<vmem>> -> memref<80xi32, #tpu.memory_space<vmem>>
    %dma_start3A_16 = arith.constant 0 : i32
    %dma_start3A_17 = arith.constant 0 : i32
    %dma_start3A_18 = tpu.memref_slice %arg2[%dma_start3A_16, %dma_start3A_17] : memref<1003520x64xf32, #tpu.memory_space<hbm>> -> memref<1003520x64xf32, #tpu.memory_space<hbm>>
    tpu.enqueue_indirect_dma source(%dma_start3A_18 : memref<1003520x64xf32, #tpu.memory_space<hbm>>) target(%dma_start3A_13 : memref<80x64xf32, #tpu.memory_space<vmem>>) offsets(%dma_start3A_15 : memref<80xi32, #tpu.memory_space<vmem>>) semaphore(%arg15 : memref<!tpu.dma_semaphore, #tpu.memory_space<semaphore_mem>>)
    %dma_start3A_19 = arith.constant 80 : i32
    %dma_start3A_20 = arith.constant 0 : i32
    %dma_start3A_21 = tpu.memref_slice %arg6[%dma_start3A_19, %dma_start3A_20] : memref<400x64xf32, #tpu.memory_space<vmem>> -> memref<80x64xf32, #tpu.memory_space<vmem>>
    %dma_start3A_22 = arith.constant 80 : i32
    %dma_start3A_23 = tpu.memref_slice %arg10[%dma_start3A_22] : memref<400xi32, #tpu.memory_space<vmem>> -> memref<80xi32, #tpu.memory_space<vmem>>
    %dma_start3A_24 = arith.constant 0 : i32
    %dma_start3A_25 = arith.constant 0 : i32
    %dma_start3A_26 = tpu.memref_slice %arg2[%dma_start3A_24, %dma_start3A_25] : memref<1003520x64xf32, #tpu.memory_space<hbm>> -> memref<1003520x64xf32, #tpu.memory_space<hbm>>
    tpu.enqueue_indirect_dma source(%dma_start3A_26 : memref<1003520x64xf32, #tpu.memory_space<hbm>>) target(%dma_start3A_21 : memref<80x64xf32, #tpu.memory_space<vmem>>) offsets(%dma_start3A_23 : memref<80xi32, #tpu.memory_space<vmem>>) semaphore(%arg15 : memref<!tpu.dma_semaphore, #tpu.memory_space<semaphore_mem>>)
    %dma_start3A_27 = arith.constant 160 : i32
    %dma_start3A_28 = arith.constant 0 : i32
    %dma_start3A_29 = tpu.memref_slice %arg6[%dma_start3A_27, %dma_start3A_28] : memref<400x64xf32, #tpu.memory_space<vmem>> -> memref<80x64xf32, #tpu.memory_space<vmem>>
    %dma_start3A_30 = arith.constant 160 : i32
    %dma_start3A_31 = tpu.memref_slice %arg10[%dma_start3A_30] : memref<400xi32, #tpu.memory_space<vmem>> -> memref<80xi32, #tpu.memory_space<vmem>>
    %dma_start3A_32 = arith.constant 0 : i32
    %dma_start3A_33 = arith.constant 0 : i32
    %dma_start3A_34 = tpu.memref_slice %arg2[%dma_start3A_32, %dma_start3A_33] : memref<1003520x64xf32, #tpu.memory_space<hbm>> -> memref<1003520x64xf32, #tpu.memory_space<hbm>>
    tpu.enqueue_indirect_dma source(%dma_start3A_34 : memref<1003520x64xf32, #tpu.memory_space<hbm>>) target(%dma_start3A_29 : memref<80x64xf32, #tpu.memory_space<vmem>>) offsets(%dma_start3A_31 : memref<80xi32, #tpu.memory_space<vmem>>) semaphore(%arg15 : memref<!tpu.dma_semaphore, #tpu.memory_space<semaphore_mem>>)
    %dma_start3A_35 = arith.constant 240 : i32
    %dma_start3A_36 = arith.constant 0 : i32
    %dma_start3A_37 = tpu.memref_slice %arg6[%dma_start3A_35, %dma_start3A_36] : memref<400x64xf32, #tpu.memory_space<vmem>> -> memref<80x64xf32, #tpu.memory_space<vmem>>
    %dma_start3A_38 = arith.constant 240 : i32
    %dma_start3A_39 = tpu.memref_slice %arg10[%dma_start3A_38] : memref<400xi32, #tpu.memory_space<vmem>> -> memref<80xi32, #tpu.memory_space<vmem>>
    %dma_start3A_40 = arith.constant 0 : i32
    %dma_start3A_41 = arith.constant 0 : i32
    %dma_start3A_42 = tpu.memref_slice %arg2[%dma_start3A_40, %dma_start3A_41] : memref<1003520x64xf32, #tpu.memory_space<hbm>> -> memref<1003520x64xf32, #tpu.memory_space<hbm>>
    tpu.enqueue_indirect_dma source(%dma_start3A_42 : memref<1003520x64xf32, #tpu.memory_space<hbm>>) target(%dma_start3A_37 : memref<80x64xf32, #tpu.memory_space<vmem>>) offsets(%dma_start3A_39 : memref<80xi32, #tpu.memory_space<vmem>>) semaphore(%arg15 : memref<!tpu.dma_semaphore, #tpu.memory_space<semaphore_mem>>)
    %dma_start3A_43 = arith.constant 320 : i32
    %dma_start3A_44 = arith.constant 0 : i32
    %dma_start3A_45 = tpu.memref_slice %arg6[%dma_start3A_43, %dma_start3A_44] : memref<400x64xf32, #tpu.memory_space<vmem>> -> memref<80x64xf32, #tpu.memory_space<vmem>>
    %dma_start3A_46 = arith.constant 320 : i32
    %dma_start3A_47 = tpu.memref_slice %arg10[%dma_start3A_46] : memref<400xi32, #tpu.memory_space<vmem>> -> memref<80xi32, #tpu.memory_space<vmem>>
    %dma_start3A_48 = arith.constant 0 : i32
    %dma_start3A_49 = arith.constant 0 : i32
    %dma_start3A_50 = tpu.memref_slice %arg2[%dma_start3A_48, %dma_start3A_49] : memref<1003520x64xf32, #tpu.memory_space<hbm>> -> memref<1003520x64xf32, #tpu.memory_space<hbm>>
    tpu.enqueue_indirect_dma source(%dma_start3A_50 : memref<1003520x64xf32, #tpu.memory_space<hbm>>) target(%dma_start3A_45 : memref<80x64xf32, #tpu.memory_space<vmem>>) offsets(%dma_start3A_47 : memref<80xi32, #tpu.memory_space<vmem>>) semaphore(%arg15 : memref<!tpu.dma_semaphore, #tpu.memory_space<semaphore_mem>>)
    %mul3A_51 = arith.constant 1 : i32
    %mul3A_52 = arith.constant 400 : i32
    %mul3A_53 = arith.muli %mul3A_51, %mul3A_52 : i32
    %add3A_54 = arith.addi %mul3A_2, %mul3A_53 : i32
    "tpu.region"() ({
      %run_scoped3A = tpu.sem_alloc : memref<!tpu.dma_semaphore, #tpu.memory_space<semaphore_mem>>
      %dma_start3A_159 = tpu.memref_slice %arg3[%add3A_54] : memref<409600xi32, #tpu.memory_space<hbm>> -> memref<400xi32, #tpu.memory_space<hbm>>
      %dma_start3A_160 = tpu.memref_slice %arg3[%add3A_54] : memref<409600xi32, #tpu.memory_space<hbm>> -> memref<400xi32, #tpu.memory_space<hbm>>
      tpu.enqueue_dma source(%dma_start3A_160 : memref<400xi32, #tpu.memory_space<hbm>>) target(%arg11 : memref<400xi32, #tpu.memory_space<vmem>>) target_semaphore(%run_scoped3A : memref<!tpu.dma_semaphore, #tpu.memory_space<semaphore_mem>>)
      %dma_wait3A_161 = tpu.memref_slice %arg3[%add3A_54] : memref<409600xi32, #tpu.memory_space<hbm>> -> memref<400xi32, #tpu.memory_space<hbm>>
      %dma_wait3A_162 = tpu.memref_slice %arg3[%add3A_54] : memref<409600xi32, #tpu.memory_space<hbm>> -> memref<400xi32, #tpu.memory_space<hbm>>
      tpu.wait_dma2 semaphore(%run_scoped3A : memref<!tpu.dma_semaphore, #tpu.memory_space<semaphore_mem>>) src(%dma_wait3A_162 : memref<400xi32, #tpu.memory_space<hbm>>) dst(%arg11 : memref<400xi32, #tpu.memory_space<vmem>>)
      tpu.yield
    }) : () -> ()
    %dma_start3A_55 = arith.constant 0 : i32
    %dma_start3A_56 = arith.constant 0 : i32
    %dma_start3A_57 = tpu.memref_slice %arg7[%dma_start3A_55, %dma_start3A_56] : memref<400x64xf32, #tpu.memory_space<vmem>> -> memref<80x64xf32, #tpu.memory_space<vmem>>
    %dma_start3A_58 = arith.constant 0 : i32
    %dma_start3A_59 = tpu.memref_slice %arg11[%dma_start3A_58] : memref<400xi32, #tpu.memory_space<vmem>> -> memref<80xi32, #tpu.memory_space<vmem>>
    %dma_start3A_60 = arith.constant 0 : i32
    %dma_start3A_61 = arith.constant 0 : i32
    %dma_start3A_62 = tpu.memref_slice %arg2[%dma_start3A_60, %dma_start3A_61] : memref<1003520x64xf32, #tpu.memory_space<hbm>> -> memref<1003520x64xf32, #tpu.memory_space<hbm>>
    tpu.enqueue_indirect_dma source(%dma_start3A_62 : memref<1003520x64xf32, #tpu.memory_space<hbm>>) target(%dma_start3A_57 : memref<80x64xf32, #tpu.memory_space<vmem>>) offsets(%dma_start3A_59 : memref<80xi32, #tpu.memory_space<vmem>>) semaphore(%arg16 : memref<!tpu.dma_semaphore, #tpu.memory_space<semaphore_mem>>)
    %dma_start3A_63 = arith.constant 80 : i32
    %dma_start3A_64 = arith.constant 0 : i32
    %dma_start3A_65 = tpu.memref_slice %arg7[%dma_start3A_63, %dma_start3A_64] : memref<400x64xf32, #tpu.memory_space<vmem>> -> memref<80x64xf32, #tpu.memory_space<vmem>>
    %dma_start3A_66 = arith.constant 80 : i32
    %dma_start3A_67 = tpu.memref_slice %arg11[%dma_start3A_66] : memref<400xi32, #tpu.memory_space<vmem>> -> memref<80xi32, #tpu.memory_space<vmem>>
    %dma_start3A_68 = arith.constant 0 : i32
    %dma_start3A_69 = arith.constant 0 : i32
    %dma_start3A_70 = tpu.memref_slice %arg2[%dma_start3A_68, %dma_start3A_69] : memref<1003520x64xf32, #tpu.memory_space<hbm>> -> memref<1003520x64xf32, #tpu.memory_space<hbm>>
    tpu.enqueue_indirect_dma source(%dma_start3A_70 : memref<1003520x64xf32, #tpu.memory_space<hbm>>) target(%dma_start3A_65 : memref<80x64xf32, #tpu.memory_space<vmem>>) offsets(%dma_start3A_67 : memref<80xi32, #tpu.memory_space<vmem>>) semaphore(%arg16 : memref<!tpu.dma_semaphore, #tpu.memory_space<semaphore_mem>>)
    %dma_start3A_71 = arith.constant 160 : i32
    %dma_start3A_72 = arith.constant 0 : i32
    %dma_start3A_73 = tpu.memref_slice %arg7[%dma_start3A_71, %dma_start3A_72] : memref<400x64xf32, #tpu.memory_space<vmem>> -> memref<80x64xf32, #tpu.memory_space<vmem>>
    %dma_start3A_74 = arith.constant 160 : i32
    %dma_start3A_75 = tpu.memref_slice %arg11[%dma_start3A_74] : memref<400xi32, #tpu.memory_space<vmem>> -> memref<80xi32, #tpu.memory_space<vmem>>
    %dma_start3A_76 = arith.constant 0 : i32
    %dma_start3A_77 = arith.constant 0 : i32
    %dma_start3A_78 = tpu.memref_slice %arg2[%dma_start3A_76, %dma_start3A_77] : memref<1003520x64xf32, #tpu.memory_space<hbm>> -> memref<1003520x64xf32, #tpu.memory_space<hbm>>
    tpu.enqueue_indirect_dma source(%dma_start3A_78 : memref<1003520x64xf32, #tpu.memory_space<hbm>>) target(%dma_start3A_73 : memref<80x64xf32, #tpu.memory_space<vmem>>) offsets(%dma_start3A_75 : memref<80xi32, #tpu.memory_space<vmem>>) semaphore(%arg16 : memref<!tpu.dma_semaphore, #tpu.memory_space<semaphore_mem>>)
    %dma_start3A_79 = arith.constant 240 : i32
    %dma_start3A_80 = arith.constant 0 : i32
    %dma_start3A_81 = tpu.memref_slice %arg7[%dma_start3A_79, %dma_start3A_80] : memref<400x64xf32, #tpu.memory_space<vmem>> -> memref<80x64xf32, #tpu.memory_space<vmem>>
    %dma_start3A_82 = arith.constant 240 : i32
    %dma_start3A_83 = tpu.memref_slice %arg11[%dma_start3A_82] : memref<400xi32, #tpu.memory_space<vmem>> -> memref<80xi32, #tpu.memory_space<vmem>>
    %dma_start3A_84 = arith.constant 0 : i32
    %dma_start3A_85 = arith.constant 0 : i32
    %dma_start3A_86 = tpu.memref_slice %arg2[%dma_start3A_84, %dma_start3A_85] : memref<1003520x64xf32, #tpu.memory_space<hbm>> -> memref<1003520x64xf32, #tpu.memory_space<hbm>>
    tpu.enqueue_indirect_dma source(%dma_start3A_86 : memref<1003520x64xf32, #tpu.memory_space<hbm>>) target(%dma_start3A_81 : memref<80x64xf32, #tpu.memory_space<vmem>>) offsets(%dma_start3A_83 : memref<80xi32, #tpu.memory_space<vmem>>) semaphore(%arg16 : memref<!tpu.dma_semaphore, #tpu.memory_space<semaphore_mem>>)
    %dma_start3A_87 = arith.constant 320 : i32
    %dma_start3A_88 = arith.constant 0 : i32
    %dma_start3A_89 = tpu.memref_slice %arg7[%dma_start3A_87, %dma_start3A_88] : memref<400x64xf32, #tpu.memory_space<vmem>> -> memref<80x64xf32, #tpu.memory_space<vmem>>
    %dma_start3A_90 = arith.constant 320 : i32
    %dma_start3A_91 = tpu.memref_slice %arg11[%dma_start3A_90] : memref<400xi32, #tpu.memory_space<vmem>> -> memref<80xi32, #tpu.memory_space<vmem>>
    %dma_start3A_92 = arith.constant 0 : i32
    %dma_start3A_93 = arith.constant 0 : i32
    %dma_start3A_94 = tpu.memref_slice %arg2[%dma_start3A_92, %dma_start3A_93] : memref<1003520x64xf32, #tpu.memory_space<hbm>> -> memref<1003520x64xf32, #tpu.memory_space<hbm>>
    tpu.enqueue_indirect_dma source(%dma_start3A_94 : memref<1003520x64xf32, #tpu.memory_space<hbm>>) target(%dma_start3A_89 : memref<80x64xf32, #tpu.memory_space<vmem>>) offsets(%dma_start3A_91 : memref<80xi32, #tpu.memory_space<vmem>>) semaphore(%arg16 : memref<!tpu.dma_semaphore, #tpu.memory_space<semaphore_mem>>)
    %mul3A_95 = arith.constant 2 : i32
    %mul3A_96 = arith.constant 400 : i32
    %mul3A_97 = arith.muli %mul3A_95, %mul3A_96 : i32
    %add3A_98 = arith.addi %mul3A_2, %mul3A_97 : i32
    "tpu.region"() ({
      %run_scoped3A = tpu.sem_alloc : memref<!tpu.dma_semaphore, #tpu.memory_space<semaphore_mem>>
      %dma_start3A_159 = tpu.memref_slice %arg3[%add3A_98] : memref<409600xi32, #tpu.memory_space<hbm>> -> memref<400xi32, #tpu.memory_space<hbm>>
      %dma_start3A_160 = tpu.memref_slice %arg3[%add3A_98] : memref<409600xi32, #tpu.memory_space<hbm>> -> memref<400xi32, #tpu.memory_space<hbm>>
      tpu.enqueue_dma source(%dma_start3A_160 : memref<400xi32, #tpu.memory_space<hbm>>) target(%arg12 : memref<400xi32, #tpu.memory_space<vmem>>) target_semaphore(%run_scoped3A : memref<!tpu.dma_semaphore, #tpu.memory_space<semaphore_mem>>)
      %dma_wait3A_161 = tpu.memref_slice %arg3[%add3A_98] : memref<409600xi32, #tpu.memory_space<hbm>> -> memref<400xi32, #tpu.memory_space<hbm>>
      %dma_wait3A_162 = tpu.memref_slice %arg3[%add3A_98] : memref<409600xi32, #tpu.memory_space<hbm>> -> memref<400xi32, #tpu.memory_space<hbm>>
      tpu.wait_dma2 semaphore(%run_scoped3A : memref<!tpu.dma_semaphore, #tpu.memory_space<semaphore_mem>>) src(%dma_wait3A_162 : memref<400xi32, #tpu.memory_space<hbm>>) dst(%arg12 : memref<400xi32, #tpu.memory_space<vmem>>)
      tpu.yield
    }) : () -> ()
    %dma_start3A_99 = arith.constant 0 : i32
    %dma_start3A_100 = arith.constant 0 : i32
    %dma_start3A_101 = tpu.memref_slice %arg8[%dma_start3A_99, %dma_start3A_100] : memref<400x64xf32, #tpu.memory_space<vmem>> -> memref<80x64xf32, #tpu.memory_space<vmem>>
    %dma_start3A_102 = arith.constant 0 : i32
    %dma_start3A_103 = tpu.memref_slice %arg12[%dma_start3A_102] : memref<400xi32, #tpu.memory_space<vmem>> -> memref<80xi32, #tpu.memory_space<vmem>>
    %dma_start3A_104 = arith.constant 0 : i32
    %dma_start3A_105 = arith.constant 0 : i32
    %dma_start3A_106 = tpu.memref_slice %arg2[%dma_start3A_104, %dma_start3A_105] : memref<1003520x64xf32, #tpu.memory_space<hbm>> -> memref<1003520x64xf32, #tpu.memory_space<hbm>>
    tpu.enqueue_indirect_dma source(%dma_start3A_106 : memref<1003520x64xf32, #tpu.memory_space<hbm>>) target(%dma_start3A_101 : memref<80x64xf32, #tpu.memory_space<vmem>>) offsets(%dma_start3A_103 : memref<80xi32, #tpu.memory_space<vmem>>) semaphore(%arg17 : memref<!tpu.dma_semaphore, #tpu.memory_space<semaphore_mem>>)
    %dma_start3A_107 = arith.constant 80 : i32
    %dma_start3A_108 = arith.constant 0 : i32
    %dma_start3A_109 = tpu.memref_slice %arg8[%dma_start3A_107, %dma_start3A_108] : memref<400x64xf32, #tpu.memory_space<vmem>> -> memref<80x64xf32, #tpu.memory_space<vmem>>
    %dma_start3A_110 = arith.constant 80 : i32
    %dma_start3A_111 = tpu.memref_slice %arg12[%dma_start3A_110] : memref<400xi32, #tpu.memory_space<vmem>> -> memref<80xi32, #tpu.memory_space<vmem>>
    %dma_start3A_112 = arith.constant 0 : i32
    %dma_start3A_113 = arith.constant 0 : i32
    %dma_start3A_114 = tpu.memref_slice %arg2[%dma_start3A_112, %dma_start3A_113] : memref<1003520x64xf32, #tpu.memory_space<hbm>> -> memref<1003520x64xf32, #tpu.memory_space<hbm>>
    tpu.enqueue_indirect_dma source(%dma_start3A_114 : memref<1003520x64xf32, #tpu.memory_space<hbm>>) target(%dma_start3A_109 : memref<80x64xf32, #tpu.memory_space<vmem>>) offsets(%dma_start3A_111 : memref<80xi32, #tpu.memory_space<vmem>>) semaphore(%arg17 : memref<!tpu.dma_semaphore, #tpu.memory_space<semaphore_mem>>)
    %dma_start3A_115 = arith.constant 160 : i32
    %dma_start3A_116 = arith.constant 0 : i32
    %dma_start3A_117 = tpu.memref_slice %arg8[%dma_start3A_115, %dma_start3A_116] : memref<400x64xf32, #tpu.memory_space<vmem>> -> memref<80x64xf32, #tpu.memory_space<vmem>>
    %dma_start3A_118 = arith.constant 160 : i32
    %dma_start3A_119 = tpu.memref_slice %arg12[%dma_start3A_118] : memref<400xi32, #tpu.memory_space<vmem>> -> memref<80xi32, #tpu.memory_space<vmem>>
    %dma_start3A_120 = arith.constant 0 : i32
    %dma_start3A_121 = arith.constant 0 : i32
    %dma_start3A_122 = tpu.memref_slice %arg2[%dma_start3A_120, %dma_start3A_121] : memref<1003520x64xf32, #tpu.memory_space<hbm>> -> memref<1003520x64xf32, #tpu.memory_space<hbm>>
    tpu.enqueue_indirect_dma source(%dma_start3A_122 : memref<1003520x64xf32, #tpu.memory_space<hbm>>) target(%dma_start3A_117 : memref<80x64xf32, #tpu.memory_space<vmem>>) offsets(%dma_start3A_119 : memref<80xi32, #tpu.memory_space<vmem>>) semaphore(%arg17 : memref<!tpu.dma_semaphore, #tpu.memory_space<semaphore_mem>>)
    %dma_start3A_123 = arith.constant 240 : i32
    %dma_start3A_124 = arith.constant 0 : i32
    %dma_start3A_125 = tpu.memref_slice %arg8[%dma_start3A_123, %dma_start3A_124] : memref<400x64xf32, #tpu.memory_space<vmem>> -> memref<80x64xf32, #tpu.memory_space<vmem>>
    %dma_start3A_126 = arith.constant 240 : i32
    %dma_start3A_127 = tpu.memref_slice %arg12[%dma_start3A_126] : memref<400xi32, #tpu.memory_space<vmem>> -> memref<80xi32, #tpu.memory_space<vmem>>
    %dma_start3A_128 = arith.constant 0 : i32
    %dma_start3A_129 = arith.constant 0 : i32
    %dma_start3A_130 = tpu.memref_slice %arg2[%dma_start3A_128, %dma_start3A_129] : memref<1003520x64xf32, #tpu.memory_space<hbm>> -> memref<1003520x64xf32, #tpu.memory_space<hbm>>
    tpu.enqueue_indirect_dma source(%dma_start3A_130 : memref<1003520x64xf32, #tpu.memory_space<hbm>>) target(%dma_start3A_125 : memref<80x64xf32, #tpu.memory_space<vmem>>) offsets(%dma_start3A_127 : memref<80xi32, #tpu.memory_space<vmem>>) semaphore(%arg17 : memref<!tpu.dma_semaphore, #tpu.memory_space<semaphore_mem>>)
    %dma_start3A_131 = arith.constant 320 : i32
    %dma_start3A_132 = arith.constant 0 : i32
    %dma_start3A_133 = tpu.memref_slice %arg8[%dma_start3A_131, %dma_start3A_132] : memref<400x64xf32, #tpu.memory_space<vmem>> -> memref<80x64xf32, #tpu.memory_space<vmem>>
    %dma_start3A_134 = arith.constant 320 : i32
    %dma_start3A_135 = tpu.memref_slice %arg12[%dma_start3A_134] : memref<400xi32, #tpu.memory_space<vmem>> -> memref<80xi32, #tpu.memory_space<vmem>>
    %dma_start3A_136 = arith.constant 0 : i32
    %dma_start3A_137 = arith.constant 0 : i32
    %dma_start3A_138 = tpu.memref_slice %arg2[%dma_start3A_136, %dma_start3A_137] : memref<1003520x64xf32, #tpu.memory_space<hbm>> -> memref<1003520x64xf32, #tpu.memory_space<hbm>>
    tpu.enqueue_indirect_dma source(%dma_start3A_138 : memref<1003520x64xf32, #tpu.memory_space<hbm>>) target(%dma_start3A_133 : memref<80x64xf32, #tpu.memory_space<vmem>>) offsets(%dma_start3A_135 : memref<80xi32, #tpu.memory_space<vmem>>) semaphore(%arg17 : memref<!tpu.dma_semaphore, #tpu.memory_space<semaphore_mem>>)
    %scan3A = arith.constant 0 : i32
    %scan3A_139 = arith.constant 0 : i32
    %scan3A_140 = arith.constant 8 : i32
    %scan3A_141 = arith.addi %scan3A_139, %scan3A_140 : i32
    %scan3A_142 = arith.constant 1 : i32
    scf.for %scan3A_159 = %scan3A_139 to %scan3A_141 step %scan3A_142  : i32 {
      %mul3A_160 = arith.constant 4 : i32
      %mul3A_161 = arith.muli %scan3A_159, %mul3A_160 : i32
      %add3A_162 = arith.constant 0 : i32
      %add3A_163 = arith.addi %mul3A_161, %add3A_162 : i32
      %dma_wait3A_164 = arith.constant 0 : i32
      %dma_wait3A_165 = arith.constant 0 : i32
      %dma_wait3A_166 = tpu.memref_slice %arg6[%dma_wait3A_164, %dma_wait3A_165] : memref<400x64xf32, #tpu.memory_space<vmem>> -> memref<80x64xf32, #tpu.memory_space<vmem>>
      %dma_wait3A_167 = arith.constant 0 : i32
      %dma_wait3A_168 = tpu.memref_slice %arg10[%dma_wait3A_167] : memref<400xi32, #tpu.memory_space<vmem>> -> memref<80xi32, #tpu.memory_space<vmem>>
      %dma_wait3A_169 = arith.constant 0 : i32
      %dma_wait3A_170 = arith.constant 0 : i32
      %dma_wait3A_171 = tpu.memref_slice %arg2[%dma_wait3A_169, %dma_wait3A_170] : memref<1003520x64xf32, #tpu.memory_space<hbm>> -> memref<1003520x64xf32, #tpu.memory_space<hbm>>
      tpu.wait_indirect_dma semaphore(%arg15 : memref<!tpu.dma_semaphore, #tpu.memory_space<semaphore_mem>>) src(%dma_wait3A_171 : memref<1003520x64xf32, #tpu.memory_space<hbm>>) dst(%dma_wait3A_166 : memref<80x64xf32, #tpu.memory_space<vmem>>)
      %dma_wait3A_172 = arith.constant 80 : i32
      %dma_wait3A_173 = arith.constant 0 : i32
      %dma_wait3A_174 = tpu.memref_slice %arg6[%dma_wait3A_172, %dma_wait3A_173] : memref<400x64xf32, #tpu.memory_space<vmem>> -> memref<80x64xf32, #tpu.memory_space<vmem>>
      %dma_wait3A_175 = arith.constant 80 : i32
      %dma_wait3A_176 = tpu.memref_slice %arg10[%dma_wait3A_175] : memref<400xi32, #tpu.memory_space<vmem>> -> memref<80xi32, #tpu.memory_space<vmem>>
      %dma_wait3A_177 = arith.constant 0 : i32
      %dma_wait3A_178 = arith.constant 0 : i32
      %dma_wait3A_179 = tpu.memref_slice %arg2[%dma_wait3A_177, %dma_wait3A_178] : memref<1003520x64xf32, #tpu.memory_space<hbm>> -> memref<1003520x64xf32, #tpu.memory_space<hbm>>
      tpu.wait_indirect_dma semaphore(%arg15 : memref<!tpu.dma_semaphore, #tpu.memory_space<semaphore_mem>>) src(%dma_wait3A_179 : memref<1003520x64xf32, #tpu.memory_space<hbm>>) dst(%dma_wait3A_174 : memref<80x64xf32, #tpu.memory_space<vmem>>)
      %dma_wait3A_180 = arith.constant 160 : i32
      %dma_wait3A_181 = arith.constant 0 : i32
      %dma_wait3A_182 = tpu.memref_slice %arg6[%dma_wait3A_180, %dma_wait3A_181] : memref<400x64xf32, #tpu.memory_space<vmem>> -> memref<80x64xf32, #tpu.memory_space<vmem>>
      %dma_wait3A_183 = arith.constant 160 : i32
      %dma_wait3A_184 = tpu.memref_slice %arg10[%dma_wait3A_183] : memref<400xi32, #tpu.memory_space<vmem>> -> memref<80xi32, #tpu.memory_space<vmem>>
      %dma_wait3A_185 = arith.constant 0 : i32
      %dma_wait3A_186 = arith.constant 0 : i32
      %dma_wait3A_187 = tpu.memref_slice %arg2[%dma_wait3A_185, %dma_wait3A_186] : memref<1003520x64xf32, #tpu.memory_space<hbm>> -> memref<1003520x64xf32, #tpu.memory_space<hbm>>
      tpu.wait_indirect_dma semaphore(%arg15 : memref<!tpu.dma_semaphore, #tpu.memory_space<semaphore_mem>>) src(%dma_wait3A_187 : memref<1003520x64xf32, #tpu.memory_space<hbm>>) dst(%dma_wait3A_182 : memref<80x64xf32, #tpu.memory_space<vmem>>)
      %dma_wait3A_188 = arith.constant 240 : i32
      %dma_wait3A_189 = arith.constant 0 : i32
      %dma_wait3A_190 = tpu.memref_slice %arg6[%dma_wait3A_188, %dma_wait3A_189] : memref<400x64xf32, #tpu.memory_space<vmem>> -> memref<80x64xf32, #tpu.memory_space<vmem>>
      %dma_wait3A_191 = arith.constant 240 : i32
      %dma_wait3A_192 = tpu.memref_slice %arg10[%dma_wait3A_191] : memref<400xi32, #tpu.memory_space<vmem>> -> memref<80xi32, #tpu.memory_space<vmem>>
      %dma_wait3A_193 = arith.constant 0 : i32
      %dma_wait3A_194 = arith.constant 0 : i32
      %dma_wait3A_195 = tpu.memref_slice %arg2[%dma_wait3A_193, %dma_wait3A_194] : memref<1003520x64xf32, #tpu.memory_space<hbm>> -> memref<1003520x64xf32, #tpu.memory_space<hbm>>
      tpu.wait_indirect_dma semaphore(%arg15 : memref<!tpu.dma_semaphore, #tpu.memory_space<semaphore_mem>>) src(%dma_wait3A_195 : memref<1003520x64xf32, #tpu.memory_space<hbm>>) dst(%dma_wait3A_190 : memref<80x64xf32, #tpu.memory_space<vmem>>)
      %dma_wait3A_196 = arith.constant 320 : i32
      %dma_wait3A_197 = arith.constant 0 : i32
      %dma_wait3A_198 = tpu.memref_slice %arg6[%dma_wait3A_196, %dma_wait3A_197] : memref<400x64xf32, #tpu.memory_space<vmem>> -> memref<80x64xf32, #tpu.memory_space<vmem>>
      %dma_wait3A_199 = arith.constant 320 : i32
      %dma_wait3A_200 = tpu.memref_slice %arg10[%dma_wait3A_199] : memref<400xi32, #tpu.memory_space<vmem>> -> memref<80xi32, #tpu.memory_space<vmem>>
      %dma_wait3A_201 = arith.constant 0 : i32
      %dma_wait3A_202 = arith.constant 0 : i32
      %dma_wait3A_203 = tpu.memref_slice %arg2[%dma_wait3A_201, %dma_wait3A_202] : memref<1003520x64xf32, #tpu.memory_space<hbm>> -> memref<1003520x64xf32, #tpu.memory_space<hbm>>
      tpu.wait_indirect_dma semaphore(%arg15 : memref<!tpu.dma_semaphore, #tpu.memory_space<semaphore_mem>>) src(%dma_wait3A_203 : memref<1003520x64xf32, #tpu.memory_space<hbm>>) dst(%dma_wait3A_198 : memref<80x64xf32, #tpu.memory_space<vmem>>)
      %scan3A_204 = arith.constant 0 : i32
      %scan3A_205 = arith.constant 0 : i32
      %scan3A_206 = arith.constant 200 : i32
      %scan3A_207 = arith.addi %scan3A_205, %scan3A_206 : i32
      %scan3A_208 = arith.constant 1 : i32
      scf.for %scan3A_436 = %scan3A_205 to %scan3A_207 step %scan3A_208  : i32 {
        %get3A = arith.index_cast %scan3A_436 : i32 to index
        %get3A_437 = arith.constant 0 : index
        %get3A_438 = tpu.vector_load %arg14[%get3A, %get3A_437] {strides = array<i32>} : memref<200x64xf32, #tpu.memory_space<vmem>>, vector<1x16xf32>,
        %get3A_439 = vector.shape_cast %get3A_438 : vector<1x16xf32> to vector<16xf32>
        %add3A_440 = arith.constant 0 : i32
        %add3A_441 = arith.addi %add3A_440, %scan3A_436 : i32
        %get3A_442 = arith.index_cast %add3A_441 : i32 to index
        %get3A_443 = arith.constant 0 : index
        %get3A_444 = tpu.vector_load %arg6[%get3A_442, %get3A_443] {strides = array<i32>} : memref<400x64xf32, #tpu.memory_space<vmem>>, vector<1x16xf32>,
        %get3A_445 = vector.shape_cast %get3A_444 : vector<1x16xf32> to vector<16xf32>
        %add3A_446 = arith.addf %get3A_445, %get3A_439 : vector<16xf32>
        %swap3A = arith.index_cast %add3A_441 : i32 to index
        %swap3A_447 = arith.constant 0 : index
        %swap3A_448 = tpu.vector_load %arg6[%swap3A, %swap3A_447] {strides = array<i32>} : memref<400x64xf32, #tpu.memory_space<vmem>>, vector<1x16xf32>,
        %swap3A_449 = vector.shape_cast %swap3A_448 : vector<1x16xf32> to vector<16xf32>
        %swap3A_450 = vector.shape_cast %add3A_446 : vector<16xf32> to vector<1x16xf32>
        tpu.vector_store %arg6[%swap3A, %swap3A_447], %swap3A_450 {strides = array<i32>} : memref<400x64xf32, #tpu.memory_space<vmem>>, vector<1x16xf32>,
        %add3A_451 = arith.constant 200 : i32
        %add3A_452 = arith.addi %add3A_451, %scan3A_436 : i32
        %get3A_453 = arith.index_cast %add3A_452 : i32 to index
        %get3A_454 = arith.constant 0 : index
        %get3A_455 = tpu.vector_load %arg6[%get3A_453, %get3A_454] {strides = array<i32>} : memref<400x64xf32, #tpu.memory_space<vmem>>, vector<1x16xf32>,
        %get3A_456 = vector.shape_cast %get3A_455 : vector<1x16xf32> to vector<16xf32>
        %add3A_457 = arith.addf %get3A_456, %get3A_439 : vector<16xf32>
        %swap3A_458 = arith.index_cast %add3A_452 : i32 to index
        %swap3A_459 = arith.constant 0 : index
        %swap3A_460 = tpu.vector_load %arg6[%swap3A_458, %swap3A_459] {strides = array<i32>} : memref<400x64xf32, #tpu.memory_space<vmem>>, vector<1x16xf32>,
        %swap3A_461 = vector.shape_cast %swap3A_460 : vector<1x16xf32> to vector<16xf32>
        %swap3A_462 = vector.shape_cast %add3A_457 : vector<16xf32> to vector<1x16xf32>
        tpu.vector_store %arg6[%swap3A_458, %swap3A_459], %swap3A_462 {strides = array<i32>} : memref<400x64xf32, #tpu.memory_space<vmem>>, vector<1x16xf32>,
        %get3A_463 = arith.index_cast %scan3A_436 : i32 to index
        %get3A_464 = arith.constant 16 : index
        %get3A_465 = tpu.vector_load %arg14[%get3A_463, %get3A_464] {strides = array<i32>} : memref<200x64xf32, #tpu.memory_space<vmem>>, vector<1x16xf32>,
        %get3A_466 = vector.shape_cast %get3A_465 : vector<1x16xf32> to vector<16xf32>
        %add3A_467 = arith.constant 0 : i32
        %add3A_468 = arith.addi %add3A_467, %scan3A_436 : i32
        %get3A_469 = arith.index_cast %add3A_468 : i32 to index
        %get3A_470 = arith.constant 16 : index
        %get3A_471 = tpu.vector_load %arg6[%get3A_469, %get3A_470] {strides = array<i32>} : memref<400x64xf32, #tpu.memory_space<vmem>>, vector<1x16xf32>,
        %get3A_472 = vector.shape_cast %get3A_471 : vector<1x16xf32> to vector<16xf32>
        %add3A_473 = arith.addf %get3A_472, %get3A_466 : vector<16xf32>
        %swap3A_474 = arith.index_cast %add3A_468 : i32 to index
        %swap3A_475 = arith.constant 16 : index
        %swap3A_476 = tpu.vector_load %arg6[%swap3A_474, %swap3A_475] {strides = array<i32>} : memref<400x64xf32, #tpu.memory_space<vmem>>, vector<1x16xf32>,
        %swap3A_477 = vector.shape_cast %swap3A_476 : vector<1x16xf32> to vector<16xf32>
        %swap3A_478 = vector.shape_cast %add3A_473 : vector<16xf32> to vector<1x16xf32>
        tpu.vector_store %arg6[%swap3A_474, %swap3A_475], %swap3A_478 {strides = array<i32>} : memref<400x64xf32, #tpu.memory_space<vmem>>, vector<1x16xf32>,
        %add3A_479 = arith.constant 200 : i32
        %add3A_480 = arith.addi %add3A_479, %scan3A_436 : i32
        %get3A_481 = arith.index_cast %add3A_480 : i32 to index
        %get3A_482 = arith.constant 16 : index
        %get3A_483 = tpu.vector_load %arg6[%get3A_481, %get3A_482] {strides = array<i32>} : memref<400x64xf32, #tpu.memory_space<vmem>>, vector<1x16xf32>,
        %get3A_484 = vector.shape_cast %get3A_483 : vector<1x16xf32> to vector<16xf32>
        %add3A_485 = arith.addf %get3A_484, %get3A_466 : vector<16xf32>
        %swap3A_486 = arith.index_cast %add3A_480 : i32 to index
        %swap3A_487 = arith.constant 16 : index
        %swap3A_488 = tpu.vector_load %arg6[%swap3A_486, %swap3A_487] {strides = array<i32>} : memref<400x64xf32, #tpu.memory_space<vmem>>, vector<1x16xf32>,
        %swap3A_489 = vector.shape_cast %swap3A_488 : vector<1x16xf32> to vector<16xf32>
        %swap3A_490 = vector.shape_cast %add3A_485 : vector<16xf32> to vector<1x16xf32>
        tpu.vector_store %arg6[%swap3A_486, %swap3A_487], %swap3A_490 {strides = array<i32>} : memref<400x64xf32, #tpu.memory_space<vmem>>, vector<1x16xf32>,
        %get3A_491 = arith.index_cast %scan3A_436 : i32 to index
        %get3A_492 = arith.constant 32 : index
        %get3A_493 = tpu.vector_load %arg14[%get3A_491, %get3A_492] {strides = array<i32>} : memref<200x64xf32, #tpu.memory_space<vmem>>, vector<1x16xf32>,
        %get3A_494 = vector.shape_cast %get3A_493 : vector<1x16xf32> to vector<16xf32>
        %add3A_495 = arith.constant 0 : i32
        %add3A_496 = arith.addi %add3A_495, %scan3A_436 : i32
        %get3A_497 = arith.index_cast %add3A_496 : i32 to index
        %get3A_498 = arith.constant 32 : index
        %get3A_499 = tpu.vector_load %arg6[%get3A_497, %get3A_498] {strides = array<i32>} : memref<400x64xf32, #tpu.memory_space<vmem>>, vector<1x16xf32>,
        %get3A_500 = vector.shape_cast %get3A_499 : vector<1x16xf32> to vector<16xf32>
        %add3A_501 = arith.addf %get3A_500, %get3A_494 : vector<16xf32>
        %swap3A_502 = arith.index_cast %add3A_496 : i32 to index
        %swap3A_503 = arith.constant 32 : index
        %swap3A_504 = tpu.vector_load %arg6[%swap3A_502, %swap3A_503] {strides = array<i32>} : memref<400x64xf32, #tpu.memory_space<vmem>>, vector<1x16xf32>,
        %swap3A_505 = vector.shape_cast %swap3A_504 : vector<1x16xf32> to vector<16xf32>
        %swap3A_506 = vector.shape_cast %add3A_501 : vector<16xf32> to vector<1x16xf32>
        tpu.vector_store %arg6[%swap3A_502, %swap3A_503], %swap3A_506 {strides = array<i32>} : memref<400x64xf32, #tpu.memory_space<vmem>>, vector<1x16xf32>,
        %add3A_507 = arith.constant 200 : i32
        %add3A_508 = arith.addi %add3A_507, %scan3A_436 : i32
        %get3A_509 = arith.index_cast %add3A_508 : i32 to index
        %get3A_510 = arith.constant 32 : index
        %get3A_511 = tpu.vector_load %arg6[%get3A_509, %get3A_510] {strides = array<i32>} : memref<400x64xf32, #tpu.memory_space<vmem>>, vector<1x16xf32>,
        %get3A_512 = vector.shape_cast %get3A_511 : vector<1x16xf32> to vector<16xf32>
        %add3A_513 = arith.addf %get3A_512, %get3A_494 : vector<16xf32>
        %swap3A_514 = arith.index_cast %add3A_508 : i32 to index
        %swap3A_515 = arith.constant 32 : index
        %swap3A_516 = tpu.vector_load %arg6[%swap3A_514, %swap3A_515] {strides = array<i32>} : memref<400x64xf32, #tpu.memory_space<vmem>>, vector<1x16xf32>,
        %swap3A_517 = vector.shape_cast %swap3A_516 : vector<1x16xf32> to vector<16xf32>
        %swap3A_518 = vector.shape_cast %add3A_513 : vector<16xf32> to vector<1x16xf32>
        tpu.vector_store %arg6[%swap3A_514, %swap3A_515], %swap3A_518 {strides = array<i32>} : memref<400x64xf32, #tpu.memory_space<vmem>>, vector<1x16xf32>,
        %get3A_519 = arith.index_cast %scan3A_436 : i32 to index
        %get3A_520 = arith.constant 48 : index
        %get3A_521 = tpu.vector_load %arg14[%get3A_519, %get3A_520] {strides = array<i32>} : memref<200x64xf32, #tpu.memory_space<vmem>>, vector<1x16xf32>,
        %get3A_522 = vector.shape_cast %get3A_521 : vector<1x16xf32> to vector<16xf32>
        %add3A_523 = arith.constant 0 : i32
        %add3A_524 = arith.addi %add3A_523, %scan3A_436 : i32
        %get3A_525 = arith.index_cast %add3A_524 : i32 to index
        %get3A_526 = arith.constant 48 : index
        %get3A_527 = tpu.vector_load %arg6[%get3A_525, %get3A_526] {strides = array<i32>} : memref<400x64xf32, #tpu.memory_space<vmem>>, vector<1x16xf32>,
        %get3A_528 = vector.shape_cast %get3A_527 : vector<1x16xf32> to vector<16xf32>
        %add3A_529 = arith.addf %get3A_528, %get3A_522 : vector<16xf32>
        %swap3A_530 = arith.index_cast %add3A_524 : i32 to index
        %swap3A_531 = arith.constant 48 : index
        %swap3A_532 = tpu.vector_load %arg6[%swap3A_530, %swap3A_531] {strides = array<i32>} : memref<400x64xf32, #tpu.memory_space<vmem>>, vector<1x16xf32>,
        %swap3A_533 = vector.shape_cast %swap3A_532 : vector<1x16xf32> to vector<16xf32>
        %swap3A_534 = vector.shape_cast %add3A_529 : vector<16xf32> to vector<1x16xf32>
        tpu.vector_store %arg6[%swap3A_530, %swap3A_531], %swap3A_534 {strides = array<i32>} : memref<400x64xf32, #tpu.memory_space<vmem>>, vector<1x16xf32>,
        %add3A_535 = arith.constant 200 : i32
        %add3A_536 = arith.addi %add3A_535, %scan3A_436 : i32
        %get3A_537 = arith.index_cast %add3A_536 : i32 to index
        %get3A_538 = arith.constant 48 : index
        %get3A_539 = tpu.vector_load %arg6[%get3A_537, %get3A_538] {strides = array<i32>} : memref<400x64xf32, #tpu.memory_space<vmem>>, vector<1x16xf32>,
        %get3A_540 = vector.shape_cast %get3A_539 : vector<1x16xf32> to vector<16xf32>
        %add3A_541 = arith.addf %get3A_540, %get3A_522 : vector<16xf32>
        %swap3A_542 = arith.index_cast %add3A_536 : i32 to index
        %swap3A_543 = arith.constant 48 : index
        %swap3A_544 = tpu.vector_load %arg6[%swap3A_542, %swap3A_543] {strides = array<i32>} : memref<400x64xf32, #tpu.memory_space<vmem>>, vector<1x16xf32>,
        %swap3A_545 = vector.shape_cast %swap3A_544 : vector<1x16xf32> to vector<16xf32>
        %swap3A_546 = vector.shape_cast %add3A_541 : vector<16xf32> to vector<1x16xf32>
        tpu.vector_store %arg6[%swap3A_542, %swap3A_543], %swap3A_546 {strides = array<i32>} : memref<400x64xf32, #tpu.memory_space<vmem>>, vector<1x16xf32>,
      }
      %scan3A_209 = arith.constant 200 : i32
      %mul3A_210 = arith.constant 400 : i32
      %mul3A_211 = arith.muli %add3A_163, %mul3A_210 : i32
      %add3A_212 = arith.addi %sub3A, %mul3A_211 : i32
      %dma_start3A_213 = tpu.memref_slice %arg5[%add3A_212, %select_n3A_7] : memref<204800x128xf32, #tpu.memory_space<hbm>> -> memref<400x64xf32, #tpu.memory_space<hbm>>
      %dma_start3A_214 = tpu.memref_slice %arg5[%add3A_212, %select_n3A_7] : memref<204800x128xf32, #tpu.memory_space<hbm>> -> memref<400x64xf32, #tpu.memory_space<hbm>>
      tpu.enqueue_dma source(%arg6 : memref<400x64xf32, #tpu.memory_space<vmem>>) target(%dma_start3A_214 : memref<400x64xf32, #tpu.memory_space<hbm>>) target_semaphore(%arg19 : memref<!tpu.dma_semaphore, #tpu.memory_space<semaphore_mem>>)
      %add3A_215 = arith.constant 3 : i32
      %add3A_216 = arith.addi %add3A_163, %add3A_215 : i32
      %lt3A = arith.constant 32 : i32
      %lt3A_217 = arith.cmpi slt, %add3A_216, %lt3A : i32
      %ge3A_218 = arith.constant 1 : i32
      %ge3A_219 = arith.cmpi sge, %add3A_163, %ge3A_218 : i32
      %and3A = arith.andi %lt3A_217, %ge3A_219 : i1
      %convert_element_type3A = arith.extui %and3A : i1 to i32
      %cond3A = arith.constant 0 : i32
      %cond3A_220 = arith.cmpi ne, %convert_element_type3A, %cond3A : i32
      scf.if %cond3A_220 {
        %sub3A_436 = arith.constant 1 : i32
        %sub3A_437 = arith.subi %add3A_163, %sub3A_436 : i32
        %mul3A_438 = arith.constant 400 : i32
        %mul3A_439 = arith.muli %sub3A_437, %mul3A_438 : i32
        %add3A_440 = arith.addi %sub3A, %mul3A_439 : i32
        %dma_wait3A_441 = tpu.memref_slice %arg5[%add3A_440, %select_n3A_7] : memref<204800x128xf32, #tpu.memory_space<hbm>> -> memref<400x64xf32, #tpu.memory_space<hbm>>
        %dma_wait3A_442 = tpu.memref_slice %arg5[%add3A_440, %select_n3A_7] : memref<204800x128xf32, #tpu.memory_space<hbm>> -> memref<400x64xf32, #tpu.memory_space<hbm>>
        tpu.wait_dma2 semaphore(%arg22 : memref<!tpu.dma_semaphore, #tpu.memory_space<semaphore_mem>>) src(%arg9 : memref<400x64xf32, #tpu.memory_space<vmem>>) dst(%dma_wait3A_442 : memref<400x64xf32, #tpu.memory_space<hbm>>)
      } else {
      }
      %lt3A_221 = arith.constant 32 : i32
      %lt3A_222 = arith.cmpi slt, %add3A_216, %lt3A_221 : i32
      %convert_element_type3A_223 = arith.extui %lt3A_222 : i1 to i32
      %cond3A_224 = arith.constant 0 : i32
      %cond3A_225 = arith.cmpi ne, %convert_element_type3A_223, %cond3A_224 : i32
      scf.if %cond3A_225 {
        %mul3A_436 = arith.constant 400 : i32
        %mul3A_437 = arith.muli %add3A_216, %mul3A_436 : i32
        %add3A_438 = arith.addi %mul3A_2, %mul3A_437 : i32
        "tpu.region"() ({
          %run_scoped3A = tpu.sem_alloc : memref<!tpu.dma_semaphore, #tpu.memory_space<semaphore_mem>>
          %dma_start3A_479 = tpu.memref_slice %arg3[%add3A_438] : memref<409600xi32, #tpu.memory_space<hbm>> -> memref<400xi32, #tpu.memory_space<hbm>>
          %dma_start3A_480 = tpu.memref_slice %arg3[%add3A_438] : memref<409600xi32, #tpu.memory_space<hbm>> -> memref<400xi32, #tpu.memory_space<hbm>>
          tpu.enqueue_dma source(%dma_start3A_480 : memref<400xi32, #tpu.memory_space<hbm>>) target(%arg13 : memref<400xi32, #tpu.memory_space<vmem>>) target_semaphore(%run_scoped3A : memref<!tpu.dma_semaphore, #tpu.memory_space<semaphore_mem>>)
          %dma_wait3A_481 = tpu.memref_slice %arg3[%add3A_438] : memref<409600xi32, #tpu.memory_space<hbm>> -> memref<400xi32, #tpu.memory_space<hbm>>
          %dma_wait3A_482 = tpu.memref_slice %arg3[%add3A_438] : memref<409600xi32, #tpu.memory_space<hbm>> -> memref<400xi32, #tpu.memory_space<hbm>>
          tpu.wait_dma2 semaphore(%run_scoped3A : memref<!tpu.dma_semaphore, #tpu.memory_space<semaphore_mem>>) src(%dma_wait3A_482 : memref<400xi32, #tpu.memory_space<hbm>>) dst(%arg13 : memref<400xi32, #tpu.memory_space<vmem>>)
          tpu.yield
        }) : () -> ()
        %dma_start3A_439 = arith.constant 0 : i32
        %dma_start3A_440 = arith.constant 0 : i32
        %dma_start3A_441 = tpu.memref_slice %arg9[%dma_start3A_439, %dma_start3A_440] : memref<400x64xf32, #tpu.memory_space<vmem>> -> memref<80x64xf32, #tpu.memory_space<vmem>>
        %dma_start3A_442 = arith.constant 0 : i32
        %dma_start3A_443 = tpu.memref_slice %arg13[%dma_start3A_442] : memref<400xi32, #tpu.memory_space<vmem>> -> memref<80xi32, #tpu.memory_space<vmem>>
        %dma_start3A_444 = arith.constant 0 : i32
        %dma_start3A_445 = arith.constant 0 : i32
        %dma_start3A_446 = tpu.memref_slice %arg2[%dma_start3A_444, %dma_start3A_445] : memref<1003520x64xf32, #tpu.memory_space<hbm>> -> memref<1003520x64xf32, #tpu.memory_space<hbm>>
        tpu.enqueue_indirect_dma source(%dma_start3A_446 : memref<1003520x64xf32, #tpu.memory_space<hbm>>) target(%dma_start3A_441 : memref<80x64xf32, #tpu.memory_space<vmem>>) offsets(%dma_start3A_443 : memref<80xi32, #tpu.memory_space<vmem>>) semaphore(%arg18 : memref<!tpu.dma_semaphore, #tpu.memory_space<semaphore_mem>>)
        %dma_start3A_447 = arith.constant 80 : i32
        %dma_start3A_448 = arith.constant 0 : i32
        %dma_start3A_449 = tpu.memref_slice %arg9[%dma_start3A_447, %dma_start3A_448] : memref<400x64xf32, #tpu.memory_space<vmem>> -> memref<80x64xf32, #tpu.memory_space<vmem>>
        %dma_start3A_450 = arith.constant 80 : i32
        %dma_start3A_451 = tpu.memref_slice %arg13[%dma_start3A_450] : memref<400xi32, #tpu.memory_space<vmem>> -> memref<80xi32, #tpu.memory_space<vmem>>
        %dma_start3A_452 = arith.constant 0 : i32
        %dma_start3A_453 = arith.constant 0 : i32
        %dma_start3A_454 = tpu.memref_slice %arg2[%dma_start3A_452, %dma_start3A_453] : memref<1003520x64xf32, #tpu.memory_space<hbm>> -> memref<1003520x64xf32, #tpu.memory_space<hbm>>
        tpu.enqueue_indirect_dma source(%dma_start3A_454 : memref<1003520x64xf32, #tpu.memory_space<hbm>>) target(%dma_start3A_449 : memref<80x64xf32, #tpu.memory_space<vmem>>) offsets(%dma_start3A_451 : memref<80xi32, #tpu.memory_space<vmem>>) semaphore(%arg18 : memref<!tpu.dma_semaphore, #tpu.memory_space<semaphore_mem>>)
        %dma_start3A_455 = arith.constant 160 : i32
        %dma_start3A_456 = arith.constant 0 : i32
        %dma_start3A_457 = tpu.memref_slice %arg9[%dma_start3A_455, %dma_start3A_456] : memref<400x64xf32, #tpu.memory_space<vmem>> -> memref<80x64xf32, #tpu.memory_space<vmem>>
        %dma_start3A_458 = arith.constant 160 : i32
        %dma_start3A_459 = tpu.memref_slice %arg13[%dma_start3A_458] : memref<400xi32, #tpu.memory_space<vmem>> -> memref<80xi32, #tpu.memory_space<vmem>>
        %dma_start3A_460 = arith.constant 0 : i32
        %dma_start3A_461 = arith.constant 0 : i32
        %dma_start3A_462 = tpu.memref_slice %arg2[%dma_start3A_460, %dma_start3A_461] : memref<1003520x64xf32, #tpu.memory_space<hbm>> -> memref<1003520x64xf32, #tpu.memory_space<hbm>>
        tpu.enqueue_indirect_dma source(%dma_start3A_462 : memref<1003520x64xf32, #tpu.memory_space<hbm>>) target(%dma_start3A_457 : memref<80x64xf32, #tpu.memory_space<vmem>>) offsets(%dma_start3A_459 : memref<80xi32, #tpu.memory_space<vmem>>) semaphore(%arg18 : memref<!tpu.dma_semaphore, #tpu.memory_space<semaphore_mem>>)
        %dma_start3A_463 = arith.constant 240 : i32
        %dma_start3A_464 = arith.constant 0 : i32
        %dma_start3A_465 = tpu.memref_slice %arg9[%dma_start3A_463, %dma_start3A_464] : memref<400x64xf32, #tpu.memory_space<vmem>> -> memref<80x64xf32, #tpu.memory_space<vmem>>
        %dma_start3A_466 = arith.constant 240 : i32
        %dma_start3A_467 = tpu.memref_slice %arg13[%dma_start3A_466] : memref<400xi32, #tpu.memory_space<vmem>> -> memref<80xi32, #tpu.memory_space<vmem>>
        %dma_start3A_468 = arith.constant 0 : i32
        %dma_start3A_469 = arith.constant 0 : i32
        %dma_start3A_470 = tpu.memref_slice %arg2[%dma_start3A_468, %dma_start3A_469] : memref<1003520x64xf32, #tpu.memory_space<hbm>> -> memref<1003520x64xf32, #tpu.memory_space<hbm>>
        tpu.enqueue_indirect_dma source(%dma_start3A_470 : memref<1003520x64xf32, #tpu.memory_space<hbm>>) target(%dma_start3A_465 : memref<80x64xf32, #tpu.memory_space<vmem>>) offsets(%dma_start3A_467 : memref<80xi32, #tpu.memory_space<vmem>>) semaphore(%arg18 : memref<!tpu.dma_semaphore, #tpu.memory_space<semaphore_mem>>)
        %dma_start3A_471 = arith.constant 320 : i32
        %dma_start3A_472 = arith.constant 0 : i32
        %dma_start3A_473 = tpu.memref_slice %arg9[%dma_start3A_471, %dma_start3A_472] : memref<400x64xf32, #tpu.memory_space<vmem>> -> memref<80x64xf32, #tpu.memory_space<vmem>>
        %dma_start3A_474 = arith.constant 320 : i32
        %dma_start3A_475 = tpu.memref_slice %arg13[%dma_start3A_474] : memref<400xi32, #tpu.memory_space<vmem>> -> memref<80xi32, #tpu.memory_space<vmem>>
        %dma_start3A_476 = arith.constant 0 : i32
        %dma_start3A_477 = arith.constant 0 : i32
        %dma_start3A_478 = tpu.memref_slice %arg2[%dma_start3A_476, %dma_start3A_477] : memref<1003520x64xf32, #tpu.memory_space<hbm>> -> memref<1003520x64xf32, #tpu.memory_space<hbm>>
        tpu.enqueue_indirect_dma source(%dma_start3A_478 : memref<1003520x64xf32, #tpu.memory_space<hbm>>) target(%dma_start3A_473 : memref<80x64xf32, #tpu.memory_space<vmem>>) offsets(%dma_start3A_475 : memref<80xi32, #tpu.memory_space<vmem>>) semaphore(%arg18 : memref<!tpu.dma_semaphore, #tpu.memory_space<semaphore_mem>>)
      } else {
      }
      %mul3A_226 = arith.constant 4 : i32
      %mul3A_227 = arith.muli %scan3A_159, %mul3A_226 : i32
      %add3A_228 = arith.constant 1 : i32
      %add3A_229 = arith.addi %mul3A_227, %add3A_228 : i32
      %dma_wait3A_230 = arith.constant 0 : i32
      %dma_wait3A_231 = arith.constant 0 : i32
      %dma_wait3A_232 = tpu.memref_slice %arg7[%dma_wait3A_230, %dma_wait3A_231] : memref<400x64xf32, #tpu.memory_space<vmem>> -> memref<80x64xf32, #tpu.memory_space<vmem>>
      %dma_wait3A_233 = arith.constant 0 : i32
      %dma_wait3A_234 = tpu.memref_slice %arg11[%dma_wait3A_233] : memref<400xi32, #tpu.memory_space<vmem>> -> memref<80xi32, #tpu.memory_space<vmem>>
      %dma_wait3A_235 = arith.constant 0 : i32
      %dma_wait3A_236 = arith.constant 0 : i32
      %dma_wait3A_237 = tpu.memref_slice %arg2[%dma_wait3A_235, %dma_wait3A_236] : memref<1003520x64xf32, #tpu.memory_space<hbm>> -> memref<1003520x64xf32, #tpu.memory_space<hbm>>
      tpu.wait_indirect_dma semaphore(%arg16 : memref<!tpu.dma_semaphore, #tpu.memory_space<semaphore_mem>>) src(%dma_wait3A_237 : memref<1003520x64xf32, #tpu.memory_space<hbm>>) dst(%dma_wait3A_232 : memref<80x64xf32, #tpu.memory_space<vmem>>)
      %dma_wait3A_238 = arith.constant 80 : i32
      %dma_wait3A_239 = arith.constant 0 : i32
      %dma_wait3A_240 = tpu.memref_slice %arg7[%dma_wait3A_238, %dma_wait3A_239] : memref<400x64xf32, #tpu.memory_space<vmem>> -> memref<80x64xf32, #tpu.memory_space<vmem>>
      %dma_wait3A_241 = arith.constant 80 : i32
      %dma_wait3A_242 = tpu.memref_slice %arg11[%dma_wait3A_241] : memref<400xi32, #tpu.memory_space<vmem>> -> memref<80xi32, #tpu.memory_space<vmem>>
      %dma_wait3A_243 = arith.constant 0 : i32
      %dma_wait3A_244 = arith.constant 0 : i32
      %dma_wait3A_245 = tpu.memref_slice %arg2[%dma_wait3A_243, %dma_wait3A_244] : memref<1003520x64xf32, #tpu.memory_space<hbm>> -> memref<1003520x64xf32, #tpu.memory_space<hbm>>
      tpu.wait_indirect_dma semaphore(%arg16 : memref<!tpu.dma_semaphore, #tpu.memory_space<semaphore_mem>>) src(%dma_wait3A_245 : memref<1003520x64xf32, #tpu.memory_space<hbm>>) dst(%dma_wait3A_240 : memref<80x64xf32, #tpu.memory_space<vmem>>)
      %dma_wait3A_246 = arith.constant 160 : i32
      %dma_wait3A_247 = arith.constant 0 : i32
      %dma_wait3A_248 = tpu.memref_slice %arg7[%dma_wait3A_246, %dma_wait3A_247] : memref<400x64xf32, #tpu.memory_space<vmem>> -> memref<80x64xf32, #tpu.memory_space<vmem>>
      %dma_wait3A_249 = arith.constant 160 : i32
      %dma_wait3A_250 = tpu.memref_slice %arg11[%dma_wait3A_249] : memref<400xi32, #tpu.memory_space<vmem>> -> memref<80xi32, #tpu.memory_space<vmem>>
      %dma_wait3A_251 = arith.constant 0 : i32
      %dma_wait3A_252 = arith.constant 0 : i32
      %dma_wait3A_253 = tpu.memref_slice %arg2[%dma_wait3A_251, %dma_wait3A_252] : memref<1003520x64xf32, #tpu.memory_space<hbm>> -> memref<1003520x64xf32, #tpu.memory_space<hbm>>
      tpu.wait_indirect_dma semaphore(%arg16 : memref<!tpu.dma_semaphore, #tpu.memory_space<semaphore_mem>>) src(%dma_wait3A_253 : memref<1003520x64xf32, #tpu.memory_space<hbm>>) dst(%dma_wait3A_248 : memref<80x64xf32, #tpu.memory_space<vmem>>)
      %dma_wait3A_254 = arith.constant 240 : i32
      %dma_wait3A_255 = arith.constant 0 : i32
      %dma_wait3A_256 = tpu.memref_slice %arg7[%dma_wait3A_254, %dma_wait3A_255] : memref<400x64xf32, #tpu.memory_space<vmem>> -> memref<80x64xf32, #tpu.memory_space<vmem>>
      %dma_wait3A_257 = arith.constant 240 : i32
      %dma_wait3A_258 = tpu.memref_slice %arg11[%dma_wait3A_257] : memref<400xi32, #tpu.memory_space<vmem>> -> memref<80xi32, #tpu.memory_space<vmem>>
      %dma_wait3A_259 = arith.constant 0 : i32
      %dma_wait3A_260 = arith.constant 0 : i32
      %dma_wait3A_261 = tpu.memref_slice %arg2[%dma_wait3A_259, %dma_wait3A_260] : memref<1003520x64xf32, #tpu.memory_space<hbm>> -> memref<1003520x64xf32, #tpu.memory_space<hbm>>
      tpu.wait_indirect_dma semaphore(%arg16 : memref<!tpu.dma_semaphore, #tpu.memory_space<semaphore_mem>>) src(%dma_wait3A_261 : memref<1003520x64xf32, #tpu.memory_space<hbm>>) dst(%dma_wait3A_256 : memref<80x64xf32, #tpu.memory_space<vmem>>)
      %dma_wait3A_262 = arith.constant 320 : i32
      %dma_wait3A_263 = arith.constant 0 : i32
      %dma_wait3A_264 = tpu.memref_slice %arg7[%dma_wait3A_262, %dma_wait3A_263] : memref<400x64xf32, #tpu.memory_space<vmem>> -> memref<80x64xf32, #tpu.memory_space<vmem>>
      %dma_wait3A_265 = arith.constant 320 : i32
      %dma_wait3A_266 = tpu.memref_slice %arg11[%dma_wait3A_265] : memref<400xi32, #tpu.memory_space<vmem>> -> memref<80xi32, #tpu.memory_space<vmem>>
      %dma_wait3A_267 = arith.constant 0 : i32
      %dma_wait3A_268 = arith.constant 0 : i32
      %dma_wait3A_269 = tpu.memref_slice %arg2[%dma_wait3A_267, %dma_wait3A_268] : memref<1003520x64xf32, #tpu.memory_space<hbm>> -> memref<1003520x64xf32, #tpu.memory_space<hbm>>
      tpu.wait_indirect_dma semaphore(%arg16 : memref<!tpu.dma_semaphore, #tpu.memory_space<semaphore_mem>>) src(%dma_wait3A_269 : memref<1003520x64xf32, #tpu.memory_space<hbm>>) dst(%dma_wait3A_264 : memref<80x64xf32, #tpu.memory_space<vmem>>)
      %scan3A_270 = arith.constant 0 : i32
      %scan3A_271 = arith.constant 0 : i32
      %scan3A_272 = arith.constant 200 : i32
      %scan3A_273 = arith.addi %scan3A_271, %scan3A_272 : i32
      %scan3A_274 = arith.constant 1 : i32
      scf.for %scan3A_436 = %scan3A_271 to %scan3A_273 step %scan3A_274  : i32 {
        %get3A = arith.index_cast %scan3A_436 : i32 to index
        %get3A_437 = arith.constant 0 : index
        %get3A_438 = tpu.vector_load %arg14[%get3A, %get3A_437] {strides = array<i32>} : memref<200x64xf32, #tpu.memory_space<vmem>>, vector<1x16xf32>,
        %get3A_439 = vector.shape_cast %get3A_438 : vector<1x16xf32> to vector<16xf32>
        %add3A_440 = arith.constant 0 : i32
        %add3A_441 = arith.addi %add3A_440, %scan3A_436 : i32
        %get3A_442 = arith.index_cast %add3A_441 : i32 to index
        %get3A_443 = arith.constant 0 : index
        %get3A_444 = tpu.vector_load %arg7[%get3A_442, %get3A_443] {strides = array<i32>} : memref<400x64xf32, #tpu.memory_space<vmem>>, vector<1x16xf32>,
        %get3A_445 = vector.shape_cast %get3A_444 : vector<1x16xf32> to vector<16xf32>
        %add3A_446 = arith.addf %get3A_445, %get3A_439 : vector<16xf32>
        %swap3A = arith.index_cast %add3A_441 : i32 to index
        %swap3A_447 = arith.constant 0 : index
        %swap3A_448 = tpu.vector_load %arg7[%swap3A, %swap3A_447] {strides = array<i32>} : memref<400x64xf32, #tpu.memory_space<vmem>>, vector<1x16xf32>,
        %swap3A_449 = vector.shape_cast %swap3A_448 : vector<1x16xf32> to vector<16xf32>
        %swap3A_450 = vector.shape_cast %add3A_446 : vector<16xf32> to vector<1x16xf32>
        tpu.vector_store %arg7[%swap3A, %swap3A_447], %swap3A_450 {strides = array<i32>} : memref<400x64xf32, #tpu.memory_space<vmem>>, vector<1x16xf32>,
        %add3A_451 = arith.constant 200 : i32
        %add3A_452 = arith.addi %add3A_451, %scan3A_436 : i32
        %get3A_453 = arith.index_cast %add3A_452 : i32 to index
        %get3A_454 = arith.constant 0 : index
        %get3A_455 = tpu.vector_load %arg7[%get3A_453, %get3A_454] {strides = array<i32>} : memref<400x64xf32, #tpu.memory_space<vmem>>, vector<1x16xf32>,
        %get3A_456 = vector.shape_cast %get3A_455 : vector<1x16xf32> to vector<16xf32>
        %add3A_457 = arith.addf %get3A_456, %get3A_439 : vector<16xf32>
        %swap3A_458 = arith.index_cast %add3A_452 : i32 to index
        %swap3A_459 = arith.constant 0 : index
        %swap3A_460 = tpu.vector_load %arg7[%swap3A_458, %swap3A_459] {strides = array<i32>} : memref<400x64xf32, #tpu.memory_space<vmem>>, vector<1x16xf32>,
        %swap3A_461 = vector.shape_cast %swap3A_460 : vector<1x16xf32> to vector<16xf32>
        %swap3A_462 = vector.shape_cast %add3A_457 : vector<16xf32> to vector<1x16xf32>
        tpu.vector_store %arg7[%swap3A_458, %swap3A_459], %swap3A_462 {strides = array<i32>} : memref<400x64xf32, #tpu.memory_space<vmem>>, vector<1x16xf32>,
        %get3A_463 = arith.index_cast %scan3A_436 : i32 to index
        %get3A_464 = arith.constant 16 : index
        %get3A_465 = tpu.vector_load %arg14[%get3A_463, %get3A_464] {strides = array<i32>} : memref<200x64xf32, #tpu.memory_space<vmem>>, vector<1x16xf32>,
        %get3A_466 = vector.shape_cast %get3A_465 : vector<1x16xf32> to vector<16xf32>
        %add3A_467 = arith.constant 0 : i32
        %add3A_468 = arith.addi %add3A_467, %scan3A_436 : i32
        %get3A_469 = arith.index_cast %add3A_468 : i32 to index
        %get3A_470 = arith.constant 16 : index
        %get3A_471 = tpu.vector_load %arg7[%get3A_469, %get3A_470] {strides = array<i32>} : memref<400x64xf32, #tpu.memory_space<vmem>>, vector<1x16xf32>,
        %get3A_472 = vector.shape_cast %get3A_471 : vector<1x16xf32> to vector<16xf32>
        %add3A_473 = arith.addf %get3A_472, %get3A_466 : vector<16xf32>
        %swap3A_474 = arith.index_cast %add3A_468 : i32 to index
        %swap3A_475 = arith.constant 16 : index
        %swap3A_476 = tpu.vector_load %arg7[%swap3A_474, %swap3A_475] {strides = array<i32>} : memref<400x64xf32, #tpu.memory_space<vmem>>, vector<1x16xf32>,
        %swap3A_477 = vector.shape_cast %swap3A_476 : vector<1x16xf32> to vector<16xf32>
        %swap3A_478 = vector.shape_cast %add3A_473 : vector<16xf32> to vector<1x16xf32>
        tpu.vector_store %arg7[%swap3A_474, %swap3A_475], %swap3A_478 {strides = array<i32>} : memref<400x64xf32, #tpu.memory_space<vmem>>, vector<1x16xf32>,
        %add3A_479 = arith.constant 200 : i32
        %add3A_480 = arith.addi %add3A_479, %scan3A_436 : i32
        %get3A_481 = arith.index_cast %add3A_480 : i32 to index
        %get3A_482 = arith.constant 16 : index
        %get3A_483 = tpu.vector_load %arg7[%get3A_481, %get3A_482] {strides = array<i32>} : memref<400x64xf32, #tpu.memory_space<vmem>>, vector<1x16xf32>,
        %get3A_484 = vector.shape_cast %get3A_483 : vector<1x16xf32> to vector<16xf32>
        %add3A_485 = arith.addf %get3A_484, %get3A_466 : vector<16xf32>
        %swap3A_486 = arith.index_cast %add3A_480 : i32 to index
        %swap3A_487 = arith.constant 16 : index
        %swap3A_488 = tpu.vector_load %arg7[%swap3A_486, %swap3A_487] {strides = array<i32>} : memref<400x64xf32, #tpu.memory_space<vmem>>, vector<1x16xf32>,
        %swap3A_489 = vector.shape_cast %swap3A_488 : vector<1x16xf32> to vector<16xf32>
        %swap3A_490 = vector.shape_cast %add3A_485 : vector<16xf32> to vector<1x16xf32>
        tpu.vector_store %arg7[%swap3A_486, %swap3A_487], %swap3A_490 {strides = array<i32>} : memref<400x64xf32, #tpu.memory_space<vmem>>, vector<1x16xf32>,
        %get3A_491 = arith.index_cast %scan3A_436 : i32 to index
        %get3A_492 = arith.constant 32 : index
        %get3A_493 = tpu.vector_load %arg14[%get3A_491, %get3A_492] {strides = array<i32>} : memref<200x64xf32, #tpu.memory_space<vmem>>, vector<1x16xf32>,
        %get3A_494 = vector.shape_cast %get3A_493 : vector<1x16xf32> to vector<16xf32>
        %add3A_495 = arith.constant 0 : i32
        %add3A_496 = arith.addi %add3A_495, %scan3A_436 : i32
        %get3A_497 = arith.index_cast %add3A_496 : i32 to index
        %get3A_498 = arith.constant 32 : index
        %get3A_499 = tpu.vector_load %arg7[%get3A_497, %get3A_498] {strides = array<i32>} : memref<400x64xf32, #tpu.memory_space<vmem>>, vector<1x16xf32>,
        %get3A_500 = vector.shape_cast %get3A_499 : vector<1x16xf32> to vector<16xf32>
        %add3A_501 = arith.addf %get3A_500, %get3A_494 : vector<16xf32>
        %swap3A_502 = arith.index_cast %add3A_496 : i32 to index
        %swap3A_503 = arith.constant 32 : index
        %swap3A_504 = tpu.vector_load %arg7[%swap3A_502, %swap3A_503] {strides = array<i32>} : memref<400x64xf32, #tpu.memory_space<vmem>>, vector<1x16xf32>,
        %swap3A_505 = vector.shape_cast %swap3A_504 : vector<1x16xf32> to vector<16xf32>
        %swap3A_506 = vector.shape_cast %add3A_501 : vector<16xf32> to vector<1x16xf32>
        tpu.vector_store %arg7[%swap3A_502, %swap3A_503], %swap3A_506 {strides = array<i32>} : memref<400x64xf32, #tpu.memory_space<vmem>>, vector<1x16xf32>,
        %add3A_507 = arith.constant 200 : i32
        %add3A_508 = arith.addi %add3A_507, %scan3A_436 : i32
        %get3A_509 = arith.index_cast %add3A_508 : i32 to index
        %get3A_510 = arith.constant 32 : index
        %get3A_511 = tpu.vector_load %arg7[%get3A_509, %get3A_510] {strides = array<i32>} : memref<400x64xf32, #tpu.memory_space<vmem>>, vector<1x16xf32>,
        %get3A_512 = vector.shape_cast %get3A_511 : vector<1x16xf32> to vector<16xf32>
        %add3A_513 = arith.addf %get3A_512, %get3A_494 : vector<16xf32>
        %swap3A_514 = arith.index_cast %add3A_508 : i32 to index
        %swap3A_515 = arith.constant 32 : index
        %swap3A_516 = tpu.vector_load %arg7[%swap3A_514, %swap3A_515] {strides = array<i32>} : memref<400x64xf32, #tpu.memory_space<vmem>>, vector<1x16xf32>,
        %swap3A_517 = vector.shape_cast %swap3A_516 : vector<1x16xf32> to vector<16xf32>
        %swap3A_518 = vector.shape_cast %add3A_513 : vector<16xf32> to vector<1x16xf32>
        tpu.vector_store %arg7[%swap3A_514, %swap3A_515], %swap3A_518 {strides = array<i32>} : memref<400x64xf32, #tpu.memory_space<vmem>>, vector<1x16xf32>,
        %get3A_519 = arith.index_cast %scan3A_436 : i32 to index
        %get3A_520 = arith.constant 48 : index
        %get3A_521 = tpu.vector_load %arg14[%get3A_519, %get3A_520] {strides = array<i32>} : memref<200x64xf32, #tpu.memory_space<vmem>>, vector<1x16xf32>,
        %get3A_522 = vector.shape_cast %get3A_521 : vector<1x16xf32> to vector<16xf32>
        %add3A_523 = arith.constant 0 : i32
        %add3A_524 = arith.addi %add3A_523, %scan3A_436 : i32
        %get3A_525 = arith.index_cast %add3A_524 : i32 to index
        %get3A_526 = arith.constant 48 : index
        %get3A_527 = tpu.vector_load %arg7[%get3A_525, %get3A_526] {strides = array<i32>} : memref<400x64xf32, #tpu.memory_space<vmem>>, vector<1x16xf32>,
        %get3A_528 = vector.shape_cast %get3A_527 : vector<1x16xf32> to vector<16xf32>
        %add3A_529 = arith.addf %get3A_528, %get3A_522 : vector<16xf32>
        %swap3A_530 = arith.index_cast %add3A_524 : i32 to index
        %swap3A_531 = arith.constant 48 : index
        %swap3A_532 = tpu.vector_load %arg7[%swap3A_530, %swap3A_531] {strides = array<i32>} : memref<400x64xf32, #tpu.memory_space<vmem>>, vector<1x16xf32>,
        %swap3A_533 = vector.shape_cast %swap3A_532 : vector<1x16xf32> to vector<16xf32>
        %swap3A_534 = vector.shape_cast %add3A_529 : vector<16xf32> to vector<1x16xf32>
        tpu.vector_store %arg7[%swap3A_530, %swap3A_531], %swap3A_534 {strides = array<i32>} : memref<400x64xf32, #tpu.memory_space<vmem>>, vector<1x16xf32>,
        %add3A_535 = arith.constant 200 : i32
        %add3A_536 = arith.addi %add3A_535, %scan3A_436 : i32
        %get3A_537 = arith.index_cast %add3A_536 : i32 to index
        %get3A_538 = arith.constant 48 : index
        %get3A_539 = tpu.vector_load %arg7[%get3A_537, %get3A_538] {strides = array<i32>} : memref<400x64xf32, #tpu.memory_space<vmem>>, vector<1x16xf32>,
        %get3A_540 = vector.shape_cast %get3A_539 : vector<1x16xf32> to vector<16xf32>
        %add3A_541 = arith.addf %get3A_540, %get3A_522 : vector<16xf32>
        %swap3A_542 = arith.index_cast %add3A_536 : i32 to index
        %swap3A_543 = arith.constant 48 : index
        %swap3A_544 = tpu.vector_load %arg7[%swap3A_542, %swap3A_543] {strides = array<i32>} : memref<400x64xf32, #tpu.memory_space<vmem>>, vector<1x16xf32>,
        %swap3A_545 = vector.shape_cast %swap3A_544 : vector<1x16xf32> to vector<16xf32>
        %swap3A_546 = vector.shape_cast %add3A_541 : vector<16xf32> to vector<1x16xf32>
        tpu.vector_store %arg7[%swap3A_542, %swap3A_543], %swap3A_546 {strides = array<i32>} : memref<400x64xf32, #tpu.memory_space<vmem>>, vector<1x16xf32>,
      }
      %scan3A_275 = arith.constant 200 : i32
      %mul3A_276 = arith.constant 400 : i32
      %mul3A_277 = arith.muli %add3A_229, %mul3A_276 : i32
      %add3A_278 = arith.addi %sub3A, %mul3A_277 : i32
      %dma_start3A_279 = tpu.memref_slice %arg5[%add3A_278, %select_n3A_7] : memref<204800x128xf32, #tpu.memory_space<hbm>> -> memref<400x64xf32, #tpu.memory_space<hbm>>
      %dma_start3A_280 = tpu.memref_slice %arg5[%add3A_278, %select_n3A_7] : memref<204800x128xf32, #tpu.memory_space<hbm>> -> memref<400x64xf32, #tpu.memory_space<hbm>>
      tpu.enqueue_dma source(%arg7 : memref<400x64xf32, #tpu.memory_space<vmem>>) target(%dma_start3A_280 : memref<400x64xf32, #tpu.memory_space<hbm>>) target_semaphore(%arg20 : memref<!tpu.dma_semaphore, #tpu.memory_space<semaphore_mem>>)
      %add3A_281 = arith.constant 3 : i32
      %add3A_282 = arith.addi %add3A_229, %add3A_281 : i32
      %lt3A_283 = arith.constant 32 : i32
      %lt3A_284 = arith.cmpi slt, %add3A_282, %lt3A_283 : i32
      %ge3A_285 = arith.constant 1 : i32
      %ge3A_286 = arith.cmpi sge, %add3A_229, %ge3A_285 : i32
      %and3A_287 = arith.andi %lt3A_284, %ge3A_286 : i1
      %convert_element_type3A_288 = arith.extui %and3A_287 : i1 to i32
      %cond3A_289 = arith.constant 0 : i32
      %cond3A_290 = arith.cmpi ne, %convert_element_type3A_288, %cond3A_289 : i32
      scf.if %cond3A_290 {
        %sub3A_436 = arith.constant 1 : i32
        %sub3A_437 = arith.subi %add3A_229, %sub3A_436 : i32
        %mul3A_438 = arith.constant 400 : i32
        %mul3A_439 = arith.muli %sub3A_437, %mul3A_438 : i32
        %add3A_440 = arith.addi %sub3A, %mul3A_439 : i32
        %dma_wait3A_441 = tpu.memref_slice %arg5[%add3A_440, %select_n3A_7] : memref<204800x128xf32, #tpu.memory_space<hbm>> -> memref<400x64xf32, #tpu.memory_space<hbm>>
        %dma_wait3A_442 = tpu.memref_slice %arg5[%add3A_440, %select_n3A_7] : memref<204800x128xf32, #tpu.memory_space<hbm>> -> memref<400x64xf32, #tpu.memory_space<hbm>>
        tpu.wait_dma2 semaphore(%arg19 : memref<!tpu.dma_semaphore, #tpu.memory_space<semaphore_mem>>) src(%arg6 : memref<400x64xf32, #tpu.memory_space<vmem>>) dst(%dma_wait3A_442 : memref<400x64xf32, #tpu.memory_space<hbm>>)
      } else {
      }
      %lt3A_291 = arith.constant 32 : i32
      %lt3A_292 = arith.cmpi slt, %add3A_282, %lt3A_291 : i32
      %convert_element_type3A_293 = arith.extui %lt3A_292 : i1 to i32
      %cond3A_294 = arith.constant 0 : i32
      %cond3A_295 = arith.cmpi ne, %convert_element_type3A_293, %cond3A_294 : i32
      scf.if %cond3A_295 {
        %mul3A_436 = arith.constant 400 : i32
        %mul3A_437 = arith.muli %add3A_282, %mul3A_436 : i32
        %add3A_438 = arith.addi %mul3A_2, %mul3A_437 : i32
        "tpu.region"() ({
          %run_scoped3A = tpu.sem_alloc : memref<!tpu.dma_semaphore, #tpu.memory_space<semaphore_mem>>
          %dma_start3A_479 = tpu.memref_slice %arg3[%add3A_438] : memref<409600xi32, #tpu.memory_space<hbm>> -> memref<400xi32, #tpu.memory_space<hbm>>
          %dma_start3A_480 = tpu.memref_slice %arg3[%add3A_438] : memref<409600xi32, #tpu.memory_space<hbm>> -> memref<400xi32, #tpu.memory_space<hbm>>
          tpu.enqueue_dma source(%dma_start3A_480 : memref<400xi32, #tpu.memory_space<hbm>>) target(%arg10 : memref<400xi32, #tpu.memory_space<vmem>>) target_semaphore(%run_scoped3A : memref<!tpu.dma_semaphore, #tpu.memory_space<semaphore_mem>>)
          %dma_wait3A_481 = tpu.memref_slice %arg3[%add3A_438] : memref<409600xi32, #tpu.memory_space<hbm>> -> memref<400xi32, #tpu.memory_space<hbm>>
          %dma_wait3A_482 = tpu.memref_slice %arg3[%add3A_438] : memref<409600xi32, #tpu.memory_space<hbm>> -> memref<400xi32, #tpu.memory_space<hbm>>
          tpu.wait_dma2 semaphore(%run_scoped3A : memref<!tpu.dma_semaphore, #tpu.memory_space<semaphore_mem>>) src(%dma_wait3A_482 : memref<400xi32, #tpu.memory_space<hbm>>) dst(%arg10 : memref<400xi32, #tpu.memory_space<vmem>>)
          tpu.yield
        }) : () -> ()
        %dma_start3A_439 = arith.constant 0 : i32
        %dma_start3A_440 = arith.constant 0 : i32
        %dma_start3A_441 = tpu.memref_slice %arg6[%dma_start3A_439, %dma_start3A_440] : memref<400x64xf32, #tpu.memory_space<vmem>> -> memref<80x64xf32, #tpu.memory_space<vmem>>
        %dma_start3A_442 = arith.constant 0 : i32
        %dma_start3A_443 = tpu.memref_slice %arg10[%dma_start3A_442] : memref<400xi32, #tpu.memory_space<vmem>> -> memref<80xi32, #tpu.memory_space<vmem>>
        %dma_start3A_444 = arith.constant 0 : i32
        %dma_start3A_445 = arith.constant 0 : i32
        %dma_start3A_446 = tpu.memref_slice %arg2[%dma_start3A_444, %dma_start3A_445] : memref<1003520x64xf32, #tpu.memory_space<hbm>> -> memref<1003520x64xf32, #tpu.memory_space<hbm>>
        tpu.enqueue_indirect_dma source(%dma_start3A_446 : memref<1003520x64xf32, #tpu.memory_space<hbm>>) target(%dma_start3A_441 : memref<80x64xf32, #tpu.memory_space<vmem>>) offsets(%dma_start3A_443 : memref<80xi32, #tpu.memory_space<vmem>>) semaphore(%arg15 : memref<!tpu.dma_semaphore, #tpu.memory_space<semaphore_mem>>)
        %dma_start3A_447 = arith.constant 80 : i32
        %dma_start3A_448 = arith.constant 0 : i32
        %dma_start3A_449 = tpu.memref_slice %arg6[%dma_start3A_447, %dma_start3A_448] : memref<400x64xf32, #tpu.memory_space<vmem>> -> memref<80x64xf32, #tpu.memory_space<vmem>>
        %dma_start3A_450 = arith.constant 80 : i32
        %dma_start3A_451 = tpu.memref_slice %arg10[%dma_start3A_450] : memref<400xi32, #tpu.memory_space<vmem>> -> memref<80xi32, #tpu.memory_space<vmem>>
        %dma_start3A_452 = arith.constant 0 : i32
        %dma_start3A_453 = arith.constant 0 : i32
        %dma_start3A_454 = tpu.memref_slice %arg2[%dma_start3A_452, %dma_start3A_453] : memref<1003520x64xf32, #tpu.memory_space<hbm>> -> memref<1003520x64xf32, #tpu.memory_space<hbm>>
        tpu.enqueue_indirect_dma source(%dma_start3A_454 : memref<1003520x64xf32, #tpu.memory_space<hbm>>) target(%dma_start3A_449 : memref<80x64xf32, #tpu.memory_space<vmem>>) offsets(%dma_start3A_451 : memref<80xi32, #tpu.memory_space<vmem>>) semaphore(%arg15 : memref<!tpu.dma_semaphore, #tpu.memory_space<semaphore_mem>>)
        %dma_start3A_455 = arith.constant 160 : i32
        %dma_start3A_456 = arith.constant 0 : i32
        %dma_start3A_457 = tpu.memref_slice %arg6[%dma_start3A_455, %dma_start3A_456] : memref<400x64xf32, #tpu.memory_space<vmem>> -> memref<80x64xf32, #tpu.memory_space<vmem>>
        %dma_start3A_458 = arith.constant 160 : i32
        %dma_start3A_459 = tpu.memref_slice %arg10[%dma_start3A_458] : memref<400xi32, #tpu.memory_space<vmem>> -> memref<80xi32, #tpu.memory_space<vmem>>
        %dma_start3A_460 = arith.constant 0 : i32
        %dma_start3A_461 = arith.constant 0 : i32
        %dma_start3A_462 = tpu.memref_slice %arg2[%dma_start3A_460, %dma_start3A_461] : memref<1003520x64xf32, #tpu.memory_space<hbm>> -> memref<1003520x64xf32, #tpu.memory_space<hbm>>
        tpu.enqueue_indirect_dma source(%dma_start3A_462 : memref<1003520x64xf32, #tpu.memory_space<hbm>>) target(%dma_start3A_457 : memref<80x64xf32, #tpu.memory_space<vmem>>) offsets(%dma_start3A_459 : memref<80xi32, #tpu.memory_space<vmem>>) semaphore(%arg15 : memref<!tpu.dma_semaphore, #tpu.memory_space<semaphore_mem>>)
        %dma_start3A_463 = arith.constant 240 : i32
        %dma_start3A_464 = arith.constant 0 : i32
        %dma_start3A_465 = tpu.memref_slice %arg6[%dma_start3A_463, %dma_start3A_464] : memref<400x64xf32, #tpu.memory_space<vmem>> -> memref<80x64xf32, #tpu.memory_space<vmem>>
        %dma_start3A_466 = arith.constant 240 : i32
        %dma_start3A_467 = tpu.memref_slice %arg10[%dma_start3A_466] : memref<400xi32, #tpu.memory_space<vmem>> -> memref<80xi32, #tpu.memory_space<vmem>>
        %dma_start3A_468 = arith.constant 0 : i32
        %dma_start3A_469 = arith.constant 0 : i32
        %dma_start3A_470 = tpu.memref_slice %arg2[%dma_start3A_468, %dma_start3A_469] : memref<1003520x64xf32, #tpu.memory_space<hbm>> -> memref<1003520x64xf32, #tpu.memory_space<hbm>>
        tpu.enqueue_indirect_dma source(%dma_start3A_470 : memref<1003520x64xf32, #tpu.memory_space<hbm>>) target(%dma_start3A_465 : memref<80x64xf32, #tpu.memory_space<vmem>>) offsets(%dma_start3A_467 : memref<80xi32, #tpu.memory_space<vmem>>) semaphore(%arg15 : memref<!tpu.dma_semaphore, #tpu.memory_space<semaphore_mem>>)
        %dma_start3A_471 = arith.constant 320 : i32
        %dma_start3A_472 = arith.constant 0 : i32
        %dma_start3A_473 = tpu.memref_slice %arg6[%dma_start3A_471, %dma_start3A_472] : memref<400x64xf32, #tpu.memory_space<vmem>> -> memref<80x64xf32, #tpu.memory_space<vmem>>
        %dma_start3A_474 = arith.constant 320 : i32
        %dma_start3A_475 = tpu.memref_slice %arg10[%dma_start3A_474] : memref<400xi32, #tpu.memory_space<vmem>> -> memref<80xi32, #tpu.memory_space<vmem>>
        %dma_start3A_476 = arith.constant 0 : i32
        %dma_start3A_477 = arith.constant 0 : i32
        %dma_start3A_478 = tpu.memref_slice %arg2[%dma_start3A_476, %dma_start3A_477] : memref<1003520x64xf32, #tpu.memory_space<hbm>> -> memref<1003520x64xf32, #tpu.memory_space<hbm>>
        tpu.enqueue_indirect_dma source(%dma_start3A_478 : memref<1003520x64xf32, #tpu.memory_space<hbm>>) target(%dma_start3A_473 : memref<80x64xf32, #tpu.memory_space<vmem>>) offsets(%dma_start3A_475 : memref<80xi32, #tpu.memory_space<vmem>>) semaphore(%arg15 : memref<!tpu.dma_semaphore, #tpu.memory_space<semaphore_mem>>)
      } else {
      }
      %mul3A_296 = arith.constant 4 : i32
      %mul3A_297 = arith.muli %scan3A_159, %mul3A_296 : i32
      %add3A_298 = arith.constant 2 : i32
      %add3A_299 = arith.addi %mul3A_297, %add3A_298 : i32
      %dma_wait3A_300 = arith.constant 0 : i32
      %dma_wait3A_301 = arith.constant 0 : i32
      %dma_wait3A_302 = tpu.memref_slice %arg8[%dma_wait3A_300, %dma_wait3A_301] : memref<400x64xf32, #tpu.memory_space<vmem>> -> memref<80x64xf32, #tpu.memory_space<vmem>>
      %dma_wait3A_303 = arith.constant 0 : i32
      %dma_wait3A_304 = tpu.memref_slice %arg12[%dma_wait3A_303] : memref<400xi32, #tpu.memory_space<vmem>> -> memref<80xi32, #tpu.memory_space<vmem>>
      %dma_wait3A_305 = arith.constant 0 : i32
      %dma_wait3A_306 = arith.constant 0 : i32
      %dma_wait3A_307 = tpu.memref_slice %arg2[%dma_wait3A_305, %dma_wait3A_306] : memref<1003520x64xf32, #tpu.memory_space<hbm>> -> memref<1003520x64xf32, #tpu.memory_space<hbm>>
      tpu.wait_indirect_dma semaphore(%arg17 : memref<!tpu.dma_semaphore, #tpu.memory_space<semaphore_mem>>) src(%dma_wait3A_307 : memref<1003520x64xf32, #tpu.memory_space<hbm>>) dst(%dma_wait3A_302 : memref<80x64xf32, #tpu.memory_space<vmem>>)
      %dma_wait3A_308 = arith.constant 80 : i32
      %dma_wait3A_309 = arith.constant 0 : i32
      %dma_wait3A_310 = tpu.memref_slice %arg8[%dma_wait3A_308, %dma_wait3A_309] : memref<400x64xf32, #tpu.memory_space<vmem>> -> memref<80x64xf32, #tpu.memory_space<vmem>>
      %dma_wait3A_311 = arith.constant 80 : i32
      %dma_wait3A_312 = tpu.memref_slice %arg12[%dma_wait3A_311] : memref<400xi32, #tpu.memory_space<vmem>> -> memref<80xi32, #tpu.memory_space<vmem>>
      %dma_wait3A_313 = arith.constant 0 : i32
      %dma_wait3A_314 = arith.constant 0 : i32
      %dma_wait3A_315 = tpu.memref_slice %arg2[%dma_wait3A_313, %dma_wait3A_314] : memref<1003520x64xf32, #tpu.memory_space<hbm>> -> memref<1003520x64xf32, #tpu.memory_space<hbm>>
      tpu.wait_indirect_dma semaphore(%arg17 : memref<!tpu.dma_semaphore, #tpu.memory_space<semaphore_mem>>) src(%dma_wait3A_315 : memref<1003520x64xf32, #tpu.memory_space<hbm>>) dst(%dma_wait3A_310 : memref<80x64xf32, #tpu.memory_space<vmem>>)
      %dma_wait3A_316 = arith.constant 160 : i32
      %dma_wait3A_317 = arith.constant 0 : i32
      %dma_wait3A_318 = tpu.memref_slice %arg8[%dma_wait3A_316, %dma_wait3A_317] : memref<400x64xf32, #tpu.memory_space<vmem>> -> memref<80x64xf32, #tpu.memory_space<vmem>>
      %dma_wait3A_319 = arith.constant 160 : i32
      %dma_wait3A_320 = tpu.memref_slice %arg12[%dma_wait3A_319] : memref<400xi32, #tpu.memory_space<vmem>> -> memref<80xi32, #tpu.memory_space<vmem>>
      %dma_wait3A_321 = arith.constant 0 : i32
      %dma_wait3A_322 = arith.constant 0 : i32
      %dma_wait3A_323 = tpu.memref_slice %arg2[%dma_wait3A_321, %dma_wait3A_322] : memref<1003520x64xf32, #tpu.memory_space<hbm>> -> memref<1003520x64xf32, #tpu.memory_space<hbm>>
      tpu.wait_indirect_dma semaphore(%arg17 : memref<!tpu.dma_semaphore, #tpu.memory_space<semaphore_mem>>) src(%dma_wait3A_323 : memref<1003520x64xf32, #tpu.memory_space<hbm>>) dst(%dma_wait3A_318 : memref<80x64xf32, #tpu.memory_space<vmem>>)
      %dma_wait3A_324 = arith.constant 240 : i32
      %dma_wait3A_325 = arith.constant 0 : i32
      %dma_wait3A_326 = tpu.memref_slice %arg8[%dma_wait3A_324, %dma_wait3A_325] : memref<400x64xf32, #tpu.memory_space<vmem>> -> memref<80x64xf32, #tpu.memory_space<vmem>>
      %dma_wait3A_327 = arith.constant 240 : i32
      %dma_wait3A_328 = tpu.memref_slice %arg12[%dma_wait3A_327] : memref<400xi32, #tpu.memory_space<vmem>> -> memref<80xi32, #tpu.memory_space<vmem>>
      %dma_wait3A_329 = arith.constant 0 : i32
      %dma_wait3A_330 = arith.constant 0 : i32
      %dma_wait3A_331 = tpu.memref_slice %arg2[%dma_wait3A_329, %dma_wait3A_330] : memref<1003520x64xf32, #tpu.memory_space<hbm>> -> memref<1003520x64xf32, #tpu.memory_space<hbm>>
      tpu.wait_indirect_dma semaphore(%arg17 : memref<!tpu.dma_semaphore, #tpu.memory_space<semaphore_mem>>) src(%dma_wait3A_331 : memref<1003520x64xf32, #tpu.memory_space<hbm>>) dst(%dma_wait3A_326 : memref<80x64xf32, #tpu.memory_space<vmem>>)
      %dma_wait3A_332 = arith.constant 320 : i32
      %dma_wait3A_333 = arith.constant 0 : i32
      %dma_wait3A_334 = tpu.memref_slice %arg8[%dma_wait3A_332, %dma_wait3A_333] : memref<400x64xf32, #tpu.memory_space<vmem>> -> memref<80x64xf32, #tpu.memory_space<vmem>>
      %dma_wait3A_335 = arith.constant 320 : i32
      %dma_wait3A_336 = tpu.memref_slice %arg12[%dma_wait3A_335] : memref<400xi32, #tpu.memory_space<vmem>> -> memref<80xi32, #tpu.memory_space<vmem>>
      %dma_wait3A_337 = arith.constant 0 : i32
      %dma_wait3A_338 = arith.constant 0 : i32
      %dma_wait3A_339 = tpu.memref_slice %arg2[%dma_wait3A_337, %dma_wait3A_338] : memref<1003520x64xf32, #tpu.memory_space<hbm>> -> memref<1003520x64xf32, #tpu.memory_space<hbm>>
      tpu.wait_indirect_dma semaphore(%arg17 : memref<!tpu.dma_semaphore, #tpu.memory_space<semaphore_mem>>) src(%dma_wait3A_339 : memref<1003520x64xf32, #tpu.memory_space<hbm>>) dst(%dma_wait3A_334 : memref<80x64xf32, #tpu.memory_space<vmem>>)
      %scan3A_340 = arith.constant 0 : i32
      %scan3A_341 = arith.constant 0 : i32
      %scan3A_342 = arith.constant 200 : i32
      %scan3A_343 = arith.addi %scan3A_341, %scan3A_342 : i32
      %scan3A_344 = arith.constant 1 : i32
      scf.for %scan3A_436 = %scan3A_341 to %scan3A_343 step %scan3A_344  : i32 {
        %get3A = arith.index_cast %scan3A_436 : i32 to index
        %get3A_437 = arith.constant 0 : index
        %get3A_438 = tpu.vector_load %arg14[%get3A, %get3A_437] {strides = array<i32>} : memref<200x64xf32, #tpu.memory_space<vmem>>, vector<1x16xf32>,
        %get3A_439 = vector.shape_cast %get3A_438 : vector<1x16xf32> to vector<16xf32>
        %add3A_440 = arith.constant 0 : i32
        %add3A_441 = arith.addi %add3A_440, %scan3A_436 : i32
        %get3A_442 = arith.index_cast %add3A_441 : i32 to index
        %get3A_443 = arith.constant 0 : index
        %get3A_444 = tpu.vector_load %arg8[%get3A_442, %get3A_443] {strides = array<i32>} : memref<400x64xf32, #tpu.memory_space<vmem>>, vector<1x16xf32>,
        %get3A_445 = vector.shape_cast %get3A_444 : vector<1x16xf32> to vector<16xf32>
        %add3A_446 = arith.addf %get3A_445, %get3A_439 : vector<16xf32>
        %swap3A = arith.index_cast %add3A_441 : i32 to index
        %swap3A_447 = arith.constant 0 : index
        %swap3A_448 = tpu.vector_load %arg8[%swap3A, %swap3A_447] {strides = array<i32>} : memref<400x64xf32, #tpu.memory_space<vmem>>, vector<1x16xf32>,
        %swap3A_449 = vector.shape_cast %swap3A_448 : vector<1x16xf32> to vector<16xf32>
        %swap3A_450 = vector.shape_cast %add3A_446 : vector<16xf32> to vector<1x16xf32>
        tpu.vector_store %arg8[%swap3A, %swap3A_447], %swap3A_450 {strides = array<i32>} : memref<400x64xf32, #tpu.memory_space<vmem>>, vector<1x16xf32>,
        %add3A_451 = arith.constant 200 : i32
        %add3A_452 = arith.addi %add3A_451, %scan3A_436 : i32
        %get3A_453 = arith.index_cast %add3A_452 : i32 to index
        %get3A_454 = arith.constant 0 : index
        %get3A_455 = tpu.vector_load %arg8[%get3A_453, %get3A_454] {strides = array<i32>} : memref<400x64xf32, #tpu.memory_space<vmem>>, vector<1x16xf32>,
        %get3A_456 = vector.shape_cast %get3A_455 : vector<1x16xf32> to vector<16xf32>
        %add3A_457 = arith.addf %get3A_456, %get3A_439 : vector<16xf32>
        %swap3A_458 = arith.index_cast %add3A_452 : i32 to index
        %swap3A_459 = arith.constant 0 : index
        %swap3A_460 = tpu.vector_load %arg8[%swap3A_458, %swap3A_459] {strides = array<i32>} : memref<400x64xf32, #tpu.memory_space<vmem>>, vector<1x16xf32>,
        %swap3A_461 = vector.shape_cast %swap3A_460 : vector<1x16xf32> to vector<16xf32>
        %swap3A_462 = vector.shape_cast %add3A_457 : vector<16xf32> to vector<1x16xf32>
        tpu.vector_store %arg8[%swap3A_458, %swap3A_459], %swap3A_462 {strides = array<i32>} : memref<400x64xf32, #tpu.memory_space<vmem>>, vector<1x16xf32>,
        %get3A_463 = arith.index_cast %scan3A_436 : i32 to index
        %get3A_464 = arith.constant 16 : index
        %get3A_465 = tpu.vector_load %arg14[%get3A_463, %get3A_464] {strides = array<i32>} : memref<200x64xf32, #tpu.memory_space<vmem>>, vector<1x16xf32>,
        %get3A_466 = vector.shape_cast %get3A_465 : vector<1x16xf32> to vector<16xf32>
        %add3A_467 = arith.constant 0 : i32
        %add3A_468 = arith.addi %add3A_467, %scan3A_436 : i32
        %get3A_469 = arith.index_cast %add3A_468 : i32 to index
        %get3A_470 = arith.constant 16 : index
        %get3A_471 = tpu.vector_load %arg8[%get3A_469, %get3A_470] {strides = array<i32>} : memref<400x64xf32, #tpu.memory_space<vmem>>, vector<1x16xf32>,
        %get3A_472 = vector.shape_cast %get3A_471 : vector<1x16xf32> to vector<16xf32>
        %add3A_473 = arith.addf %get3A_472, %get3A_466 : vector<16xf32>
        %swap3A_474 = arith.index_cast %add3A_468 : i32 to index
        %swap3A_475 = arith.constant 16 : index
        %swap3A_476 = tpu.vector_load %arg8[%swap3A_474, %swap3A_475] {strides = array<i32>} : memref<400x64xf32, #tpu.memory_space<vmem>>, vector<1x16xf32>,
        %swap3A_477 = vector.shape_cast %swap3A_476 : vector<1x16xf32> to vector<16xf32>
        %swap3A_478 = vector.shape_cast %add3A_473 : vector<16xf32> to vector<1x16xf32>
        tpu.vector_store %arg8[%swap3A_474, %swap3A_475], %swap3A_478 {strides = array<i32>} : memref<400x64xf32, #tpu.memory_space<vmem>>, vector<1x16xf32>,
        %add3A_479 = arith.constant 200 : i32
        %add3A_480 = arith.addi %add3A_479, %scan3A_436 : i32
        %get3A_481 = arith.index_cast %add3A_480 : i32 to index
        %get3A_482 = arith.constant 16 : index
        %get3A_483 = tpu.vector_load %arg8[%get3A_481, %get3A_482] {strides = array<i32>} : memref<400x64xf32, #tpu.memory_space<vmem>>, vector<1x16xf32>,
        %get3A_484 = vector.shape_cast %get3A_483 : vector<1x16xf32> to vector<16xf32>
        %add3A_485 = arith.addf %get3A_484, %get3A_466 : vector<16xf32>
        %swap3A_486 = arith.index_cast %add3A_480 : i32 to index
        %swap3A_487 = arith.constant 16 : index
        %swap3A_488 = tpu.vector_load %arg8[%swap3A_486, %swap3A_487] {strides = array<i32>} : memref<400x64xf32, #tpu.memory_space<vmem>>, vector<1x16xf32>,
        %swap3A_489 = vector.shape_cast %swap3A_488 : vector<1x16xf32> to vector<16xf32>
        %swap3A_490 = vector.shape_cast %add3A_485 : vector<16xf32> to vector<1x16xf32>
        tpu.vector_store %arg8[%swap3A_486, %swap3A_487], %swap3A_490 {strides = array<i32>} : memref<400x64xf32, #tpu.memory_space<vmem>>, vector<1x16xf32>,
        %get3A_491 = arith.index_cast %scan3A_436 : i32 to index
        %get3A_492 = arith.constant 32 : index
        %get3A_493 = tpu.vector_load %arg14[%get3A_491, %get3A_492] {strides = array<i32>} : memref<200x64xf32, #tpu.memory_space<vmem>>, vector<1x16xf32>,
        %get3A_494 = vector.shape_cast %get3A_493 : vector<1x16xf32> to vector<16xf32>
        %add3A_495 = arith.constant 0 : i32
        %add3A_496 = arith.addi %add3A_495, %scan3A_436 : i32
        %get3A_497 = arith.index_cast %add3A_496 : i32 to index
        %get3A_498 = arith.constant 32 : index
        %get3A_499 = tpu.vector_load %arg8[%get3A_497, %get3A_498] {strides = array<i32>} : memref<400x64xf32, #tpu.memory_space<vmem>>, vector<1x16xf32>,
        %get3A_500 = vector.shape_cast %get3A_499 : vector<1x16xf32> to vector<16xf32>
        %add3A_501 = arith.addf %get3A_500, %get3A_494 : vector<16xf32>
        %swap3A_502 = arith.index_cast %add3A_496 : i32 to index
        %swap3A_503 = arith.constant 32 : index
        %swap3A_504 = tpu.vector_load %arg8[%swap3A_502, %swap3A_503] {strides = array<i32>} : memref<400x64xf32, #tpu.memory_space<vmem>>, vector<1x16xf32>,
        %swap3A_505 = vector.shape_cast %swap3A_504 : vector<1x16xf32> to vector<16xf32>
        %swap3A_506 = vector.shape_cast %add3A_501 : vector<16xf32> to vector<1x16xf32>
        tpu.vector_store %arg8[%swap3A_502, %swap3A_503], %swap3A_506 {strides = array<i32>} : memref<400x64xf32, #tpu.memory_space<vmem>>, vector<1x16xf32>,
        %add3A_507 = arith.constant 200 : i32
        %add3A_508 = arith.addi %add3A_507, %scan3A_436 : i32
        %get3A_509 = arith.index_cast %add3A_508 : i32 to index
        %get3A_510 = arith.constant 32 : index
        %get3A_511 = tpu.vector_load %arg8[%get3A_509, %get3A_510] {strides = array<i32>} : memref<400x64xf32, #tpu.memory_space<vmem>>, vector<1x16xf32>,
        %get3A_512 = vector.shape_cast %get3A_511 : vector<1x16xf32> to vector<16xf32>
        %add3A_513 = arith.addf %get3A_512, %get3A_494 : vector<16xf32>
        %swap3A_514 = arith.index_cast %add3A_508 : i32 to index
        %swap3A_515 = arith.constant 32 : index
        %swap3A_516 = tpu.vector_load %arg8[%swap3A_514, %swap3A_515] {strides = array<i32>} : memref<400x64xf32, #tpu.memory_space<vmem>>, vector<1x16xf32>,
        %swap3A_517 = vector.shape_cast %swap3A_516 : vector<1x16xf32> to vector<16xf32>
        %swap3A_518 = vector.shape_cast %add3A_513 : vector<16xf32> to vector<1x16xf32>
        tpu.vector_store %arg8[%swap3A_514, %swap3A_515], %swap3A_518 {strides = array<i32>} : memref<400x64xf32, #tpu.memory_space<vmem>>, vector<1x16xf32>,
        %get3A_519 = arith.index_cast %scan3A_436 : i32 to index
        %get3A_520 = arith.constant 48 : index
        %get3A_521 = tpu.vector_load %arg14[%get3A_519, %get3A_520] {strides = array<i32>} : memref<200x64xf32, #tpu.memory_space<vmem>>, vector<1x16xf32>,
        %get3A_522 = vector.shape_cast %get3A_521 : vector<1x16xf32> to vector<16xf32>
        %add3A_523 = arith.constant 0 : i32
        %add3A_524 = arith.addi %add3A_523, %scan3A_436 : i32
        %get3A_525 = arith.index_cast %add3A_524 : i32 to index
        %get3A_526 = arith.constant 48 : index
        %get3A_527 = tpu.vector_load %arg8[%get3A_525, %get3A_526] {strides = array<i32>} : memref<400x64xf32, #tpu.memory_space<vmem>>, vector<1x16xf32>,
        %get3A_528 = vector.shape_cast %get3A_527 : vector<1x16xf32> to vector<16xf32>
        %add3A_529 = arith.addf %get3A_528, %get3A_522 : vector<16xf32>
        %swap3A_530 = arith.index_cast %add3A_524 : i32 to index
        %swap3A_531 = arith.constant 48 : index
        %swap3A_532 = tpu.vector_load %arg8[%swap3A_530, %swap3A_531] {strides = array<i32>} : memref<400x64xf32, #tpu.memory_space<vmem>>, vector<1x16xf32>,
        %swap3A_533 = vector.shape_cast %swap3A_532 : vector<1x16xf32> to vector<16xf32>
        %swap3A_534 = vector.shape_cast %add3A_529 : vector<16xf32> to vector<1x16xf32>
        tpu.vector_store %arg8[%swap3A_530, %swap3A_531], %swap3A_534 {strides = array<i32>} : memref<400x64xf32, #tpu.memory_space<vmem>>, vector<1x16xf32>,
        %add3A_535 = arith.constant 200 : i32
        %add3A_536 = arith.addi %add3A_535, %scan3A_436 : i32
        %get3A_537 = arith.index_cast %add3A_536 : i32 to index
        %get3A_538 = arith.constant 48 : index
        %get3A_539 = tpu.vector_load %arg8[%get3A_537, %get3A_538] {strides = array<i32>} : memref<400x64xf32, #tpu.memory_space<vmem>>, vector<1x16xf32>,
        %get3A_540 = vector.shape_cast %get3A_539 : vector<1x16xf32> to vector<16xf32>
        %add3A_541 = arith.addf %get3A_540, %get3A_522 : vector<16xf32>
        %swap3A_542 = arith.index_cast %add3A_536 : i32 to index
        %swap3A_543 = arith.constant 48 : index
        %swap3A_544 = tpu.vector_load %arg8[%swap3A_542, %swap3A_543] {strides = array<i32>} : memref<400x64xf32, #tpu.memory_space<vmem>>, vector<1x16xf32>,
        %swap3A_545 = vector.shape_cast %swap3A_544 : vector<1x16xf32> to vector<16xf32>
        %swap3A_546 = vector.shape_cast %add3A_541 : vector<16xf32> to vector<1x16xf32>
        tpu.vector_store %arg8[%swap3A_542, %swap3A_543], %swap3A_546 {strides = array<i32>} : memref<400x64xf32, #tpu.memory_space<vmem>>, vector<1x16xf32>,
      }
      %scan3A_345 = arith.constant 200 : i32
      %mul3A_346 = arith.constant 400 : i32
      %mul3A_347 = arith.muli %add3A_299, %mul3A_346 : i32
      %add3A_348 = arith.addi %sub3A, %mul3A_347 : i32
      %dma_start3A_349 = tpu.memref_slice %arg5[%add3A_348, %select_n3A_7] : memref<204800x128xf32, #tpu.memory_space<hbm>> -> memref<400x64xf32, #tpu.memory_space<hbm>>
      %dma_start3A_350 = tpu.memref_slice %arg5[%add3A_348, %select_n3A_7] : memref<204800x128xf32, #tpu.memory_space<hbm>> -> memref<400x64xf32, #tpu.memory_space<hbm>>
      tpu.enqueue_dma source(%arg8 : memref<400x64xf32, #tpu.memory_space<vmem>>) target(%dma_start3A_350 : memref<400x64xf32, #tpu.memory_space<hbm>>) target_semaphore(%arg21 : memref<!tpu.dma_semaphore, #tpu.memory_space<semaphore_mem>>)
      %add3A_351 = arith.constant 3 : i32
      %add3A_352 = arith.addi %add3A_299, %add3A_351 : i32
      %lt3A_353 = arith.constant 32 : i32
      %lt3A_354 = arith.cmpi slt, %add3A_352, %lt3A_353 : i32
      %ge3A_355 = arith.constant 1 : i32
      %ge3A_356 = arith.cmpi sge, %add3A_299, %ge3A_355 : i32
      %and3A_357 = arith.andi %lt3A_354, %ge3A_356 : i1
      %convert_element_type3A_358 = arith.extui %and3A_357 : i1 to i32
      %cond3A_359 = arith.constant 0 : i32
      %cond3A_360 = arith.cmpi ne, %convert_element_type3A_358, %cond3A_359 : i32
      scf.if %cond3A_360 {
        %sub3A_436 = arith.constant 1 : i32
        %sub3A_437 = arith.subi %add3A_299, %sub3A_436 : i32
        %mul3A_438 = arith.constant 400 : i32
        %mul3A_439 = arith.muli %sub3A_437, %mul3A_438 : i32
        %add3A_440 = arith.addi %sub3A, %mul3A_439 : i32
        %dma_wait3A_441 = tpu.memref_slice %arg5[%add3A_440, %select_n3A_7] : memref<204800x128xf32, #tpu.memory_space<hbm>> -> memref<400x64xf32, #tpu.memory_space<hbm>>
        %dma_wait3A_442 = tpu.memref_slice %arg5[%add3A_440, %select_n3A_7] : memref<204800x128xf32, #tpu.memory_space<hbm>> -> memref<400x64xf32, #tpu.memory_space<hbm>>
        tpu.wait_dma2 semaphore(%arg20 : memref<!tpu.dma_semaphore, #tpu.memory_space<semaphore_mem>>) src(%arg7 : memref<400x64xf32, #tpu.memory_space<vmem>>) dst(%dma_wait3A_442 : memref<400x64xf32, #tpu.memory_space<hbm>>)
      } else {
      }
      %lt3A_361 = arith.constant 32 : i32
      %lt3A_362 = arith.cmpi slt, %add3A_352, %lt3A_361 : i32
      %convert_element_type3A_363 = arith.extui %lt3A_362 : i1 to i32
      %cond3A_364 = arith.constant 0 : i32
      %cond3A_365 = arith.cmpi ne, %convert_element_type3A_363, %cond3A_364 : i32
      scf.if %cond3A_365 {
        %mul3A_436 = arith.constant 400 : i32
        %mul3A_437 = arith.muli %add3A_352, %mul3A_436 : i32
        %add3A_438 = arith.addi %mul3A_2, %mul3A_437 : i32
        "tpu.region"() ({
          %run_scoped3A = tpu.sem_alloc : memref<!tpu.dma_semaphore, #tpu.memory_space<semaphore_mem>>
          %dma_start3A_479 = tpu.memref_slice %arg3[%add3A_438] : memref<409600xi32, #tpu.memory_space<hbm>> -> memref<400xi32, #tpu.memory_space<hbm>>
          %dma_start3A_480 = tpu.memref_slice %arg3[%add3A_438] : memref<409600xi32, #tpu.memory_space<hbm>> -> memref<400xi32, #tpu.memory_space<hbm>>
          tpu.enqueue_dma source(%dma_start3A_480 : memref<400xi32, #tpu.memory_space<hbm>>) target(%arg11 : memref<400xi32, #tpu.memory_space<vmem>>) target_semaphore(%run_scoped3A : memref<!tpu.dma_semaphore, #tpu.memory_space<semaphore_mem>>)
          %dma_wait3A_481 = tpu.memref_slice %arg3[%add3A_438] : memref<409600xi32, #tpu.memory_space<hbm>> -> memref<400xi32, #tpu.memory_space<hbm>>
          %dma_wait3A_482 = tpu.memref_slice %arg3[%add3A_438] : memref<409600xi32, #tpu.memory_space<hbm>> -> memref<400xi32, #tpu.memory_space<hbm>>
          tpu.wait_dma2 semaphore(%run_scoped3A : memref<!tpu.dma_semaphore, #tpu.memory_space<semaphore_mem>>) src(%dma_wait3A_482 : memref<400xi32, #tpu.memory_space<hbm>>) dst(%arg11 : memref<400xi32, #tpu.memory_space<vmem>>)
          tpu.yield
        }) : () -> ()
        %dma_start3A_439 = arith.constant 0 : i32
        %dma_start3A_440 = arith.constant 0 : i32
        %dma_start3A_441 = tpu.memref_slice %arg7[%dma_start3A_439, %dma_start3A_440] : memref<400x64xf32, #tpu.memory_space<vmem>> -> memref<80x64xf32, #tpu.memory_space<vmem>>
        %dma_start3A_442 = arith.constant 0 : i32
        %dma_start3A_443 = tpu.memref_slice %arg11[%dma_start3A_442] : memref<400xi32, #tpu.memory_space<vmem>> -> memref<80xi32, #tpu.memory_space<vmem>>
        %dma_start3A_444 = arith.constant 0 : i32
        %dma_start3A_445 = arith.constant 0 : i32
        %dma_start3A_446 = tpu.memref_slice %arg2[%dma_start3A_444, %dma_start3A_445] : memref<1003520x64xf32, #tpu.memory_space<hbm>> -> memref<1003520x64xf32, #tpu.memory_space<hbm>>
        tpu.enqueue_indirect_dma source(%dma_start3A_446 : memref<1003520x64xf32, #tpu.memory_space<hbm>>) target(%dma_start3A_441 : memref<80x64xf32, #tpu.memory_space<vmem>>) offsets(%dma_start3A_443 : memref<80xi32, #tpu.memory_space<vmem>>) semaphore(%arg16 : memref<!tpu.dma_semaphore, #tpu.memory_space<semaphore_mem>>)
        %dma_start3A_447 = arith.constant 80 : i32
        %dma_start3A_448 = arith.constant 0 : i32
        %dma_start3A_449 = tpu.memref_slice %arg7[%dma_start3A_447, %dma_start3A_448] : memref<400x64xf32, #tpu.memory_space<vmem>> -> memref<80x64xf32, #tpu.memory_space<vmem>>
        %dma_start3A_450 = arith.constant 80 : i32
        %dma_start3A_451 = tpu.memref_slice %arg11[%dma_start3A_450] : memref<400xi32, #tpu.memory_space<vmem>> -> memref<80xi32, #tpu.memory_space<vmem>>
        %dma_start3A_452 = arith.constant 0 : i32
        %dma_start3A_453 = arith.constant 0 : i32
        %dma_start3A_454 = tpu.memref_slice %arg2[%dma_start3A_452, %dma_start3A_453] : memref<1003520x64xf32, #tpu.memory_space<hbm>> -> memref<1003520x64xf32, #tpu.memory_space<hbm>>
        tpu.enqueue_indirect_dma source(%dma_start3A_454 : memref<1003520x64xf32, #tpu.memory_space<hbm>>) target(%dma_start3A_449 : memref<80x64xf32, #tpu.memory_space<vmem>>) offsets(%dma_start3A_451 : memref<80xi32, #tpu.memory_space<vmem>>) semaphore(%arg16 : memref<!tpu.dma_semaphore, #tpu.memory_space<semaphore_mem>>)
        %dma_start3A_455 = arith.constant 160 : i32
        %dma_start3A_456 = arith.constant 0 : i32
        %dma_start3A_457 = tpu.memref_slice %arg7[%dma_start3A_455, %dma_start3A_456] : memref<400x64xf32, #tpu.memory_space<vmem>> -> memref<80x64xf32, #tpu.memory_space<vmem>>
        %dma_start3A_458 = arith.constant 160 : i32
        %dma_start3A_459 = tpu.memref_slice %arg11[%dma_start3A_458] : memref<400xi32, #tpu.memory_space<vmem>> -> memref<80xi32, #tpu.memory_space<vmem>>
        %dma_start3A_460 = arith.constant 0 : i32
        %dma_start3A_461 = arith.constant 0 : i32
        %dma_start3A_462 = tpu.memref_slice %arg2[%dma_start3A_460, %dma_start3A_461] : memref<1003520x64xf32, #tpu.memory_space<hbm>> -> memref<1003520x64xf32, #tpu.memory_space<hbm>>
        tpu.enqueue_indirect_dma source(%dma_start3A_462 : memref<1003520x64xf32, #tpu.memory_space<hbm>>) target(%dma_start3A_457 : memref<80x64xf32, #tpu.memory_space<vmem>>) offsets(%dma_start3A_459 : memref<80xi32, #tpu.memory_space<vmem>>) semaphore(%arg16 : memref<!tpu.dma_semaphore, #tpu.memory_space<semaphore_mem>>)
        %dma_start3A_463 = arith.constant 240 : i32
        %dma_start3A_464 = arith.constant 0 : i32
        %dma_start3A_465 = tpu.memref_slice %arg7[%dma_start3A_463, %dma_start3A_464] : memref<400x64xf32, #tpu.memory_space<vmem>> -> memref<80x64xf32, #tpu.memory_space<vmem>>
        %dma_start3A_466 = arith.constant 240 : i32
        %dma_start3A_467 = tpu.memref_slice %arg11[%dma_start3A_466] : memref<400xi32, #tpu.memory_space<vmem>> -> memref<80xi32, #tpu.memory_space<vmem>>
        %dma_start3A_468 = arith.constant 0 : i32
        %dma_start3A_469 = arith.constant 0 : i32
        %dma_start3A_470 = tpu.memref_slice %arg2[%dma_start3A_468, %dma_start3A_469] : memref<1003520x64xf32, #tpu.memory_space<hbm>> -> memref<1003520x64xf32, #tpu.memory_space<hbm>>
        tpu.enqueue_indirect_dma source(%dma_start3A_470 : memref<1003520x64xf32, #tpu.memory_space<hbm>>) target(%dma_start3A_465 : memref<80x64xf32, #tpu.memory_space<vmem>>) offsets(%dma_start3A_467 : memref<80xi32, #tpu.memory_space<vmem>>) semaphore(%arg16 : memref<!tpu.dma_semaphore, #tpu.memory_space<semaphore_mem>>)
        %dma_start3A_471 = arith.constant 320 : i32
        %dma_start3A_472 = arith.constant 0 : i32
        %dma_start3A_473 = tpu.memref_slice %arg7[%dma_start3A_471, %dma_start3A_472] : memref<400x64xf32, #tpu.memory_space<vmem>> -> memref<80x64xf32, #tpu.memory_space<vmem>>
        %dma_start3A_474 = arith.constant 320 : i32
        %dma_start3A_475 = tpu.memref_slice %arg11[%dma_start3A_474] : memref<400xi32, #tpu.memory_space<vmem>> -> memref<80xi32, #tpu.memory_space<vmem>>
        %dma_start3A_476 = arith.constant 0 : i32
        %dma_start3A_477 = arith.constant 0 : i32
        %dma_start3A_478 = tpu.memref_slice %arg2[%dma_start3A_476, %dma_start3A_477] : memref<1003520x64xf32, #tpu.memory_space<hbm>> -> memref<1003520x64xf32, #tpu.memory_space<hbm>>
        tpu.enqueue_indirect_dma source(%dma_start3A_478 : memref<1003520x64xf32, #tpu.memory_space<hbm>>) target(%dma_start3A_473 : memref<80x64xf32, #tpu.memory_space<vmem>>) offsets(%dma_start3A_475 : memref<80xi32, #tpu.memory_space<vmem>>) semaphore(%arg16 : memref<!tpu.dma_semaphore, #tpu.memory_space<semaphore_mem>>)
      } else {
      }
      %mul3A_366 = arith.constant 4 : i32
      %mul3A_367 = arith.muli %scan3A_159, %mul3A_366 : i32
      %add3A_368 = arith.constant 3 : i32
      %add3A_369 = arith.addi %mul3A_367, %add3A_368 : i32
      %dma_wait3A_370 = arith.constant 0 : i32
      %dma_wait3A_371 = arith.constant 0 : i32
      %dma_wait3A_372 = tpu.memref_slice %arg9[%dma_wait3A_370, %dma_wait3A_371] : memref<400x64xf32, #tpu.memory_space<vmem>> -> memref<80x64xf32, #tpu.memory_space<vmem>>
      %dma_wait3A_373 = arith.constant 0 : i32
      %dma_wait3A_374 = tpu.memref_slice %arg13[%dma_wait3A_373] : memref<400xi32, #tpu.memory_space<vmem>> -> memref<80xi32, #tpu.memory_space<vmem>>
      %dma_wait3A_375 = arith.constant 0 : i32
      %dma_wait3A_376 = arith.constant 0 : i32
      %dma_wait3A_377 = tpu.memref_slice %arg2[%dma_wait3A_375, %dma_wait3A_376] : memref<1003520x64xf32, #tpu.memory_space<hbm>> -> memref<1003520x64xf32, #tpu.memory_space<hbm>>
      tpu.wait_indirect_dma semaphore(%arg18 : memref<!tpu.dma_semaphore, #tpu.memory_space<semaphore_mem>>) src(%dma_wait3A_377 : memref<1003520x64xf32, #tpu.memory_space<hbm>>) dst(%dma_wait3A_372 : memref<80x64xf32, #tpu.memory_space<vmem>>)
      %dma_wait3A_378 = arith.constant 80 : i32
      %dma_wait3A_379 = arith.constant 0 : i32
      %dma_wait3A_380 = tpu.memref_slice %arg9[%dma_wait3A_378, %dma_wait3A_379] : memref<400x64xf32, #tpu.memory_space<vmem>> -> memref<80x64xf32, #tpu.memory_space<vmem>>
      %dma_wait3A_381 = arith.constant 80 : i32
      %dma_wait3A_382 = tpu.memref_slice %arg13[%dma_wait3A_381] : memref<400xi32, #tpu.memory_space<vmem>> -> memref<80xi32, #tpu.memory_space<vmem>>
      %dma_wait3A_383 = arith.constant 0 : i32
      %dma_wait3A_384 = arith.constant 0 : i32
      %dma_wait3A_385 = tpu.memref_slice %arg2[%dma_wait3A_383, %dma_wait3A_384] : memref<1003520x64xf32, #tpu.memory_space<hbm>> -> memref<1003520x64xf32, #tpu.memory_space<hbm>>
      tpu.wait_indirect_dma semaphore(%arg18 : memref<!tpu.dma_semaphore, #tpu.memory_space<semaphore_mem>>) src(%dma_wait3A_385 : memref<1003520x64xf32, #tpu.memory_space<hbm>>) dst(%dma_wait3A_380 : memref<80x64xf32, #tpu.memory_space<vmem>>)
      %dma_wait3A_386 = arith.constant 160 : i32
      %dma_wait3A_387 = arith.constant 0 : i32
      %dma_wait3A_388 = tpu.memref_slice %arg9[%dma_wait3A_386, %dma_wait3A_387] : memref<400x64xf32, #tpu.memory_space<vmem>> -> memref<80x64xf32, #tpu.memory_space<vmem>>
      %dma_wait3A_389 = arith.constant 160 : i32
      %dma_wait3A_390 = tpu.memref_slice %arg13[%dma_wait3A_389] : memref<400xi32, #tpu.memory_space<vmem>> -> memref<80xi32, #tpu.memory_space<vmem>>
      %dma_wait3A_391 = arith.constant 0 : i32
      %dma_wait3A_392 = arith.constant 0 : i32
      %dma_wait3A_393 = tpu.memref_slice %arg2[%dma_wait3A_391, %dma_wait3A_392] : memref<1003520x64xf32, #tpu.memory_space<hbm>> -> memref<1003520x64xf32, #tpu.memory_space<hbm>>
      tpu.wait_indirect_dma semaphore(%arg18 : memref<!tpu.dma_semaphore, #tpu.memory_space<semaphore_mem>>) src(%dma_wait3A_393 : memref<1003520x64xf32, #tpu.memory_space<hbm>>) dst(%dma_wait3A_388 : memref<80x64xf32, #tpu.memory_space<vmem>>)
      %dma_wait3A_394 = arith.constant 240 : i32
      %dma_wait3A_395 = arith.constant 0 : i32
      %dma_wait3A_396 = tpu.memref_slice %arg9[%dma_wait3A_394, %dma_wait3A_395] : memref<400x64xf32, #tpu.memory_space<vmem>> -> memref<80x64xf32, #tpu.memory_space<vmem>>
      %dma_wait3A_397 = arith.constant 240 : i32
      %dma_wait3A_398 = tpu.memref_slice %arg13[%dma_wait3A_397] : memref<400xi32, #tpu.memory_space<vmem>> -> memref<80xi32, #tpu.memory_space<vmem>>
      %dma_wait3A_399 = arith.constant 0 : i32
      %dma_wait3A_400 = arith.constant 0 : i32
      %dma_wait3A_401 = tpu.memref_slice %arg2[%dma_wait3A_399, %dma_wait3A_400] : memref<1003520x64xf32, #tpu.memory_space<hbm>> -> memref<1003520x64xf32, #tpu.memory_space<hbm>>
      tpu.wait_indirect_dma semaphore(%arg18 : memref<!tpu.dma_semaphore, #tpu.memory_space<semaphore_mem>>) src(%dma_wait3A_401 : memref<1003520x64xf32, #tpu.memory_space<hbm>>) dst(%dma_wait3A_396 : memref<80x64xf32, #tpu.memory_space<vmem>>)
      %dma_wait3A_402 = arith.constant 320 : i32
      %dma_wait3A_403 = arith.constant 0 : i32
      %dma_wait3A_404 = tpu.memref_slice %arg9[%dma_wait3A_402, %dma_wait3A_403] : memref<400x64xf32, #tpu.memory_space<vmem>> -> memref<80x64xf32, #tpu.memory_space<vmem>>
      %dma_wait3A_405 = arith.constant 320 : i32
      %dma_wait3A_406 = tpu.memref_slice %arg13[%dma_wait3A_405] : memref<400xi32, #tpu.memory_space<vmem>> -> memref<80xi32, #tpu.memory_space<vmem>>
      %dma_wait3A_407 = arith.constant 0 : i32
      %dma_wait3A_408 = arith.constant 0 : i32
      %dma_wait3A_409 = tpu.memref_slice %arg2[%dma_wait3A_407, %dma_wait3A_408] : memref<1003520x64xf32, #tpu.memory_space<hbm>> -> memref<1003520x64xf32, #tpu.memory_space<hbm>>
      tpu.wait_indirect_dma semaphore(%arg18 : memref<!tpu.dma_semaphore, #tpu.memory_space<semaphore_mem>>) src(%dma_wait3A_409 : memref<1003520x64xf32, #tpu.memory_space<hbm>>) dst(%dma_wait3A_404 : memref<80x64xf32, #tpu.memory_space<vmem>>)
      %scan3A_410 = arith.constant 0 : i32
      %scan3A_411 = arith.constant 0 : i32
      %scan3A_412 = arith.constant 200 : i32
      %scan3A_413 = arith.addi %scan3A_411, %scan3A_412 : i32
      %scan3A_414 = arith.constant 1 : i32
      scf.for %scan3A_436 = %scan3A_411 to %scan3A_413 step %scan3A_414  : i32 {
        %get3A = arith.index_cast %scan3A_436 : i32 to index
        %get3A_437 = arith.constant 0 : index
        %get3A_438 = tpu.vector_load %arg14[%get3A, %get3A_437] {strides = array<i32>} : memref<200x64xf32, #tpu.memory_space<vmem>>, vector<1x16xf32>,
        %get3A_439 = vector.shape_cast %get3A_438 : vector<1x16xf32> to vector<16xf32>
        %add3A_440 = arith.constant 0 : i32
        %add3A_441 = arith.addi %add3A_440, %scan3A_436 : i32
        %get3A_442 = arith.index_cast %add3A_441 : i32 to index
        %get3A_443 = arith.constant 0 : index
        %get3A_444 = tpu.vector_load %arg9[%get3A_442, %get3A_443] {strides = array<i32>} : memref<400x64xf32, #tpu.memory_space<vmem>>, vector<1x16xf32>,
        %get3A_445 = vector.shape_cast %get3A_444 : vector<1x16xf32> to vector<16xf32>
        %add3A_446 = arith.addf %get3A_445, %get3A_439 : vector<16xf32>
        %swap3A = arith.index_cast %add3A_441 : i32 to index
        %swap3A_447 = arith.constant 0 : index
        %swap3A_448 = tpu.vector_load %arg9[%swap3A, %swap3A_447] {strides = array<i32>} : memref<400x64xf32, #tpu.memory_space<vmem>>, vector<1x16xf32>,
        %swap3A_449 = vector.shape_cast %swap3A_448 : vector<1x16xf32> to vector<16xf32>
        %swap3A_450 = vector.shape_cast %add3A_446 : vector<16xf32> to vector<1x16xf32>
        tpu.vector_store %arg9[%swap3A, %swap3A_447], %swap3A_450 {strides = array<i32>} : memref<400x64xf32, #tpu.memory_space<vmem>>, vector<1x16xf32>,
        %add3A_451 = arith.constant 200 : i32
        %add3A_452 = arith.addi %add3A_451, %scan3A_436 : i32
        %get3A_453 = arith.index_cast %add3A_452 : i32 to index
        %get3A_454 = arith.constant 0 : index
        %get3A_455 = tpu.vector_load %arg9[%get3A_453, %get3A_454] {strides = array<i32>} : memref<400x64xf32, #tpu.memory_space<vmem>>, vector<1x16xf32>,
        %get3A_456 = vector.shape_cast %get3A_455 : vector<1x16xf32> to vector<16xf32>
        %add3A_457 = arith.addf %get3A_456, %get3A_439 : vector<16xf32>
        %swap3A_458 = arith.index_cast %add3A_452 : i32 to index
        %swap3A_459 = arith.constant 0 : index
        %swap3A_460 = tpu.vector_load %arg9[%swap3A_458, %swap3A_459] {strides = array<i32>} : memref<400x64xf32, #tpu.memory_space<vmem>>, vector<1x16xf32>,
        %swap3A_461 = vector.shape_cast %swap3A_460 : vector<1x16xf32> to vector<16xf32>
        %swap3A_462 = vector.shape_cast %add3A_457 : vector<16xf32> to vector<1x16xf32>
        tpu.vector_store %arg9[%swap3A_458, %swap3A_459], %swap3A_462 {strides = array<i32>} : memref<400x64xf32, #tpu.memory_space<vmem>>, vector<1x16xf32>,
        %get3A_463 = arith.index_cast %scan3A_436 : i32 to index
        %get3A_464 = arith.constant 16 : index
        %get3A_465 = tpu.vector_load %arg14[%get3A_463, %get3A_464] {strides = array<i32>} : memref<200x64xf32, #tpu.memory_space<vmem>>, vector<1x16xf32>,
        %get3A_466 = vector.shape_cast %get3A_465 : vector<1x16xf32> to vector<16xf32>
        %add3A_467 = arith.constant 0 : i32
        %add3A_468 = arith.addi %add3A_467, %scan3A_436 : i32
        %get3A_469 = arith.index_cast %add3A_468 : i32 to index
        %get3A_470 = arith.constant 16 : index
        %get3A_471 = tpu.vector_load %arg9[%get3A_469, %get3A_470] {strides = array<i32>} : memref<400x64xf32, #tpu.memory_space<vmem>>, vector<1x16xf32>,
        %get3A_472 = vector.shape_cast %get3A_471 : vector<1x16xf32> to vector<16xf32>
        %add3A_473 = arith.addf %get3A_472, %get3A_466 : vector<16xf32>
        %swap3A_474 = arith.index_cast %add3A_468 : i32 to index
        %swap3A_475 = arith.constant 16 : index
        %swap3A_476 = tpu.vector_load %arg9[%swap3A_474, %swap3A_475] {strides = array<i32>} : memref<400x64xf32, #tpu.memory_space<vmem>>, vector<1x16xf32>,
        %swap3A_477 = vector.shape_cast %swap3A_476 : vector<1x16xf32> to vector<16xf32>
        %swap3A_478 = vector.shape_cast %add3A_473 : vector<16xf32> to vector<1x16xf32>
        tpu.vector_store %arg9[%swap3A_474, %swap3A_475], %swap3A_478 {strides = array<i32>} : memref<400x64xf32, #tpu.memory_space<vmem>>, vector<1x16xf32>,
        %add3A_479 = arith.constant 200 : i32
        %add3A_480 = arith.addi %add3A_479, %scan3A_436 : i32
        %get3A_481 = arith.index_cast %add3A_480 : i32 to index
        %get3A_482 = arith.constant 16 : index
        %get3A_483 = tpu.vector_load %arg9[%get3A_481, %get3A_482] {strides = array<i32>} : memref<400x64xf32, #tpu.memory_space<vmem>>, vector<1x16xf32>,
        %get3A_484 = vector.shape_cast %get3A_483 : vector<1x16xf32> to vector<16xf32>
        %add3A_485 = arith.addf %get3A_484, %get3A_466 : vector<16xf32>
        %swap3A_486 = arith.index_cast %add3A_480 : i32 to index
        %swap3A_487 = arith.constant 16 : index
        %swap3A_488 = tpu.vector_load %arg9[%swap3A_486, %swap3A_487] {strides = array<i32>} : memref<400x64xf32, #tpu.memory_space<vmem>>, vector<1x16xf32>,
        %swap3A_489 = vector.shape_cast %swap3A_488 : vector<1x16xf32> to vector<16xf32>
        %swap3A_490 = vector.shape_cast %add3A_485 : vector<16xf32> to vector<1x16xf32>
        tpu.vector_store %arg9[%swap3A_486, %swap3A_487], %swap3A_490 {strides = array<i32>} : memref<400x64xf32, #tpu.memory_space<vmem>>, vector<1x16xf32>,
        %get3A_491 = arith.index_cast %scan3A_436 : i32 to index
        %get3A_492 = arith.constant 32 : index
        %get3A_493 = tpu.vector_load %arg14[%get3A_491, %get3A_492] {strides = array<i32>} : memref<200x64xf32, #tpu.memory_space<vmem>>, vector<1x16xf32>,
        %get3A_494 = vector.shape_cast %get3A_493 : vector<1x16xf32> to vector<16xf32>
        %add3A_495 = arith.constant 0 : i32
        %add3A_496 = arith.addi %add3A_495, %scan3A_436 : i32
        %get3A_497 = arith.index_cast %add3A_496 : i32 to index
        %get3A_498 = arith.constant 32 : index
        %get3A_499 = tpu.vector_load %arg9[%get3A_497, %get3A_498] {strides = array<i32>} : memref<400x64xf32, #tpu.memory_space<vmem>>, vector<1x16xf32>,
        %get3A_500 = vector.shape_cast %get3A_499 : vector<1x16xf32> to vector<16xf32>
        %add3A_501 = arith.addf %get3A_500, %get3A_494 : vector<16xf32>
        %swap3A_502 = arith.index_cast %add3A_496 : i32 to index
        %swap3A_503 = arith.constant 32 : index
        %swap3A_504 = tpu.vector_load %arg9[%swap3A_502, %swap3A_503] {strides = array<i32>} : memref<400x64xf32, #tpu.memory_space<vmem>>, vector<1x16xf32>,
        %swap3A_505 = vector.shape_cast %swap3A_504 : vector<1x16xf32> to vector<16xf32>
        %swap3A_506 = vector.shape_cast %add3A_501 : vector<16xf32> to vector<1x16xf32>
        tpu.vector_store %arg9[%swap3A_502, %swap3A_503], %swap3A_506 {strides = array<i32>} : memref<400x64xf32, #tpu.memory_space<vmem>>, vector<1x16xf32>,
        %add3A_507 = arith.constant 200 : i32
        %add3A_508 = arith.addi %add3A_507, %scan3A_436 : i32
        %get3A_509 = arith.index_cast %add3A_508 : i32 to index
        %get3A_510 = arith.constant 32 : index
        %get3A_511 = tpu.vector_load %arg9[%get3A_509, %get3A_510] {strides = array<i32>} : memref<400x64xf32, #tpu.memory_space<vmem>>, vector<1x16xf32>,
        %get3A_512 = vector.shape_cast %get3A_511 : vector<1x16xf32> to vector<16xf32>
        %add3A_513 = arith.addf %get3A_512, %get3A_494 : vector<16xf32>
        %swap3A_514 = arith.index_cast %add3A_508 : i32 to index
        %swap3A_515 = arith.constant 32 : index
        %swap3A_516 = tpu.vector_load %arg9[%swap3A_514, %swap3A_515] {strides = array<i32>} : memref<400x64xf32, #tpu.memory_space<vmem>>, vector<1x16xf32>,
        %swap3A_517 = vector.shape_cast %swap3A_516 : vector<1x16xf32> to vector<16xf32>
        %swap3A_518 = vector.shape_cast %add3A_513 : vector<16xf32> to vector<1x16xf32>
        tpu.vector_store %arg9[%swap3A_514, %swap3A_515], %swap3A_518 {strides = array<i32>} : memref<400x64xf32, #tpu.memory_space<vmem>>, vector<1x16xf32>,
        %get3A_519 = arith.index_cast %scan3A_436 : i32 to index
        %get3A_520 = arith.constant 48 : index
        %get3A_521 = tpu.vector_load %arg14[%get3A_519, %get3A_520] {strides = array<i32>} : memref<200x64xf32, #tpu.memory_space<vmem>>, vector<1x16xf32>,
        %get3A_522 = vector.shape_cast %get3A_521 : vector<1x16xf32> to vector<16xf32>
        %add3A_523 = arith.constant 0 : i32
        %add3A_524 = arith.addi %add3A_523, %scan3A_436 : i32
        %get3A_525 = arith.index_cast %add3A_524 : i32 to index
        %get3A_526 = arith.constant 48 : index
        %get3A_527 = tpu.vector_load %arg9[%get3A_525, %get3A_526] {strides = array<i32>} : memref<400x64xf32, #tpu.memory_space<vmem>>, vector<1x16xf32>,
        %get3A_528 = vector.shape_cast %get3A_527 : vector<1x16xf32> to vector<16xf32>
        %add3A_529 = arith.addf %get3A_528, %get3A_522 : vector<16xf32>
        %swap3A_530 = arith.index_cast %add3A_524 : i32 to index
        %swap3A_531 = arith.constant 48 : index
        %swap3A_532 = tpu.vector_load %arg9[%swap3A_530, %swap3A_531] {strides = array<i32>} : memref<400x64xf32, #tpu.memory_space<vmem>>, vector<1x16xf32>,
        %swap3A_533 = vector.shape_cast %swap3A_532 : vector<1x16xf32> to vector<16xf32>
        %swap3A_534 = vector.shape_cast %add3A_529 : vector<16xf32> to vector<1x16xf32>
        tpu.vector_store %arg9[%swap3A_530, %swap3A_531], %swap3A_534 {strides = array<i32>} : memref<400x64xf32, #tpu.memory_space<vmem>>, vector<1x16xf32>,
        %add3A_535 = arith.constant 200 : i32
        %add3A_536 = arith.addi %add3A_535, %scan3A_436 : i32
        %get3A_537 = arith.index_cast %add3A_536 : i32 to index
        %get3A_538 = arith.constant 48 : index
        %get3A_539 = tpu.vector_load %arg9[%get3A_537, %get3A_538] {strides = array<i32>} : memref<400x64xf32, #tpu.memory_space<vmem>>, vector<1x16xf32>,
        %get3A_540 = vector.shape_cast %get3A_539 : vector<1x16xf32> to vector<16xf32>
        %add3A_541 = arith.addf %get3A_540, %get3A_522 : vector<16xf32>
        %swap3A_542 = arith.index_cast %add3A_536 : i32 to index
        %swap3A_543 = arith.constant 48 : index
        %swap3A_544 = tpu.vector_load %arg9[%swap3A_542, %swap3A_543] {strides = array<i32>} : memref<400x64xf32, #tpu.memory_space<vmem>>, vector<1x16xf32>,
        %swap3A_545 = vector.shape_cast %swap3A_544 : vector<1x16xf32> to vector<16xf32>
        %swap3A_546 = vector.shape_cast %add3A_541 : vector<16xf32> to vector<1x16xf32>
        tpu.vector_store %arg9[%swap3A_542, %swap3A_543], %swap3A_546 {strides = array<i32>} : memref<400x64xf32, #tpu.memory_space<vmem>>, vector<1x16xf32>,
      }
      %scan3A_415 = arith.constant 200 : i32
      %mul3A_416 = arith.constant 400 : i32
      %mul3A_417 = arith.muli %add3A_369, %mul3A_416 : i32
      %add3A_418 = arith.addi %sub3A, %mul3A_417 : i32
      %dma_start3A_419 = tpu.memref_slice %arg5[%add3A_418, %select_n3A_7] : memref<204800x128xf32, #tpu.memory_space<hbm>> -> memref<400x64xf32, #tpu.memory_space<hbm>>
      %dma_start3A_420 = tpu.memref_slice %arg5[%add3A_418, %select_n3A_7] : memref<204800x128xf32, #tpu.memory_space<hbm>> -> memref<400x64xf32, #tpu.memory_space<hbm>>
      tpu.enqueue_dma source(%arg9 : memref<400x64xf32, #tpu.memory_space<vmem>>) target(%dma_start3A_420 : memref<400x64xf32, #tpu.memory_space<hbm>>) target_semaphore(%arg22 : memref<!tpu.dma_semaphore, #tpu.memory_space<semaphore_mem>>)
      %add3A_421 = arith.constant 3 : i32
      %add3A_422 = arith.addi %add3A_369, %add3A_421 : i32
      %lt3A_423 = arith.constant 32 : i32
      %lt3A_424 = arith.cmpi slt, %add3A_422, %lt3A_423 : i32
      %ge3A_425 = arith.constant 1 : i32
      %ge3A_426 = arith.cmpi sge, %add3A_369, %ge3A_425 : i32
      %and3A_427 = arith.andi %lt3A_424, %ge3A_426 : i1
      %convert_element_type3A_428 = arith.extui %and3A_427 : i1 to i32
      %cond3A_429 = arith.constant 0 : i32
      %cond3A_430 = arith.cmpi ne, %convert_element_type3A_428, %cond3A_429 : i32
      scf.if %cond3A_430 {
        %sub3A_436 = arith.constant 1 : i32
        %sub3A_437 = arith.subi %add3A_369, %sub3A_436 : i32
        %mul3A_438 = arith.constant 400 : i32
        %mul3A_439 = arith.muli %sub3A_437, %mul3A_438 : i32
        %add3A_440 = arith.addi %sub3A, %mul3A_439 : i32
        %dma_wait3A_441 = tpu.memref_slice %arg5[%add3A_440, %select_n3A_7] : memref<204800x128xf32, #tpu.memory_space<hbm>> -> memref<400x64xf32, #tpu.memory_space<hbm>>
        %dma_wait3A_442 = tpu.memref_slice %arg5[%add3A_440, %select_n3A_7] : memref<204800x128xf32, #tpu.memory_space<hbm>> -> memref<400x64xf32, #tpu.memory_space<hbm>>
        tpu.wait_dma2 semaphore(%arg21 : memref<!tpu.dma_semaphore, #tpu.memory_space<semaphore_mem>>) src(%arg8 : memref<400x64xf32, #tpu.memory_space<vmem>>) dst(%dma_wait3A_442 : memref<400x64xf32, #tpu.memory_space<hbm>>)
      } else {
      }
      %lt3A_431 = arith.constant 32 : i32
      %lt3A_432 = arith.cmpi slt, %add3A_422, %lt3A_431 : i32
      %convert_element_type3A_433 = arith.extui %lt3A_432 : i1 to i32
      %cond3A_434 = arith.constant 0 : i32
      %cond3A_435 = arith.cmpi ne, %convert_element_type3A_433, %cond3A_434 : i32
      scf.if %cond3A_435 {
        %mul3A_436 = arith.constant 400 : i32
        %mul3A_437 = arith.muli %add3A_422, %mul3A_436 : i32
        %add3A_438 = arith.addi %mul3A_2, %mul3A_437 : i32
        "tpu.region"() ({
          %run_scoped3A = tpu.sem_alloc : memref<!tpu.dma_semaphore, #tpu.memory_space<semaphore_mem>>
          %dma_start3A_479 = tpu.memref_slice %arg3[%add3A_438] : memref<409600xi32, #tpu.memory_space<hbm>> -> memref<400xi32, #tpu.memory_space<hbm>>
          %dma_start3A_480 = tpu.memref_slice %arg3[%add3A_438] : memref<409600xi32, #tpu.memory_space<hbm>> -> memref<400xi32, #tpu.memory_space<hbm>>
          tpu.enqueue_dma source(%dma_start3A_480 : memref<400xi32, #tpu.memory_space<hbm>>) target(%arg12 : memref<400xi32, #tpu.memory_space<vmem>>) target_semaphore(%run_scoped3A : memref<!tpu.dma_semaphore, #tpu.memory_space<semaphore_mem>>)
          %dma_wait3A_481 = tpu.memref_slice %arg3[%add3A_438] : memref<409600xi32, #tpu.memory_space<hbm>> -> memref<400xi32, #tpu.memory_space<hbm>>
          %dma_wait3A_482 = tpu.memref_slice %arg3[%add3A_438] : memref<409600xi32, #tpu.memory_space<hbm>> -> memref<400xi32, #tpu.memory_space<hbm>>
          tpu.wait_dma2 semaphore(%run_scoped3A : memref<!tpu.dma_semaphore, #tpu.memory_space<semaphore_mem>>) src(%dma_wait3A_482 : memref<400xi32, #tpu.memory_space<hbm>>) dst(%arg12 : memref<400xi32, #tpu.memory_space<vmem>>)
          tpu.yield
        }) : () -> ()
        %dma_start3A_439 = arith.constant 0 : i32
        %dma_start3A_440 = arith.constant 0 : i32
        %dma_start3A_441 = tpu.memref_slice %arg8[%dma_start3A_439, %dma_start3A_440] : memref<400x64xf32, #tpu.memory_space<vmem>> -> memref<80x64xf32, #tpu.memory_space<vmem>>
        %dma_start3A_442 = arith.constant 0 : i32
        %dma_start3A_443 = tpu.memref_slice %arg12[%dma_start3A_442] : memref<400xi32, #tpu.memory_space<vmem>> -> memref<80xi32, #tpu.memory_space<vmem>>
        %dma_start3A_444 = arith.constant 0 : i32
        %dma_start3A_445 = arith.constant 0 : i32
        %dma_start3A_446 = tpu.memref_slice %arg2[%dma_start3A_444, %dma_start3A_445] : memref<1003520x64xf32, #tpu.memory_space<hbm>> -> memref<1003520x64xf32, #tpu.memory_space<hbm>>
        tpu.enqueue_indirect_dma source(%dma_start3A_446 : memref<1003520x64xf32, #tpu.memory_space<hbm>>) target(%dma_start3A_441 : memref<80x64xf32, #tpu.memory_space<vmem>>) offsets(%dma_start3A_443 : memref<80xi32, #tpu.memory_space<vmem>>) semaphore(%arg17 : memref<!tpu.dma_semaphore, #tpu.memory_space<semaphore_mem>>)
        %dma_start3A_447 = arith.constant 80 : i32
        %dma_start3A_448 = arith.constant 0 : i32
        %dma_start3A_449 = tpu.memref_slice %arg8[%dma_start3A_447, %dma_start3A_448] : memref<400x64xf32, #tpu.memory_space<vmem>> -> memref<80x64xf32, #tpu.memory_space<vmem>>
        %dma_start3A_450 = arith.constant 80 : i32
        %dma_start3A_451 = tpu.memref_slice %arg12[%dma_start3A_450] : memref<400xi32, #tpu.memory_space<vmem>> -> memref<80xi32, #tpu.memory_space<vmem>>
        %dma_start3A_452 = arith.constant 0 : i32
        %dma_start3A_453 = arith.constant 0 : i32
        %dma_start3A_454 = tpu.memref_slice %arg2[%dma_start3A_452, %dma_start3A_453] : memref<1003520x64xf32, #tpu.memory_space<hbm>> -> memref<1003520x64xf32, #tpu.memory_space<hbm>>
        tpu.enqueue_indirect_dma source(%dma_start3A_454 : memref<1003520x64xf32, #tpu.memory_space<hbm>>) target(%dma_start3A_449 : memref<80x64xf32, #tpu.memory_space<vmem>>) offsets(%dma_start3A_451 : memref<80xi32, #tpu.memory_space<vmem>>) semaphore(%arg17 : memref<!tpu.dma_semaphore, #tpu.memory_space<semaphore_mem>>)
        %dma_start3A_455 = arith.constant 160 : i32
        %dma_start3A_456 = arith.constant 0 : i32
        %dma_start3A_457 = tpu.memref_slice %arg8[%dma_start3A_455, %dma_start3A_456] : memref<400x64xf32, #tpu.memory_space<vmem>> -> memref<80x64xf32, #tpu.memory_space<vmem>>
        %dma_start3A_458 = arith.constant 160 : i32
        %dma_start3A_459 = tpu.memref_slice %arg12[%dma_start3A_458] : memref<400xi32, #tpu.memory_space<vmem>> -> memref<80xi32, #tpu.memory_space<vmem>>
        %dma_start3A_460 = arith.constant 0 : i32
        %dma_start3A_461 = arith.constant 0 : i32
        %dma_start3A_462 = tpu.memref_slice %arg2[%dma_start3A_460, %dma_start3A_461] : memref<1003520x64xf32, #tpu.memory_space<hbm>> -> memref<1003520x64xf32, #tpu.memory_space<hbm>>
        tpu.enqueue_indirect_dma source(%dma_start3A_462 : memref<1003520x64xf32, #tpu.memory_space<hbm>>) target(%dma_start3A_457 : memref<80x64xf32, #tpu.memory_space<vmem>>) offsets(%dma_start3A_459 : memref<80xi32, #tpu.memory_space<vmem>>) semaphore(%arg17 : memref<!tpu.dma_semaphore, #tpu.memory_space<semaphore_mem>>)
        %dma_start3A_463 = arith.constant 240 : i32
        %dma_start3A_464 = arith.constant 0 : i32
        %dma_start3A_465 = tpu.memref_slice %arg8[%dma_start3A_463, %dma_start3A_464] : memref<400x64xf32, #tpu.memory_space<vmem>> -> memref<80x64xf32, #tpu.memory_space<vmem>>
        %dma_start3A_466 = arith.constant 240 : i32
        %dma_start3A_467 = tpu.memref_slice %arg12[%dma_start3A_466] : memref<400xi32, #tpu.memory_space<vmem>> -> memref<80xi32, #tpu.memory_space<vmem>>
        %dma_start3A_468 = arith.constant 0 : i32
        %dma_start3A_469 = arith.constant 0 : i32
        %dma_start3A_470 = tpu.memref_slice %arg2[%dma_start3A_468, %dma_start3A_469] : memref<1003520x64xf32, #tpu.memory_space<hbm>> -> memref<1003520x64xf32, #tpu.memory_space<hbm>>
        tpu.enqueue_indirect_dma source(%dma_start3A_470 : memref<1003520x64xf32, #tpu.memory_space<hbm>>) target(%dma_start3A_465 : memref<80x64xf32, #tpu.memory_space<vmem>>) offsets(%dma_start3A_467 : memref<80xi32, #tpu.memory_space<vmem>>) semaphore(%arg17 : memref<!tpu.dma_semaphore, #tpu.memory_space<semaphore_mem>>)
        %dma_start3A_471 = arith.constant 320 : i32
        %dma_start3A_472 = arith.constant 0 : i32
        %dma_start3A_473 = tpu.memref_slice %arg8[%dma_start3A_471, %dma_start3A_472] : memref<400x64xf32, #tpu.memory_space<vmem>> -> memref<80x64xf32, #tpu.memory_space<vmem>>
        %dma_start3A_474 = arith.constant 320 : i32
        %dma_start3A_475 = tpu.memref_slice %arg12[%dma_start3A_474] : memref<400xi32, #tpu.memory_space<vmem>> -> memref<80xi32, #tpu.memory_space<vmem>>
        %dma_start3A_476 = arith.constant 0 : i32
        %dma_start3A_477 = arith.constant 0 : i32
        %dma_start3A_478 = tpu.memref_slice %arg2[%dma_start3A_476, %dma_start3A_477] : memref<1003520x64xf32, #tpu.memory_space<hbm>> -> memref<1003520x64xf32, #tpu.memory_space<hbm>>
        tpu.enqueue_indirect_dma source(%dma_start3A_478 : memref<1003520x64xf32, #tpu.memory_space<hbm>>) target(%dma_start3A_473 : memref<80x64xf32, #tpu.memory_space<vmem>>) offsets(%dma_start3A_475 : memref<80xi32, #tpu.memory_space<vmem>>) semaphore(%arg17 : memref<!tpu.dma_semaphore, #tpu.memory_space<semaphore_mem>>)
      } else {
      }
    }
    %scan3A_143 = arith.constant 8 : i32
    %add3A_144 = arith.constant 11200 : i32
    %add3A_145 = arith.addi %sub3A, %add3A_144 : i32
    %dma_wait3A = tpu.memref_slice %arg5[%add3A_145, %select_n3A_7] : memref<204800x128xf32, #tpu.memory_space<hbm>> -> memref<400x64xf32, #tpu.memory_space<hbm>>
    %dma_wait3A_146 = tpu.memref_slice %arg5[%add3A_145, %select_n3A_7] : memref<204800x128xf32, #tpu.memory_space<hbm>> -> memref<400x64xf32, #tpu.memory_space<hbm>>
    tpu.wait_dma2 semaphore(%arg19 : memref<!tpu.dma_semaphore, #tpu.memory_space<semaphore_mem>>) src(%arg6 : memref<400x64xf32, #tpu.memory_space<vmem>>) dst(%dma_wait3A_146 : memref<400x64xf32, #tpu.memory_space<hbm>>)
    %add3A_147 = arith.constant 11600 : i32
    %add3A_148 = arith.addi %sub3A, %add3A_147 : i32
    %dma_wait3A_149 = tpu.memref_slice %arg5[%add3A_148, %select_n3A_7] : memref<204800x128xf32, #tpu.memory_space<hbm>> -> memref<400x64xf32, #tpu.memory_space<hbm>>
    %dma_wait3A_150 = tpu.memref_slice %arg5[%add3A_148, %select_n3A_7] : memref<204800x128xf32, #tpu.memory_space<hbm>> -> memref<400x64xf32, #tpu.memory_space<hbm>>
    tpu.wait_dma2 semaphore(%arg20 : memref<!tpu.dma_semaphore, #tpu.memory_space<semaphore_mem>>) src(%arg7 : memref<400x64xf32, #tpu.memory_space<vmem>>) dst(%dma_wait3A_150 : memref<400x64xf32, #tpu.memory_space<hbm>>)
    %add3A_151 = arith.constant 12000 : i32
    %add3A_152 = arith.addi %sub3A, %add3A_151 : i32
    %dma_wait3A_153 = tpu.memref_slice %arg5[%add3A_152, %select_n3A_7] : memref<204800x128xf32, #tpu.memory_space<hbm>> -> memref<400x64xf32, #tpu.memory_space<hbm>>
    %dma_wait3A_154 = tpu.memref_slice %arg5[%add3A_152, %select_n3A_7] : memref<204800x128xf32, #tpu.memory_space<hbm>> -> memref<400x64xf32, #tpu.memory_space<hbm>>
    tpu.wait_dma2 semaphore(%arg21 : memref<!tpu.dma_semaphore, #tpu.memory_space<semaphore_mem>>) src(%arg8 : memref<400x64xf32, #tpu.memory_space<vmem>>) dst(%dma_wait3A_154 : memref<400x64xf32, #tpu.memory_space<hbm>>)
    %add3A_155 = arith.constant 12400 : i32
    %add3A_156 = arith.addi %sub3A, %add3A_155 : i32
    %dma_wait3A_157 = tpu.memref_slice %arg5[%add3A_156, %select_n3A_7] : memref<204800x128xf32, #tpu.memory_space<hbm>> -> memref<400x64xf32, #tpu.memory_space<hbm>>
    %dma_wait3A_158 = tpu.memref_slice %arg5[%add3A_156, %select_n3A_7] : memref<204800x128xf32, #tpu.memory_space<hbm>> -> memref<400x64xf32, #tpu.memory_space<hbm>>
    tpu.wait_dma2 semaphore(%arg22 : memref<!tpu.dma_semaphore, #tpu.memory_space<semaphore_mem>>) src(%arg9 : memref<400x64xf32, #tpu.memory_space<vmem>>) dst(%dma_wait3A_158 : memref<400x64xf32, #tpu.memory_space<hbm>>)
    return
  }
}

module attributes {stable_mosaic.version = 14 : i64} {
  func.func @body(%arg0: i32, %arg1: memref<64x4096xf32, #tpu.memory_space<vmem>>, %arg2: memref<2048x128xf32, #tpu.memory_space<vmem>>) attributes {dimension_semantics = [#tpu.dimension_semantics<arbitrary>], iteration_bounds = array<i64: 245>, scalar_prefetch = 0 : i64, scratch_operands = 0 : i64, tpu.core_type = #tpu.core_type<tc>, window_params = [{transform_indices = @transform_0, window_bounds = array<i64: 64, 4096>}, {transform_indices = @transform_1, window_bounds = array<i64: 2048, 128>}]} {
    %get3A = arith.constant 0 : index
    %get3A_0 = arith.constant 0 : index
    %get3A_1 = vector.load %arg1[%get3A, %get3A_0] : memref<64x4096xf32, #tpu.memory_space<vmem>>, vector<64x4096xf32>
    %iota3A = tpu.iota {dimensions = array<i32: 1>} : vector<64x64xi32>
    %iota3A_2 = tpu.iota {dimensions = array<i32: 0>} : vector<64x64xi32>
    %eq3A = arith.cmpi eq, %iota3A, %iota3A_2 : vector<64x64xi32>
    %jit3A = arith.constant 1.000000e+00 : f32
    %jit3A_3 = arith.constant 0.000000e+00 : f32
    %broadcast_in_dim3A = vector.broadcast %jit3A : f32 to vector<64x64xf32>
    %broadcast_in_dim3A_4 = vector.broadcast %jit3A_3 : f32 to vector<64x64xf32>
    %select_n3A = arith.select %eq3A, %broadcast_in_dim3A, %broadcast_in_dim3A_4 : vector<64x64xi1>, vector<64x64xf32>
    %dot_general3A = arith.constant dense<0.000000e+00> : vector<4096x64xf32>
    %dot_general3A_5 = tpu.matmul %get3A_1, %select_n3A, %dot_general3A {dimension_numbers = #tpu.dot_dimension_numbers<[0], [0], [1], [1], [0, 1, 1, 1], [], []>, transpose_lhs_hint = false} : vector<64x4096xf32>, vector<64x64xf32>, vector<4096x64xf32> -> vector<4096x64xf32>
    %slice3A = vector.extract_strided_slice %dot_general3A_5 {offsets = [0, 0], sizes = [2048, 64], strides = [1, 1]} : vector<4096x64xf32> to vector<2048x64xf32>
    %slice3A_6 = vector.extract_strided_slice %dot_general3A_5 {offsets = [2048, 0], sizes = [2048, 64], strides = [1, 1]} : vector<4096x64xf32> to vector<2048x64xf32>
    %concatenate3A = tpu.concatenate %slice3A, %slice3A_6 in 1 : vector<2048x64xf32>, vector<2048x64xf32> -> vector<2048x128xf32>
    %swap3A = arith.constant 0 : index
    %swap3A_7 = arith.constant 0 : index
    %swap3A_8 = vector.load %arg2[%swap3A, %swap3A_7] : memref<2048x128xf32, #tpu.memory_space<vmem>>, vector<2048x128xf32>
    tpu.vector_store %arg2[%swap3A, %swap3A_7], %concatenate3A {strides = array<i32>} : memref<2048x128xf32, #tpu.memory_space<vmem>>, vector<2048x128xf32>,
    return
  }
  func.func @transform_0(%arg0: i32) -> (i32, i32) {
    %c0_i32 = arith.constant 0 : i32
    %c0_i32_0 = arith.constant 0 : i32
    return %c0_i32, %arg0 : i32, i32
  }
  func.func @transform_1(%arg0: i32) -> (i32, i32) {
    %c0_i32 = arith.constant 0 : i32
    %c0_i32_0 = arith.constant 0 : i32
    return %arg0, %c0_i32 : i32, i32
  }
}

module attributes {stable_mosaic.version = 14 : i64} {
  func.func @body(%arg0: i32, %arg1: i32, %arg2: memref<512x8x128xf32, #tpu.memory_space<vmem>>, %arg3: memref<8x64x512xf32, #tpu.memory_space<vmem>>) attributes {dimension_semantics = [#tpu.dimension_semantics<arbitrary>, #tpu.dimension_semantics<arbitrary>], iteration_bounds = array<i64: 4, 25>, scalar_prefetch = 0 : i64, scratch_operands = 0 : i64, tpu.core_type = #tpu.core_type<tc>, window_params = [{transform_indices = @transform_0, window_bounds = array<i64: 512, 8, 128>}, {transform_indices = @transform_1, window_bounds = array<i64: 8, 64, 512>}]} {
    %get3A = arith.constant 0 : index
    %get3A_0 = arith.constant 0 : index
    %get3A_1 = arith.constant 0 : index
    %get3A_2 = vector.load %arg2[%get3A, %get3A_0, %get3A_1] : memref<512x8x128xf32, #tpu.memory_space<vmem>>, vector<512x8x128xf32>
    %iota3A = tpu.iota {dimensions = array<i32: 1>} : vector<64x128xi32>
    %iota3A_3 = tpu.iota {dimensions = array<i32: 0>} : vector<64x128xi32>
    %lt3A = arith.constant 2 : i32
    %lt3A_4 = arith.cmpi slt, %arg0, %lt3A : i32
    %add3A = arith.constant 64 : i32
    %add3A_5 = vector.broadcast %add3A : i32 to vector<64x128xi32>
    %add3A_6 = arith.addi %iota3A_3, %add3A_5 : vector<64x128xi32>
    %select_n3A = arith.select %lt3A_4, %iota3A_3, %add3A_6 : vector<64x128xi32>
    %eq3A = arith.cmpi eq, %iota3A, %select_n3A : vector<64x128xi32>
    %jit3A = arith.constant 1.000000e+00 : f32
    %jit3A_7 = arith.constant 0.000000e+00 : f32
    %broadcast_in_dim3A = vector.broadcast %jit3A : f32 to vector<64x128xf32>
    %broadcast_in_dim3A_8 = vector.broadcast %jit3A_7 : f32 to vector<64x128xf32>
    %select_n3A_9 = arith.select %eq3A, %broadcast_in_dim3A, %broadcast_in_dim3A_8 : vector<64x128xi1>, vector<64x128xf32>
    %slice3A = vector.extract_strided_slice %get3A_2 {offsets = [0, 0, 0], sizes = [512, 1, 128], strides = [1, 1, 1]} : vector<512x8x128xf32> to vector<512x1x128xf32>
    %squeeze3A = vector.shape_cast %slice3A : vector<512x1x128xf32> to vector<512x128xf32>
    %dot_general3A = arith.constant dense<0.000000e+00> : vector<64x512xf32>
    %dot_general3A_10 = tpu.matmul %select_n3A_9, %squeeze3A, %dot_general3A {dimension_numbers = #tpu.dot_dimension_numbers<[1], [1], [0], [0], [0, 0, 1, 0], [], []>, transpose_lhs_hint = false} : vector<64x128xf32>, vector<512x128xf32>, vector<64x512xf32> -> vector<64x512xf32>
    %swap3A = arith.constant 0 : index
    %swap3A_11 = arith.constant 0 : index
    %swap3A_12 = arith.constant 0 : index
    %swap3A_13 = vector.load %arg3[%swap3A, %swap3A_11, %swap3A_12] : memref<8x64x512xf32, #tpu.memory_space<vmem>>, vector<1x64x512xf32>
    %swap3A_14 = vector.shape_cast %swap3A_13 : vector<1x64x512xf32> to vector<64x512xf32>
    %swap3A_15 = vector.shape_cast %dot_general3A_10 : vector<64x512xf32> to vector<1x64x512xf32>
    tpu.vector_store %arg3[%swap3A, %swap3A_11, %swap3A_12], %swap3A_15 {strides = array<i32>} : memref<8x64x512xf32, #tpu.memory_space<vmem>>, vector<1x64x512xf32>,
    %slice3A_16 = vector.extract_strided_slice %get3A_2 {offsets = [0, 1, 0], sizes = [512, 1, 128], strides = [1, 1, 1]} : vector<512x8x128xf32> to vector<512x1x128xf32>
    %squeeze3A_17 = vector.shape_cast %slice3A_16 : vector<512x1x128xf32> to vector<512x128xf32>
    %dot_general3A_18 = arith.constant dense<0.000000e+00> : vector<64x512xf32>
    %dot_general3A_19 = tpu.matmul %select_n3A_9, %squeeze3A_17, %dot_general3A_18 {dimension_numbers = #tpu.dot_dimension_numbers<[1], [1], [0], [0], [0, 0, 1, 0], [], []>, transpose_lhs_hint = false} : vector<64x128xf32>, vector<512x128xf32>, vector<64x512xf32> -> vector<64x512xf32>
    %swap3A_20 = arith.constant 1 : index
    %swap3A_21 = arith.constant 0 : index
    %swap3A_22 = arith.constant 0 : index
    %swap3A_23 = vector.load %arg3[%swap3A_20, %swap3A_21, %swap3A_22] : memref<8x64x512xf32, #tpu.memory_space<vmem>>, vector<1x64x512xf32>
    %swap3A_24 = vector.shape_cast %swap3A_23 : vector<1x64x512xf32> to vector<64x512xf32>
    %swap3A_25 = vector.shape_cast %dot_general3A_19 : vector<64x512xf32> to vector<1x64x512xf32>
    tpu.vector_store %arg3[%swap3A_20, %swap3A_21, %swap3A_22], %swap3A_25 {strides = array<i32>} : memref<8x64x512xf32, #tpu.memory_space<vmem>>, vector<1x64x512xf32>,
    %slice3A_26 = vector.extract_strided_slice %get3A_2 {offsets = [0, 2, 0], sizes = [512, 1, 128], strides = [1, 1, 1]} : vector<512x8x128xf32> to vector<512x1x128xf32>
    %squeeze3A_27 = vector.shape_cast %slice3A_26 : vector<512x1x128xf32> to vector<512x128xf32>
    %dot_general3A_28 = arith.constant dense<0.000000e+00> : vector<64x512xf32>
    %dot_general3A_29 = tpu.matmul %select_n3A_9, %squeeze3A_27, %dot_general3A_28 {dimension_numbers = #tpu.dot_dimension_numbers<[1], [1], [0], [0], [0, 0, 1, 0], [], []>, transpose_lhs_hint = false} : vector<64x128xf32>, vector<512x128xf32>, vector<64x512xf32> -> vector<64x512xf32>
    %swap3A_30 = arith.constant 2 : index
    %swap3A_31 = arith.constant 0 : index
    %swap3A_32 = arith.constant 0 : index
    %swap3A_33 = vector.load %arg3[%swap3A_30, %swap3A_31, %swap3A_32] : memref<8x64x512xf32, #tpu.memory_space<vmem>>, vector<1x64x512xf32>
    %swap3A_34 = vector.shape_cast %swap3A_33 : vector<1x64x512xf32> to vector<64x512xf32>
    %swap3A_35 = vector.shape_cast %dot_general3A_29 : vector<64x512xf32> to vector<1x64x512xf32>
    tpu.vector_store %arg3[%swap3A_30, %swap3A_31, %swap3A_32], %swap3A_35 {strides = array<i32>} : memref<8x64x512xf32, #tpu.memory_space<vmem>>, vector<1x64x512xf32>,
    %slice3A_36 = vector.extract_strided_slice %get3A_2 {offsets = [0, 3, 0], sizes = [512, 1, 128], strides = [1, 1, 1]} : vector<512x8x128xf32> to vector<512x1x128xf32>
    %squeeze3A_37 = vector.shape_cast %slice3A_36 : vector<512x1x128xf32> to vector<512x128xf32>
    %dot_general3A_38 = arith.constant dense<0.000000e+00> : vector<64x512xf32>
    %dot_general3A_39 = tpu.matmul %select_n3A_9, %squeeze3A_37, %dot_general3A_38 {dimension_numbers = #tpu.dot_dimension_numbers<[1], [1], [0], [0], [0, 0, 1, 0], [], []>, transpose_lhs_hint = false} : vector<64x128xf32>, vector<512x128xf32>, vector<64x512xf32> -> vector<64x512xf32>
    %swap3A_40 = arith.constant 3 : index
    %swap3A_41 = arith.constant 0 : index
    %swap3A_42 = arith.constant 0 : index
    %swap3A_43 = vector.load %arg3[%swap3A_40, %swap3A_41, %swap3A_42] : memref<8x64x512xf32, #tpu.memory_space<vmem>>, vector<1x64x512xf32>
    %swap3A_44 = vector.shape_cast %swap3A_43 : vector<1x64x512xf32> to vector<64x512xf32>
    %swap3A_45 = vector.shape_cast %dot_general3A_39 : vector<64x512xf32> to vector<1x64x512xf32>
    tpu.vector_store %arg3[%swap3A_40, %swap3A_41, %swap3A_42], %swap3A_45 {strides = array<i32>} : memref<8x64x512xf32, #tpu.memory_space<vmem>>, vector<1x64x512xf32>,
    %slice3A_46 = vector.extract_strided_slice %get3A_2 {offsets = [0, 4, 0], sizes = [512, 1, 128], strides = [1, 1, 1]} : vector<512x8x128xf32> to vector<512x1x128xf32>
    %squeeze3A_47 = vector.shape_cast %slice3A_46 : vector<512x1x128xf32> to vector<512x128xf32>
    %dot_general3A_48 = arith.constant dense<0.000000e+00> : vector<64x512xf32>
    %dot_general3A_49 = tpu.matmul %select_n3A_9, %squeeze3A_47, %dot_general3A_48 {dimension_numbers = #tpu.dot_dimension_numbers<[1], [1], [0], [0], [0, 0, 1, 0], [], []>, transpose_lhs_hint = false} : vector<64x128xf32>, vector<512x128xf32>, vector<64x512xf32> -> vector<64x512xf32>
    %swap3A_50 = arith.constant 4 : index
    %swap3A_51 = arith.constant 0 : index
    %swap3A_52 = arith.constant 0 : index
    %swap3A_53 = vector.load %arg3[%swap3A_50, %swap3A_51, %swap3A_52] : memref<8x64x512xf32, #tpu.memory_space<vmem>>, vector<1x64x512xf32>
    %swap3A_54 = vector.shape_cast %swap3A_53 : vector<1x64x512xf32> to vector<64x512xf32>
    %swap3A_55 = vector.shape_cast %dot_general3A_49 : vector<64x512xf32> to vector<1x64x512xf32>
    tpu.vector_store %arg3[%swap3A_50, %swap3A_51, %swap3A_52], %swap3A_55 {strides = array<i32>} : memref<8x64x512xf32, #tpu.memory_space<vmem>>, vector<1x64x512xf32>,
    %slice3A_56 = vector.extract_strided_slice %get3A_2 {offsets = [0, 5, 0], sizes = [512, 1, 128], strides = [1, 1, 1]} : vector<512x8x128xf32> to vector<512x1x128xf32>
    %squeeze3A_57 = vector.shape_cast %slice3A_56 : vector<512x1x128xf32> to vector<512x128xf32>
    %dot_general3A_58 = arith.constant dense<0.000000e+00> : vector<64x512xf32>
    %dot_general3A_59 = tpu.matmul %select_n3A_9, %squeeze3A_57, %dot_general3A_58 {dimension_numbers = #tpu.dot_dimension_numbers<[1], [1], [0], [0], [0, 0, 1, 0], [], []>, transpose_lhs_hint = false} : vector<64x128xf32>, vector<512x128xf32>, vector<64x512xf32> -> vector<64x512xf32>
    %swap3A_60 = arith.constant 5 : index
    %swap3A_61 = arith.constant 0 : index
    %swap3A_62 = arith.constant 0 : index
    %swap3A_63 = vector.load %arg3[%swap3A_60, %swap3A_61, %swap3A_62] : memref<8x64x512xf32, #tpu.memory_space<vmem>>, vector<1x64x512xf32>
    %swap3A_64 = vector.shape_cast %swap3A_63 : vector<1x64x512xf32> to vector<64x512xf32>
    %swap3A_65 = vector.shape_cast %dot_general3A_59 : vector<64x512xf32> to vector<1x64x512xf32>
    tpu.vector_store %arg3[%swap3A_60, %swap3A_61, %swap3A_62], %swap3A_65 {strides = array<i32>} : memref<8x64x512xf32, #tpu.memory_space<vmem>>, vector<1x64x512xf32>,
    %slice3A_66 = vector.extract_strided_slice %get3A_2 {offsets = [0, 6, 0], sizes = [512, 1, 128], strides = [1, 1, 1]} : vector<512x8x128xf32> to vector<512x1x128xf32>
    %squeeze3A_67 = vector.shape_cast %slice3A_66 : vector<512x1x128xf32> to vector<512x128xf32>
    %dot_general3A_68 = arith.constant dense<0.000000e+00> : vector<64x512xf32>
    %dot_general3A_69 = tpu.matmul %select_n3A_9, %squeeze3A_67, %dot_general3A_68 {dimension_numbers = #tpu.dot_dimension_numbers<[1], [1], [0], [0], [0, 0, 1, 0], [], []>, transpose_lhs_hint = false} : vector<64x128xf32>, vector<512x128xf32>, vector<64x512xf32> -> vector<64x512xf32>
    %swap3A_70 = arith.constant 6 : index
    %swap3A_71 = arith.constant 0 : index
    %swap3A_72 = arith.constant 0 : index
    %swap3A_73 = vector.load %arg3[%swap3A_70, %swap3A_71, %swap3A_72] : memref<8x64x512xf32, #tpu.memory_space<vmem>>, vector<1x64x512xf32>
    %swap3A_74 = vector.shape_cast %swap3A_73 : vector<1x64x512xf32> to vector<64x512xf32>
    %swap3A_75 = vector.shape_cast %dot_general3A_69 : vector<64x512xf32> to vector<1x64x512xf32>
    tpu.vector_store %arg3[%swap3A_70, %swap3A_71, %swap3A_72], %swap3A_75 {strides = array<i32>} : memref<8x64x512xf32, #tpu.memory_space<vmem>>, vector<1x64x512xf32>,
    %slice3A_76 = vector.extract_strided_slice %get3A_2 {offsets = [0, 7, 0], sizes = [512, 1, 128], strides = [1, 1, 1]} : vector<512x8x128xf32> to vector<512x1x128xf32>
    %squeeze3A_77 = vector.shape_cast %slice3A_76 : vector<512x1x128xf32> to vector<512x128xf32>
    %dot_general3A_78 = arith.constant dense<0.000000e+00> : vector<64x512xf32>
    %dot_general3A_79 = tpu.matmul %select_n3A_9, %squeeze3A_77, %dot_general3A_78 {dimension_numbers = #tpu.dot_dimension_numbers<[1], [1], [0], [0], [0, 0, 1, 0], [], []>, transpose_lhs_hint = false} : vector<64x128xf32>, vector<512x128xf32>, vector<64x512xf32> -> vector<64x512xf32>
    %swap3A_80 = arith.constant 7 : index
    %swap3A_81 = arith.constant 0 : index
    %swap3A_82 = arith.constant 0 : index
    %swap3A_83 = vector.load %arg3[%swap3A_80, %swap3A_81, %swap3A_82] : memref<8x64x512xf32, #tpu.memory_space<vmem>>, vector<1x64x512xf32>
    %swap3A_84 = vector.shape_cast %swap3A_83 : vector<1x64x512xf32> to vector<64x512xf32>
    %swap3A_85 = vector.shape_cast %dot_general3A_79 : vector<64x512xf32> to vector<1x64x512xf32>
    tpu.vector_store %arg3[%swap3A_80, %swap3A_81, %swap3A_82], %swap3A_85 {strides = array<i32>} : memref<8x64x512xf32, #tpu.memory_space<vmem>>, vector<1x64x512xf32>,
    return
  }
  func.func @transform_0(%arg0: i32, %arg1: i32) -> (i32, i32, i32) {
    %lt3A = arith.constant 2 : i32
    %lt3A_0 = arith.cmpi slt, %arg0, %lt3A : i32
    %sub3A = arith.constant 2 : i32
    %sub3A_1 = arith.subi %arg0, %sub3A : i32
    %select_n3A = arith.select %lt3A_0, %arg0, %sub3A_1 : i32
    %c0_i32 = arith.constant 0 : i32
    %c0_i32_2 = arith.constant 0 : i32
    return %select_n3A, %arg1, %c0_i32 : i32, i32, i32
  }
  func.func @transform_1(%arg0: i32, %arg1: i32) -> (i32, i32, i32) {
    %add3A = arith.constant 0 : i32
    %add3A_0 = arith.addi %add3A, %arg0 : i32
    %lt3A = arith.constant 2 : i32
    %lt3A_1 = arith.cmpi slt, %arg0, %lt3A : i32
    %jit3A = arith.constant 0 : i32
    %jit3A_2 = arith.constant 2 : i32
    %select_n3A = arith.select %lt3A_1, %jit3A, %jit3A_2 : i32
    %add3A_3 = arith.addi %add3A_0, %select_n3A : i32
    %c0_i32 = arith.constant 0 : i32
    %c0_i32_4 = arith.constant 0 : i32
    return %arg1, %c0_i32, %add3A_3 : i32, i32, i32
  }
}

module attributes {stable_mosaic.version = 14 : i64} {
  func.func @body(%arg0: i32, %arg1: i32, %arg2: memref<512x8x128xf32, #tpu.memory_space<vmem>>, %arg3: memref<200x64x4096xf32, #tpu.memory_space<any>>, %arg4: memref<8x64x512xf32, #tpu.memory_space<vmem>>) attributes {dimension_semantics = [#tpu.dimension_semantics<arbitrary>, #tpu.dimension_semantics<arbitrary>], iteration_bounds = array<i64: 4, 25>, scalar_prefetch = 0 : i64, scratch_operands = 0 : i64, tpu.core_type = #tpu.core_type<tc>, window_params = [{transform_indices = @transform_0, window_bounds = array<i64: 512, 8, 128>}, {}, {transform_indices = @transform_2, window_bounds = array<i64: 8, 64, 512>}]} {
    %get3A = arith.constant 0 : index
    %get3A_0 = arith.constant 0 : index
    %get3A_1 = arith.constant 0 : index
    %get3A_2 = vector.load %arg2[%get3A, %get3A_0, %get3A_1] : memref<512x8x128xf32, #tpu.memory_space<vmem>>, vector<512x8x128xf32>
    %iota3A = tpu.iota {dimensions = array<i32: 1>} : vector<64x128xi32>
    %iota3A_3 = tpu.iota {dimensions = array<i32: 0>} : vector<64x128xi32>
    %lt3A = arith.constant 2 : i32
    %lt3A_4 = arith.cmpi slt, %arg0, %lt3A : i32
    %add3A = arith.constant 64 : i32
    %add3A_5 = vector.broadcast %add3A : i32 to vector<64x128xi32>
    %add3A_6 = arith.addi %iota3A_3, %add3A_5 : vector<64x128xi32>
    %select_n3A = arith.select %lt3A_4, %iota3A_3, %add3A_6 : vector<64x128xi32>
    %eq3A = arith.cmpi eq, %iota3A, %select_n3A : vector<64x128xi32>
    %jit3A = arith.constant 1.000000e+00 : f32
    %jit3A_7 = arith.constant 0.000000e+00 : f32
    %broadcast_in_dim3A = vector.broadcast %jit3A : f32 to vector<64x128xf32>
    %broadcast_in_dim3A_8 = vector.broadcast %jit3A_7 : f32 to vector<64x128xf32>
    %select_n3A_9 = arith.select %eq3A, %broadcast_in_dim3A, %broadcast_in_dim3A_8 : vector<64x128xi1>, vector<64x128xf32>
    %slice3A = vector.extract_strided_slice %get3A_2 {offsets = [0, 0, 0], sizes = [512, 1, 128], strides = [1, 1, 1]} : vector<512x8x128xf32> to vector<512x1x128xf32>
    %squeeze3A = vector.shape_cast %slice3A : vector<512x1x128xf32> to vector<512x128xf32>
    %dot_general3A = arith.constant dense<0.000000e+00> : vector<64x512xf32>
    %dot_general3A_10 = tpu.matmul %select_n3A_9, %squeeze3A, %dot_general3A {dimension_numbers = #tpu.dot_dimension_numbers<[1], [1], [0], [0], [0, 0, 1, 0], [], []>, transpose_lhs_hint = false} : vector<64x128xf32>, vector<512x128xf32>, vector<64x512xf32> -> vector<64x512xf32>
    %swap3A = arith.constant 0 : index
    %swap3A_11 = arith.constant 0 : index
    %swap3A_12 = arith.constant 0 : index
    %swap3A_13 = vector.load %arg4[%swap3A, %swap3A_11, %swap3A_12] : memref<8x64x512xf32, #tpu.memory_space<vmem>>, vector<1x64x512xf32>
    %swap3A_14 = vector.shape_cast %swap3A_13 : vector<1x64x512xf32> to vector<64x512xf32>
    %swap3A_15 = vector.shape_cast %dot_general3A_10 : vector<64x512xf32> to vector<1x64x512xf32>
    tpu.vector_store %arg4[%swap3A, %swap3A_11, %swap3A_12], %swap3A_15 {strides = array<i32>} : memref<8x64x512xf32, #tpu.memory_space<vmem>>, vector<1x64x512xf32>,
    %slice3A_16 = vector.extract_strided_slice %get3A_2 {offsets = [0, 1, 0], sizes = [512, 1, 128], strides = [1, 1, 1]} : vector<512x8x128xf32> to vector<512x1x128xf32>
    %squeeze3A_17 = vector.shape_cast %slice3A_16 : vector<512x1x128xf32> to vector<512x128xf32>
    %dot_general3A_18 = arith.constant dense<0.000000e+00> : vector<64x512xf32>
    %dot_general3A_19 = tpu.matmul %select_n3A_9, %squeeze3A_17, %dot_general3A_18 {dimension_numbers = #tpu.dot_dimension_numbers<[1], [1], [0], [0], [0, 0, 1, 0], [], []>, transpose_lhs_hint = false} : vector<64x128xf32>, vector<512x128xf32>, vector<64x512xf32> -> vector<64x512xf32>
    %swap3A_20 = arith.constant 1 : index
    %swap3A_21 = arith.constant 0 : index
    %swap3A_22 = arith.constant 0 : index
    %swap3A_23 = vector.load %arg4[%swap3A_20, %swap3A_21, %swap3A_22] : memref<8x64x512xf32, #tpu.memory_space<vmem>>, vector<1x64x512xf32>
    %swap3A_24 = vector.shape_cast %swap3A_23 : vector<1x64x512xf32> to vector<64x512xf32>
    %swap3A_25 = vector.shape_cast %dot_general3A_19 : vector<64x512xf32> to vector<1x64x512xf32>
    tpu.vector_store %arg4[%swap3A_20, %swap3A_21, %swap3A_22], %swap3A_25 {strides = array<i32>} : memref<8x64x512xf32, #tpu.memory_space<vmem>>, vector<1x64x512xf32>,
    %slice3A_26 = vector.extract_strided_slice %get3A_2 {offsets = [0, 2, 0], sizes = [512, 1, 128], strides = [1, 1, 1]} : vector<512x8x128xf32> to vector<512x1x128xf32>
    %squeeze3A_27 = vector.shape_cast %slice3A_26 : vector<512x1x128xf32> to vector<512x128xf32>
    %dot_general3A_28 = arith.constant dense<0.000000e+00> : vector<64x512xf32>
    %dot_general3A_29 = tpu.matmul %select_n3A_9, %squeeze3A_27, %dot_general3A_28 {dimension_numbers = #tpu.dot_dimension_numbers<[1], [1], [0], [0], [0, 0, 1, 0], [], []>, transpose_lhs_hint = false} : vector<64x128xf32>, vector<512x128xf32>, vector<64x512xf32> -> vector<64x512xf32>
    %swap3A_30 = arith.constant 2 : index
    %swap3A_31 = arith.constant 0 : index
    %swap3A_32 = arith.constant 0 : index
    %swap3A_33 = vector.load %arg4[%swap3A_30, %swap3A_31, %swap3A_32] : memref<8x64x512xf32, #tpu.memory_space<vmem>>, vector<1x64x512xf32>
    %swap3A_34 = vector.shape_cast %swap3A_33 : vector<1x64x512xf32> to vector<64x512xf32>
    %swap3A_35 = vector.shape_cast %dot_general3A_29 : vector<64x512xf32> to vector<1x64x512xf32>
    tpu.vector_store %arg4[%swap3A_30, %swap3A_31, %swap3A_32], %swap3A_35 {strides = array<i32>} : memref<8x64x512xf32, #tpu.memory_space<vmem>>, vector<1x64x512xf32>,
    %slice3A_36 = vector.extract_strided_slice %get3A_2 {offsets = [0, 3, 0], sizes = [512, 1, 128], strides = [1, 1, 1]} : vector<512x8x128xf32> to vector<512x1x128xf32>
    %squeeze3A_37 = vector.shape_cast %slice3A_36 : vector<512x1x128xf32> to vector<512x128xf32>
    %dot_general3A_38 = arith.constant dense<0.000000e+00> : vector<64x512xf32>
    %dot_general3A_39 = tpu.matmul %select_n3A_9, %squeeze3A_37, %dot_general3A_38 {dimension_numbers = #tpu.dot_dimension_numbers<[1], [1], [0], [0], [0, 0, 1, 0], [], []>, transpose_lhs_hint = false} : vector<64x128xf32>, vector<512x128xf32>, vector<64x512xf32> -> vector<64x512xf32>
    %swap3A_40 = arith.constant 3 : index
    %swap3A_41 = arith.constant 0 : index
    %swap3A_42 = arith.constant 0 : index
    %swap3A_43 = vector.load %arg4[%swap3A_40, %swap3A_41, %swap3A_42] : memref<8x64x512xf32, #tpu.memory_space<vmem>>, vector<1x64x512xf32>
    %swap3A_44 = vector.shape_cast %swap3A_43 : vector<1x64x512xf32> to vector<64x512xf32>
    %swap3A_45 = vector.shape_cast %dot_general3A_39 : vector<64x512xf32> to vector<1x64x512xf32>
    tpu.vector_store %arg4[%swap3A_40, %swap3A_41, %swap3A_42], %swap3A_45 {strides = array<i32>} : memref<8x64x512xf32, #tpu.memory_space<vmem>>, vector<1x64x512xf32>,
    %slice3A_46 = vector.extract_strided_slice %get3A_2 {offsets = [0, 4, 0], sizes = [512, 1, 128], strides = [1, 1, 1]} : vector<512x8x128xf32> to vector<512x1x128xf32>
    %squeeze3A_47 = vector.shape_cast %slice3A_46 : vector<512x1x128xf32> to vector<512x128xf32>
    %dot_general3A_48 = arith.constant dense<0.000000e+00> : vector<64x512xf32>
    %dot_general3A_49 = tpu.matmul %select_n3A_9, %squeeze3A_47, %dot_general3A_48 {dimension_numbers = #tpu.dot_dimension_numbers<[1], [1], [0], [0], [0, 0, 1, 0], [], []>, transpose_lhs_hint = false} : vector<64x128xf32>, vector<512x128xf32>, vector<64x512xf32> -> vector<64x512xf32>
    %swap3A_50 = arith.constant 4 : index
    %swap3A_51 = arith.constant 0 : index
    %swap3A_52 = arith.constant 0 : index
    %swap3A_53 = vector.load %arg4[%swap3A_50, %swap3A_51, %swap3A_52] : memref<8x64x512xf32, #tpu.memory_space<vmem>>, vector<1x64x512xf32>
    %swap3A_54 = vector.shape_cast %swap3A_53 : vector<1x64x512xf32> to vector<64x512xf32>
    %swap3A_55 = vector.shape_cast %dot_general3A_49 : vector<64x512xf32> to vector<1x64x512xf32>
    tpu.vector_store %arg4[%swap3A_50, %swap3A_51, %swap3A_52], %swap3A_55 {strides = array<i32>} : memref<8x64x512xf32, #tpu.memory_space<vmem>>, vector<1x64x512xf32>,
    %slice3A_56 = vector.extract_strided_slice %get3A_2 {offsets = [0, 5, 0], sizes = [512, 1, 128], strides = [1, 1, 1]} : vector<512x8x128xf32> to vector<512x1x128xf32>
    %squeeze3A_57 = vector.shape_cast %slice3A_56 : vector<512x1x128xf32> to vector<512x128xf32>
    %dot_general3A_58 = arith.constant dense<0.000000e+00> : vector<64x512xf32>
    %dot_general3A_59 = tpu.matmul %select_n3A_9, %squeeze3A_57, %dot_general3A_58 {dimension_numbers = #tpu.dot_dimension_numbers<[1], [1], [0], [0], [0, 0, 1, 0], [], []>, transpose_lhs_hint = false} : vector<64x128xf32>, vector<512x128xf32>, vector<64x512xf32> -> vector<64x512xf32>
    %swap3A_60 = arith.constant 5 : index
    %swap3A_61 = arith.constant 0 : index
    %swap3A_62 = arith.constant 0 : index
    %swap3A_63 = vector.load %arg4[%swap3A_60, %swap3A_61, %swap3A_62] : memref<8x64x512xf32, #tpu.memory_space<vmem>>, vector<1x64x512xf32>
    %swap3A_64 = vector.shape_cast %swap3A_63 : vector<1x64x512xf32> to vector<64x512xf32>
    %swap3A_65 = vector.shape_cast %dot_general3A_59 : vector<64x512xf32> to vector<1x64x512xf32>
    tpu.vector_store %arg4[%swap3A_60, %swap3A_61, %swap3A_62], %swap3A_65 {strides = array<i32>} : memref<8x64x512xf32, #tpu.memory_space<vmem>>, vector<1x64x512xf32>,
    %slice3A_66 = vector.extract_strided_slice %get3A_2 {offsets = [0, 6, 0], sizes = [512, 1, 128], strides = [1, 1, 1]} : vector<512x8x128xf32> to vector<512x1x128xf32>
    %squeeze3A_67 = vector.shape_cast %slice3A_66 : vector<512x1x128xf32> to vector<512x128xf32>
    %dot_general3A_68 = arith.constant dense<0.000000e+00> : vector<64x512xf32>
    %dot_general3A_69 = tpu.matmul %select_n3A_9, %squeeze3A_67, %dot_general3A_68 {dimension_numbers = #tpu.dot_dimension_numbers<[1], [1], [0], [0], [0, 0, 1, 0], [], []>, transpose_lhs_hint = false} : vector<64x128xf32>, vector<512x128xf32>, vector<64x512xf32> -> vector<64x512xf32>
    %swap3A_70 = arith.constant 6 : index
    %swap3A_71 = arith.constant 0 : index
    %swap3A_72 = arith.constant 0 : index
    %swap3A_73 = vector.load %arg4[%swap3A_70, %swap3A_71, %swap3A_72] : memref<8x64x512xf32, #tpu.memory_space<vmem>>, vector<1x64x512xf32>
    %swap3A_74 = vector.shape_cast %swap3A_73 : vector<1x64x512xf32> to vector<64x512xf32>
    %swap3A_75 = vector.shape_cast %dot_general3A_69 : vector<64x512xf32> to vector<1x64x512xf32>
    tpu.vector_store %arg4[%swap3A_70, %swap3A_71, %swap3A_72], %swap3A_75 {strides = array<i32>} : memref<8x64x512xf32, #tpu.memory_space<vmem>>, vector<1x64x512xf32>,
    %slice3A_76 = vector.extract_strided_slice %get3A_2 {offsets = [0, 7, 0], sizes = [512, 1, 128], strides = [1, 1, 1]} : vector<512x8x128xf32> to vector<512x1x128xf32>
    %squeeze3A_77 = vector.shape_cast %slice3A_76 : vector<512x1x128xf32> to vector<512x128xf32>
    %dot_general3A_78 = arith.constant dense<0.000000e+00> : vector<64x512xf32>
    %dot_general3A_79 = tpu.matmul %select_n3A_9, %squeeze3A_77, %dot_general3A_78 {dimension_numbers = #tpu.dot_dimension_numbers<[1], [1], [0], [0], [0, 0, 1, 0], [], []>, transpose_lhs_hint = false} : vector<64x128xf32>, vector<512x128xf32>, vector<64x512xf32> -> vector<64x512xf32>
    %swap3A_80 = arith.constant 7 : index
    %swap3A_81 = arith.constant 0 : index
    %swap3A_82 = arith.constant 0 : index
    %swap3A_83 = vector.load %arg4[%swap3A_80, %swap3A_81, %swap3A_82] : memref<8x64x512xf32, #tpu.memory_space<vmem>>, vector<1x64x512xf32>
    %swap3A_84 = vector.shape_cast %swap3A_83 : vector<1x64x512xf32> to vector<64x512xf32>
    %swap3A_85 = vector.shape_cast %dot_general3A_79 : vector<64x512xf32> to vector<1x64x512xf32>
    tpu.vector_store %arg4[%swap3A_80, %swap3A_81, %swap3A_82], %swap3A_85 {strides = array<i32>} : memref<8x64x512xf32, #tpu.memory_space<vmem>>, vector<1x64x512xf32>,
    return
  }
  func.func @transform_0(%arg0: i32, %arg1: i32) -> (i32, i32, i32) {
    %lt3A = arith.constant 2 : i32
    %lt3A_0 = arith.cmpi slt, %arg0, %lt3A : i32
    %sub3A = arith.constant 2 : i32
    %sub3A_1 = arith.subi %arg0, %sub3A : i32
    %select_n3A = arith.select %lt3A_0, %arg0, %sub3A_1 : i32
    %c0_i32 = arith.constant 0 : i32
    %c0_i32_2 = arith.constant 0 : i32
    return %select_n3A, %arg1, %c0_i32 : i32, i32, i32
  }
  func.func @transform_2(%arg0: i32, %arg1: i32) -> (i32, i32, i32) {
    %add3A = arith.constant 2 : i32
    %add3A_0 = arith.addi %add3A, %arg0 : i32
    %lt3A = arith.constant 2 : i32
    %lt3A_1 = arith.cmpi slt, %arg0, %lt3A : i32
    %jit3A = arith.constant 0 : i32
    %jit3A_2 = arith.constant 2 : i32
    %select_n3A = arith.select %lt3A_1, %jit3A, %jit3A_2 : i32
    %add3A_3 = arith.addi %add3A_0, %select_n3A : i32
    %c0_i32 = arith.constant 0 : i32
    %c0_i32_4 = arith.constant 0 : i32
    return %arg1, %c0_i32, %add3A_3 : i32, i32, i32
  }
}

</mosaic_0001>

<sc_bundles>
// kernel: kernel.10.cloned.1.call-start
scs
__scs_entry_jumppad:
0x0: {  	(pc) =	sbr.rel $0x88, $3  }
0x1: {  	(tag) =	ssettag $0x0;
	lr =	simm.s32 $0x1  }
0x2: {  	[smem:$0x3F9E] =	sst lr;
	_ =	strace $0xD0000000  }
0x3: {  	_ = 	snop  }
0x4: {  	_ = 	snop  }
0x5: {  	_ = 	snop  }
0x6: {  	_ = 	snop  }
0x7: {  	_ = 	snop  }
__scs_overlays_trampoline_lowered:
0x8: {  	[smem:$0x3FAD] =	sst s0  }
0x9: {  	[smem:$0x3FAE] =	sst s1  }
0xa: {  	[smem:$0x3FAF] =	sst s2  }
0xb: {  	[smem:$0x3FB0] =	sst s3  }
0xc: {  	[smem:$0x3FB1] =	sst s4  }
0xd: {  	[smem:$0x3FB2] =	sst s5  }
0xe: {  	[smem:$0x3FB3] =	sst s6  }
0xf: {  	[smem:$0x3FB4] =	sst s7  }
0x10: {  	[smem:$0x3FB5] =	sst s8  }
0x11: {  	[smem:$0x3FB6] =	sst s9;
	s0 =	simm.s32 @!p0 $0x0  }
0x12: {  	s1 =	sld [smem:$0x3F9C];
	s0 =	simm.s32 @p0 $0x1  }
0x13: {  	[smem:$0x3FB7] =	sst s0;
	s0 =	simm.s32 @!p1 $0x0  }
0x14: {  	s2 =	sld [smem:$0x3F9B];
	s0 =	simm.s32 @p1 $0x1  }
0x15: {  	[smem:$0x3FB8] =	sst s0;
	s0 =	simm.s32 @!p2 $0x0  }
0x16: {  	s3 =	sld [smem:$0x3FDB];
	s0 =	simm.s32 @p2 $0x1  }
0x17: {  	s4 =	simm.s32 $0x1BF5;
	[smem:$0x3FBA] =	sst s0  }
0x18: {  	s0 =	sld [smem:$0x3F9D];
	_ =	swait.ge [sflag:s4], $0x0  }
0x19: {  	s7 =	sld [smem:$0x3F9E]  }
0x1a: {  	s8 =	sadd.s32 $0xFFFFE003, lr  }
0x1b: {  	s9 =	sadd.s32 $0xFFFFFEF7, lr;
	s5 =	simm.s32 $0xFFFFFFFF;
	p2 =	slt.u32 s8, $0xFFFFF086  }
0x1c: {  	p1 =	slt.u32 s9, $0xF7A;
	s5 =	simm.s32 @!p2 $0x0  }
0x1d: {  	s5 =	simm.s32 @p1 $0x1;
	p0 =	seq.s32 s7, s2  }
0x1e: {  	s7 =	smul.u32 @!p0 $0xF7A, s2;
	p2 =	seq.s32 @!p0 s5, $0x0  }
0x1f: {  	s9 =	smul.u32 $0xF7A, s1;
	s8 =	simm.s32 @!p0 $0x1BF5;
	p2 =	por !p2, p0  }
0x20: {  	[sflag:s8] =	ssyncset.s32 @!p0 $0xFFFFF086;
	s6 =	sadd.s32 @!p0 s3, s7;
	s7 =	simm.s32 @!p0 $0x108  }
0x21: {  	s3 =	sadd.s32 s3, s9;
	s6 =	sadd.s32 @!p0 $0x88, s6;
	s7 =	simm.s32 @p2 $0x1082  }
0x22: {  	[simem:s7], [sflag:s8] =	dma.local @!p0 [hbm:s6], $0xF7A  }
0x23: {  	s9 =	sor.u32 $0xD0000000, s2;
	s6 =	simm.s32 $0x108;
	_ =	swait.ge @!p0 [sflag:s8], $0x0  }
0x24: {  	s3 =	sadd.s32 $0x88, s3;
	s6 =	simm.s32 @!p1 $0x1082;
	[sflag:s4] =	ssyncset.s32 $0xFFFFF086  }
0x25: {  	[simem:s6], [sflag:s4] =	dma.local [hbm:s3], $0xF7A  }
0x26: {  	[smem:$0x3F9E] =	sst s1;
	(tag) =	ssettag s2;
	_ =	strace s9  }
0x27: {  	s1 =	sld [smem:$0x3FAE]  }
0x28: {  	s2 =	sld [smem:$0x3FAF]  }
0x29: {  	s4 =	sld [smem:$0x3FB1]  }
0x2a: {  	p0 =	seq.s32 s5, $0x0;
	s5 =	sld [smem:$0x3FB2]  }
0x2b: {  	s6 =	sld [smem:$0x3FB3]  }
0x2c: {  	s7 =	sld [smem:$0x3FB4]  }
0x2d: {  	s3 =	simm.s32 $0x108;
	s8 =	sld [smem:$0x3FB5]  }
0x2e: {  	s3 =	simm.s32 @!p0 $0x1082;
	s9 =	sld [smem:$0x3FB6]  }
0x2f: {  	lr =	sadd.s32 s0, s3;
	s0 =	sld [smem:$0x3FAD]  }
0x30: {  	s3 =	sld [smem:$0x3FB0]  }
0x31: {  	[smem:$0x3FB9] =	sst s10  }
0x32: {  	s10 =	sld [smem:$0x3FB7];
	_ =	sdelay $0x3  }
0x33: {  	p0 =	seq.s32 s10, $0x1;
	s10 =	sld [smem:$0x3FB9];
	_ =	sdelay $0x3  }
0x34: {  	[smem:$0x3FB9] =	sst s10  }
0x35: {  	s10 =	sld [smem:$0x3FB8];
	_ =	sdelay $0x3  }
0x36: {  	p1 =	seq.s32 s10, $0x1;
	s10 =	sld [smem:$0x3FB9];
	_ =	sdelay $0x3  }
0x37: {  	[smem:$0x3FB9] =	sst s10  }
0x38: {  	s10 =	sld [smem:$0x3FBA]  }
0x39: {  	_ = 	snop;
	(pc) =	sbr.ind lr, $3  }
0x3a: {  	_ = 	snop  }
0x3b: {  	_ = 	snop  }
0x3c: {  	p2 =	seq.s32 s10, $0x1;
	s10 =	sld [smem:$0x3FB9]  }
0x3d: {  	_ =	shalt  }
0x3e: {  	_ =	shalt  }
0x3f: {  	_ =	shalt  }
0x40: {  	_ =	shalt  }
0x41: {  	_ =	shalt  }
0x42: {  	_ =	shalt  }
0x43: {  	_ =	shalt  }
0x44: {  	_ =	shalt  }
0x45: {  	_ =	shalt  }
0x46: {  	_ =	shalt  }
0x47: {  	_ =	shalt  }
0x48: {  	_ =	shalt  }
0x49: {  	_ =	shalt  }
0x4a: {  	_ =	shalt  }
0x4b: {  	_ =	shalt  }
0x4c: {  	_ =	shalt  }
0x4d: {  	_ =	shalt  }
0x4e: {  	_ =	shalt  }
0x4f: {  	_ =	shalt  }
0x50: {  	_ =	shalt  }
0x51: {  	_ =	shalt  }
0x52: {  	_ =	shalt  }
0x53: {  	_ =	shalt  }
0x54: {  	_ =	shalt  }
0x55: {  	_ =	shalt  }
0x56: {  	_ =	shalt  }
0x57: {  	_ =	shalt  }
0x58: {  	_ =	shalt  }
0x59: {  	_ =	shalt  }
0x5a: {  	_ =	shalt  }
0x5b: {  	_ =	shalt  }
0x5c: {  	_ =	shalt  }
0x5d: {  	_ =	shalt  }
0x5e: {  	_ =	shalt  }
0x5f: {  	_ =	shalt  }
0x60: {  	_ =	shalt  }
0x61: {  	_ =	shalt  }
0x62: {  	_ =	shalt  }
0x63: {  	_ =	shalt  }
0x64: {  	_ =	shalt  }
0x65: {  	_ =	shalt  }
0x66: {  	_ =	shalt  }
0x67: {  	_ =	shalt  }
0x68: {  	_ =	shalt  }
0x69: {  	_ =	shalt  }
0x6a: {  	_ =	shalt  }
0x6b: {  	_ =	shalt  }
0x6c: {  	_ =	shalt  }
0x6d: {  	_ =	shalt  }
0x6e: {  	_ =	shalt  }
0x6f: {  	_ =	shalt  }
0x70: {  	_ =	shalt  }
0x71: {  	_ =	shalt  }
0x72: {  	_ =	shalt  }
0x73: {  	_ =	shalt  }
0x74: {  	_ =	shalt  }
0x75: {  	_ =	shalt  }
0x76: {  	_ =	shalt  }
0x77: {  	_ =	shalt  }
0x78: {  	_ =	shalt  }
0x79: {  	_ =	shalt  }
0x7a: {  	_ =	shalt  }
0x7b: {  	_ =	shalt  }
0x7c: {  	_ =	shalt  }
0x7d: {  	_ =	shalt  }
0x7e: {  	_ =	shalt  }
0x7f: {  	_ =	shalt  }
0x80: {  	_ =	shalt  }
0x81: {  	_ =	shalt  }
0x82: {  	_ =	shalt  }
0x83: {  	_ =	shalt  }
0x84: {  	_ =	shalt  }
0x85: {  	_ =	shalt  }
0x86: {  	_ =	shalt  }
0x87: {  	_ =	shalt  }
.Lfunc_end0:
.L_simem_size_0:
called_computation.1_lowered:
.L_overlay_start_0:
0x88: {  	s2 =	sld [smem:$0x3FD9]  }
0x89: {  	s3 =	sld [smem:$0x3FFE];
	_ =	sdelay $0x1  }
0x8a: {  	s1 =	srdreg.scid  }
0x8b: {  	s0 =	sand.u32 $0x1, s1  }
0x8c: {  	s17 =	sshll.u32 s0, $0xA;
	s2 =	sadd.s32 s3, s2  }
0x8d: {  	s2 =	sadd.s32 s2, s17  }
0x8e: {  	[smem:$0x3FC5] =	sst s2  }
0x8f: {  	_ = 	snop  }
0x90: {  	(tm) =	ssettm $0x1  }
0x91: {  	s18 =	sld [smem:$0x3FFB];
	_ =	sdelay $0x3  }
0x92: {  	_ =	strace s18  }
0x93: {  	s2 =	sld [smem:$0x3FFC];
	_ =	sdelay $0x3  }
0x94: {  	_ =	strace s2  }
0x95: {  	s2 =	sld [smem:$0x3FFD];
	_ =	sdelay $0x3  }
0x96: {  	_ =	strace s2  }
0x97: {  	_ =	strace $0x8FFFFFFF  }
0x98: {  	s19 =	sld [smem:$0x3FDB];
	_ =	sdelay $0x1  }
0x99: {  	s20 =	simm.s32 $_scs_section_size  }
0x9a: {  	s4 =	simm.s32 $_size__tile_overlayer_lowered;
	s5 =	simm.s32 $_tile_overlayer_lowered  }
0x9b: {  	s6 =	simm.s32 $0x1BFF;
	s21 =	sshll.u32 s5, $0x1;
	s3 =	sadd.s32 s20, s19  }
0x9c: {  	s22 =	simm.s32 $0x0;
	s4 =	sshll.u32 s4, $0x1;
	s5 =	sadd.s32 s21, s3  }
0x9d: {  	[timem:s22], [sflag:s6] =	dma.local [hbm:s5], s4  }
0x9e: {  	_ =	swait.ge [sflag:s6], s4  }
0x9f: {  	s4 =	ssub.s32 $0x0, s4;
	[sflag:s6] =	ssyncset.done $0x0  }
0xa0: {  	[sflag:s6] =	ssyncadd.s32 s4;
	_ =	sdelay $0x1  }
0xa1: {  	s23 =	simm.s32 $0x1B8B  }
0xa2: {  	_ =	swait.ge [sflag:s23], $0x1  }
0xa3: {  	[sflag:s23] =	ssyncset.done $0x0  }
0xa4: {  	[sflag:s23] =	ssyncadd.s32 $0xFFFFFFFF  }
0xa5: {  	s4 =	sld [smem:$0x0]  }
0xa6: {  	s5 =	sand.u32 $0xFFFFFFFE, s1  }
0xa7: {  	p0 =	sne.s32 s1, s5  }
0xa8: {  	s5 =	sshll.u32 @p0 s5, $0xE  }
0xa9: {  	s5 =	sadd.s32 @p0 $0x11B8D, s5;
	s6 =	sshll.u32 @p0 s4, $0x11  }
0xaa: {  	s5 =	sor.u32 @p0 s6, s5  }
0xab: {  	[sflag:s5] =	ssyncadd.remote.s32 @p0 $0x1;
	_ =	sdelay $0x1  }
0xac: {  	s5 =	simm.s32 @p0 $0x1B8D  }
0xad: {  	_ =	swait.eq @p0 [sflag:s5], $0x1  }
0xae: {  	[sflag:s5] =	ssyncadd.s32 @p0 $0xFFFFFFFF  }
0xaf: {  	s6 =	sshll.u32 @!p0 s1, $0xE  }
0xb0: {  	s6 =	sor.u32 @!p0 $0x4000, s6;
	s5 =	simm.s32 @!p0 $0x1B8D  }
0xb1: {  	s4 =	sshll.u32 @!p0 s4, $0x11;
	s6 =	sadd.s32 @!p0 $0x11B8D, s6;
	_ =	swait.eq @!p0 [sflag:s5], $0x1  }
0xb2: {  	s4 =	sor.u32 @!p0 s4, s6;
	[sflag:s5] =	ssyncadd.s32 @!p0 $0xFFFFFFFF  }
0xb3: {  	s25 =	simm.s32 $0x1B8E;
	s24 =	sld [smem:$0x3FFE];
	[sflag:s4] =	ssyncadd.remote.s32 @!p0 $0x1  }
0xb4: {  	s26 =	simm.s32 $execute0_lowered;
	[smem:$0x3FD2] =	sst s25  }
0xb5: {  	s5 =	sshll.u32 s26, $0x1;
	_ =	strace $0x80000049;
	[dreg:$0x1] =	wrdreg $0xFFFFFFFF  }
0xb6: {  	s28 =	simm.s32 $_size_execute0_lowered;
	s3 =	sadd.s32 s3, s5;
	[dreg:$0x0] =	wrdreg $0x0  }
0xb7: {  	s5 =	sshll.u32 s28, $0x1;
	[dreg:$0x2] =	wrdreg s3  }
0xb8: {  	[dreg:$0x3] =	wrdreg s5  }
0xb9: {  	[dreg:$0x4] =	wrdreg $0xC0  }
0xba: {  	_ =	task [dreg:s22], $0x5FFFF  }
0xbb: {  	[dreg:$0x1] =	wrdreg $0xFFFFFFFF  }
0xbc: {  	[dreg:$0x0] =	wrdreg $0x60  }
0xbd: {  	[dreg:$0x2] =	wrdreg s24  }
0xbe: {  	[dreg:$0x3] =	wrdreg $0xA  }
0xbf: {  	_ =	task.clear_ibuf [dreg:s22], $0x4FFFF;
	_ =	strace $0x90000049  }
0xc0: {  	s29 =	simm.s32 $0xA;
	_ =	strace $0x8000004B  }
0xc1: {  	_ =	swait.ge [sflag:s29], $0x1  }
0xc2: {  	[sflag:s29] =	ssyncadd.s32 $0xFFFFFFFF  }
0xc3: {  	_ =	strace $0x9000004B  }
0xc4: {  	_ =	sfence  }
0xc5: {  	s30 =	sld [smem:$0x0];
	_ =	sdelay $0x2  }
0xc6: {  	s31 =	sshll.u32 s1, $0xD;
	s1 =	sshrl.u32 s1, $0x2  }
0xc7: {  	s4 =	sand.u32 $0x4000, s31;
	s1 =	sadd.s32 s1, s30  }
0xc8: {  	s0 =	sor.u32 s4, s0;
	s1 =	sshll.u32 s1, $0x11  }
0xc9: {  	s0 =	sor.u32 s1, s0  }
0xca: {  	s0 =	sadd.s32 $0x8F2B, s0  }
0xcb: {  	[sflag:s0] =	ssyncadd.remote.s32 $0x1  }
0xcc: {  	_ =	sfence.sel $0xFFFF  }
0xcd: {  	[dreg:$0x0] =	wrdreg $0xFFFFFFFF;
	(pc) =	sbr.abs _section_cstart, $3  }
0xce: {  	[dreg:$0x1] =	wrdreg $0xFFFFFFFF  }
0xcf: {  	_ =	task.clear_ibuf [dreg:s22], $0x2FFFF;
	_ =	strace $0x9FFFFFFF  }
0xd0: {  	(tm) =	ssettm $0x7FFFFFFF  }
0xd1: {  	_ =	shalt  }
tec
execute0_lowered:
.L_overlay_start_1:
0x0: {  	(tag) =	ssettag $0x1  }
0x1: {  	s0 =	rddreg [dreg:$0x0];
	s2 =	simm.s32 $0x0  }
0x2: {  	s1 =	srdreg.scid;
	s8 =	stileid.u32;
	s12 =	simm.s32 $0x40  }
0x3: {  	s13 =	simm.s32 $0x40;
	s21 =	simm.s32 $0x9;
	s23 =	simm.s32 $0x50  }
0x4: {  	s24 =	simm.s32 $0x19320;
	s25 =	simm.s32 $0xC800;
	s11 =	simm.s32 $0x1  }
0x5: {  	s22 =	simm.s32 $0x80;
	s19 =	simm.s32 $0x194B0;
	s10 =	simm.s32 $0x2  }
0x6: {  	s20 =	simm.s32 $0x3;
	s28 =	simm.s32 $0x0;
	[smem:$0x7FF] =	sst s2  }
0x7: {  	s1 =	sand.u32 $0x1, s1;
	s5 =	sshll.u32 s8, $0x1;
	s3 =	sadd.s32 $0x1000, s0  }
0x8: {  	s4 =	sadd.s32 $0x7A9800, s0;
	s6 =	sadd.s32 $0x7A9000, s0;
	p0 =	sgt.u32 s8, $0x7  }
0x9: {  	_ =	strace $0x8000004A;
	s5 =	sor.u32 s1, s5;
	[dreg:$0x2] =	wrdreg s6  }
0xa: {  	s6 =	sadd.s32 $0xAD6000, s0;
	s26 =	ssub.s32 $0x2, s1;
	s1 =	simm.s32 $0xFFFCE000  }
0xb: {  	s12 =	simm.s32 @!p0 $0x0;
	s7 =	smul.u32 $0x3200, s5;
	s29 =	sshrl.u32 s26, $0x1  }
0xc: {  	s1 =	simm.s32 @!p0 $0x0;
	s0 =	ssub.s32 s26, s29;
	s26 =	simm.s32 $0x7  }
0xd: {  	s9 =	sshrl.u32 s7, $0x3;
	s8 =	sadd.s32 s1, s7;
	s15 =	sadd.s32 $0x640, s7  }
.Ltmp0:
0xe: {  	s17 =	sadd.s32 $0x7D0, s7;
	s0 =	smax.u32 s0, $0x1;
	(pc) =	sbr.rel .LBB2_1-.Ltmp0, $4  }
0xf: {  	s18 =	sadd.s32 $0x960, s7;
	s30 =	sadd.s32 s4, s9;
	[dreg:$0x6] =	wrdreg s0  }
0x10: {  	s14 =	sor.u32 $0x190, s8;
	s31 =	sadd.s32 $0x32, s30;
	[dreg:$0x3] =	wrdreg s30  }
0x11: {  	s16 =	sadd.s32 $0x320, s8;
	s1 =	sadd.s32 $0x64, s30;
	[dreg:$0x4] =	wrdreg s31  }
0x12: {  	s9 =	simm.s32 $0x4;
	[dreg:$0x5] =	wrdreg s1;
	s1 =	simm.s32 $0x12C00  }
.LBB2_12:
0x13: {  	s0 =	simm.s32 $0x5  }
0x14: {  	_ =	swait.ge [sflag:s0], $0x6400  }
0x15: {  	[sflag:s0] =	ssyncset.done $0x0  }
0x16: {  	s30 =	simm.s32 $0x6;
	[sflag:s0] =	ssyncadd.s32 $0xFFFF9C00  }
0x17: {  	_ =	swait.ge [sflag:s30], $0x6400  }
0x18: {  	[sflag:s30] =	ssyncset.done $0x0  }
0x19: {  	[sflag:s30] =	ssyncadd.s32 $0xFFFF9C00  }
0x1a: {  	_ =	swait.ge [sflag:s26], $0x6400  }
0x1b: {  	[sflag:s26] =	ssyncset.done $0x0  }
0x1c: {  	s5 =	simm.s32 $0x8;
	[sflag:s26] =	ssyncadd.s32 $0xFFFF9C00  }
0x1d: {  	_ =	swait.ge [sflag:s5], $0x6400  }
0x1e: {  	s28 =	rddreg [dreg:$0x7]  }
0x1f: {  	s31 =	rddreg [dreg:$0x6];
	s28 =	sadd.s32 $0x1, s28  }
0x20: {  	p0 =	sne.s32 s28, s31  }
.Ltmp1:
0x21: {  	_ = 	snop;
	(pc) =	sbr.rel @!p0 .LBB2_13-.Ltmp1, $3  }
0x22: {  	_ =	sdelay $0x1  }
0x23: {  	[sflag:s5] =	ssyncset.done $0x0  }
0x24: {  	[sflag:s5] =	ssyncadd.s32 $0xFFFF9C00  }
.LBB2_1:
0x25: {  	[dreg:$0x7] =	wrdreg s28  }
0x26: {  	s0 =	rddreg [dreg:$0x2];
	s5 =	simm.s32 $0x19640  }
0x27: {  	[tilespmem:s5], [sflag:$0x9] =	stream.linear.gather [hbm4b:s0+s2], $0x3200, $0x38;
	[tilespmem:$0x1C840] =	vst v63  }
0x28: {  	_ =	swait.ge [sflag:s21], $0x3200  }
0x29: {  	[sflag:s21] =	ssyncset.done $0x0  }
0x2a: {  	s29 =	simm.s32 $0x19000;
	s5 =	rddreg [dreg:$0x3];
	[sflag:s21] =	ssyncadd.s32 $0xFFFFCE00  }
0x2b: {  	[tilespmem:s29], [sflag:$0x9] =	stream.linear.gather [hbm4b:s5+s2], $0x190, $0x38;
	[tilespmem:$0x1C840] =	vst v63  }
0x2c: {  	_ =	swait.ge [sflag:s21], $0x190  }
0x2d: {  	[sflag:s21] =	ssyncset.done $0x0  }
0x2e: {  	[sflag:s21] =	ssyncadd.s32 $0xFFFFFE70  }
0x2f: {  	[tilespmem:s2], [sflag:$0x1] =	stream.indirect.gather [hbm4b:s3+s23], $0x40, s29, s23, $0xb8;
	[tilespmem:$0x1C840] =	vst v63  }
0x30: {  	s30 =	simm.s32 $0x19050;
	s31 =	simm.s32 $0x1400  }
0x31: {  	[tilespmem:s31], [sflag:$0x1] =	stream.indirect.gather [hbm4b:s3+s23], $0x40, s30, s23, $0xb8;
	[tilespmem:$0x1C840] =	vst v63  }
0x32: {  	s5 =	simm.s32 $0x190A0;
	s29 =	simm.s32 $0x2800  }
0x33: {  	[tilespmem:s29], [sflag:$0x1] =	stream.indirect.gather [hbm4b:s3+s23], $0x40, s5, s23, $0xb8;
	[tilespmem:$0x1C840] =	vst v63  }
0x34: {  	s30 =	simm.s32 $0x190F0;
	s31 =	simm.s32 $0x3C00  }
0x35: {  	[tilespmem:s31], [sflag:$0x1] =	stream.indirect.gather [hbm4b:s3+s23], $0x40, s30, s23, $0xb8;
	[tilespmem:$0x1C840] =	vst v63  }
0x36: {  	s5 =	simm.s32 $0x19140;
	s29 =	simm.s32 $0x5000  }
0x37: {  	[tilespmem:s29], [sflag:$0x1] =	stream.indirect.gather [hbm4b:s3+s23], $0x40, s5, s23, $0xb8;
	[tilespmem:$0x1C840] =	vst v63  }
0x38: {  	s30 =	rddreg [dreg:$0x4];
	s31 =	simm.s32 $0x19190  }
0x39: {  	[tilespmem:s31], [sflag:$0x9] =	stream.linear.gather [hbm4b:s30+s2], $0x190, $0x38;
	[tilespmem:$0x1C840] =	vst v63  }
0x3a: {  	_ =	swait.ge [sflag:s21], $0x190  }
0x3b: {  	[sflag:s21] =	ssyncset.done $0x0  }
0x3c: {  	s29 =	simm.s32 $0x6400;
	[sflag:s21] =	ssyncadd.s32 $0xFFFFFE70  }
0x3d: {  	[tilespmem:s29], [sflag:$0x2] =	stream.indirect.gather [hbm4b:s3+s23], $0x40, s31, s23, $0xb8;
	[tilespmem:$0x1C840] =	vst v63  }
0x3e: {  	s30 =	simm.s32 $0x191E0;
	s31 =	simm.s32 $0x7800  }
0x3f: {  	[tilespmem:s31], [sflag:$0x2] =	stream.indirect.gather [hbm4b:s3+s23], $0x40, s30, s23, $0xb8;
	[tilespmem:$0x1C840] =	vst v63  }
0x40: {  	s5 =	simm.s32 $0x19230;
	s29 =	simm.s32 $0x8C00  }
0x41: {  	[tilespmem:s29], [sflag:$0x2] =	stream.indirect.gather [hbm4b:s3+s23], $0x40, s5, s23, $0xb8;
	[tilespmem:$0x1C840] =	vst v63  }
0x42: {  	s30 =	simm.s32 $0x19280;
	s31 =	simm.s32 $0xA000  }
0x43: {  	[tilespmem:s31], [sflag:$0x2] =	stream.indirect.gather [hbm4b:s3+s23], $0x40, s30, s23, $0xb8;
	[tilespmem:$0x1C840] =	vst v63  }
0x44: {  	s29 =	simm.s32 $0x192D0;
	s30 =	simm.s32 $0xB400  }
0x45: {  	[tilespmem:s30], [sflag:$0x2] =	stream.indirect.gather [hbm4b:s3+s23], $0x40, s29, s23, $0xb8;
	[tilespmem:$0x1C840] =	vst v63  }
0x46: {  	s31 =	rddreg [dreg:$0x5]  }
0x47: {  	[tilespmem:s24], [sflag:$0x9] =	stream.linear.gather [hbm4b:s31+s2], $0x190, $0x38;
	[tilespmem:$0x1C840] =	vst v63  }
0x48: {  	_ =	swait.ge [sflag:s21], $0x190  }
0x49: {  	[sflag:s21] =	ssyncset.done $0x0  }
0x4a: {  	[sflag:s21] =	ssyncadd.s32 $0xFFFFFE70  }
0x4b: {  	[tilespmem:s25], [sflag:$0x3] =	stream.indirect.gather [hbm4b:s3+s23], $0x40, s24, s23, $0xb8;
	[tilespmem:$0x1C840] =	vst v63  }
0x4c: {  	s5 =	simm.s32 $0x19370;
	s29 =	simm.s32 $0xDC00  }
0x4d: {  	[tilespmem:s29], [sflag:$0x3] =	stream.indirect.gather [hbm4b:s3+s23], $0x40, s5, s23, $0xb8;
	[tilespmem:$0x1C840] =	vst v63  }
0x4e: {  	s30 =	simm.s32 $0x193C0;
	s31 =	simm.s32 $0xF000  }
0x4f: {  	[tilespmem:s31], [sflag:$0x3] =	stream.indirect.gather [hbm4b:s3+s23], $0x40, s30, s23, $0xb8;
	[tilespmem:$0x1C840] =	vst v63  }
0x50: {  	s5 =	simm.s32 $0x19410;
	s29 =	simm.s32 $0x10400  }
0x51: {  	[tilespmem:s29], [sflag:$0x3] =	stream.indirect.gather [hbm4b:s3+s23], $0x40, s5, s23, $0xb8;
	[tilespmem:$0x1C840] =	vst v63  }
0x52: {  	s28 =	simm.s32 $0x0;
	s30 =	simm.s32 $0x19460;
	s31 =	simm.s32 $0x11800  }
0x53: {  	[tilespmem:s31], [sflag:$0x3] =	stream.indirect.gather [hbm4b:s3+s23], $0x40, s30, s23, $0xb8;
	[tilespmem:$0x1C840] =	vst v63  }
.LBB2_2:
0x54: {  	_ =	swait.ge [sflag:s11], $0x1400  }
0x55: {  	[sflag:s11] =	ssyncset.done $0x0  }
0x56: {  	[sflag:s11] =	ssyncadd.s32 $0xFFFFEC00  }
0x57: {  	_ =	swait.ge [sflag:s11], $0x1400  }
0x58: {  	[sflag:s11] =	ssyncset.done $0x0  }
0x59: {  	[sflag:s11] =	ssyncadd.s32 $0xFFFFEC00  }
0x5a: {  	_ =	swait.ge [sflag:s11], $0x1400  }
0x5b: {  	[sflag:s11] =	ssyncset.done $0x0  }
0x5c: {  	[sflag:s11] =	ssyncadd.s32 $0xFFFFEC00  }
0x5d: {  	_ =	swait.ge [sflag:s11], $0x1400  }
0x5e: {  	[sflag:s11] =	ssyncset.done $0x0  }
0x5f: {  	[sflag:s11] =	ssyncadd.s32 $0xFFFFEC00  }
0x60: {  	_ =	swait.ge [sflag:s11], $0x1400  }
0x61: {  	[sflag:s11] =	ssyncset.done $0x0  }
0x62: {  	s30 =	simm.s32 $0x0;
	[sflag:s11] =	ssyncadd.s32 $0xFFFFEC00  }
0x63: {  	v3 =	vld [tilespmem:s30+$0x19640]  }
0x64: {  	v1 =	vld [tilespmem:s30+$0x19650]  }
0x65: {  	v0 =	vld [tilespmem:s30+$0x19660]  }
0x66: {  	v2 =	vld [tilespmem:s30+$0x19670]  }
0x67: {  	v8 =	vld [tilespmem:s30+$0x0]  }
0x68: {  	v10 =	vld [tilespmem:s30+$0x3200]  }
0x69: {  	v7 =	vld [tilespmem:s30+$0x10]  }
0x6a: {  	v6 =	vld [tilespmem:s30+$0x3210]  }
0x6b: {  	v4 =	vld [tilespmem:s30+$0x20]  }
0x6c: {  	v5 =	vld [tilespmem:s30+$0x3220];
	v9 =	vadd.f32 v8, v3  }
0x6d: {  	s29 =	simm.s32 $0x100;
	v8 =	vadd.f32 v10, v3;
	v3 =	vld [tilespmem:s30+$0x30]  }
.LBB2_3:
0x6e: {  	s0 =	sshra.s32 s29, $0x2;
	p0 =	sne.s32 s29, $0xC700;
	[tilespmem:s30+$0x0] =	vst v9;
	v7 =	vadd.f32 v7, v1;
	v9 =	vld [tilespmem:s30+$0x3230]  }
0x6f: {  	v10 =	vld [tilespmem:s0+$0x19640];
	[tilespmem:s30+$0x3200] =	vst v8;
	v6 =	vadd.f32 v6, v1  }
0x70: {  	v1 =	vld [tilespmem:s0+$0x19650];
	[tilespmem:s30+$0x10] =	vst v7;
	v4 =	vadd.f32 v4, v0  }
0x71: {  	[tilespmem:s30+$0x3210] =	vst v6;
	v5 =	vadd.f32 v5, v0;
	v0 =	vld [tilespmem:s0+$0x19660]  }
0x72: {  	v8 =	vld [tilespmem:s0+$0x19670];
	[tilespmem:s30+$0x20] =	vst v4;
	v3 =	vadd.f32 v3, v2  }
0x73: {  	v11 =	vld [tilespmem:s0+$0x0];
	[tilespmem:s30+$0x3220] =	vst v5;
	v2 =	vadd.f32 v9, v2  }
0x74: {  	v12 =	vld [tilespmem:s0+$0x3200];
	[tilespmem:s30+$0x30] =	vst v3  }
.Ltmp2:
0x75: {  	v7 =	vld [tilespmem:s0+$0x10];
	[tilespmem:s30+$0x3230] =	vst v2;
	s30 =	smov.u32 s0;
	(pc) =	sbr.rel @p0 .LBB2_3-.Ltmp2, $4  }
0x76: {  	v6 =	vld [tilespmem:s30+$0x3210]  }
0x77: {  	v4 =	vld [tilespmem:s30+$0x20];
	v2 =	vmov v8  }
0x78: {  	v9 =	vadd.f32 v11, v10;
	v5 =	vld [tilespmem:s30+$0x3220]  }
0x79: {  	s29 =	sadd.s32 $0x100, s29;
	v8 =	vadd.f32 v12, v10;
	v3 =	vld [tilespmem:s30+$0x30]  }
0x7a: {  	[tilespmem:s30+$0x0] =	vst v9;
	v7 =	vadd.f32 v7, v1;
	v9 =	vld [tilespmem:s30+$0x3230]  }
0x7b: {  	s29 =	smul.u32 $0x640, s28;
	[tilespmem:s30+$0x3200] =	vst v8;
	v1 =	vadd.f32 v6, v1  }
0x7c: {  	[tilespmem:s30+$0x10] =	vst v7;
	v4 =	vadd.f32 v4, v0  }
0x7d: {  	s0 =	sadd.s32 s8, s29;
	[tilespmem:s30+$0x3210] =	vst v1;
	v0 =	vadd.f32 v5, v0  }
0x7e: {  	s0 =	sshll.u32 s0, $0x7;
	[tilespmem:s30+$0x20] =	vst v4;
	v1 =	vadd.f32 v3, v2  }
0x7f: {  	s0 =	sor.u32 s12, s0;
	[tilespmem:s30+$0x3220] =	vst v0;
	v0 =	vadd.f32 v9, v2  }
0x80: {  	s0 =	sshrl.u32 s0, $0x3;
	[tilespmem:s30+$0x30] =	vst v1  }
0x81: {  	p0 =	seq.s32 s28, $0x0;
	s0 =	sadd.s32 s6, s0;
	[tilespmem:s30+$0x3230] =	vst v0  }
0x82: {  	[hbm4b:s0+s13] =	stream.strided.scatter [tilespmem:s2], [sflag:$0x5], $0x6400, s22, s13, $0x38;
	[tilespmem:$0x1C840] =	vst v63  }
0x83: {  	s30 =	sadd.s32 $0x4B0, s29;
	s0 =	simm.s32 @!p0 $0x8  }
0x84: {  	s31 =	sadd.s32 s7, s30;
	_ =	swait.ge @!p0 [sflag:s0], $0x6400  }
0x85: {  	s31 =	sshrl.u32 s31, $0x3;
	[sflag:s0] =	ssyncset.done @!p0 $0x0  }
0x86: {  	s5 =	sadd.s32 s4, s31;
	s31 =	simm.s32 $0x0;
	[sflag:s0] =	ssyncadd.s32 @!p0 $0xFFFF9C00  }
0x87: {  	[tilespmem:s19], [sflag:$0x9] =	stream.linear.gather [hbm4b:s5+s31], $0x190, $0x38;
	[tilespmem:$0x1C840] =	vst v63  }
0x88: {  	_ =	swait.ge [sflag:s21], $0x190  }
0x89: {  	[sflag:s21] =	ssyncset.done $0x0  }
0x8a: {  	[sflag:s21] =	ssyncadd.s32 $0xFFFFFE70  }
0x8b: {  	[tilespmem:s1], [sflag:$0x4] =	stream.indirect.gather [hbm4b:s3+s23], $0x40, s19, s23, $0xb8;
	[tilespmem:$0x1C840] =	vst v63  }
0x8c: {  	s0 =	simm.s32 $0x19500;
	s5 =	simm.s32 $0x14000  }
0x8d: {  	[tilespmem:s5], [sflag:$0x4] =	stream.indirect.gather [hbm4b:s3+s23], $0x40, s0, s23, $0xb8;
	[tilespmem:$0x1C840] =	vst v63  }
0x8e: {  	s0 =	simm.s32 $0x19550;
	s5 =	simm.s32 $0x15400  }
0x8f: {  	[tilespmem:s5], [sflag:$0x4] =	stream.indirect.gather [hbm4b:s3+s23], $0x40, s0, s23, $0xb8;
	[tilespmem:$0x1C840] =	vst v63  }
0x90: {  	s0 =	simm.s32 $0x195A0;
	s5 =	simm.s32 $0x16800  }
0x91: {  	[tilespmem:s5], [sflag:$0x4] =	stream.indirect.gather [hbm4b:s3+s23], $0x40, s0, s23, $0xb8;
	[tilespmem:$0x1C840] =	vst v63  }
0x92: {  	s0 =	simm.s32 $0x195F0;
	s5 =	simm.s32 $0x17C00  }
0x93: {  	[tilespmem:s5], [sflag:$0x4] =	stream.indirect.gather [hbm4b:s3+s23], $0x40, s0, s23, $0xb8;
	[tilespmem:$0x1C840] =	vst v63  }
0x94: {  	_ =	swait.ge [sflag:s10], $0x1400  }
0x95: {  	[sflag:s10] =	ssyncset.done $0x0  }
0x96: {  	[sflag:s10] =	ssyncadd.s32 $0xFFFFEC00  }
0x97: {  	_ =	swait.ge [sflag:s10], $0x1400  }
0x98: {  	[sflag:s10] =	ssyncset.done $0x0  }
0x99: {  	[sflag:s10] =	ssyncadd.s32 $0xFFFFEC00  }
0x9a: {  	_ =	swait.ge [sflag:s10], $0x1400  }
0x9b: {  	[sflag:s10] =	ssyncset.done $0x0  }
0x9c: {  	[sflag:s10] =	ssyncadd.s32 $0xFFFFEC00  }
0x9d: {  	_ =	swait.ge [sflag:s10], $0x1400  }
0x9e: {  	[sflag:s10] =	ssyncset.done $0x0  }
0x9f: {  	[sflag:s10] =	ssyncadd.s32 $0xFFFFEC00  }
0xa0: {  	_ =	swait.ge [sflag:s10], $0x1400  }
0xa1: {  	[sflag:s10] =	ssyncset.done $0x0  }
0xa2: {  	s31 =	simm.s32 $0x0;
	[sflag:s10] =	ssyncadd.s32 $0xFFFFEC00  }
0xa3: {  	v3 =	vld [tilespmem:s31+$0x19640]  }
0xa4: {  	v1 =	vld [tilespmem:s31+$0x19650]  }
0xa5: {  	v0 =	vld [tilespmem:s31+$0x19660]  }
0xa6: {  	v2 =	vld [tilespmem:s31+$0x19670]  }
0xa7: {  	v8 =	vld [tilespmem:s31+$0x6400]  }
0xa8: {  	v10 =	vld [tilespmem:s31+$0x9600]  }
0xa9: {  	v7 =	vld [tilespmem:s31+$0x6410]  }
0xaa: {  	v6 =	vld [tilespmem:s31+$0x9610]  }
0xab: {  	v4 =	vld [tilespmem:s31+$0x6420]  }
0xac: {  	v5 =	vld [tilespmem:s31+$0x9620];
	v9 =	vadd.f32 v8, v3  }
0xad: {  	s0 =	simm.s32 $0x100;
	v8 =	vadd.f32 v10, v3;
	v3 =	vld [tilespmem:s31+$0x6430]  }
.LBB2_5:
0xae: {  	s5 =	sshra.s32 s0, $0x2;
	p0 =	sne.s32 s0, $0xC700;
	[tilespmem:s31+$0x6400] =	vst v9;
	v7 =	vadd.f32 v7, v1;
	v9 =	vld [tilespmem:s31+$0x9630]  }
0xaf: {  	v10 =	vld [tilespmem:s5+$0x19640];
	[tilespmem:s31+$0x9600] =	vst v8;
	v6 =	vadd.f32 v6, v1  }
0xb0: {  	v1 =	vld [tilespmem:s5+$0x19650];
	[tilespmem:s31+$0x6410] =	vst v7;
	v4 =	vadd.f32 v4, v0  }
0xb1: {  	[tilespmem:s31+$0x9610] =	vst v6;
	v5 =	vadd.f32 v5, v0;
	v0 =	vld [tilespmem:s5+$0x19660]  }
0xb2: {  	v8 =	vld [tilespmem:s5+$0x19670];
	[tilespmem:s31+$0x6420] =	vst v4;
	v3 =	vadd.f32 v3, v2  }
0xb3: {  	v11 =	vld [tilespmem:s5+$0x6400];
	[tilespmem:s31+$0x9620] =	vst v5;
	v2 =	vadd.f32 v9, v2  }
0xb4: {  	v12 =	vld [tilespmem:s5+$0x9600];
	[tilespmem:s31+$0x6430] =	vst v3  }
.Ltmp3:
0xb5: {  	v7 =	vld [tilespmem:s5+$0x6410];
	[tilespmem:s31+$0x9630] =	vst v2;
	s31 =	smov.u32 s5;
	(pc) =	sbr.rel @p0 .LBB2_5-.Ltmp3, $4  }
0xb6: {  	v6 =	vld [tilespmem:s31+$0x9610]  }
0xb7: {  	v4 =	vld [tilespmem:s31+$0x6420];
	v2 =	vmov v8  }
0xb8: {  	v9 =	vadd.f32 v11, v10;
	v5 =	vld [tilespmem:s31+$0x9620]  }
0xb9: {  	s0 =	sadd.s32 $0x100, s0;
	v8 =	vadd.f32 v12, v10;
	v3 =	vld [tilespmem:s31+$0x6430]  }
0xba: {  	[tilespmem:s31+$0x6400] =	vst v9;
	v7 =	vadd.f32 v7, v1;
	v9 =	vld [tilespmem:s31+$0x9630]  }
0xbb: {  	[tilespmem:s31+$0x9600] =	vst v8;
	v1 =	vadd.f32 v6, v1  }
0xbc: {  	[tilespmem:s31+$0x6410] =	vst v7;
	v4 =	vadd.f32 v4, v0  }
0xbd: {  	s0 =	sadd.s32 s29, s14;
	[tilespmem:s31+$0x9610] =	vst v1;
	v0 =	vadd.f32 v5, v0  }
0xbe: {  	s0 =	sshll.u32 s0, $0x7;
	[tilespmem:s31+$0x6420] =	vst v4;
	v1 =	vadd.f32 v3, v2  }
0xbf: {  	s0 =	sor.u32 s12, s0;
	[tilespmem:s31+$0x9620] =	vst v0;
	v0 =	vadd.f32 v9, v2  }
0xc0: {  	s0 =	sshrl.u32 s0, $0x3;
	[tilespmem:s31+$0x6430] =	vst v1  }
0xc1: {  	s5 =	simm.s32 $0x6400;
	p0 =	seq.s32 s28, $0x7;
	s0 =	sadd.s32 s6, s0;
	[tilespmem:s31+$0x9630] =	vst v0  }
0xc2: {  	[hbm4b:s0+s13] =	stream.strided.scatter [tilespmem:s5], [sflag:$0x6], $0x6400, s22, s13, $0x38;
	[tilespmem:$0x1C840] =	vst v63  }
0xc3: {  	s0 =	simm.s32 @!p0 $0x5  }
0xc4: {  	_ =	swait.ge @!p0 [sflag:s0], $0x6400  }
0xc5: {  	s5 =	sadd.s32 @!p0 s29, s15;
	[sflag:s0] =	ssyncset.done @!p0 $0x0  }
0xc6: {  	[sflag:s0] =	ssyncadd.s32 @!p0 $0xFFFF9C00;
	s0 =	sshrl.u32 @!p0 s5, $0x3  }
0xc7: {  	s31 =	simm.s32 @!p0 $0x19000;
	s5 =	simm.s32 @!p0 $0x0;
	s0 =	sadd.s32 @!p0 s4, s0  }
0xc8: {  	[tilespmem:s31], [sflag:$0x9] =	stream.linear.gather @!p0 [hbm4b:s0+s5], $0x190, $0x38;
	[tilespmem:$0x1C840] =	vst v63  }
0xc9: {  	s0 =	simm.s32 @!p0 $0x9  }
0xca: {  	_ =	swait.ge @!p0 [sflag:s0], $0x190  }
0xcb: {  	[sflag:s0] =	ssyncset.done @!p0 $0x0  }
0xcc: {  	[sflag:s0] =	ssyncadd.s32 @!p0 $0xFFFFFE70;
	s0 =	simm.s32 @!p0 $0x50  }
0xcd: {  	[tilespmem:s5], [sflag:$0x1] =	stream.indirect.gather @!p0 [hbm4b:s3+s0], $0x40, s31, s0, $0xb8;
	[tilespmem:$0x1C840] =	vst v63  }
0xce: {  	s5 =	simm.s32 @!p0 $0x19050;
	s31 =	simm.s32 @!p0 $0x1400  }
0xcf: {  	[tilespmem:s31], [sflag:$0x1] =	stream.indirect.gather @!p0 [hbm4b:s3+s0], $0x40, s5, s0, $0xb8;
	[tilespmem:$0x1C840] =	vst v63  }
0xd0: {  	s5 =	simm.s32 @!p0 $0x190A0;
	s31 =	simm.s32 @!p0 $0x2800  }
0xd1: {  	[tilespmem:s31], [sflag:$0x1] =	stream.indirect.gather @!p0 [hbm4b:s3+s0], $0x40, s5, s0, $0xb8;
	[tilespmem:$0x1C840] =	vst v63  }
0xd2: {  	s5 =	simm.s32 @!p0 $0x190F0;
	s31 =	simm.s32 @!p0 $0x3C00  }
0xd3: {  	[tilespmem:s31], [sflag:$0x1] =	stream.indirect.gather @!p0 [hbm4b:s3+s0], $0x40, s5, s0, $0xb8;
	[tilespmem:$0x1C840] =	vst v63  }
0xd4: {  	s5 =	simm.s32 @!p0 $0x19140;
	s31 =	simm.s32 @!p0 $0x5000  }
0xd5: {  	[tilespmem:s31], [sflag:$0x1] =	stream.indirect.gather @!p0 [hbm4b:s3+s0], $0x40, s5, s0, $0xb8;
	[tilespmem:$0x1C840] =	vst v63  }
0xd6: {  	_ =	swait.ge [sflag:s20], $0x1400  }
0xd7: {  	[sflag:s20] =	ssyncset.done $0x0  }
0xd8: {  	[sflag:s20] =	ssyncadd.s32 $0xFFFFEC00  }
0xd9: {  	_ =	swait.ge [sflag:s20], $0x1400  }
0xda: {  	[sflag:s20] =	ssyncset.done $0x0  }
0xdb: {  	[sflag:s20] =	ssyncadd.s32 $0xFFFFEC00  }
0xdc: {  	_ =	swait.ge [sflag:s20], $0x1400  }
0xdd: {  	[sflag:s20] =	ssyncset.done $0x0  }
0xde: {  	[sflag:s20] =	ssyncadd.s32 $0xFFFFEC00  }
0xdf: {  	_ =	swait.ge [sflag:s20], $0x1400  }
0xe0: {  	[sflag:s20] =	ssyncset.done $0x0  }
0xe1: {  	[sflag:s20] =	ssyncadd.s32 $0xFFFFEC00  }
0xe2: {  	_ =	swait.ge [sflag:s20], $0x1400  }
0xe3: {  	[sflag:s20] =	ssyncset.done $0x0  }
0xe4: {  	s31 =	simm.s32 $0x0;
	[sflag:s20] =	ssyncadd.s32 $0xFFFFEC00  }
0xe5: {  	v3 =	vld [tilespmem:s31+$0x19640]  }
0xe6: {  	v1 =	vld [tilespmem:s31+$0x19650]  }
0xe7: {  	v0 =	vld [tilespmem:s31+$0x19660]  }
0xe8: {  	v2 =	vld [tilespmem:s31+$0x19670]  }
0xe9: {  	v8 =	vld [tilespmem:s31+$0xC800]  }
0xea: {  	v10 =	vld [tilespmem:s31+$0xFA00]  }
0xeb: {  	v7 =	vld [tilespmem:s31+$0xC810]  }
0xec: {  	v6 =	vld [tilespmem:s31+$0xFA10]  }
0xed: {  	v4 =	vld [tilespmem:s31+$0xC820]  }
0xee: {  	v5 =	vld [tilespmem:s31+$0xFA20];
	v9 =	vadd.f32 v8, v3  }
0xef: {  	s0 =	simm.s32 $0x100;
	v8 =	vadd.f32 v10, v3;
	v3 =	vld [tilespmem:s31+$0xC830]  }
.LBB2_7:
0xf0: {  	s5 =	sshra.s32 s0, $0x2;
	p1 =	sne.s32 s0, $0xC700;
	[tilespmem:s31+$0xC800] =	vst v9;
	v7 =	vadd.f32 v7, v1;
	v9 =	vld [tilespmem:s31+$0xFA30]  }
0xf1: {  	v10 =	vld [tilespmem:s5+$0x19640];
	[tilespmem:s31+$0xFA00] =	vst v8;
	v6 =	vadd.f32 v6, v1  }
0xf2: {  	v1 =	vld [tilespmem:s5+$0x19650];
	[tilespmem:s31+$0xC810] =	vst v7;
	v4 =	vadd.f32 v4, v0  }
0xf3: {  	[tilespmem:s31+$0xFA10] =	vst v6;
	v5 =	vadd.f32 v5, v0;
	v0 =	vld [tilespmem:s5+$0x19660]  }
0xf4: {  	v8 =	vld [tilespmem:s5+$0x19670];
	[tilespmem:s31+$0xC820] =	vst v4;
	v3 =	vadd.f32 v3, v2  }
0xf5: {  	v11 =	vld [tilespmem:s5+$0xC800];
	[tilespmem:s31+$0xFA20] =	vst v5;
	v2 =	vadd.f32 v9, v2  }
0xf6: {  	v12 =	vld [tilespmem:s5+$0xFA00];
	[tilespmem:s31+$0xC830] =	vst v3  }
.Ltmp4:
0xf7: {  	v7 =	vld [tilespmem:s5+$0xC810];
	[tilespmem:s31+$0xFA30] =	vst v2;
	s31 =	smov.u32 s5;
	(pc) =	sbr.rel @p1 .LBB2_7-.Ltmp4, $4  }
0xf8: {  	v6 =	vld [tilespmem:s31+$0xFA10]  }
0xf9: {  	v4 =	vld [tilespmem:s31+$0xC820];
	v2 =	vmov v8  }
0xfa: {  	v9 =	vadd.f32 v11, v10;
	v5 =	vld [tilespmem:s31+$0xFA20]  }
0xfb: {  	s0 =	sadd.s32 $0x100, s0;
	v8 =	vadd.f32 v12, v10;
	v3 =	vld [tilespmem:s31+$0xC830]  }
0xfc: {  	[tilespmem:s31+$0xC800] =	vst v9;
	v7 =	vadd.f32 v7, v1;
	v9 =	vld [tilespmem:s31+$0xFA30]  }
0xfd: {  	[tilespmem:s31+$0xFA00] =	vst v8;
	v1 =	vadd.f32 v6, v1  }
0xfe: {  	[tilespmem:s31+$0xC810] =	vst v7;
	v4 =	vadd.f32 v4, v0  }
0xff: {  	s0 =	sadd.s32 s29, s16;
	[tilespmem:s31+$0xFA10] =	vst v1;
	v0 =	vadd.f32 v5, v0  }
0x100: {  	s0 =	sshll.u32 s0, $0x7;
	[tilespmem:s31+$0xC820] =	vst v4;
	v1 =	vadd.f32 v3, v2  }
0x101: {  	s0 =	sor.u32 s12, s0;
	[tilespmem:s31+$0xFA20] =	vst v0;
	v0 =	vadd.f32 v9, v2  }
0x102: {  	s0 =	sshrl.u32 s0, $0x3;
	[tilespmem:s31+$0xC830] =	vst v1  }
0x103: {  	s0 =	sadd.s32 s6, s0;
	[tilespmem:s31+$0xFA30] =	vst v0  }
0x104: {  	[hbm4b:s0+s13] =	stream.strided.scatter [tilespmem:s25], [sflag:$0x7], $0x6400, s22, s13, $0x38;
	[tilespmem:$0x1C840] =	vst v63  }
0x105: {  	s0 =	simm.s32 @!p0 $0x6  }
0x106: {  	_ =	swait.ge @!p0 [sflag:s0], $0x6400  }
0x107: {  	s5 =	sadd.s32 @!p0 s29, s17;
	[sflag:s0] =	ssyncset.done @!p0 $0x0  }
0x108: {  	[sflag:s0] =	ssyncadd.s32 @!p0 $0xFFFF9C00;
	s0 =	sshrl.u32 @!p0 s5, $0x3  }
0x109: {  	s31 =	simm.s32 @!p0 $0x19190;
	s5 =	simm.s32 @!p0 $0x0;
	s0 =	sadd.s32 @!p0 s4, s0  }
0x10a: {  	[tilespmem:s31], [sflag:$0x9] =	stream.linear.gather @!p0 [hbm4b:s0+s5], $0x190, $0x38;
	[tilespmem:$0x1C840] =	vst v63  }
0x10b: {  	s0 =	simm.s32 @!p0 $0x9  }
0x10c: {  	_ =	swait.ge @!p0 [sflag:s0], $0x190  }
0x10d: {  	[sflag:s0] =	ssyncset.done @!p0 $0x0  }
0x10e: {  	s5 =	simm.s32 @!p0 $0x6400;
	[sflag:s0] =	ssyncadd.s32 @!p0 $0xFFFFFE70;
	s0 =	simm.s32 @!p0 $0x50  }
0x10f: {  	[tilespmem:s5], [sflag:$0x2] =	stream.indirect.gather @!p0 [hbm4b:s3+s0], $0x40, s31, s0, $0xb8;
	[tilespmem:$0x1C840] =	vst v63  }
0x110: {  	s5 =	simm.s32 @!p0 $0x191E0;
	s31 =	simm.s32 @!p0 $0x7800  }
0x111: {  	[tilespmem:s31], [sflag:$0x2] =	stream.indirect.gather @!p0 [hbm4b:s3+s0], $0x40, s5, s0, $0xb8;
	[tilespmem:$0x1C840] =	vst v63  }
0x112: {  	s5 =	simm.s32 @!p0 $0x19230;
	s31 =	simm.s32 @!p0 $0x8C00  }
0x113: {  	[tilespmem:s31], [sflag:$0x2] =	stream.indirect.gather @!p0 [hbm4b:s3+s0], $0x40, s5, s0, $0xb8;
	[tilespmem:$0x1C840] =	vst v63  }
0x114: {  	s5 =	simm.s32 @!p0 $0x19280;
	s31 =	simm.s32 @!p0 $0xA000  }
0x115: {  	[tilespmem:s31], [sflag:$0x2] =	stream.indirect.gather @!p0 [hbm4b:s3+s0], $0x40, s5, s0, $0xb8;
	[tilespmem:$0x1C840] =	vst v63  }
0x116: {  	s5 =	simm.s32 @!p0 $0x192D0;
	s31 =	simm.s32 @!p0 $0xB400  }
0x117: {  	[tilespmem:s31], [sflag:$0x2] =	stream.indirect.gather @!p0 [hbm4b:s3+s0], $0x40, s5, s0, $0xb8;
	[tilespmem:$0x1C840] =	vst v63  }
0x118: {  	_ =	swait.ge [sflag:s9], $0x1400  }
0x119: {  	[sflag:s9] =	ssyncset.done $0x0  }
0x11a: {  	[sflag:s9] =	ssyncadd.s32 $0xFFFFEC00  }
0x11b: {  	_ =	swait.ge [sflag:s9], $0x1400  }
0x11c: {  	[sflag:s9] =	ssyncset.done $0x0  }
0x11d: {  	[sflag:s9] =	ssyncadd.s32 $0xFFFFEC00  }
0x11e: {  	_ =	swait.ge [sflag:s9], $0x1400  }
0x11f: {  	[sflag:s9] =	ssyncset.done $0x0  }
0x120: {  	[sflag:s9] =	ssyncadd.s32 $0xFFFFEC00  }
0x121: {  	_ =	swait.ge [sflag:s9], $0x1400  }
0x122: {  	[sflag:s9] =	ssyncset.done $0x0  }
0x123: {  	[sflag:s9] =	ssyncadd.s32 $0xFFFFEC00  }
0x124: {  	_ =	swait.ge [sflag:s9], $0x1400  }
0x125: {  	[sflag:s9] =	ssyncset.done $0x0  }
0x126: {  	s31 =	simm.s32 $0x0;
	[sflag:s9] =	ssyncadd.s32 $0xFFFFEC00  }
0x127: {  	v3 =	vld [tilespmem:s31+$0x19640]  }
0x128: {  	v1 =	vld [tilespmem:s31+$0x19650]  }
0x129: {  	v0 =	vld [tilespmem:s31+$0x19660]  }
0x12a: {  	v2 =	vld [tilespmem:s31+$0x19670]  }
0x12b: {  	v8 =	vld [tilespmem:s31+$0x12C00]  }
0x12c: {  	v10 =	vld [tilespmem:s31+$0x15E00]  }
0x12d: {  	v7 =	vld [tilespmem:s31+$0x12C10]  }
0x12e: {  	v6 =	vld [tilespmem:s31+$0x15E10]  }
0x12f: {  	v4 =	vld [tilespmem:s31+$0x12C20]  }
0x130: {  	v5 =	vld [tilespmem:s31+$0x15E20];
	v9 =	vadd.f32 v8, v3  }
0x131: {  	s0 =	simm.s32 $0x100;
	v8 =	vadd.f32 v10, v3;
	v3 =	vld [tilespmem:s31+$0x12C30]  }
.LBB2_9:
0x132: {  	s5 =	sshra.s32 s0, $0x2;
	p1 =	sne.s32 s0, $0xC700;
	[tilespmem:s31+$0x12C00] =	vst v9;
	v7 =	vadd.f32 v7, v1;
	v9 =	vld [tilespmem:s31+$0x15E30]  }
0x133: {  	v10 =	vld [tilespmem:s5+$0x19640];
	[tilespmem:s31+$0x15E00] =	vst v8;
	v6 =	vadd.f32 v6, v1  }
0x134: {  	v1 =	vld [tilespmem:s5+$0x19650];
	[tilespmem:s31+$0x12C10] =	vst v7;
	v4 =	vadd.f32 v4, v0  }
0x135: {  	[tilespmem:s31+$0x15E10] =	vst v6;
	v5 =	vadd.f32 v5, v0;
	v0 =	vld [tilespmem:s5+$0x19660]  }
0x136: {  	v8 =	vld [tilespmem:s5+$0x19670];
	[tilespmem:s31+$0x12C20] =	vst v4;
	v3 =	vadd.f32 v3, v2  }
0x137: {  	v11 =	vld [tilespmem:s5+$0x12C00];
	[tilespmem:s31+$0x15E20] =	vst v5;
	v2 =	vadd.f32 v9, v2  }
0x138: {  	v12 =	vld [tilespmem:s5+$0x15E00];
	[tilespmem:s31+$0x12C30] =	vst v3  }
.Ltmp5:
0x139: {  	v7 =	vld [tilespmem:s5+$0x12C10];
	[tilespmem:s31+$0x15E30] =	vst v2;
	s31 =	smov.u32 s5;
	(pc) =	sbr.rel @p1 .LBB2_9-.Ltmp5, $4  }
0x13a: {  	v6 =	vld [tilespmem:s31+$0x15E10]  }
0x13b: {  	v4 =	vld [tilespmem:s31+$0x12C20];
	v2 =	vmov v8  }
0x13c: {  	v9 =	vadd.f32 v11, v10;
	v5 =	vld [tilespmem:s31+$0x15E20]  }
0x13d: {  	s0 =	sadd.s32 $0x100, s0;
	v8 =	vadd.f32 v12, v10;
	v3 =	vld [tilespmem:s31+$0x12C30]  }
0x13e: {  	[tilespmem:s31+$0x12C00] =	vst v9;
	v7 =	vadd.f32 v7, v1;
	v59 =	vld [tilespmem:s31+$0x15E30]  }
0x13f: {  	[tilespmem:s31+$0x15E00] =	vst v8;
	v60 =	vadd.f32 v6, v1  }
0x140: {  	[tilespmem:s31+$0x12C10] =	vst v7;
	v4 =	vadd.f32 v4, v0  }
0x141: {  	s0 =	sadd.s32 s8, s30;
	[tilespmem:s31+$0x15E10] =	vst v60;
	v61 =	vadd.f32 v5, v0  }
.Ltmp6:
0x142: {  	s0 =	sshll.u32 s0, $0x7;
	[tilespmem:s31+$0x12C20] =	vst v4;
	v62 =	vadd.f32 v3, v2;
	(pc) =	sbr.rel @p0 .LBB2_12-.Ltmp6, $4  }
0x143: {  	s0 =	sor.u32 s12, s0;
	[tilespmem:s31+$0x15E20] =	vst v61;
	v63 =	vadd.f32 v59, v2  }
0x144: {  	s0 =	sshrl.u32 s0, $0x3;
	[tilespmem:s31+$0x12C30] =	vst v62  }
0x145: {  	s0 =	sadd.s32 s6, s0;
	[tilespmem:s31+$0x15E30] =	vst v63  }
0x146: {  	[hbm4b:s0+s13] =	stream.strided.scatter [tilespmem:s1], [sflag:$0x8], $0x6400, s22, s13, $0x38;
	[tilespmem:$0x1C840] =	vst v63  }
0x147: {  	_ =	swait.ge [sflag:s26], $0x6400;
	s0 =	sadd.s32 s29, s18  }
0x148: {  	[sflag:s26] =	ssyncset.done $0x0;
	s0 =	sshrl.u32 s0, $0x3  }
0x149: {  	[sflag:s26] =	ssyncadd.s32 $0xFFFF9C00;
	s0 =	sadd.s32 s4, s0  }
0x14a: {  	[tilespmem:s24], [sflag:$0x9] =	stream.linear.gather [hbm4b:s0+s2], $0x190, $0x38;
	[tilespmem:$0x1C840] =	vst v63  }
0x14b: {  	_ =	swait.ge [sflag:s21], $0x190  }
0x14c: {  	[sflag:s21] =	ssyncset.done $0x0  }
0x14d: {  	[sflag:s21] =	ssyncadd.s32 $0xFFFFFE70  }
0x14e: {  	[tilespmem:s25], [sflag:$0x3] =	stream.indirect.gather [hbm4b:s3+s23], $0x40, s24, s23, $0xb8;
	[tilespmem:$0x1C840] =	vst v63  }
0x14f: {  	s29 =	simm.s32 $0x19370;
	s5 =	simm.s32 $0xDC00  }
0x150: {  	[tilespmem:s5], [sflag:$0x3] =	stream.indirect.gather [hbm4b:s3+s23], $0x40, s29, s23, $0xb8;
	[tilespmem:$0x1C840] =	vst v63  }
0x151: {  	s30 =	simm.s32 $0x193C0;
	s31 =	simm.s32 $0xF000  }
0x152: {  	[tilespmem:s31], [sflag:$0x3] =	stream.indirect.gather [hbm4b:s3+s23], $0x40, s30, s23, $0xb8;
	[tilespmem:$0x1C840] =	vst v63  }
.Ltmp7:
0x153: {  	_ = 	snop;
	(pc) =	sbr.rel .LBB2_2-.Ltmp7, $4  }
0x154: {  	s5 =	simm.s32 $0x19410;
	s29 =	simm.s32 $0x10400  }
0x155: {  	[tilespmem:s29], [sflag:$0x3] =	stream.indirect.gather [hbm4b:s3+s23], $0x40, s5, s23, $0xb8;
	[tilespmem:$0x1C840] =	vst v63  }
0x156: {  	s28 =	sadd.s32 $0x1, s28;
	s30 =	simm.s32 $0x19460;
	s31 =	simm.s32 $0x11800  }
0x157: {  	[tilespmem:s31], [sflag:$0x3] =	stream.indirect.gather [hbm4b:s3+s23], $0x40, s30, s23, $0xb8;
	[tilespmem:$0x1C840] =	vst v63  }
.LBB2_13:
0x158: {  	_ =	sfence.sel $0x180000  }
0x159: {  	[bflag:$0x0] =	sbarrier.arrive $0xFFFF  }
0x15a: {  	_ =	strace $0x9000004A  }
0x15b: {  	s0 =	stileid.u32;
	[bflag:$0x2] =	sbarrier.arrive $0xFFFF  }
0x15c: {  	p0 =	sne.s32 s0, $0x0;
	s0 =	rddreg [dreg:$0x1]  }
0x15d: {  	s0 =	sadd.s32 @!p0 $0x100000, s0  }
0x15e: {  	[sflag:s0] =	ssyncadd.tile.s32 @!p0 $0x1;
	_ =	shalt  }
.Lfunc_end2:
_tile_overlayer_lowered:
.L_overlay_start_2:
0x15f: {  	(tag) =	ssettag $0x2  }
0x160: {  	s0 =	rddreg [dreg:$0x0];
	s2 =	stileid.u32  }
0x161: {  	s1 =	rddreg [dreg:$0x1];
	p0 =	sne.s32 s2, $0x0  }
0x162: {  	s3 =	rddreg [dreg:$0x2];
	[bflag:$0x3] =	sbarrier.arrive $0xFFFF;
	s2 =	simm.s32 @!p0 $0x1C09  }
0x163: {  	[timem:s3], [sflag:s2] =	dma.local @!p0 [hbm:s0], s1  }
0x164: {  	s0 =	simm.s32 @!p0 $0x9  }
0x165: {  	_ =	swait.ge @!p0 [sflag:s0], s1  }
0x166: {  	s1 =	ssub.s32 @!p0 $0x0, s1;
	[sflag:s0] =	ssyncset.done @!p0 $0x0  }
0x167: {  	[sflag:s0] =	ssyncadd.s32 @!p0 s1  }
0x168: {  	[bflag:$0x3] =	sbarrier.arrive $0xFFFF  }
0x169: {  	_ =	shalt  }

// kernel: kernel.7.cloned.1.call-start
scs
__scs_entry_jumppad:
0x0: {  	(pc) =	sbr.rel $0x88, $3  }
0x1: {  	(tag) =	ssettag $0x0;
	lr =	simm.s32 $0x1  }
0x2: {  	[smem:$0x3F9E] =	sst lr;
	_ =	strace $0xD0000000  }
0x3: {  	_ = 	snop  }
0x4: {  	_ = 	snop  }
0x5: {  	_ = 	snop  }
0x6: {  	_ = 	snop  }
0x7: {  	_ = 	snop  }
__scs_overlays_trampoline_lowered:
0x8: {  	[smem:$0x3FAD] =	sst s0  }
0x9: {  	[smem:$0x3FAE] =	sst s1  }
0xa: {  	[smem:$0x3FAF] =	sst s2  }
0xb: {  	[smem:$0x3FB0] =	sst s3  }
0xc: {  	[smem:$0x3FB1] =	sst s4  }
0xd: {  	[smem:$0x3FB2] =	sst s5  }
0xe: {  	[smem:$0x3FB3] =	sst s6  }
0xf: {  	[smem:$0x3FB4] =	sst s7  }
0x10: {  	[smem:$0x3FB5] =	sst s8  }
0x11: {  	[smem:$0x3FB6] =	sst s9;
	s0 =	simm.s32 @!p0 $0x0  }
0x12: {  	s1 =	sld [smem:$0x3F9C];
	s0 =	simm.s32 @p0 $0x1  }
0x13: {  	[smem:$0x3FB7] =	sst s0;
	s0 =	simm.s32 @!p1 $0x0  }
0x14: {  	s2 =	sld [smem:$0x3F9B];
	s0 =	simm.s32 @p1 $0x1  }
0x15: {  	[smem:$0x3FB8] =	sst s0;
	s0 =	simm.s32 @!p2 $0x0  }
0x16: {  	s3 =	sld [smem:$0x3FDB];
	s0 =	simm.s32 @p2 $0x1  }
0x17: {  	s4 =	simm.s32 $0x1BF5;
	[smem:$0x3FBA] =	sst s0  }
0x18: {  	s0 =	sld [smem:$0x3F9D];
	_ =	swait.ge [sflag:s4], $0x0  }
0x19: {  	s7 =	sld [smem:$0x3F9E]  }
0x1a: {  	s8 =	sadd.s32 $0xFFFFE003, lr  }
0x1b: {  	s9 =	sadd.s32 $0xFFFFFEF7, lr;
	s5 =	simm.s32 $0xFFFFFFFF;
	p2 =	slt.u32 s8, $0xFFFFF086  }
0x1c: {  	p1 =	slt.u32 s9, $0xF7A;
	s5 =	simm.s32 @!p2 $0x0  }
0x1d: {  	s5 =	simm.s32 @p1 $0x1;
	p0 =	seq.s32 s7, s2  }
0x1e: {  	s7 =	smul.u32 @!p0 $0xF7A, s2;
	p2 =	seq.s32 @!p0 s5, $0x0  }
0x1f: {  	s9 =	smul.u32 $0xF7A, s1;
	s8 =	simm.s32 @!p0 $0x1BF5;
	p2 =	por !p2, p0  }
0x20: {  	[sflag:s8] =	ssyncset.s32 @!p0 $0xFFFFF086;
	s6 =	sadd.s32 @!p0 s3, s7;
	s7 =	simm.s32 @!p0 $0x108  }
0x21: {  	s3 =	sadd.s32 s3, s9;
	s6 =	sadd.s32 @!p0 $0x88, s6;
	s7 =	simm.s32 @p2 $0x1082  }
0x22: {  	[simem:s7], [sflag:s8] =	dma.local @!p0 [hbm:s6], $0xF7A  }
0x23: {  	s9 =	sor.u32 $0xD0000000, s2;
	s6 =	simm.s32 $0x108;
	_ =	swait.ge @!p0 [sflag:s8], $0x0  }
0x24: {  	s3 =	sadd.s32 $0x88, s3;
	s6 =	simm.s32 @!p1 $0x1082;
	[sflag:s4] =	ssyncset.s32 $0xFFFFF086  }
0x25: {  	[simem:s6], [sflag:s4] =	dma.local [hbm:s3], $0xF7A  }
0x26: {  	[smem:$0x3F9E] =	sst s1;
	(tag) =	ssettag s2;
	_ =	strace s9  }
0x27: {  	s1 =	sld [smem:$0x3FAE]  }
0x28: {  	s2 =	sld [smem:$0x3FAF]  }
0x29: {  	s4 =	sld [smem:$0x3FB1]  }
0x2a: {  	p0 =	seq.s32 s5, $0x0;
	s5 =	sld [smem:$0x3FB2]  }
0x2b: {  	s6 =	sld [smem:$0x3FB3]  }
0x2c: {  	s7 =	sld [smem:$0x3FB4]  }
0x2d: {  	s3 =	simm.s32 $0x108;
	s8 =	sld [smem:$0x3FB5]  }
0x2e: {  	s3 =	simm.s32 @!p0 $0x1082;
	s9 =	sld [smem:$0x3FB6]  }
0x2f: {  	lr =	sadd.s32 s0, s3;
	s0 =	sld [smem:$0x3FAD]  }
0x30: {  	s3 =	sld [smem:$0x3FB0]  }
0x31: {  	[smem:$0x3FB9] =	sst s10  }
0x32: {  	s10 =	sld [smem:$0x3FB7];
	_ =	sdelay $0x3  }
0x33: {  	p0 =	seq.s32 s10, $0x1;
	s10 =	sld [smem:$0x3FB9];
	_ =	sdelay $0x3  }
0x34: {  	[smem:$0x3FB9] =	sst s10  }
0x35: {  	s10 =	sld [smem:$0x3FB8];
	_ =	sdelay $0x3  }
0x36: {  	p1 =	seq.s32 s10, $0x1;
	s10 =	sld [smem:$0x3FB9];
	_ =	sdelay $0x3  }
0x37: {  	[smem:$0x3FB9] =	sst s10  }
0x38: {  	s10 =	sld [smem:$0x3FBA]  }
0x39: {  	_ = 	snop;
	(pc) =	sbr.ind lr, $3  }
0x3a: {  	_ = 	snop  }
0x3b: {  	_ = 	snop  }
0x3c: {  	p2 =	seq.s32 s10, $0x1;
	s10 =	sld [smem:$0x3FB9]  }
0x3d: {  	_ =	shalt  }
0x3e: {  	_ =	shalt  }
0x3f: {  	_ =	shalt  }
0x40: {  	_ =	shalt  }
0x41: {  	_ =	shalt  }
0x42: {  	_ =	shalt  }
0x43: {  	_ =	shalt  }
0x44: {  	_ =	shalt  }
0x45: {  	_ =	shalt  }
0x46: {  	_ =	shalt  }
0x47: {  	_ =	shalt  }
0x48: {  	_ =	shalt  }
0x49: {  	_ =	shalt  }
0x4a: {  	_ =	shalt  }
0x4b: {  	_ =	shalt  }
0x4c: {  	_ =	shalt  }
0x4d: {  	_ =	shalt  }
0x4e: {  	_ =	shalt  }
0x4f: {  	_ =	shalt  }
0x50: {  	_ =	shalt  }
0x51: {  	_ =	shalt  }
0x52: {  	_ =	shalt  }
0x53: {  	_ =	shalt  }
0x54: {  	_ =	shalt  }
0x55: {  	_ =	shalt  }
0x56: {  	_ =	shalt  }
0x57: {  	_ =	shalt  }
0x58: {  	_ =	shalt  }
0x59: {  	_ =	shalt  }
0x5a: {  	_ =	shalt  }
0x5b: {  	_ =	shalt  }
0x5c: {  	_ =	shalt  }
0x5d: {  	_ =	shalt  }
0x5e: {  	_ =	shalt  }
0x5f: {  	_ =	shalt  }
0x60: {  	_ =	shalt  }
0x61: {  	_ =	shalt  }
0x62: {  	_ =	shalt  }
0x63: {  	_ =	shalt  }
0x64: {  	_ =	shalt  }
0x65: {  	_ =	shalt  }
0x66: {  	_ =	shalt  }
0x67: {  	_ =	shalt  }
0x68: {  	_ =	shalt  }
0x69: {  	_ =	shalt  }
0x6a: {  	_ =	shalt  }
0x6b: {  	_ =	shalt  }
0x6c: {  	_ =	shalt  }
0x6d: {  	_ =	shalt  }
0x6e: {  	_ =	shalt  }
0x6f: {  	_ =	shalt  }
0x70: {  	_ =	shalt  }
0x71: {  	_ =	shalt  }
0x72: {  	_ =	shalt  }
0x73: {  	_ =	shalt  }
0x74: {  	_ =	shalt  }
0x75: {  	_ =	shalt  }
0x76: {  	_ =	shalt  }
0x77: {  	_ =	shalt  }
0x78: {  	_ =	shalt  }
0x79: {  	_ =	shalt  }
0x7a: {  	_ =	shalt  }
0x7b: {  	_ =	shalt  }
0x7c: {  	_ =	shalt  }
0x7d: {  	_ =	shalt  }
0x7e: {  	_ =	shalt  }
0x7f: {  	_ =	shalt  }
0x80: {  	_ =	shalt  }
0x81: {  	_ =	shalt  }
0x82: {  	_ =	shalt  }
0x83: {  	_ =	shalt  }
0x84: {  	_ =	shalt  }
0x85: {  	_ =	shalt  }
0x86: {  	_ =	shalt  }
0x87: {  	_ =	shalt  }
.Lfunc_end0:
.L_simem_size_0:
called_computation_lowered:
.L_overlay_start_0:
0x88: {  	s2 =	sld [smem:$0x3FD9]  }
0x89: {  	s3 =	sld [smem:$0x3FFE];
	_ =	sdelay $0x1  }
0x8a: {  	s1 =	srdreg.scid  }
0x8b: {  	s0 =	sand.u32 $0x1, s1  }
0x8c: {  	s17 =	sshll.u32 s0, $0xA;
	s2 =	sadd.s32 s3, s2  }
0x8d: {  	s2 =	sadd.s32 s2, s17  }
0x8e: {  	[smem:$0x3FC5] =	sst s2  }
0x8f: {  	_ = 	snop  }
0x90: {  	s2 =	sld [smem:$0x3FD0];
	(tm) =	ssettm $0x1  }
0x91: {  	s18 =	sld [smem:$0x3FFB];
	_ =	sdelay $0x3  }
0x92: {  	_ =	strace s18  }
0x93: {  	s3 =	sld [smem:$0x3FFC];
	_ =	sdelay $0x3  }
0x94: {  	_ =	strace s3  }
0x95: {  	s3 =	sld [smem:$0x3FFD];
	_ =	sdelay $0x3  }
0x96: {  	_ =	strace s3  }
0x97: {  	_ =	strace $0x8FFFFFFF  }
0x98: {  	s19 =	sld [smem:$0x3FDB];
	_ =	sdelay $0x1  }
0x99: {  	s4 =	simm.s32 $_scs_section_size  }
0x9a: {  	s5 =	simm.s32 $_size__tile_overlayer_lowered;
	s6 =	simm.s32 $_tile_overlayer_lowered  }
0x9b: {  	s22 =	simm.s32 $0x1BFF;
	s21 =	sshll.u32 s6, $0x1;
	s3 =	sadd.s32 s4, s19  }
0x9c: {  	s7 =	simm.s32 $0x0;
	s20 =	sshll.u32 s5, $0x1;
	s5 =	sadd.s32 s21, s3  }
0x9d: {  	[timem:s7], [sflag:s22] =	dma.local [hbm:s5], s20  }
0x9e: {  	_ =	swait.ge [sflag:s22], s20  }
0x9f: {  	s4 =	ssub.s32 $0x0, s20;
	[sflag:s22] =	ssyncset.done $0x0  }
0xa0: {  	[sflag:s22] =	ssyncadd.s32 s4;
	_ =	sdelay $0x1  }
0xa1: {  	s23 =	simm.s32 $0x1B8B  }
0xa2: {  	_ =	swait.ge [sflag:s23], $0x1  }
0xa3: {  	[sflag:s23] =	ssyncset.done $0x0  }
0xa4: {  	s25 =	simm.s32 $0x1B8E;
	s24 =	sld [smem:$0x3FFE];
	[sflag:s23] =	ssyncadd.s32 $0xFFFFFFFF  }
0xa5: {  	s26 =	simm.s32 $execute0_lowered;
	[smem:$0x3FD2] =	sst s25  }
0xa6: {  	s5 =	sshll.u32 s26, $0x1;
	_ =	strace $0x80000046;
	[dreg:$0x1] =	wrdreg $0xFFFFFFFF  }
0xa7: {  	s28 =	simm.s32 $_size_execute0_lowered;
	s3 =	sadd.s32 s3, s5;
	[dreg:$0x0] =	wrdreg $0x0  }
0xa8: {  	s5 =	sshll.u32 s28, $0x1;
	[dreg:$0x2] =	wrdreg s3  }
0xa9: {  	[dreg:$0x3] =	wrdreg s5  }
0xaa: {  	[dreg:$0x4] =	wrdreg $0xC0  }
0xab: {  	_ =	task [dreg:s7], $0x5FFFF  }
0xac: {  	[dreg:$0x1] =	wrdreg $0xFFFFFFFF  }
0xad: {  	[dreg:$0x0] =	wrdreg $0x60  }
0xae: {  	[dreg:$0x2] =	wrdreg s24  }
0xaf: {  	[dreg:$0x3] =	wrdreg s2  }
0xb0: {  	[dreg:$0x4] =	wrdreg $0x9  }
0xb1: {  	_ =	task.clear_ibuf [dreg:s7], $0x5FFFF;
	_ =	strace $0x90000046  }
0xb2: {  	s29 =	simm.s32 $0x9;
	_ =	strace $0x80000048  }
0xb3: {  	_ =	swait.ge [sflag:s29], $0x1  }
0xb4: {  	[sflag:s29] =	ssyncadd.s32 $0xFFFFFFFF  }
0xb5: {  	_ =	strace $0x90000048  }
0xb6: {  	_ =	sfence  }
0xb7: {  	s30 =	sld [smem:$0x0];
	_ =	sdelay $0x2  }
0xb8: {  	s31 =	sshll.u32 s1, $0xD;
	s1 =	sshrl.u32 s1, $0x2  }
0xb9: {  	s3 =	sand.u32 $0x4000, s31;
	s1 =	sadd.s32 s1, s30  }
0xba: {  	s0 =	sor.u32 s3, s0;
	s1 =	sshll.u32 s1, $0x11  }
0xbb: {  	s0 =	sor.u32 s1, s0  }
0xbc: {  	s0 =	sadd.s32 $0x8F2B, s0  }
0xbd: {  	[sflag:s0] =	ssyncadd.remote.s32 $0x1  }
0xbe: {  	_ =	sfence.sel $0xFFFF  }
0xbf: {  	[dreg:$0x0] =	wrdreg $0xFFFFFFFF;
	(pc) =	sbr.abs _section_cstart, $3  }
0xc0: {  	[dreg:$0x1] =	wrdreg $0xFFFFFFFF  }
0xc1: {  	_ =	task.clear_ibuf [dreg:s7], $0x2FFFF;
	_ =	strace $0x9FFFFFFF  }
0xc2: {  	(tm) =	ssettm $0x7FFFFFFF  }
0xc3: {  	_ =	shalt  }
tec
execute0_lowered:
.L_overlay_start_1:
0x0: {  	(tag) =	ssettag $0x1  }
0x1: {  	s0 =	rddreg [dreg:$0x0]  }
0x2: {  	s2 =	rddreg [dreg:$0x1]  }
0x3: {  	s3 =	simm.s32 $0x0;
	s1 =	srdreg.scid;
	s8 =	stileid.u32  }
0x4: {  	s12 =	simm.s32 $0x40;
	s13 =	simm.s32 $0x40;
	s21 =	simm.s32 $0x9  }
0x5: {  	s23 =	simm.s32 $0x50;
	s24 =	simm.s32 $0x19320;
	s25 =	simm.s32 $0xC800  }
0x6: {  	s11 =	simm.s32 $0x1;
	s22 =	simm.s32 $0x80;
	s19 =	simm.s32 $0x194B0  }
0x7: {  	s10 =	simm.s32 $0x2;
	s20 =	simm.s32 $0x3;
	s28 =	simm.s32 $0x0  }
0x8: {  	[smem:$0x7FF] =	sst s3;
	s1 =	sand.u32 $0x1, s1;
	s5 =	sshll.u32 s8, $0x1  }
0x9: {  	s4 =	sadd.s32 $0x1000, s0;
	s6 =	sadd.s32 $0x7A9000, s0;
	p0 =	sgt.u32 s8, $0x7  }
0xa: {  	_ =	strace $0x80000047;
	s5 =	sor.u32 s1, s5;
	[dreg:$0x3] =	wrdreg s6  }
0xb: {  	s6 =	sadd.s32 $0x7B6000, s0;
	s26 =	ssub.s32 $0x2, s1;
	s1 =	simm.s32 $0xFFFCE000  }
0xc: {  	s12 =	simm.s32 @!p0 $0x0;
	s7 =	smul.u32 $0x3200, s5;
	s29 =	sshrl.u32 s26, $0x1  }
0xd: {  	s1 =	simm.s32 @!p0 $0x0;
	s0 =	ssub.s32 s26, s29;
	s26 =	simm.s32 $0x7  }
0xe: {  	s9 =	sshrl.u32 s7, $0x3;
	s8 =	sadd.s32 s1, s7;
	s15 =	sadd.s32 $0x640, s7  }
.Ltmp0:
0xf: {  	s17 =	sadd.s32 $0x7D0, s7;
	s0 =	smax.u32 s0, $0x1;
	(pc) =	sbr.rel .LBB2_1-.Ltmp0, $4  }
0x10: {  	s18 =	sadd.s32 $0x960, s7;
	s30 =	sadd.s32 s2, s9;
	[dreg:$0x7] =	wrdreg s0  }
0x11: {  	s14 =	sor.u32 $0x190, s8;
	s31 =	sadd.s32 $0x32, s30;
	[dreg:$0x4] =	wrdreg s30  }
0x12: {  	s16 =	sadd.s32 $0x320, s8;
	s1 =	sadd.s32 $0x64, s30;
	[dreg:$0x5] =	wrdreg s31  }
0x13: {  	s9 =	simm.s32 $0x4;
	[dreg:$0x6] =	wrdreg s1;
	s1 =	simm.s32 $0x12C00  }
.LBB2_12:
0x14: {  	s0 =	simm.s32 $0x5  }
0x15: {  	_ =	swait.ge [sflag:s0], $0x6400  }
0x16: {  	[sflag:s0] =	ssyncset.done $0x0  }
0x17: {  	s30 =	simm.s32 $0x6;
	[sflag:s0] =	ssyncadd.s32 $0xFFFF9C00  }
0x18: {  	_ =	swait.ge [sflag:s30], $0x6400  }
0x19: {  	[sflag:s30] =	ssyncset.done $0x0  }
0x1a: {  	[sflag:s30] =	ssyncadd.s32 $0xFFFF9C00  }
0x1b: {  	_ =	swait.ge [sflag:s26], $0x6400  }
0x1c: {  	[sflag:s26] =	ssyncset.done $0x0  }
0x1d: {  	s5 =	simm.s32 $0x8;
	[sflag:s26] =	ssyncadd.s32 $0xFFFF9C00  }
0x1e: {  	_ =	swait.ge [sflag:s5], $0x6400  }
0x1f: {  	s28 =	rddreg [dreg:$0x8]  }
0x20: {  	s31 =	rddreg [dreg:$0x7];
	s28 =	sadd.s32 $0x1, s28  }
0x21: {  	p0 =	sne.s32 s28, s31  }
.Ltmp1:
0x22: {  	_ = 	snop;
	(pc) =	sbr.rel @!p0 .LBB2_13-.Ltmp1, $3  }
0x23: {  	_ =	sdelay $0x1  }
0x24: {  	[sflag:s5] =	ssyncset.done $0x0  }
0x25: {  	[sflag:s5] =	ssyncadd.s32 $0xFFFF9C00  }
.LBB2_1:
0x26: {  	[dreg:$0x8] =	wrdreg s28  }
0x27: {  	s0 =	rddreg [dreg:$0x3];
	s5 =	simm.s32 $0x19640  }
0x28: {  	[tilespmem:s5], [sflag:$0x9] =	stream.linear.gather [hbm4b:s0+s3], $0x3200, $0x38;
	[tilespmem:$0x1C840] =	vst v63  }
0x29: {  	_ =	swait.ge [sflag:s21], $0x3200  }
0x2a: {  	[sflag:s21] =	ssyncset.done $0x0  }
0x2b: {  	s29 =	simm.s32 $0x19000;
	s5 =	rddreg [dreg:$0x4];
	[sflag:s21] =	ssyncadd.s32 $0xFFFFCE00  }
0x2c: {  	[tilespmem:s29], [sflag:$0x9] =	stream.linear.gather [hbm4b:s5+s3], $0x190, $0x38;
	[tilespmem:$0x1C840] =	vst v63  }
0x2d: {  	_ =	swait.ge [sflag:s21], $0x190  }
0x2e: {  	[sflag:s21] =	ssyncset.done $0x0  }
0x2f: {  	[sflag:s21] =	ssyncadd.s32 $0xFFFFFE70  }
0x30: {  	[tilespmem:s3], [sflag:$0x1] =	stream.indirect.gather [hbm4b:s4+s23], $0x40, s29, s23, $0xb8;
	[tilespmem:$0x1C840] =	vst v63  }
0x31: {  	s30 =	simm.s32 $0x19050;
	s31 =	simm.s32 $0x1400  }
0x32: {  	[tilespmem:s31], [sflag:$0x1] =	stream.indirect.gather [hbm4b:s4+s23], $0x40, s30, s23, $0xb8;
	[tilespmem:$0x1C840] =	vst v63  }
0x33: {  	s5 =	simm.s32 $0x190A0;
	s29 =	simm.s32 $0x2800  }
0x34: {  	[tilespmem:s29], [sflag:$0x1] =	stream.indirect.gather [hbm4b:s4+s23], $0x40, s5, s23, $0xb8;
	[tilespmem:$0x1C840] =	vst v63  }
0x35: {  	s30 =	simm.s32 $0x190F0;
	s31 =	simm.s32 $0x3C00  }
0x36: {  	[tilespmem:s31], [sflag:$0x1] =	stream.indirect.gather [hbm4b:s4+s23], $0x40, s30, s23, $0xb8;
	[tilespmem:$0x1C840] =	vst v63  }
0x37: {  	s5 =	simm.s32 $0x19140;
	s29 =	simm.s32 $0x5000  }
0x38: {  	[tilespmem:s29], [sflag:$0x1] =	stream.indirect.gather [hbm4b:s4+s23], $0x40, s5, s23, $0xb8;
	[tilespmem:$0x1C840] =	vst v63  }
0x39: {  	s30 =	rddreg [dreg:$0x5];
	s31 =	simm.s32 $0x19190  }
0x3a: {  	[tilespmem:s31], [sflag:$0x9] =	stream.linear.gather [hbm4b:s30+s3], $0x190, $0x38;
	[tilespmem:$0x1C840] =	vst v63  }
0x3b: {  	_ =	swait.ge [sflag:s21], $0x190  }
0x3c: {  	[sflag:s21] =	ssyncset.done $0x0  }
0x3d: {  	s29 =	simm.s32 $0x6400;
	[sflag:s21] =	ssyncadd.s32 $0xFFFFFE70  }
0x3e: {  	[tilespmem:s29], [sflag:$0x2] =	stream.indirect.gather [hbm4b:s4+s23], $0x40, s31, s23, $0xb8;
	[tilespmem:$0x1C840] =	vst v63  }
0x3f: {  	s30 =	simm.s32 $0x191E0;
	s31 =	simm.s32 $0x7800  }
0x40: {  	[tilespmem:s31], [sflag:$0x2] =	stream.indirect.gather [hbm4b:s4+s23], $0x40, s30, s23, $0xb8;
	[tilespmem:$0x1C840] =	vst v63  }
0x41: {  	s5 =	simm.s32 $0x19230;
	s29 =	simm.s32 $0x8C00  }
0x42: {  	[tilespmem:s29], [sflag:$0x2] =	stream.indirect.gather [hbm4b:s4+s23], $0x40, s5, s23, $0xb8;
	[tilespmem:$0x1C840] =	vst v63  }
0x43: {  	s30 =	simm.s32 $0x19280;
	s31 =	simm.s32 $0xA000  }
0x44: {  	[tilespmem:s31], [sflag:$0x2] =	stream.indirect.gather [hbm4b:s4+s23], $0x40, s30, s23, $0xb8;
	[tilespmem:$0x1C840] =	vst v63  }
0x45: {  	s29 =	simm.s32 $0x192D0;
	s30 =	simm.s32 $0xB400  }
0x46: {  	[tilespmem:s30], [sflag:$0x2] =	stream.indirect.gather [hbm4b:s4+s23], $0x40, s29, s23, $0xb8;
	[tilespmem:$0x1C840] =	vst v63  }
0x47: {  	s31 =	rddreg [dreg:$0x6]  }
0x48: {  	[tilespmem:s24], [sflag:$0x9] =	stream.linear.gather [hbm4b:s31+s3], $0x190, $0x38;
	[tilespmem:$0x1C840] =	vst v63  }
0x49: {  	_ =	swait.ge [sflag:s21], $0x190  }
0x4a: {  	[sflag:s21] =	ssyncset.done $0x0  }
0x4b: {  	[sflag:s21] =	ssyncadd.s32 $0xFFFFFE70  }
0x4c: {  	[tilespmem:s25], [sflag:$0x3] =	stream.indirect.gather [hbm4b:s4+s23], $0x40, s24, s23, $0xb8;
	[tilespmem:$0x1C840] =	vst v63  }
0x4d: {  	s5 =	simm.s32 $0x19370;
	s29 =	simm.s32 $0xDC00  }
0x4e: {  	[tilespmem:s29], [sflag:$0x3] =	stream.indirect.gather [hbm4b:s4+s23], $0x40, s5, s23, $0xb8;
	[tilespmem:$0x1C840] =	vst v63  }
0x4f: {  	s30 =	simm.s32 $0x193C0;
	s31 =	simm.s32 $0xF000  }
0x50: {  	[tilespmem:s31], [sflag:$0x3] =	stream.indirect.gather [hbm4b:s4+s23], $0x40, s30, s23, $0xb8;
	[tilespmem:$0x1C840] =	vst v63  }
0x51: {  	s5 =	simm.s32 $0x19410;
	s29 =	simm.s32 $0x10400  }
0x52: {  	[tilespmem:s29], [sflag:$0x3] =	stream.indirect.gather [hbm4b:s4+s23], $0x40, s5, s23, $0xb8;
	[tilespmem:$0x1C840] =	vst v63  }
0x53: {  	s28 =	simm.s32 $0x0;
	s30 =	simm.s32 $0x19460;
	s31 =	simm.s32 $0x11800  }
0x54: {  	[tilespmem:s31], [sflag:$0x3] =	stream.indirect.gather [hbm4b:s4+s23], $0x40, s30, s23, $0xb8;
	[tilespmem:$0x1C840] =	vst v63  }
.LBB2_2:
0x55: {  	_ =	swait.ge [sflag:s11], $0x1400  }
0x56: {  	[sflag:s11] =	ssyncset.done $0x0  }
0x57: {  	[sflag:s11] =	ssyncadd.s32 $0xFFFFEC00  }
0x58: {  	_ =	swait.ge [sflag:s11], $0x1400  }
0x59: {  	[sflag:s11] =	ssyncset.done $0x0  }
0x5a: {  	[sflag:s11] =	ssyncadd.s32 $0xFFFFEC00  }
0x5b: {  	_ =	swait.ge [sflag:s11], $0x1400  }
0x5c: {  	[sflag:s11] =	ssyncset.done $0x0  }
0x5d: {  	[sflag:s11] =	ssyncadd.s32 $0xFFFFEC00  }
0x5e: {  	_ =	swait.ge [sflag:s11], $0x1400  }
0x5f: {  	[sflag:s11] =	ssyncset.done $0x0  }
0x60: {  	[sflag:s11] =	ssyncadd.s32 $0xFFFFEC00  }
0x61: {  	_ =	swait.ge [sflag:s11], $0x1400  }
0x62: {  	[sflag:s11] =	ssyncset.done $0x0  }
0x63: {  	s30 =	simm.s32 $0x0;
	[sflag:s11] =	ssyncadd.s32 $0xFFFFEC00  }
0x64: {  	v3 =	vld [tilespmem:s30+$0x19640]  }
0x65: {  	v1 =	vld [tilespmem:s30+$0x19650]  }
0x66: {  	v0 =	vld [tilespmem:s30+$0x19660]  }
0x67: {  	v2 =	vld [tilespmem:s30+$0x19670]  }
0x68: {  	v8 =	vld [tilespmem:s30+$0x0]  }
0x69: {  	v10 =	vld [tilespmem:s30+$0x3200]  }
0x6a: {  	v7 =	vld [tilespmem:s30+$0x10]  }
0x6b: {  	v6 =	vld [tilespmem:s30+$0x3210]  }
0x6c: {  	v4 =	vld [tilespmem:s30+$0x20]  }
0x6d: {  	v5 =	vld [tilespmem:s30+$0x3220];
	v9 =	vadd.f32 v8, v3  }
0x6e: {  	s29 =	simm.s32 $0x100;
	v8 =	vadd.f32 v10, v3;
	v3 =	vld [tilespmem:s30+$0x30]  }
.LBB2_3:
0x6f: {  	s0 =	sshra.s32 s29, $0x2;
	p0 =	sne.s32 s29, $0xC700;
	[tilespmem:s30+$0x0] =	vst v9;
	v7 =	vadd.f32 v7, v1;
	v9 =	vld [tilespmem:s30+$0x3230]  }
0x70: {  	v10 =	vld [tilespmem:s0+$0x19640];
	[tilespmem:s30+$0x3200] =	vst v8;
	v6 =	vadd.f32 v6, v1  }
0x71: {  	v1 =	vld [tilespmem:s0+$0x19650];
	[tilespmem:s30+$0x10] =	vst v7;
	v4 =	vadd.f32 v4, v0  }
0x72: {  	[tilespmem:s30+$0x3210] =	vst v6;
	v5 =	vadd.f32 v5, v0;
	v0 =	vld [tilespmem:s0+$0x19660]  }
0x73: {  	v8 =	vld [tilespmem:s0+$0x19670];
	[tilespmem:s30+$0x20] =	vst v4;
	v3 =	vadd.f32 v3, v2  }
0x74: {  	v11 =	vld [tilespmem:s0+$0x0];
	[tilespmem:s30+$0x3220] =	vst v5;
	v2 =	vadd.f32 v9, v2  }
0x75: {  	v12 =	vld [tilespmem:s0+$0x3200];
	[tilespmem:s30+$0x30] =	vst v3  }
.Ltmp2:
0x76: {  	v7 =	vld [tilespmem:s0+$0x10];
	[tilespmem:s30+$0x3230] =	vst v2;
	s30 =	smov.u32 s0;
	(pc) =	sbr.rel @p0 .LBB2_3-.Ltmp2, $4  }
0x77: {  	v6 =	vld [tilespmem:s30+$0x3210]  }
0x78: {  	v4 =	vld [tilespmem:s30+$0x20];
	v2 =	vmov v8  }
0x79: {  	v9 =	vadd.f32 v11, v10;
	v5 =	vld [tilespmem:s30+$0x3220]  }
0x7a: {  	s29 =	sadd.s32 $0x100, s29;
	v8 =	vadd.f32 v12, v10;
	v3 =	vld [tilespmem:s30+$0x30]  }
0x7b: {  	[tilespmem:s30+$0x0] =	vst v9;
	v7 =	vadd.f32 v7, v1;
	v9 =	vld [tilespmem:s30+$0x3230]  }
0x7c: {  	s29 =	smul.u32 $0x640, s28;
	[tilespmem:s30+$0x3200] =	vst v8;
	v1 =	vadd.f32 v6, v1  }
0x7d: {  	[tilespmem:s30+$0x10] =	vst v7;
	v4 =	vadd.f32 v4, v0  }
0x7e: {  	s0 =	sadd.s32 s8, s29;
	[tilespmem:s30+$0x3210] =	vst v1;
	v0 =	vadd.f32 v5, v0  }
0x7f: {  	s0 =	sshll.u32 s0, $0x7;
	[tilespmem:s30+$0x20] =	vst v4;
	v1 =	vadd.f32 v3, v2  }
0x80: {  	s0 =	sor.u32 s12, s0;
	[tilespmem:s30+$0x3220] =	vst v0;
	v0 =	vadd.f32 v9, v2  }
0x81: {  	s0 =	sshrl.u32 s0, $0x3;
	[tilespmem:s30+$0x30] =	vst v1  }
0x82: {  	p0 =	seq.s32 s28, $0x0;
	s0 =	sadd.s32 s6, s0;
	[tilespmem:s30+$0x3230] =	vst v0  }
0x83: {  	[hbm4b:s0+s13] =	stream.strided.scatter [tilespmem:s3], [sflag:$0x5], $0x6400, s22, s13, $0x38;
	[tilespmem:$0x1C840] =	vst v63  }
0x84: {  	s30 =	sadd.s32 $0x4B0, s29;
	s0 =	simm.s32 @!p0 $0x8  }
0x85: {  	s31 =	sadd.s32 s7, s30;
	_ =	swait.ge @!p0 [sflag:s0], $0x6400  }
0x86: {  	s31 =	sshrl.u32 s31, $0x3;
	[sflag:s0] =	ssyncset.done @!p0 $0x0  }
0x87: {  	s5 =	sadd.s32 s2, s31;
	s31 =	simm.s32 $0x0;
	[sflag:s0] =	ssyncadd.s32 @!p0 $0xFFFF9C00  }
0x88: {  	[tilespmem:s19], [sflag:$0x9] =	stream.linear.gather [hbm4b:s5+s31], $0x190, $0x38;
	[tilespmem:$0x1C840] =	vst v63  }
0x89: {  	_ =	swait.ge [sflag:s21], $0x190  }
0x8a: {  	[sflag:s21] =	ssyncset.done $0x0  }
0x8b: {  	[sflag:s21] =	ssyncadd.s32 $0xFFFFFE70  }
0x8c: {  	[tilespmem:s1], [sflag:$0x4] =	stream.indirect.gather [hbm4b:s4+s23], $0x40, s19, s23, $0xb8;
	[tilespmem:$0x1C840] =	vst v63  }
0x8d: {  	s0 =	simm.s32 $0x19500;
	s5 =	simm.s32 $0x14000  }
0x8e: {  	[tilespmem:s5], [sflag:$0x4] =	stream.indirect.gather [hbm4b:s4+s23], $0x40, s0, s23, $0xb8;
	[tilespmem:$0x1C840] =	vst v63  }
0x8f: {  	s0 =	simm.s32 $0x19550;
	s5 =	simm.s32 $0x15400  }
0x90: {  	[tilespmem:s5], [sflag:$0x4] =	stream.indirect.gather [hbm4b:s4+s23], $0x40, s0, s23, $0xb8;
	[tilespmem:$0x1C840] =	vst v63  }
0x91: {  	s0 =	simm.s32 $0x195A0;
	s5 =	simm.s32 $0x16800  }
0x92: {  	[tilespmem:s5], [sflag:$0x4] =	stream.indirect.gather [hbm4b:s4+s23], $0x40, s0, s23, $0xb8;
	[tilespmem:$0x1C840] =	vst v63  }
0x93: {  	s0 =	simm.s32 $0x195F0;
	s5 =	simm.s32 $0x17C00  }
0x94: {  	[tilespmem:s5], [sflag:$0x4] =	stream.indirect.gather [hbm4b:s4+s23], $0x40, s0, s23, $0xb8;
	[tilespmem:$0x1C840] =	vst v63  }
0x95: {  	_ =	swait.ge [sflag:s10], $0x1400  }
0x96: {  	[sflag:s10] =	ssyncset.done $0x0  }
0x97: {  	[sflag:s10] =	ssyncadd.s32 $0xFFFFEC00  }
0x98: {  	_ =	swait.ge [sflag:s10], $0x1400  }
0x99: {  	[sflag:s10] =	ssyncset.done $0x0  }
0x9a: {  	[sflag:s10] =	ssyncadd.s32 $0xFFFFEC00  }
0x9b: {  	_ =	swait.ge [sflag:s10], $0x1400  }
0x9c: {  	[sflag:s10] =	ssyncset.done $0x0  }
0x9d: {  	[sflag:s10] =	ssyncadd.s32 $0xFFFFEC00  }
0x9e: {  	_ =	swait.ge [sflag:s10], $0x1400  }
0x9f: {  	[sflag:s10] =	ssyncset.done $0x0  }
0xa0: {  	[sflag:s10] =	ssyncadd.s32 $0xFFFFEC00  }
0xa1: {  	_ =	swait.ge [sflag:s10], $0x1400  }
0xa2: {  	[sflag:s10] =	ssyncset.done $0x0  }
0xa3: {  	s31 =	simm.s32 $0x0;
	[sflag:s10] =	ssyncadd.s32 $0xFFFFEC00  }
0xa4: {  	v3 =	vld [tilespmem:s31+$0x19640]  }
0xa5: {  	v1 =	vld [tilespmem:s31+$0x19650]  }
0xa6: {  	v0 =	vld [tilespmem:s31+$0x19660]  }
0xa7: {  	v2 =	vld [tilespmem:s31+$0x19670]  }
0xa8: {  	v8 =	vld [tilespmem:s31+$0x6400]  }
0xa9: {  	v10 =	vld [tilespmem:s31+$0x9600]  }
0xaa: {  	v7 =	vld [tilespmem:s31+$0x6410]  }
0xab: {  	v6 =	vld [tilespmem:s31+$0x9610]  }
0xac: {  	v4 =	vld [tilespmem:s31+$0x6420]  }
0xad: {  	v5 =	vld [tilespmem:s31+$0x9620];
	v9 =	vadd.f32 v8, v3  }
0xae: {  	s0 =	simm.s32 $0x100;
	v8 =	vadd.f32 v10, v3;
	v3 =	vld [tilespmem:s31+$0x6430]  }
.LBB2_5:
0xaf: {  	s5 =	sshra.s32 s0, $0x2;
	p0 =	sne.s32 s0, $0xC700;
	[tilespmem:s31+$0x6400] =	vst v9;
	v7 =	vadd.f32 v7, v1;
	v9 =	vld [tilespmem:s31+$0x9630]  }
0xb0: {  	v10 =	vld [tilespmem:s5+$0x19640];
	[tilespmem:s31+$0x9600] =	vst v8;
	v6 =	vadd.f32 v6, v1  }
0xb1: {  	v1 =	vld [tilespmem:s5+$0x19650];
	[tilespmem:s31+$0x6410] =	vst v7;
	v4 =	vadd.f32 v4, v0  }
0xb2: {  	[tilespmem:s31+$0x9610] =	vst v6;
	v5 =	vadd.f32 v5, v0;
	v0 =	vld [tilespmem:s5+$0x19660]  }
0xb3: {  	v8 =	vld [tilespmem:s5+$0x19670];
	[tilespmem:s31+$0x6420] =	vst v4;
	v3 =	vadd.f32 v3, v2  }
0xb4: {  	v11 =	vld [tilespmem:s5+$0x6400];
	[tilespmem:s31+$0x9620] =	vst v5;
	v2 =	vadd.f32 v9, v2  }
0xb5: {  	v12 =	vld [tilespmem:s5+$0x9600];
	[tilespmem:s31+$0x6430] =	vst v3  }
.Ltmp3:
0xb6: {  	v7 =	vld [tilespmem:s5+$0x6410];
	[tilespmem:s31+$0x9630] =	vst v2;
	s31 =	smov.u32 s5;
	(pc) =	sbr.rel @p0 .LBB2_5-.Ltmp3, $4  }
0xb7: {  	v6 =	vld [tilespmem:s31+$0x9610]  }
0xb8: {  	v4 =	vld [tilespmem:s31+$0x6420];
	v2 =	vmov v8  }
0xb9: {  	v9 =	vadd.f32 v11, v10;
	v5 =	vld [tilespmem:s31+$0x9620]  }
0xba: {  	s0 =	sadd.s32 $0x100, s0;
	v8 =	vadd.f32 v12, v10;
	v3 =	vld [tilespmem:s31+$0x6430]  }
0xbb: {  	[tilespmem:s31+$0x6400] =	vst v9;
	v7 =	vadd.f32 v7, v1;
	v9 =	vld [tilespmem:s31+$0x9630]  }
0xbc: {  	[tilespmem:s31+$0x9600] =	vst v8;
	v1 =	vadd.f32 v6, v1  }
0xbd: {  	[tilespmem:s31+$0x6410] =	vst v7;
	v4 =	vadd.f32 v4, v0  }
0xbe: {  	s0 =	sadd.s32 s29, s14;
	[tilespmem:s31+$0x9610] =	vst v1;
	v0 =	vadd.f32 v5, v0  }
0xbf: {  	s0 =	sshll.u32 s0, $0x7;
	[tilespmem:s31+$0x6420] =	vst v4;
	v1 =	vadd.f32 v3, v2  }
0xc0: {  	s0 =	sor.u32 s12, s0;
	[tilespmem:s31+$0x9620] =	vst v0;
	v0 =	vadd.f32 v9, v2  }
0xc1: {  	s0 =	sshrl.u32 s0, $0x3;
	[tilespmem:s31+$0x6430] =	vst v1  }
0xc2: {  	s5 =	simm.s32 $0x6400;
	p0 =	seq.s32 s28, $0x7;
	s0 =	sadd.s32 s6, s0;
	[tilespmem:s31+$0x9630] =	vst v0  }
0xc3: {  	[hbm4b:s0+s13] =	stream.strided.scatter [tilespmem:s5], [sflag:$0x6], $0x6400, s22, s13, $0x38;
	[tilespmem:$0x1C840] =	vst v63  }
0xc4: {  	s0 =	simm.s32 @!p0 $0x5  }
0xc5: {  	_ =	swait.ge @!p0 [sflag:s0], $0x6400  }
0xc6: {  	s5 =	sadd.s32 @!p0 s29, s15;
	[sflag:s0] =	ssyncset.done @!p0 $0x0  }
0xc7: {  	[sflag:s0] =	ssyncadd.s32 @!p0 $0xFFFF9C00;
	s0 =	sshrl.u32 @!p0 s5, $0x3  }
0xc8: {  	s31 =	simm.s32 @!p0 $0x19000;
	s5 =	simm.s32 @!p0 $0x0;
	s0 =	sadd.s32 @!p0 s2, s0  }
0xc9: {  	[tilespmem:s31], [sflag:$0x9] =	stream.linear.gather @!p0 [hbm4b:s0+s5], $0x190, $0x38;
	[tilespmem:$0x1C840] =	vst v63  }
0xca: {  	s0 =	simm.s32 @!p0 $0x9  }
0xcb: {  	_ =	swait.ge @!p0 [sflag:s0], $0x190  }
0xcc: {  	[sflag:s0] =	ssyncset.done @!p0 $0x0  }
0xcd: {  	[sflag:s0] =	ssyncadd.s32 @!p0 $0xFFFFFE70;
	s0 =	simm.s32 @!p0 $0x50  }
0xce: {  	[tilespmem:s5], [sflag:$0x1] =	stream.indirect.gather @!p0 [hbm4b:s4+s0], $0x40, s31, s0, $0xb8;
	[tilespmem:$0x1C840] =	vst v63  }
0xcf: {  	s5 =	simm.s32 @!p0 $0x19050;
	s31 =	simm.s32 @!p0 $0x1400  }
0xd0: {  	[tilespmem:s31], [sflag:$0x1] =	stream.indirect.gather @!p0 [hbm4b:s4+s0], $0x40, s5, s0, $0xb8;
	[tilespmem:$0x1C840] =	vst v63  }
0xd1: {  	s5 =	simm.s32 @!p0 $0x190A0;
	s31 =	simm.s32 @!p0 $0x2800  }
0xd2: {  	[tilespmem:s31], [sflag:$0x1] =	stream.indirect.gather @!p0 [hbm4b:s4+s0], $0x40, s5, s0, $0xb8;
	[tilespmem:$0x1C840] =	vst v63  }
0xd3: {  	s5 =	simm.s32 @!p0 $0x190F0;
	s31 =	simm.s32 @!p0 $0x3C00  }
0xd4: {  	[tilespmem:s31], [sflag:$0x1] =	stream.indirect.gather @!p0 [hbm4b:s4+s0], $0x40, s5, s0, $0xb8;
	[tilespmem:$0x1C840] =	vst v63  }
0xd5: {  	s5 =	simm.s32 @!p0 $0x19140;
	s31 =	simm.s32 @!p0 $0x5000  }
0xd6: {  	[tilespmem:s31], [sflag:$0x1] =	stream.indirect.gather @!p0 [hbm4b:s4+s0], $0x40, s5, s0, $0xb8;
	[tilespmem:$0x1C840] =	vst v63  }
0xd7: {  	_ =	swait.ge [sflag:s20], $0x1400  }
0xd8: {  	[sflag:s20] =	ssyncset.done $0x0  }
0xd9: {  	[sflag:s20] =	ssyncadd.s32 $0xFFFFEC00  }
0xda: {  	_ =	swait.ge [sflag:s20], $0x1400  }
0xdb: {  	[sflag:s20] =	ssyncset.done $0x0  }
0xdc: {  	[sflag:s20] =	ssyncadd.s32 $0xFFFFEC00  }
0xdd: {  	_ =	swait.ge [sflag:s20], $0x1400  }
0xde: {  	[sflag:s20] =	ssyncset.done $0x0  }
0xdf: {  	[sflag:s20] =	ssyncadd.s32 $0xFFFFEC00  }
0xe0: {  	_ =	swait.ge [sflag:s20], $0x1400  }
0xe1: {  	[sflag:s20] =	ssyncset.done $0x0  }
0xe2: {  	[sflag:s20] =	ssyncadd.s32 $0xFFFFEC00  }
0xe3: {  	_ =	swait.ge [sflag:s20], $0x1400  }
0xe4: {  	[sflag:s20] =	ssyncset.done $0x0  }
0xe5: {  	s31 =	simm.s32 $0x0;
	[sflag:s20] =	ssyncadd.s32 $0xFFFFEC00  }
0xe6: {  	v3 =	vld [tilespmem:s31+$0x19640]  }
0xe7: {  	v1 =	vld [tilespmem:s31+$0x19650]  }
0xe8: {  	v0 =	vld [tilespmem:s31+$0x19660]  }
0xe9: {  	v2 =	vld [tilespmem:s31+$0x19670]  }
0xea: {  	v8 =	vld [tilespmem:s31+$0xC800]  }
0xeb: {  	v10 =	vld [tilespmem:s31+$0xFA00]  }
0xec: {  	v7 =	vld [tilespmem:s31+$0xC810]  }
0xed: {  	v6 =	vld [tilespmem:s31+$0xFA10]  }
0xee: {  	v4 =	vld [tilespmem:s31+$0xC820]  }
0xef: {  	v5 =	vld [tilespmem:s31+$0xFA20];
	v9 =	vadd.f32 v8, v3  }
0xf0: {  	s0 =	simm.s32 $0x100;
	v8 =	vadd.f32 v10, v3;
	v3 =	vld [tilespmem:s31+$0xC830]  }
.LBB2_7:
0xf1: {  	s5 =	sshra.s32 s0, $0x2;
	p1 =	sne.s32 s0, $0xC700;
	[tilespmem:s31+$0xC800] =	vst v9;
	v7 =	vadd.f32 v7, v1;
	v9 =	vld [tilespmem:s31+$0xFA30]  }
0xf2: {  	v10 =	vld [tilespmem:s5+$0x19640];
	[tilespmem:s31+$0xFA00] =	vst v8;
	v6 =	vadd.f32 v6, v1  }
0xf3: {  	v1 =	vld [tilespmem:s5+$0x19650];
	[tilespmem:s31+$0xC810] =	vst v7;
	v4 =	vadd.f32 v4, v0  }
0xf4: {  	[tilespmem:s31+$0xFA10] =	vst v6;
	v5 =	vadd.f32 v5, v0;
	v0 =	vld [tilespmem:s5+$0x19660]  }
0xf5: {  	v8 =	vld [tilespmem:s5+$0x19670];
	[tilespmem:s31+$0xC820] =	vst v4;
	v3 =	vadd.f32 v3, v2  }
0xf6: {  	v11 =	vld [tilespmem:s5+$0xC800];
	[tilespmem:s31+$0xFA20] =	vst v5;
	v2 =	vadd.f32 v9, v2  }
0xf7: {  	v12 =	vld [tilespmem:s5+$0xFA00];
	[tilespmem:s31+$0xC830] =	vst v3  }
.Ltmp4:
0xf8: {  	v7 =	vld [tilespmem:s5+$0xC810];
	[tilespmem:s31+$0xFA30] =	vst v2;
	s31 =	smov.u32 s5;
	(pc) =	sbr.rel @p1 .LBB2_7-.Ltmp4, $4  }
0xf9: {  	v6 =	vld [tilespmem:s31+$0xFA10]  }
0xfa: {  	v4 =	vld [tilespmem:s31+$0xC820];
	v2 =	vmov v8  }
0xfb: {  	v9 =	vadd.f32 v11, v10;
	v5 =	vld [tilespmem:s31+$0xFA20]  }
0xfc: {  	s0 =	sadd.s32 $0x100, s0;
	v8 =	vadd.f32 v12, v10;
	v3 =	vld [tilespmem:s31+$0xC830]  }
0xfd: {  	[tilespmem:s31+$0xC800] =	vst v9;
	v7 =	vadd.f32 v7, v1;
	v9 =	vld [tilespmem:s31+$0xFA30]  }
0xfe: {  	[tilespmem:s31+$0xFA00] =	vst v8;
	v1 =	vadd.f32 v6, v1  }
0xff: {  	[tilespmem:s31+$0xC810] =	vst v7;
	v4 =	vadd.f32 v4, v0  }
0x100: {  	s0 =	sadd.s32 s29, s16;
	[tilespmem:s31+$0xFA10] =	vst v1;
	v0 =	vadd.f32 v5, v0  }
0x101: {  	s0 =	sshll.u32 s0, $0x7;
	[tilespmem:s31+$0xC820] =	vst v4;
	v1 =	vadd.f32 v3, v2  }
0x102: {  	s0 =	sor.u32 s12, s0;
	[tilespmem:s31+$0xFA20] =	vst v0;
	v0 =	vadd.f32 v9, v2  }
0x103: {  	s0 =	sshrl.u32 s0, $0x3;
	[tilespmem:s31+$0xC830] =	vst v1  }
0x104: {  	s0 =	sadd.s32 s6, s0;
	[tilespmem:s31+$0xFA30] =	vst v0  }
0x105: {  	[hbm4b:s0+s13] =	stream.strided.scatter [tilespmem:s25], [sflag:$0x7], $0x6400, s22, s13, $0x38;
	[tilespmem:$0x1C840] =	vst v63  }
0x106: {  	s0 =	simm.s32 @!p0 $0x6  }
0x107: {  	_ =	swait.ge @!p0 [sflag:s0], $0x6400  }
0x108: {  	s5 =	sadd.s32 @!p0 s29, s17;
	[sflag:s0] =	ssyncset.done @!p0 $0x0  }
0x109: {  	[sflag:s0] =	ssyncadd.s32 @!p0 $0xFFFF9C00;
	s0 =	sshrl.u32 @!p0 s5, $0x3  }
0x10a: {  	s31 =	simm.s32 @!p0 $0x19190;
	s5 =	simm.s32 @!p0 $0x0;
	s0 =	sadd.s32 @!p0 s2, s0  }
0x10b: {  	[tilespmem:s31], [sflag:$0x9] =	stream.linear.gather @!p0 [hbm4b:s0+s5], $0x190, $0x38;
	[tilespmem:$0x1C840] =	vst v63  }
0x10c: {  	s0 =	simm.s32 @!p0 $0x9  }
0x10d: {  	_ =	swait.ge @!p0 [sflag:s0], $0x190  }
0x10e: {  	[sflag:s0] =	ssyncset.done @!p0 $0x0  }
0x10f: {  	s5 =	simm.s32 @!p0 $0x6400;
	[sflag:s0] =	ssyncadd.s32 @!p0 $0xFFFFFE70;
	s0 =	simm.s32 @!p0 $0x50  }
0x110: {  	[tilespmem:s5], [sflag:$0x2] =	stream.indirect.gather @!p0 [hbm4b:s4+s0], $0x40, s31, s0, $0xb8;
	[tilespmem:$0x1C840] =	vst v63  }
0x111: {  	s5 =	simm.s32 @!p0 $0x191E0;
	s31 =	simm.s32 @!p0 $0x7800  }
0x112: {  	[tilespmem:s31], [sflag:$0x2] =	stream.indirect.gather @!p0 [hbm4b:s4+s0], $0x40, s5, s0, $0xb8;
	[tilespmem:$0x1C840] =	vst v63  }
0x113: {  	s5 =	simm.s32 @!p0 $0x19230;
	s31 =	simm.s32 @!p0 $0x8C00  }
0x114: {  	[tilespmem:s31], [sflag:$0x2] =	stream.indirect.gather @!p0 [hbm4b:s4+s0], $0x40, s5, s0, $0xb8;
	[tilespmem:$0x1C840] =	vst v63  }
0x115: {  	s5 =	simm.s32 @!p0 $0x19280;
	s31 =	simm.s32 @!p0 $0xA000  }
0x116: {  	[tilespmem:s31], [sflag:$0x2] =	stream.indirect.gather @!p0 [hbm4b:s4+s0], $0x40, s5, s0, $0xb8;
	[tilespmem:$0x1C840] =	vst v63  }
0x117: {  	s5 =	simm.s32 @!p0 $0x192D0;
	s31 =	simm.s32 @!p0 $0xB400  }
0x118: {  	[tilespmem:s31], [sflag:$0x2] =	stream.indirect.gather @!p0 [hbm4b:s4+s0], $0x40, s5, s0, $0xb8;
	[tilespmem:$0x1C840] =	vst v63  }
0x119: {  	_ =	swait.ge [sflag:s9], $0x1400  }
0x11a: {  	[sflag:s9] =	ssyncset.done $0x0  }
0x11b: {  	[sflag:s9] =	ssyncadd.s32 $0xFFFFEC00  }
0x11c: {  	_ =	swait.ge [sflag:s9], $0x1400  }
0x11d: {  	[sflag:s9] =	ssyncset.done $0x0  }
0x11e: {  	[sflag:s9] =	ssyncadd.s32 $0xFFFFEC00  }
0x11f: {  	_ =	swait.ge [sflag:s9], $0x1400  }
0x120: {  	[sflag:s9] =	ssyncset.done $0x0  }
0x121: {  	[sflag:s9] =	ssyncadd.s32 $0xFFFFEC00  }
0x122: {  	_ =	swait.ge [sflag:s9], $0x1400  }
0x123: {  	[sflag:s9] =	ssyncset.done $0x0  }
0x124: {  	[sflag:s9] =	ssyncadd.s32 $0xFFFFEC00  }
0x125: {  	_ =	swait.ge [sflag:s9], $0x1400  }
0x126: {  	[sflag:s9] =	ssyncset.done $0x0  }
0x127: {  	s31 =	simm.s32 $0x0;
	[sflag:s9] =	ssyncadd.s32 $0xFFFFEC00  }
0x128: {  	v3 =	vld [tilespmem:s31+$0x19640]  }
0x129: {  	v1 =	vld [tilespmem:s31+$0x19650]  }
0x12a: {  	v0 =	vld [tilespmem:s31+$0x19660]  }
0x12b: {  	v2 =	vld [tilespmem:s31+$0x19670]  }
0x12c: {  	v8 =	vld [tilespmem:s31+$0x12C00]  }
0x12d: {  	v10 =	vld [tilespmem:s31+$0x15E00]  }
0x12e: {  	v7 =	vld [tilespmem:s31+$0x12C10]  }
0x12f: {  	v6 =	vld [tilespmem:s31+$0x15E10]  }
0x130: {  	v4 =	vld [tilespmem:s31+$0x12C20]  }
0x131: {  	v5 =	vld [tilespmem:s31+$0x15E20];
	v9 =	vadd.f32 v8, v3  }
0x132: {  	s0 =	simm.s32 $0x100;
	v8 =	vadd.f32 v10, v3;
	v3 =	vld [tilespmem:s31+$0x12C30]  }
.LBB2_9:
0x133: {  	s5 =	sshra.s32 s0, $0x2;
	p1 =	sne.s32 s0, $0xC700;
	[tilespmem:s31+$0x12C00] =	vst v9;
	v7 =	vadd.f32 v7, v1;
	v9 =	vld [tilespmem:s31+$0x15E30]  }
0x134: {  	v10 =	vld [tilespmem:s5+$0x19640];
	[tilespmem:s31+$0x15E00] =	vst v8;
	v6 =	vadd.f32 v6, v1  }
0x135: {  	v1 =	vld [tilespmem:s5+$0x19650];
	[tilespmem:s31+$0x12C10] =	vst v7;
	v4 =	vadd.f32 v4, v0  }
0x136: {  	[tilespmem:s31+$0x15E10] =	vst v6;
	v5 =	vadd.f32 v5, v0;
	v0 =	vld [tilespmem:s5+$0x19660]  }
0x137: {  	v8 =	vld [tilespmem:s5+$0x19670];
	[tilespmem:s31+$0x12C20] =	vst v4;
	v3 =	vadd.f32 v3, v2  }
0x138: {  	v11 =	vld [tilespmem:s5+$0x12C00];
	[tilespmem:s31+$0x15E20] =	vst v5;
	v2 =	vadd.f32 v9, v2  }
0x139: {  	v12 =	vld [tilespmem:s5+$0x15E00];
	[tilespmem:s31+$0x12C30] =	vst v3  }
.Ltmp5:
0x13a: {  	v7 =	vld [tilespmem:s5+$0x12C10];
	[tilespmem:s31+$0x15E30] =	vst v2;
	s31 =	smov.u32 s5;
	(pc) =	sbr.rel @p1 .LBB2_9-.Ltmp5, $4  }
0x13b: {  	v6 =	vld [tilespmem:s31+$0x15E10]  }
0x13c: {  	v4 =	vld [tilespmem:s31+$0x12C20];
	v2 =	vmov v8  }
0x13d: {  	v9 =	vadd.f32 v11, v10;
	v5 =	vld [tilespmem:s31+$0x15E20]  }
0x13e: {  	s0 =	sadd.s32 $0x100, s0;
	v8 =	vadd.f32 v12, v10;
	v3 =	vld [tilespmem:s31+$0x12C30]  }
0x13f: {  	[tilespmem:s31+$0x12C00] =	vst v9;
	v7 =	vadd.f32 v7, v1;
	v59 =	vld [tilespmem:s31+$0x15E30]  }
0x140: {  	[tilespmem:s31+$0x15E00] =	vst v8;
	v60 =	vadd.f32 v6, v1  }
0x141: {  	[tilespmem:s31+$0x12C10] =	vst v7;
	v4 =	vadd.f32 v4, v0  }
0x142: {  	s0 =	sadd.s32 s8, s30;
	[tilespmem:s31+$0x15E10] =	vst v60;
	v61 =	vadd.f32 v5, v0  }
.Ltmp6:
0x143: {  	s0 =	sshll.u32 s0, $0x7;
	[tilespmem:s31+$0x12C20] =	vst v4;
	v62 =	vadd.f32 v3, v2;
	(pc) =	sbr.rel @p0 .LBB2_12-.Ltmp6, $4  }
0x144: {  	s0 =	sor.u32 s12, s0;
	[tilespmem:s31+$0x15E20] =	vst v61;
	v63 =	vadd.f32 v59, v2  }
0x145: {  	s0 =	sshrl.u32 s0, $0x3;
	[tilespmem:s31+$0x12C30] =	vst v62  }
0x146: {  	s0 =	sadd.s32 s6, s0;
	[tilespmem:s31+$0x15E30] =	vst v63  }
0x147: {  	[hbm4b:s0+s13] =	stream.strided.scatter [tilespmem:s1], [sflag:$0x8], $0x6400, s22, s13, $0x38;
	[tilespmem:$0x1C840] =	vst v63  }
0x148: {  	_ =	swait.ge [sflag:s26], $0x6400;
	s0 =	sadd.s32 s29, s18  }
0x149: {  	[sflag:s26] =	ssyncset.done $0x0;
	s0 =	sshrl.u32 s0, $0x3  }
0x14a: {  	[sflag:s26] =	ssyncadd.s32 $0xFFFF9C00;
	s0 =	sadd.s32 s2, s0  }
0x14b: {  	[tilespmem:s24], [sflag:$0x9] =	stream.linear.gather [hbm4b:s0+s3], $0x190, $0x38;
	[tilespmem:$0x1C840] =	vst v63  }
0x14c: {  	_ =	swait.ge [sflag:s21], $0x190  }
0x14d: {  	[sflag:s21] =	ssyncset.done $0x0  }
0x14e: {  	[sflag:s21] =	ssyncadd.s32 $0xFFFFFE70  }
0x14f: {  	[tilespmem:s25], [sflag:$0x3] =	stream.indirect.gather [hbm4b:s4+s23], $0x40, s24, s23, $0xb8;
	[tilespmem:$0x1C840] =	vst v63  }
0x150: {  	s29 =	simm.s32 $0x19370;
	s5 =	simm.s32 $0xDC00  }
0x151: {  	[tilespmem:s5], [sflag:$0x3] =	stream.indirect.gather [hbm4b:s4+s23], $0x40, s29, s23, $0xb8;
	[tilespmem:$0x1C840] =	vst v63  }
0x152: {  	s30 =	simm.s32 $0x193C0;
	s31 =	simm.s32 $0xF000  }
0x153: {  	[tilespmem:s31], [sflag:$0x3] =	stream.indirect.gather [hbm4b:s4+s23], $0x40, s30, s23, $0xb8;
	[tilespmem:$0x1C840] =	vst v63  }
.Ltmp7:
0x154: {  	_ = 	snop;
	(pc) =	sbr.rel .LBB2_2-.Ltmp7, $4  }
0x155: {  	s5 =	simm.s32 $0x19410;
	s29 =	simm.s32 $0x10400  }
0x156: {  	[tilespmem:s29], [sflag:$0x3] =	stream.indirect.gather [hbm4b:s4+s23], $0x40, s5, s23, $0xb8;
	[tilespmem:$0x1C840] =	vst v63  }
0x157: {  	s28 =	sadd.s32 $0x1, s28;
	s30 =	simm.s32 $0x19460;
	s31 =	simm.s32 $0x11800  }
0x158: {  	[tilespmem:s31], [sflag:$0x3] =	stream.indirect.gather [hbm4b:s4+s23], $0x40, s30, s23, $0xb8;
	[tilespmem:$0x1C840] =	vst v63  }
.LBB2_13:
0x159: {  	_ =	sfence.sel $0x180000  }
0x15a: {  	[bflag:$0x0] =	sbarrier.arrive $0xFFFF  }
0x15b: {  	_ =	strace $0x90000047  }
0x15c: {  	s0 =	stileid.u32;
	[bflag:$0x2] =	sbarrier.arrive $0xFFFF  }
0x15d: {  	p0 =	sne.s32 s0, $0x0;
	s0 =	rddreg [dreg:$0x2]  }
0x15e: {  	s0 =	sadd.s32 @!p0 $0x100000, s0  }
0x15f: {  	[sflag:s0] =	ssyncadd.tile.s32 @!p0 $0x1;
	_ =	shalt  }
.Lfunc_end2:
_tile_overlayer_lowered:
.L_overlay_start_2:
0x160: {  	(tag) =	ssettag $0x2  }
0x161: {  	s0 =	rddreg [dreg:$0x0];
	s2 =	stileid.u32  }
0x162: {  	s1 =	rddreg [dreg:$0x1];
	p0 =	sne.s32 s2, $0x0  }
0x163: {  	s3 =	rddreg [dreg:$0x2];
	[bflag:$0x3] =	sbarrier.arrive $0xFFFF;
	s2 =	simm.s32 @!p0 $0x1C09  }
0x164: {  	[timem:s3], [sflag:s2] =	dma.local @!p0 [hbm:s0], s1  }
0x165: {  	s0 =	simm.s32 @!p0 $0x9  }
0x166: {  	_ =	swait.ge @!p0 [sflag:s0], s1  }
0x167: {  	s1 =	ssub.s32 @!p0 $0x0, s1;
	[sflag:s0] =	ssyncset.done @!p0 $0x0  }
0x168: {  	[sflag:s0] =	ssyncadd.s32 @!p0 s1  }
0x169: {  	[bflag:$0x3] =	sbarrier.arrive $0xFFFF  }
0x16a: {  	_ =	shalt  }

</sc_bundles>
